<compile_context>
chip_gen: v7x
topology: tpu7x:2x2x1
jax: 0.10.2.dev20260603
libtpu: 0.0.44.dev20260713+nightly
codegen_flags: <defaults>
</compile_context>

<pallas_src>
import functools

import jax
import jax.numpy as jnp
from jax import lax
from jax.experimental import pallas as pl
from jax.experimental.pallas import tpu as pltpu
from jax.experimental.pallas import tpu_sc as plsc

NUM_FIELDS = 26
VOCAB = 100000
EMB_DIM = 32
BATCH = 16384
NUM_DIM = 13
EPS = 1e-5
OUT_DIM = NUM_FIELDS * EMB_DIM + NUM_DIM

NC = 2
NS = 16
NW = NC * NS

GROW = 4 * EMB_DIM
FA = 16
FB = NUM_FIELDS - FA

CHUNK = BATCH // NW
GATHER_LEN = 128
GATHERS = CHUNK // GATHER_LEN

VBLK = 2048
VPAD = 100352
BBLK = 512



def _regroup_body(tabT_ref, out_ref):
    x = tabT_ref[...]
    out_ref[...] = jnp.swapaxes(x.reshape(GROW, VBLK), 0, 1)


def _regroup(tablesT, g0, ng):
    return pl.pallas_call(
        _regroup_body,
        grid=(ng, VPAD // VBLK),
        in_specs=[
            pl.BlockSpec((4, EMB_DIM, VBLK), lambda g, j, g0=g0: (g0 + g, 0, j)),
        ],
        out_specs=pl.BlockSpec(
            (VBLK, GROW), lambda g, j: (g * (VPAD // VBLK) + j, 0)),
        out_shape=jax.ShapeDtypeStruct((ng * VPAD, GROW), jnp.float32),
    )(tablesT)



def _prep_body(catT_ref, numT_ref, gamma_ref, beta_ref, fidxT_ref,
               numoutT_ref):
    idx = jnp.clip(catT_ref[...], 0, VOCAB - 1)
    goff = (jax.lax.broadcasted_iota(jnp.int32, (NUM_FIELDS, 1), 0) // 4) % 4
    flat = (idx + goff * VPAD).astype(jnp.float32)
    bb = jax.lax.broadcasted_iota(jnp.int32, (BBLK, BBLK), 0)
    pp = jax.lax.broadcasted_iota(jnp.int32, (BBLK, BBLK), 1)
    perm = (bb == (pp % 4) * (BBLK // 4) + pp // 4).astype(jnp.float32)
    v = jnp.dot(flat.reshape(NUM_FIELDS * (BATCH // BBLK), BBLK), perm,
                preferred_element_type=jnp.float32,
                precision=jax.lax.Precision.HIGHEST)
    fidxT_ref[...] = v.reshape(NUM_FIELDS, BATCH).astype(jnp.int32)
    x = numT_ref[...]
    mean = jnp.mean(x, axis=1, keepdims=True)
    var = jnp.mean((x - mean) * (x - mean), axis=1, keepdims=True)
    numoutT_ref[...] = (x - mean) * jax.lax.rsqrt(var + EPS) * gamma_ref[...] \
        + beta_ref[...]


def _prep(catT, numT, bn_gamma, bn_beta):
    return pl.pallas_call(
        _prep_body,
        out_shape=(
            jax.ShapeDtypeStruct((NUM_FIELDS, BATCH), jnp.int32),
            jax.ShapeDtypeStruct((NUM_DIM, BATCH), jnp.float32),
        ),
    )(catT, numT, bn_gamma.reshape(NUM_DIM, 1), bn_beta.reshape(NUM_DIM, 1))



def _gather_body(fs, nf, fidx_hbm, table_hbm, out_hbm, idx_v, rows_v, gsem):
    wid = lax.axis_index("s") * NC + lax.axis_index("c")
    for k in range(nf):
        base = k * BATCH + wid * CHUNK
        pltpu.sync_copy(
            fidx_hbm.at[pl.ds((fs + k) * BATCH + wid * CHUNK, CHUNK)],
            idx_v)
        handles = []
        for j in range(GATHERS):
            handles.append(pltpu.async_copy(
                table_hbm.at[idx_v.at[pl.ds(j * GATHER_LEN, GATHER_LEN)]],
                rows_v.at[pl.ds(j * GATHER_LEN, GATHER_LEN), :],
                gsem))
        for h in handles:
            h.wait()
        pltpu.sync_copy(rows_v.at[:, pl.ds((k % 4) * EMB_DIM, EMB_DIM)],
                        out_hbm.at[pl.ds(base, CHUNK), :])


def _gather(fidx, gtable, fs, nf):
    k = functools.partial(
        pl.kernel,
        mesh=plsc.VectorSubcoreMesh(core_axis_name="c", subcore_axis_name="s"),
        out_type=jax.ShapeDtypeStruct((nf * BATCH, EMB_DIM), jnp.float32),
        compiler_params=pltpu.CompilerParams(use_tc_tiling_on_sc=False),
        scratch_types=[
            pltpu.VMEM((CHUNK,), jnp.int32),
            pltpu.VMEM((CHUNK, GROW), jnp.float32),
            pltpu.SemaphoreType.DMA,
        ],
    )(functools.partial(_gather_body, fs, nf))
    return k(fidx, gtable)



def _field_rows(x, f):
    t = jnp.swapaxes(x[f], 0, 1)
    t = t.reshape(4, EMB_DIM, BBLK // 4)
    return jnp.swapaxes(t, 0, 1).reshape(EMB_DIM, BBLK)


def _assemble_a_body(cat_ref, out_ref):
    x = cat_ref[...]
    rows = [_field_rows(x, f) for f in range(FA)]
    out_ref[...] = jnp.concatenate(rows, axis=0)


def _assemble_a(catA):
    return pl.pallas_call(
        _assemble_a_body,
        grid=(BATCH // BBLK,),
        in_specs=[pl.BlockSpec((FA, BBLK // 4, GROW), lambda i: (0, i, 0))],
        out_specs=pl.BlockSpec((FA * EMB_DIM, BBLK), lambda i: (0, i)),
        out_shape=jax.ShapeDtypeStruct((OUT_DIM, BATCH), jnp.float32),
    )(catA)


def _assemble_b_body(cat_ref, buf_ref, out_ref):
    del buf_ref
    x = cat_ref[...]
    out_ref[...] = jnp.concatenate([_field_rows(x, 0), _field_rows(x, 1)],
                                   axis=0)


def _assemble_b(catB, buf):
    return pl.pallas_call(
        _assemble_b_body,
        grid=(FB // 2, BATCH // BBLK),
        in_specs=[
            pl.BlockSpec((2, BBLK // 4, GROW), lambda r, i: (r, i, 0)),
            pl.BlockSpec(memory_space=pl.ANY),
        ],
        out_specs=pl.BlockSpec(
            (2 * EMB_DIM, BBLK),
            lambda r, i: (FA * EMB_DIM // (2 * EMB_DIM) + r, i)),
        out_shape=jax.ShapeDtypeStruct((OUT_DIM, BATCH), jnp.float32),
        input_output_aliases={1: 0},
    )(catB, buf)


def _bn_write_body(num_ref, buf_ref, out_ref):
    del buf_ref
    out_ref[pl.ds(0, NUM_DIM), :] = num_ref[...]


def _bn_write(numoutT, buf):
    return pl.pallas_call(
        _bn_write_body,
        grid=(BATCH // BBLK,),
        in_specs=[
            pl.BlockSpec((NUM_DIM, BBLK), lambda i: (0, i)),
            pl.BlockSpec(memory_space=pl.ANY),
        ],
        out_specs=pl.BlockSpec(
            (2 * EMB_DIM, BBLK),
            lambda i: (NUM_FIELDS * EMB_DIM // (2 * EMB_DIM), i)),
        out_shape=jax.ShapeDtypeStruct((OUT_DIM, BATCH), jnp.float32),
        input_output_aliases={1: 0},
    )(numoutT, buf)


def kernel(categorical_inputs, numerical_inputs, tables, bn_gamma, bn_beta):
    catT = categorical_inputs.T
    numT = numerical_inputs.T
    tablesT = tables.transpose(0, 2, 1)
    fidxT, numoutT = _prep(catT, numT, bn_gamma, bn_beta)
    fidx = fidxT.reshape(NUM_FIELDS * BATCH)
    gtableA = _regroup(tablesT, 0, 4)
    catA = _gather(fidx, gtableA, 0, FA)
    gtableB = _regroup(tablesT, 4, 3)
    catB = _gather(fidx, gtableB, FA, FB)
    catPA = catA.reshape(FA * BATCH * EMB_DIM).reshape(
        FA, BATCH // 4, GROW)
    catPB = catB.reshape(FB * BATCH * EMB_DIM).reshape(
        FB, BATCH // 4, GROW)
    buf = _assemble_a(catPA)
    buf = _bn_write(numoutT, buf)
    buf = _assemble_b(catPB, buf)
    return buf.T

# --- scband reference (transcript-rebuilt; emitter-appended) ---
"""Pipeline reference for scband-embedding-layer-38362647888587 (READ-ONLY COPY).

The authoritative reference and input builder live on the scoring server;
editing this copy changes nothing except your own understanding.
"""

import jax, jax.numpy as jnp
import numpy as np

NUM_FIELDS = 26
VOCAB = 100000
EMB_DIM = 32
BATCH = 16384
NUM_DIM = 13
EPS = 1e-5

def setup_inputs(seed: int = 0) -> dict:
    key = jax.random.key(seed)
    k1, k2, k3 = jax.random.split(key, 3)
    categorical_inputs = jax.random.randint(k1, (BATCH, NUM_FIELDS), 0, VOCAB, dtype=jnp.int64 if jax.config.jax_enable_x64 else jnp.int32).astype(jnp.int32)
    numerical_inputs = jax.random.normal(k2, (BATCH, NUM_DIM), dtype=jnp.float32)
    # Embedding tables: nn.Embedding default init is N(0, 1)
    tables = jax.random.normal(k3, (NUM_FIELDS, VOCAB, EMB_DIM), dtype=jnp.float32)
    # BatchNorm1d affine params: gamma=1, beta=0
    bn_gamma = jnp.ones((NUM_DIM,), dtype=jnp.float32)
    bn_beta = jnp.zeros((NUM_DIM,), dtype=jnp.float32)
    return {
        'categorical_inputs': categorical_inputs,
        'numerical_inputs': numerical_inputs,
        'tables': tables,
        'bn_gamma': bn_gamma,
        'bn_beta': bn_beta,
    }

def reference(categorical_inputs, numerical_inputs, tables, bn_gamma, bn_beta):
    # Clamp indices to [0, min(vocab-1, 99999)] as in the torch module
    max_idx = min(VOCAB - 1, 99999)
    idx = jnp.clip(categorical_inputs.astype(jnp.int32), 0, max_idx)  # [B, F]
    # Gather per-field embeddings: tables[f, idx[:, f]] for each field f
    field_ids = jnp.arange(NUM_FIELDS)[None, :]  # [1, F]
    embedded = tables[field_ids, idx]  # [B, F, EMB_DIM]
    cat_out = embedded.reshape(embedded.shape[0], NUM_FIELDS * EMB_DIM)  # [B, F*EMB_DIM]
    # BatchNorm1d (training mode: batch statistics, biased variance)
    mean = jnp.mean(numerical_inputs, axis=0, keepdims=True)
    var = jnp.var(numerical_inputs, axis=0, keepdims=True)
    num_out = (numerical_inputs - mean) / jnp.sqrt(var + EPS)
    num_out = num_out * bn_gamma[None, :] + bn_beta[None, :]
    return jnp.concatenate([cat_out, num_out], axis=1)

if __name__ == "__main__":
    import jax
    _d = setup_inputs()
    print(jax.jit(kernel)(*tuple(_d.values())))

</pallas_src>

<mosaic_0001>
#map = affine_map<(d0, d1) -> (0)>
#map1 = affine_map<(d0, d1) -> (0, 0)>
module attributes {stable_mosaic.version = 14 : i64} {
  func.func @_gather_body(%arg0: i32, %arg1: i32, %arg2: memref<425984xi32, #tpu.memory_space<hbm>>, %arg3: memref<401408x128xf32, #tpu.memory_space<hbm>>, %arg4: memref<262144x32xf32, #tpu.memory_space<hbm>>, %arg5: memref<512xi32, #tpu.memory_space<vmem>>, %arg6: memref<512x128xf32, #tpu.memory_space<vmem>>, %arg7: memref<!tpu.dma_semaphore, #tpu.memory_space<semaphore_mem>>) attributes {dimension_semantics = [#tpu.dimension_semantics<core_parallel>, #tpu.dimension_semantics<subcore_parallel>], iteration_bounds = array<i64: 2, 16>, scalar_prefetch = 0 : i64, scratch_operands = 3 : i64, tpu.core_type = #tpu.core_type<sc_vector_subcore>, window_params = [{transform_indices = #map}, {transform_indices = #map1}, {transform_indices = #map1}]} {
    %mul3A = arith.constant 2 : i32
    %mul3A_0 = arith.muli %arg1, %mul3A : i32
    %add3A = arith.addi %mul3A_0, %arg0 : i32
    %mul3A_1 = arith.constant 512 : i32
    %mul3A_2 = arith.muli %add3A, %mul3A_1 : i32
    %add3A_3 = arith.constant 0 : i32
    %add3A_4 = arith.addi %add3A_3, %mul3A_2 : i32
    %mul3A_5 = arith.constant 512 : i32
    %mul3A_6 = arith.muli %add3A, %mul3A_5 : i32
    %add3A_7 = arith.constant 0 : i32
    %add3A_8 = arith.addi %add3A_7, %mul3A_6 : i32
    "tpu.region"() ({
      %run_scoped3A = tpu.sem_alloc : memref<!tpu.dma_semaphore, #tpu.memory_space<semaphore_mem>>
      %dma_start3A_1151 = tpu.memref_slice %arg2[%add3A_8] : memref<425984xi32, #tpu.memory_space<hbm>> -> memref<512xi32, #tpu.memory_space<hbm>>
      %dma_start3A_1152 = tpu.memref_slice %arg2[%add3A_8] : memref<425984xi32, #tpu.memory_space<hbm>> -> memref<512xi32, #tpu.memory_space<hbm>>
      tpu.enqueue_dma source(%dma_start3A_1152 : memref<512xi32, #tpu.memory_space<hbm>>) target(%arg5 : memref<512xi32, #tpu.memory_space<vmem>>) target_semaphore(%run_scoped3A : memref<!tpu.dma_semaphore, #tpu.memory_space<semaphore_mem>>)
      %dma_wait3A_1153 = tpu.memref_slice %arg2[%add3A_8] : memref<425984xi32, #tpu.memory_space<hbm>> -> memref<512xi32, #tpu.memory_space<hbm>>
      %dma_wait3A_1154 = tpu.memref_slice %arg2[%add3A_8] : memref<425984xi32, #tpu.memory_space<hbm>> -> memref<512xi32, #tpu.memory_space<hbm>>
      tpu.wait_dma2 semaphore(%run_scoped3A : memref<!tpu.dma_semaphore, #tpu.memory_space<semaphore_mem>>) src(%dma_wait3A_1154 : memref<512xi32, #tpu.memory_space<hbm>>) dst(%arg5 : memref<512xi32, #tpu.memory_space<vmem>>)
      tpu.yield
    }) : () -> ()
    %dma_start3A = arith.constant 0 : i32
    %dma_start3A_9 = arith.constant 0 : i32
    %dma_start3A_10 = tpu.memref_slice %arg6[%dma_start3A, %dma_start3A_9] : memref<512x128xf32, #tpu.memory_space<vmem>> -> memref<128x128xf32, #tpu.memory_space<vmem>>
    %dma_start3A_11 = arith.constant 0 : i32
    %dma_start3A_12 = tpu.memref_slice %arg5[%dma_start3A_11] : memref<512xi32, #tpu.memory_space<vmem>> -> memref<128xi32, #tpu.memory_space<vmem>>
    %dma_start3A_13 = arith.constant 0 : i32
    %dma_start3A_14 = arith.constant 0 : i32
    %dma_start3A_15 = tpu.memref_slice %arg3[%dma_start3A_13, %dma_start3A_14] : memref<401408x128xf32, #tpu.memory_space<hbm>> -> memref<401408x128xf32, #tpu.memory_space<hbm>>
    tpu.enqueue_indirect_dma source(%dma_start3A_15 : memref<401408x128xf32, #tpu.memory_space<hbm>>) target(%dma_start3A_10 : memref<128x128xf32, #tpu.memory_space<vmem>>) offsets(%dma_start3A_12 : memref<128xi32, #tpu.memory_space<vmem>>) semaphore(%arg7 : memref<!tpu.dma_semaphore, #tpu.memory_space<semaphore_mem>>)
    %dma_start3A_16 = arith.constant 128 : i32
    %dma_start3A_17 = arith.constant 0 : i32
    %dma_start3A_18 = tpu.memref_slice %arg6[%dma_start3A_16, %dma_start3A_17] : memref<512x128xf32, #tpu.memory_space<vmem>> -> memref<128x128xf32, #tpu.memory_space<vmem>>
    %dma_start3A_19 = arith.constant 128 : i32
    %dma_start3A_20 = tpu.memref_slice %arg5[%dma_start3A_19] : memref<512xi32, #tpu.memory_space<vmem>> -> memref<128xi32, #tpu.memory_space<vmem>>
    %dma_start3A_21 = arith.constant 0 : i32
    %dma_start3A_22 = arith.constant 0 : i32
    %dma_start3A_23 = tpu.memref_slice %arg3[%dma_start3A_21, %dma_start3A_22] : memref<401408x128xf32, #tpu.memory_space<hbm>> -> memref<401408x128xf32, #tpu.memory_space<hbm>>
    tpu.enqueue_indirect_dma source(%dma_start3A_23 : memref<401408x128xf32, #tpu.memory_space<hbm>>) target(%dma_start3A_18 : memref<128x128xf32, #tpu.memory_space<vmem>>) offsets(%dma_start3A_20 : memref<128xi32, #tpu.memory_space<vmem>>) semaphore(%arg7 : memref<!tpu.dma_semaphore, #tpu.memory_space<semaphore_mem>>)
    %dma_start3A_24 = arith.constant 256 : i32
    %dma_start3A_25 = arith.constant 0 : i32
    %dma_start3A_26 = tpu.memref_slice %arg6[%dma_start3A_24, %dma_start3A_25] : memref<512x128xf32, #tpu.memory_space<vmem>> -> memref<128x128xf32, #tpu.memory_space<vmem>>
    %dma_start3A_27 = arith.constant 256 : i32
    %dma_start3A_28 = tpu.memref_slice %arg5[%dma_start3A_27] : memref<512xi32, #tpu.memory_space<vmem>> -> memref<128xi32, #tpu.memory_space<vmem>>
    %dma_start3A_29 = arith.constant 0 : i32
    %dma_start3A_30 = arith.constant 0 : i32
    %dma_start3A_31 = tpu.memref_slice %arg3[%dma_start3A_29, %dma_start3A_30] : memref<401408x128xf32, #tpu.memory_space<hbm>> -> memref<401408x128xf32, #tpu.memory_space<hbm>>
    tpu.enqueue_indirect_dma source(%dma_start3A_31 : memref<401408x128xf32, #tpu.memory_space<hbm>>) target(%dma_start3A_26 : memref<128x128xf32, #tpu.memory_space<vmem>>) offsets(%dma_start3A_28 : memref<128xi32, #tpu.memory_space<vmem>>) semaphore(%arg7 : memref<!tpu.dma_semaphore, #tpu.memory_space<semaphore_mem>>)
    %dma_start3A_32 = arith.constant 384 : i32
    %dma_start3A_33 = arith.constant 0 : i32
    %dma_start3A_34 = tpu.memref_slice %arg6[%dma_start3A_32, %dma_start3A_33] : memref<512x128xf32, #tpu.memory_space<vmem>> -> memref<128x128xf32, #tpu.memory_space<vmem>>
    %dma_start3A_35 = arith.constant 384 : i32
    %dma_start3A_36 = tpu.memref_slice %arg5[%dma_start3A_35] : memref<512xi32, #tpu.memory_space<vmem>> -> memref<128xi32, #tpu.memory_space<vmem>>
    %dma_start3A_37 = arith.constant 0 : i32
    %dma_start3A_38 = arith.constant 0 : i32
    %dma_start3A_39 = tpu.memref_slice %arg3[%dma_start3A_37, %dma_start3A_38] : memref<401408x128xf32, #tpu.memory_space<hbm>> -> memref<401408x128xf32, #tpu.memory_space<hbm>>
    tpu.enqueue_indirect_dma source(%dma_start3A_39 : memref<401408x128xf32, #tpu.memory_space<hbm>>) target(%dma_start3A_34 : memref<128x128xf32, #tpu.memory_space<vmem>>) offsets(%dma_start3A_36 : memref<128xi32, #tpu.memory_space<vmem>>) semaphore(%arg7 : memref<!tpu.dma_semaphore, #tpu.memory_space<semaphore_mem>>)
    %dma_wait3A = arith.constant 0 : i32
    %dma_wait3A_40 = arith.constant 0 : i32
    %dma_wait3A_41 = tpu.memref_slice %arg6[%dma_wait3A, %dma_wait3A_40] : memref<512x128xf32, #tpu.memory_space<vmem>> -> memref<128x128xf32, #tpu.memory_space<vmem>>
    %dma_wait3A_42 = arith.constant 0 : i32
    %dma_wait3A_43 = tpu.memref_slice %arg5[%dma_wait3A_42] : memref<512xi32, #tpu.memory_space<vmem>> -> memref<128xi32, #tpu.memory_space<vmem>>
    %dma_wait3A_44 = arith.constant 0 : i32
    %dma_wait3A_45 = arith.constant 0 : i32
    %dma_wait3A_46 = tpu.memref_slice %arg3[%dma_wait3A_44, %dma_wait3A_45] : memref<401408x128xf32, #tpu.memory_space<hbm>> -> memref<401408x128xf32, #tpu.memory_space<hbm>>
    tpu.wait_indirect_dma semaphore(%arg7 : memref<!tpu.dma_semaphore, #tpu.memory_space<semaphore_mem>>) src(%dma_wait3A_46 : memref<401408x128xf32, #tpu.memory_space<hbm>>) dst(%dma_wait3A_41 : memref<128x128xf32, #tpu.memory_space<vmem>>)
    %dma_wait3A_47 = arith.constant 128 : i32
    %dma_wait3A_48 = arith.constant 0 : i32
    %dma_wait3A_49 = tpu.memref_slice %arg6[%dma_wait3A_47, %dma_wait3A_48] : memref<512x128xf32, #tpu.memory_space<vmem>> -> memref<128x128xf32, #tpu.memory_space<vmem>>
    %dma_wait3A_50 = arith.constant 128 : i32
    %dma_wait3A_51 = tpu.memref_slice %arg5[%dma_wait3A_50] : memref<512xi32, #tpu.memory_space<vmem>> -> memref<128xi32, #tpu.memory_space<vmem>>
    %dma_wait3A_52 = arith.constant 0 : i32
    %dma_wait3A_53 = arith.constant 0 : i32
    %dma_wait3A_54 = tpu.memref_slice %arg3[%dma_wait3A_52, %dma_wait3A_53] : memref<401408x128xf32, #tpu.memory_space<hbm>> -> memref<401408x128xf32, #tpu.memory_space<hbm>>
    tpu.wait_indirect_dma semaphore(%arg7 : memref<!tpu.dma_semaphore, #tpu.memory_space<semaphore_mem>>) src(%dma_wait3A_54 : memref<401408x128xf32, #tpu.memory_space<hbm>>) dst(%dma_wait3A_49 : memref<128x128xf32, #tpu.memory_space<vmem>>)
    %dma_wait3A_55 = arith.constant 256 : i32
    %dma_wait3A_56 = arith.constant 0 : i32
    %dma_wait3A_57 = tpu.memref_slice %arg6[%dma_wait3A_55, %dma_wait3A_56] : memref<512x128xf32, #tpu.memory_space<vmem>> -> memref<128x128xf32, #tpu.memory_space<vmem>>
    %dma_wait3A_58 = arith.constant 256 : i32
    %dma_wait3A_59 = tpu.memref_slice %arg5[%dma_wait3A_58] : memref<512xi32, #tpu.memory_space<vmem>> -> memref<128xi32, #tpu.memory_space<vmem>>
    %dma_wait3A_60 = arith.constant 0 : i32
    %dma_wait3A_61 = arith.constant 0 : i32
    %dma_wait3A_62 = tpu.memref_slice %arg3[%dma_wait3A_60, %dma_wait3A_61] : memref<401408x128xf32, #tpu.memory_space<hbm>> -> memref<401408x128xf32, #tpu.memory_space<hbm>>
    tpu.wait_indirect_dma semaphore(%arg7 : memref<!tpu.dma_semaphore, #tpu.memory_space<semaphore_mem>>) src(%dma_wait3A_62 : memref<401408x128xf32, #tpu.memory_space<hbm>>) dst(%dma_wait3A_57 : memref<128x128xf32, #tpu.memory_space<vmem>>)
    %dma_wait3A_63 = arith.constant 384 : i32
    %dma_wait3A_64 = arith.constant 0 : i32
    %dma_wait3A_65 = tpu.memref_slice %arg6[%dma_wait3A_63, %dma_wait3A_64] : memref<512x128xf32, #tpu.memory_space<vmem>> -> memref<128x128xf32, #tpu.memory_space<vmem>>
    %dma_wait3A_66 = arith.constant 384 : i32
    %dma_wait3A_67 = tpu.memref_slice %arg5[%dma_wait3A_66] : memref<512xi32, #tpu.memory_space<vmem>> -> memref<128xi32, #tpu.memory_space<vmem>>
    %dma_wait3A_68 = arith.constant 0 : i32
    %dma_wait3A_69 = arith.constant 0 : i32
    %dma_wait3A_70 = tpu.memref_slice %arg3[%dma_wait3A_68, %dma_wait3A_69] : memref<401408x128xf32, #tpu.memory_space<hbm>> -> memref<401408x128xf32, #tpu.memory_space<hbm>>
    tpu.wait_indirect_dma semaphore(%arg7 : memref<!tpu.dma_semaphore, #tpu.memory_space<semaphore_mem>>) src(%dma_wait3A_70 : memref<401408x128xf32, #tpu.memory_space<hbm>>) dst(%dma_wait3A_65 : memref<128x128xf32, #tpu.memory_space<vmem>>)
    "tpu.region"() ({
      %run_scoped3A = tpu.sem_alloc : memref<!tpu.dma_semaphore, #tpu.memory_space<semaphore_mem>>
      %dma_start3A_1151 = arith.constant 0 : i32
      %dma_start3A_1152 = arith.constant 0 : i32
      %dma_start3A_1153 = tpu.memref_slice %arg6[%dma_start3A_1151, %dma_start3A_1152] : memref<512x128xf32, #tpu.memory_space<vmem>> -> memref<512x32xf32, #tpu.memory_space<vmem>>
      %dma_start3A_1154 = arith.constant 0 : i32
      %dma_start3A_1155 = tpu.memref_slice %arg4[%add3A_4, %dma_start3A_1154] : memref<262144x32xf32, #tpu.memory_space<hbm>> -> memref<512x32xf32, #tpu.memory_space<hbm>>
      %dma_start3A_1156 = arith.constant 0 : i32
      %dma_start3A_1157 = tpu.memref_slice %arg4[%add3A_4, %dma_start3A_1156] : memref<262144x32xf32, #tpu.memory_space<hbm>> -> memref<512x32xf32, #tpu.memory_space<hbm>>
      %dma_start3A_1158 = arith.constant 0 : i32
      %dma_start3A_1159 = arith.constant 0 : i32
      %dma_start3A_1160 = tpu.memref_slice %arg6[%dma_start3A_1158, %dma_start3A_1159] : memref<512x128xf32, #tpu.memory_space<vmem>> -> memref<512x32xf32, #tpu.memory_space<vmem>>
      tpu.enqueue_dma source(%dma_start3A_1160 : memref<512x32xf32, #tpu.memory_space<vmem>>) target(%dma_start3A_1157 : memref<512x32xf32, #tpu.memory_space<hbm>>) target_semaphore(%run_scoped3A : memref<!tpu.dma_semaphore, #tpu.memory_space<semaphore_mem>>)
      %dma_wait3A_1161 = arith.constant 0 : i32
      %dma_wait3A_1162 = arith.constant 0 : i32
      %dma_wait3A_1163 = tpu.memref_slice %arg6[%dma_wait3A_1161, %dma_wait3A_1162] : memref<512x128xf32, #tpu.memory_space<vmem>> -> memref<512x32xf32, #tpu.memory_space<vmem>>
      %dma_wait3A_1164 = arith.constant 0 : i32
      %dma_wait3A_1165 = tpu.memref_slice %arg4[%add3A_4, %dma_wait3A_1164] : memref<262144x32xf32, #tpu.memory_space<hbm>> -> memref<512x32xf32, #tpu.memory_space<hbm>>
      %dma_wait3A_1166 = arith.constant 0 : i32
      %dma_wait3A_1167 = tpu.memref_slice %arg4[%add3A_4, %dma_wait3A_1166] : memref<262144x32xf32, #tpu.memory_space<hbm>> -> memref<512x32xf32, #tpu.memory_space<hbm>>
      %dma_wait3A_1168 = arith.constant 0 : i32
      %dma_wait3A_1169 = arith.constant 0 : i32
      %dma_wait3A_1170 = tpu.memref_slice %arg6[%dma_wait3A_1168, %dma_wait3A_1169] : memref<512x128xf32, #tpu.memory_space<vmem>> -> memref<512x32xf32, #tpu.memory_space<vmem>>
      tpu.wait_dma2 semaphore(%run_scoped3A : memref<!tpu.dma_semaphore, #tpu.memory_space<semaphore_mem>>) src(%dma_wait3A_1170 : memref<512x32xf32, #tpu.memory_space<vmem>>) dst(%dma_wait3A_1167 : memref<512x32xf32, #tpu.memory_space<hbm>>)
      tpu.yield
    }) : () -> ()
    %mul3A_71 = arith.constant 512 : i32
    %mul3A_72 = arith.muli %add3A, %mul3A_71 : i32
    %add3A_73 = arith.constant 16384 : i32
    %add3A_74 = arith.addi %add3A_73, %mul3A_72 : i32
    %mul3A_75 = arith.constant 512 : i32
    %mul3A_76 = arith.muli %add3A, %mul3A_75 : i32
    %add3A_77 = arith.constant 16384 : i32
    %add3A_78 = arith.addi %add3A_77, %mul3A_76 : i32
    "tpu.region"() ({
      %run_scoped3A = tpu.sem_alloc : memref<!tpu.dma_semaphore, #tpu.memory_space<semaphore_mem>>
      %dma_start3A_1151 = tpu.memref_slice %arg2[%add3A_78] : memref<425984xi32, #tpu.memory_space<hbm>> -> memref<512xi32, #tpu.memory_space<hbm>>
      %dma_start3A_1152 = tpu.memref_slice %arg2[%add3A_78] : memref<425984xi32, #tpu.memory_space<hbm>> -> memref<512xi32, #tpu.memory_space<hbm>>
      tpu.enqueue_dma source(%dma_start3A_1152 : memref<512xi32, #tpu.memory_space<hbm>>) target(%arg5 : memref<512xi32, #tpu.memory_space<vmem>>) target_semaphore(%run_scoped3A : memref<!tpu.dma_semaphore, #tpu.memory_space<semaphore_mem>>)
      %dma_wait3A_1153 = tpu.memref_slice %arg2[%add3A_78] : memref<425984xi32, #tpu.memory_space<hbm>> -> memref<512xi32, #tpu.memory_space<hbm>>
      %dma_wait3A_1154 = tpu.memref_slice %arg2[%add3A_78] : memref<425984xi32, #tpu.memory_space<hbm>> -> memref<512xi32, #tpu.memory_space<hbm>>
      tpu.wait_dma2 semaphore(%run_scoped3A : memref<!tpu.dma_semaphore, #tpu.memory_space<semaphore_mem>>) src(%dma_wait3A_1154 : memref<512xi32, #tpu.memory_space<hbm>>) dst(%arg5 : memref<512xi32, #tpu.memory_space<vmem>>)
      tpu.yield
    }) : () -> ()
    %dma_start3A_79 = arith.constant 0 : i32
    %dma_start3A_80 = arith.constant 0 : i32
    %dma_start3A_81 = tpu.memref_slice %arg6[%dma_start3A_79, %dma_start3A_80] : memref<512x128xf32, #tpu.memory_space<vmem>> -> memref<128x128xf32, #tpu.memory_space<vmem>>
    %dma_start3A_82 = arith.constant 0 : i32
    %dma_start3A_83 = tpu.memref_slice %arg5[%dma_start3A_82] : memref<512xi32, #tpu.memory_space<vmem>> -> memref<128xi32, #tpu.memory_space<vmem>>
    %dma_start3A_84 = arith.constant 0 : i32
    %dma_start3A_85 = arith.constant 0 : i32
    %dma_start3A_86 = tpu.memref_slice %arg3[%dma_start3A_84, %dma_start3A_85] : memref<401408x128xf32, #tpu.memory_space<hbm>> -> memref<401408x128xf32, #tpu.memory_space<hbm>>
    tpu.enqueue_indirect_dma source(%dma_start3A_86 : memref<401408x128xf32, #tpu.memory_space<hbm>>) target(%dma_start3A_81 : memref<128x128xf32, #tpu.memory_space<vmem>>) offsets(%dma_start3A_83 : memref<128xi32, #tpu.memory_space<vmem>>) semaphore(%arg7 : memref<!tpu.dma_semaphore, #tpu.memory_space<semaphore_mem>>)
    %dma_start3A_87 = arith.constant 128 : i32
    %dma_start3A_88 = arith.constant 0 : i32
    %dma_start3A_89 = tpu.memref_slice %arg6[%dma_start3A_87, %dma_start3A_88] : memref<512x128xf32, #tpu.memory_space<vmem>> -> memref<128x128xf32, #tpu.memory_space<vmem>>
    %dma_start3A_90 = arith.constant 128 : i32
    %dma_start3A_91 = tpu.memref_slice %arg5[%dma_start3A_90] : memref<512xi32, #tpu.memory_space<vmem>> -> memref<128xi32, #tpu.memory_space<vmem>>
    %dma_start3A_92 = arith.constant 0 : i32
    %dma_start3A_93 = arith.constant 0 : i32
    %dma_start3A_94 = tpu.memref_slice %arg3[%dma_start3A_92, %dma_start3A_93] : memref<401408x128xf32, #tpu.memory_space<hbm>> -> memref<401408x128xf32, #tpu.memory_space<hbm>>
    tpu.enqueue_indirect_dma source(%dma_start3A_94 : memref<401408x128xf32, #tpu.memory_space<hbm>>) target(%dma_start3A_89 : memref<128x128xf32, #tpu.memory_space<vmem>>) offsets(%dma_start3A_91 : memref<128xi32, #tpu.memory_space<vmem>>) semaphore(%arg7 : memref<!tpu.dma_semaphore, #tpu.memory_space<semaphore_mem>>)
    %dma_start3A_95 = arith.constant 256 : i32
    %dma_start3A_96 = arith.constant 0 : i32
    %dma_start3A_97 = tpu.memref_slice %arg6[%dma_start3A_95, %dma_start3A_96] : memref<512x128xf32, #tpu.memory_space<vmem>> -> memref<128x128xf32, #tpu.memory_space<vmem>>
    %dma_start3A_98 = arith.constant 256 : i32
    %dma_start3A_99 = tpu.memref_slice %arg5[%dma_start3A_98] : memref<512xi32, #tpu.memory_space<vmem>> -> memref<128xi32, #tpu.memory_space<vmem>>
    %dma_start3A_100 = arith.constant 0 : i32
    %dma_start3A_101 = arith.constant 0 : i32
    %dma_start3A_102 = tpu.memref_slice %arg3[%dma_start3A_100, %dma_start3A_101] : memref<401408x128xf32, #tpu.memory_space<hbm>> -> memref<401408x128xf32, #tpu.memory_space<hbm>>
    tpu.enqueue_indirect_dma source(%dma_start3A_102 : memref<401408x128xf32, #tpu.memory_space<hbm>>) target(%dma_start3A_97 : memref<128x128xf32, #tpu.memory_space<vmem>>) offsets(%dma_start3A_99 : memref<128xi32, #tpu.memory_space<vmem>>) semaphore(%arg7 : memref<!tpu.dma_semaphore, #tpu.memory_space<semaphore_mem>>)
    %dma_start3A_103 = arith.constant 384 : i32
    %dma_start3A_104 = arith.constant 0 : i32
    %dma_start3A_105 = tpu.memref_slice %arg6[%dma_start3A_103, %dma_start3A_104] : memref<512x128xf32, #tpu.memory_space<vmem>> -> memref<128x128xf32, #tpu.memory_space<vmem>>
    %dma_start3A_106 = arith.constant 384 : i32
    %dma_start3A_107 = tpu.memref_slice %arg5[%dma_start3A_106] : memref<512xi32, #tpu.memory_space<vmem>> -> memref<128xi32, #tpu.memory_space<vmem>>
    %dma_start3A_108 = arith.constant 0 : i32
    %dma_start3A_109 = arith.constant 0 : i32
    %dma_start3A_110 = tpu.memref_slice %arg3[%dma_start3A_108, %dma_start3A_109] : memref<401408x128xf32, #tpu.memory_space<hbm>> -> memref<401408x128xf32, #tpu.memory_space<hbm>>
    tpu.enqueue_indirect_dma source(%dma_start3A_110 : memref<401408x128xf32, #tpu.memory_space<hbm>>) target(%dma_start3A_105 : memref<128x128xf32, #tpu.memory_space<vmem>>) offsets(%dma_start3A_107 : memref<128xi32, #tpu.memory_space<vmem>>) semaphore(%arg7 : memref<!tpu.dma_semaphore, #tpu.memory_space<semaphore_mem>>)
    %dma_wait3A_111 = arith.constant 0 : i32
    %dma_wait3A_112 = arith.constant 0 : i32
    %dma_wait3A_113 = tpu.memref_slice %arg6[%dma_wait3A_111, %dma_wait3A_112] : memref<512x128xf32, #tpu.memory_space<vmem>> -> memref<128x128xf32, #tpu.memory_space<vmem>>
    %dma_wait3A_114 = arith.constant 0 : i32
    %dma_wait3A_115 = tpu.memref_slice %arg5[%dma_wait3A_114] : memref<512xi32, #tpu.memory_space<vmem>> -> memref<128xi32, #tpu.memory_space<vmem>>
    %dma_wait3A_116 = arith.constant 0 : i32
    %dma_wait3A_117 = arith.constant 0 : i32
    %dma_wait3A_118 = tpu.memref_slice %arg3[%dma_wait3A_116, %dma_wait3A_117] : memref<401408x128xf32, #tpu.memory_space<hbm>> -> memref<401408x128xf32, #tpu.memory_space<hbm>>
    tpu.wait_indirect_dma semaphore(%arg7 : memref<!tpu.dma_semaphore, #tpu.memory_space<semaphore_mem>>) src(%dma_wait3A_118 : memref<401408x128xf32, #tpu.memory_space<hbm>>) dst(%dma_wait3A_113 : memref<128x128xf32, #tpu.memory_space<vmem>>)
    %dma_wait3A_119 = arith.constant 128 : i32
    %dma_wait3A_120 = arith.constant 0 : i32
    %dma_wait3A_121 = tpu.memref_slice %arg6[%dma_wait3A_119, %dma_wait3A_120] : memref<512x128xf32, #tpu.memory_space<vmem>> -> memref<128x128xf32, #tpu.memory_space<vmem>>
    %dma_wait3A_122 = arith.constant 128 : i32
    %dma_wait3A_123 = tpu.memref_slice %arg5[%dma_wait3A_122] : memref<512xi32, #tpu.memory_space<vmem>> -> memref<128xi32, #tpu.memory_space<vmem>>
    %dma_wait3A_124 = arith.constant 0 : i32
    %dma_wait3A_125 = arith.constant 0 : i32
    %dma_wait3A_126 = tpu.memref_slice %arg3[%dma_wait3A_124, %dma_wait3A_125] : memref<401408x128xf32, #tpu.memory_space<hbm>> -> memref<401408x128xf32, #tpu.memory_space<hbm>>
    tpu.wait_indirect_dma semaphore(%arg7 : memref<!tpu.dma_semaphore, #tpu.memory_space<semaphore_mem>>) src(%dma_wait3A_126 : memref<401408x128xf32, #tpu.memory_space<hbm>>) dst(%dma_wait3A_121 : memref<128x128xf32, #tpu.memory_space<vmem>>)
    %dma_wait3A_127 = arith.constant 256 : i32
    %dma_wait3A_128 = arith.constant 0 : i32
    %dma_wait3A_129 = tpu.memref_slice %arg6[%dma_wait3A_127, %dma_wait3A_128] : memref<512x128xf32, #tpu.memory_space<vmem>> -> memref<128x128xf32, #tpu.memory_space<vmem>>
    %dma_wait3A_130 = arith.constant 256 : i32
    %dma_wait3A_131 = tpu.memref_slice %arg5[%dma_wait3A_130] : memref<512xi32, #tpu.memory_space<vmem>> -> memref<128xi32, #tpu.memory_space<vmem>>
    %dma_wait3A_132 = arith.constant 0 : i32
    %dma_wait3A_133 = arith.constant 0 : i32
    %dma_wait3A_134 = tpu.memref_slice %arg3[%dma_wait3A_132, %dma_wait3A_133] : memref<401408x128xf32, #tpu.memory_space<hbm>> -> memref<401408x128xf32, #tpu.memory_space<hbm>>
    tpu.wait_indirect_dma semaphore(%arg7 : memref<!tpu.dma_semaphore, #tpu.memory_space<semaphore_mem>>) src(%dma_wait3A_134 : memref<401408x128xf32, #tpu.memory_space<hbm>>) dst(%dma_wait3A_129 : memref<128x128xf32, #tpu.memory_space<vmem>>)
    %dma_wait3A_135 = arith.constant 384 : i32
    %dma_wait3A_136 = arith.constant 0 : i32
    %dma_wait3A_137 = tpu.memref_slice %arg6[%dma_wait3A_135, %dma_wait3A_136] : memref<512x128xf32, #tpu.memory_space<vmem>> -> memref<128x128xf32, #tpu.memory_space<vmem>>
    %dma_wait3A_138 = arith.constant 384 : i32
    %dma_wait3A_139 = tpu.memref_slice %arg5[%dma_wait3A_138] : memref<512xi32, #tpu.memory_space<vmem>> -> memref<128xi32, #tpu.memory_space<vmem>>
    %dma_wait3A_140 = arith.constant 0 : i32
    %dma_wait3A_141 = arith.constant 0 : i32
    %dma_wait3A_142 = tpu.memref_slice %arg3[%dma_wait3A_140, %dma_wait3A_141] : memref<401408x128xf32, #tpu.memory_space<hbm>> -> memref<401408x128xf32, #tpu.memory_space<hbm>>
    tpu.wait_indirect_dma semaphore(%arg7 : memref<!tpu.dma_semaphore, #tpu.memory_space<semaphore_mem>>) src(%dma_wait3A_142 : memref<401408x128xf32, #tpu.memory_space<hbm>>) dst(%dma_wait3A_137 : memref<128x128xf32, #tpu.memory_space<vmem>>)
    "tpu.region"() ({
      %run_scoped3A = tpu.sem_alloc : memref<!tpu.dma_semaphore, #tpu.memory_space<semaphore_mem>>
      %dma_start3A_1151 = arith.constant 0 : i32
      %dma_start3A_1152 = arith.constant 32 : i32
      %dma_start3A_1153 = tpu.memref_slice %arg6[%dma_start3A_1151, %dma_start3A_1152] : memref<512x128xf32, #tpu.memory_space<vmem>> -> memref<512x32xf32, #tpu.memory_space<vmem>>
      %dma_start3A_1154 = arith.constant 0 : i32
      %dma_start3A_1155 = tpu.memref_slice %arg4[%add3A_74, %dma_start3A_1154] : memref<262144x32xf32, #tpu.memory_space<hbm>> -> memref<512x32xf32, #tpu.memory_space<hbm>>
      %dma_start3A_1156 = arith.constant 0 : i32
      %dma_start3A_1157 = tpu.memref_slice %arg4[%add3A_74, %dma_start3A_1156] : memref<262144x32xf32, #tpu.memory_space<hbm>> -> memref<512x32xf32, #tpu.memory_space<hbm>>
      %dma_start3A_1158 = arith.constant 0 : i32
      %dma_start3A_1159 = arith.constant 32 : i32
      %dma_start3A_1160 = tpu.memref_slice %arg6[%dma_start3A_1158, %dma_start3A_1159] : memref<512x128xf32, #tpu.memory_space<vmem>> -> memref<512x32xf32, #tpu.memory_space<vmem>>
      tpu.enqueue_dma source(%dma_start3A_1160 : memref<512x32xf32, #tpu.memory_space<vmem>>) target(%dma_start3A_1157 : memref<512x32xf32, #tpu.memory_space<hbm>>) target_semaphore(%run_scoped3A : memref<!tpu.dma_semaphore, #tpu.memory_space<semaphore_mem>>)
      %dma_wait3A_1161 = arith.constant 0 : i32
      %dma_wait3A_1162 = arith.constant 32 : i32
      %dma_wait3A_1163 = tpu.memref_slice %arg6[%dma_wait3A_1161, %dma_wait3A_1162] : memref<512x128xf32, #tpu.memory_space<vmem>> -> memref<512x32xf32, #tpu.memory_space<vmem>>
      %dma_wait3A_1164 = arith.constant 0 : i32
      %dma_wait3A_1165 = tpu.memref_slice %arg4[%add3A_74, %dma_wait3A_1164] : memref<262144x32xf32, #tpu.memory_space<hbm>> -> memref<512x32xf32, #tpu.memory_space<hbm>>
      %dma_wait3A_1166 = arith.constant 0 : i32
      %dma_wait3A_1167 = tpu.memref_slice %arg4[%add3A_74, %dma_wait3A_1166] : memref<262144x32xf32, #tpu.memory_space<hbm>> -> memref<512x32xf32, #tpu.memory_space<hbm>>
      %dma_wait3A_1168 = arith.constant 0 : i32
      %dma_wait3A_1169 = arith.constant 32 : i32
      %dma_wait3A_1170 = tpu.memref_slice %arg6[%dma_wait3A_1168, %dma_wait3A_1169] : memref<512x128xf32, #tpu.memory_space<vmem>> -> memref<512x32xf32, #tpu.memory_space<vmem>>
      tpu.wait_dma2 semaphore(%run_scoped3A : memref<!tpu.dma_semaphore, #tpu.memory_space<semaphore_mem>>) src(%dma_wait3A_1170 : memref<512x32xf32, #tpu.memory_space<vmem>>) dst(%dma_wait3A_1167 : memref<512x32xf32, #tpu.memory_space<hbm>>)
      tpu.yield
    }) : () -> ()
    %mul3A_143 = arith.constant 512 : i32
    %mul3A_144 = arith.muli %add3A, %mul3A_143 : i32
    %add3A_145 = arith.constant 32768 : i32
    %add3A_146 = arith.addi %add3A_145, %mul3A_144 : i32
    %mul3A_147 = arith.constant 512 : i32
    %mul3A_148 = arith.muli %add3A, %mul3A_147 : i32
    %add3A_149 = arith.constant 32768 : i32
    %add3A_150 = arith.addi %add3A_149, %mul3A_148 : i32
    "tpu.region"() ({
      %run_scoped3A = tpu.sem_alloc : memref<!tpu.dma_semaphore, #tpu.memory_space<semaphore_mem>>
      %dma_start3A_1151 = tpu.memref_slice %arg2[%add3A_150] : memref<425984xi32, #tpu.memory_space<hbm>> -> memref<512xi32, #tpu.memory_space<hbm>>
      %dma_start3A_1152 = tpu.memref_slice %arg2[%add3A_150] : memref<425984xi32, #tpu.memory_space<hbm>> -> memref<512xi32, #tpu.memory_space<hbm>>
      tpu.enqueue_dma source(%dma_start3A_1152 : memref<512xi32, #tpu.memory_space<hbm>>) target(%arg5 : memref<512xi32, #tpu.memory_space<vmem>>) target_semaphore(%run_scoped3A : memref<!tpu.dma_semaphore, #tpu.memory_space<semaphore_mem>>)
      %dma_wait3A_1153 = tpu.memref_slice %arg2[%add3A_150] : memref<425984xi32, #tpu.memory_space<hbm>> -> memref<512xi32, #tpu.memory_space<hbm>>
      %dma_wait3A_1154 = tpu.memref_slice %arg2[%add3A_150] : memref<425984xi32, #tpu.memory_space<hbm>> -> memref<512xi32, #tpu.memory_space<hbm>>
      tpu.wait_dma2 semaphore(%run_scoped3A : memref<!tpu.dma_semaphore, #tpu.memory_space<semaphore_mem>>) src(%dma_wait3A_1154 : memref<512xi32, #tpu.memory_space<hbm>>) dst(%arg5 : memref<512xi32, #tpu.memory_space<vmem>>)
      tpu.yield
    }) : () -> ()
    %dma_start3A_151 = arith.constant 0 : i32
    %dma_start3A_152 = arith.constant 0 : i32
    %dma_start3A_153 = tpu.memref_slice %arg6[%dma_start3A_151, %dma_start3A_152] : memref<512x128xf32, #tpu.memory_space<vmem>> -> memref<128x128xf32, #tpu.memory_space<vmem>>
    %dma_start3A_154 = arith.constant 0 : i32
    %dma_start3A_155 = tpu.memref_slice %arg5[%dma_start3A_154] : memref<512xi32, #tpu.memory_space<vmem>> -> memref<128xi32, #tpu.memory_space<vmem>>
    %dma_start3A_156 = arith.constant 0 : i32
    %dma_start3A_157 = arith.constant 0 : i32
    %dma_start3A_158 = tpu.memref_slice %arg3[%dma_start3A_156, %dma_start3A_157] : memref<401408x128xf32, #tpu.memory_space<hbm>> -> memref<401408x128xf32, #tpu.memory_space<hbm>>
    tpu.enqueue_indirect_dma source(%dma_start3A_158 : memref<401408x128xf32, #tpu.memory_space<hbm>>) target(%dma_start3A_153 : memref<128x128xf32, #tpu.memory_space<vmem>>) offsets(%dma_start3A_155 : memref<128xi32, #tpu.memory_space<vmem>>) semaphore(%arg7 : memref<!tpu.dma_semaphore, #tpu.memory_space<semaphore_mem>>)
    %dma_start3A_159 = arith.constant 128 : i32
    %dma_start3A_160 = arith.constant 0 : i32
    %dma_start3A_161 = tpu.memref_slice %arg6[%dma_start3A_159, %dma_start3A_160] : memref<512x128xf32, #tpu.memory_space<vmem>> -> memref<128x128xf32, #tpu.memory_space<vmem>>
    %dma_start3A_162 = arith.constant 128 : i32
    %dma_start3A_163 = tpu.memref_slice %arg5[%dma_start3A_162] : memref<512xi32, #tpu.memory_space<vmem>> -> memref<128xi32, #tpu.memory_space<vmem>>
    %dma_start3A_164 = arith.constant 0 : i32
    %dma_start3A_165 = arith.constant 0 : i32
    %dma_start3A_166 = tpu.memref_slice %arg3[%dma_start3A_164, %dma_start3A_165] : memref<401408x128xf32, #tpu.memory_space<hbm>> -> memref<401408x128xf32, #tpu.memory_space<hbm>>
    tpu.enqueue_indirect_dma source(%dma_start3A_166 : memref<401408x128xf32, #tpu.memory_space<hbm>>) target(%dma_start3A_161 : memref<128x128xf32, #tpu.memory_space<vmem>>) offsets(%dma_start3A_163 : memref<128xi32, #tpu.memory_space<vmem>>) semaphore(%arg7 : memref<!tpu.dma_semaphore, #tpu.memory_space<semaphore_mem>>)
    %dma_start3A_167 = arith.constant 256 : i32
    %dma_start3A_168 = arith.constant 0 : i32
    %dma_start3A_169 = tpu.memref_slice %arg6[%dma_start3A_167, %dma_start3A_168] : memref<512x128xf32, #tpu.memory_space<vmem>> -> memref<128x128xf32, #tpu.memory_space<vmem>>
    %dma_start3A_170 = arith.constant 256 : i32
    %dma_start3A_171 = tpu.memref_slice %arg5[%dma_start3A_170] : memref<512xi32, #tpu.memory_space<vmem>> -> memref<128xi32, #tpu.memory_space<vmem>>
    %dma_start3A_172 = arith.constant 0 : i32
    %dma_start3A_173 = arith.constant 0 : i32
    %dma_start3A_174 = tpu.memref_slice %arg3[%dma_start3A_172, %dma_start3A_173] : memref<401408x128xf32, #tpu.memory_space<hbm>> -> memref<401408x128xf32, #tpu.memory_space<hbm>>
    tpu.enqueue_indirect_dma source(%dma_start3A_174 : memref<401408x128xf32, #tpu.memory_space<hbm>>) target(%dma_start3A_169 : memref<128x128xf32, #tpu.memory_space<vmem>>) offsets(%dma_start3A_171 : memref<128xi32, #tpu.memory_space<vmem>>) semaphore(%arg7 : memref<!tpu.dma_semaphore, #tpu.memory_space<semaphore_mem>>)
    %dma_start3A_175 = arith.constant 384 : i32
    %dma_start3A_176 = arith.constant 0 : i32
    %dma_start3A_177 = tpu.memref_slice %arg6[%dma_start3A_175, %dma_start3A_176] : memref<512x128xf32, #tpu.memory_space<vmem>> -> memref<128x128xf32, #tpu.memory_space<vmem>>
    %dma_start3A_178 = arith.constant 384 : i32
    %dma_start3A_179 = tpu.memref_slice %arg5[%dma_start3A_178] : memref<512xi32, #tpu.memory_space<vmem>> -> memref<128xi32, #tpu.memory_space<vmem>>
    %dma_start3A_180 = arith.constant 0 : i32
    %dma_start3A_181 = arith.constant 0 : i32
    %dma_start3A_182 = tpu.memref_slice %arg3[%dma_start3A_180, %dma_start3A_181] : memref<401408x128xf32, #tpu.memory_space<hbm>> -> memref<401408x128xf32, #tpu.memory_space<hbm>>
    tpu.enqueue_indirect_dma source(%dma_start3A_182 : memref<401408x128xf32, #tpu.memory_space<hbm>>) target(%dma_start3A_177 : memref<128x128xf32, #tpu.memory_space<vmem>>) offsets(%dma_start3A_179 : memref<128xi32, #tpu.memory_space<vmem>>) semaphore(%arg7 : memref<!tpu.dma_semaphore, #tpu.memory_space<semaphore_mem>>)
    %dma_wait3A_183 = arith.constant 0 : i32
    %dma_wait3A_184 = arith.constant 0 : i32
    %dma_wait3A_185 = tpu.memref_slice %arg6[%dma_wait3A_183, %dma_wait3A_184] : memref<512x128xf32, #tpu.memory_space<vmem>> -> memref<128x128xf32, #tpu.memory_space<vmem>>
    %dma_wait3A_186 = arith.constant 0 : i32
    %dma_wait3A_187 = tpu.memref_slice %arg5[%dma_wait3A_186] : memref<512xi32, #tpu.memory_space<vmem>> -> memref<128xi32, #tpu.memory_space<vmem>>
    %dma_wait3A_188 = arith.constant 0 : i32
    %dma_wait3A_189 = arith.constant 0 : i32
    %dma_wait3A_190 = tpu.memref_slice %arg3[%dma_wait3A_188, %dma_wait3A_189] : memref<401408x128xf32, #tpu.memory_space<hbm>> -> memref<401408x128xf32, #tpu.memory_space<hbm>>
    tpu.wait_indirect_dma semaphore(%arg7 : memref<!tpu.dma_semaphore, #tpu.memory_space<semaphore_mem>>) src(%dma_wait3A_190 : memref<401408x128xf32, #tpu.memory_space<hbm>>) dst(%dma_wait3A_185 : memref<128x128xf32, #tpu.memory_space<vmem>>)
    %dma_wait3A_191 = arith.constant 128 : i32
    %dma_wait3A_192 = arith.constant 0 : i32
    %dma_wait3A_193 = tpu.memref_slice %arg6[%dma_wait3A_191, %dma_wait3A_192] : memref<512x128xf32, #tpu.memory_space<vmem>> -> memref<128x128xf32, #tpu.memory_space<vmem>>
    %dma_wait3A_194 = arith.constant 128 : i32
    %dma_wait3A_195 = tpu.memref_slice %arg5[%dma_wait3A_194] : memref<512xi32, #tpu.memory_space<vmem>> -> memref<128xi32, #tpu.memory_space<vmem>>
    %dma_wait3A_196 = arith.constant 0 : i32
    %dma_wait3A_197 = arith.constant 0 : i32
    %dma_wait3A_198 = tpu.memref_slice %arg3[%dma_wait3A_196, %dma_wait3A_197] : memref<401408x128xf32, #tpu.memory_space<hbm>> -> memref<401408x128xf32, #tpu.memory_space<hbm>>
    tpu.wait_indirect_dma semaphore(%arg7 : memref<!tpu.dma_semaphore, #tpu.memory_space<semaphore_mem>>) src(%dma_wait3A_198 : memref<401408x128xf32, #tpu.memory_space<hbm>>) dst(%dma_wait3A_193 : memref<128x128xf32, #tpu.memory_space<vmem>>)
    %dma_wait3A_199 = arith.constant 256 : i32
    %dma_wait3A_200 = arith.constant 0 : i32
    %dma_wait3A_201 = tpu.memref_slice %arg6[%dma_wait3A_199, %dma_wait3A_200] : memref<512x128xf32, #tpu.memory_space<vmem>> -> memref<128x128xf32, #tpu.memory_space<vmem>>
    %dma_wait3A_202 = arith.constant 256 : i32
    %dma_wait3A_203 = tpu.memref_slice %arg5[%dma_wait3A_202] : memref<512xi32, #tpu.memory_space<vmem>> -> memref<128xi32, #tpu.memory_space<vmem>>
    %dma_wait3A_204 = arith.constant 0 : i32
    %dma_wait3A_205 = arith.constant 0 : i32
    %dma_wait3A_206 = tpu.memref_slice %arg3[%dma_wait3A_204, %dma_wait3A_205] : memref<401408x128xf32, #tpu.memory_space<hbm>> -> memref<401408x128xf32, #tpu.memory_space<hbm>>
    tpu.wait_indirect_dma semaphore(%arg7 : memref<!tpu.dma_semaphore, #tpu.memory_space<semaphore_mem>>) src(%dma_wait3A_206 : memref<401408x128xf32, #tpu.memory_space<hbm>>) dst(%dma_wait3A_201 : memref<128x128xf32, #tpu.memory_space<vmem>>)
    %dma_wait3A_207 = arith.constant 384 : i32
    %dma_wait3A_208 = arith.constant 0 : i32
    %dma_wait3A_209 = tpu.memref_slice %arg6[%dma_wait3A_207, %dma_wait3A_208] : memref<512x128xf32, #tpu.memory_space<vmem>> -> memref<128x128xf32, #tpu.memory_space<vmem>>
    %dma_wait3A_210 = arith.constant 384 : i32
    %dma_wait3A_211 = tpu.memref_slice %arg5[%dma_wait3A_210] : memref<512xi32, #tpu.memory_space<vmem>> -> memref<128xi32, #tpu.memory_space<vmem>>
    %dma_wait3A_212 = arith.constant 0 : i32
    %dma_wait3A_213 = arith.constant 0 : i32
    %dma_wait3A_214 = tpu.memref_slice %arg3[%dma_wait3A_212, %dma_wait3A_213] : memref<401408x128xf32, #tpu.memory_space<hbm>> -> memref<401408x128xf32, #tpu.memory_space<hbm>>
    tpu.wait_indirect_dma semaphore(%arg7 : memref<!tpu.dma_semaphore, #tpu.memory_space<semaphore_mem>>) src(%dma_wait3A_214 : memref<401408x128xf32, #tpu.memory_space<hbm>>) dst(%dma_wait3A_209 : memref<128x128xf32, #tpu.memory_space<vmem>>)
    "tpu.region"() ({
      %run_scoped3A = tpu.sem_alloc : memref<!tpu.dma_semaphore, #tpu.memory_space<semaphore_mem>>
      %dma_start3A_1151 = arith.constant 0 : i32
      %dma_start3A_1152 = arith.constant 64 : i32
      %dma_start3A_1153 = tpu.memref_slice %arg6[%dma_start3A_1151, %dma_start3A_1152] : memref<512x128xf32, #tpu.memory_space<vmem>> -> memref<512x32xf32, #tpu.memory_space<vmem>>
      %dma_start3A_1154 = arith.constant 0 : i32
      %dma_start3A_1155 = tpu.memref_slice %arg4[%add3A_146, %dma_start3A_1154] : memref<262144x32xf32, #tpu.memory_space<hbm>> -> memref<512x32xf32, #tpu.memory_space<hbm>>
      %dma_start3A_1156 = arith.constant 0 : i32
      %dma_start3A_1157 = tpu.memref_slice %arg4[%add3A_146, %dma_start3A_1156] : memref<262144x32xf32, #tpu.memory_space<hbm>> -> memref<512x32xf32, #tpu.memory_space<hbm>>
      %dma_start3A_1158 = arith.constant 0 : i32
      %dma_start3A_1159 = arith.constant 64 : i32
      %dma_start3A_1160 = tpu.memref_slice %arg6[%dma_start3A_1158, %dma_start3A_1159] : memref<512x128xf32, #tpu.memory_space<vmem>> -> memref<512x32xf32, #tpu.memory_space<vmem>>
      tpu.enqueue_dma source(%dma_start3A_1160 : memref<512x32xf32, #tpu.memory_space<vmem>>) target(%dma_start3A_1157 : memref<512x32xf32, #tpu.memory_space<hbm>>) target_semaphore(%run_scoped3A : memref<!tpu.dma_semaphore, #tpu.memory_space<semaphore_mem>>)
      %dma_wait3A_1161 = arith.constant 0 : i32
      %dma_wait3A_1162 = arith.constant 64 : i32
      %dma_wait3A_1163 = tpu.memref_slice %arg6[%dma_wait3A_1161, %dma_wait3A_1162] : memref<512x128xf32, #tpu.memory_space<vmem>> -> memref<512x32xf32, #tpu.memory_space<vmem>>
      %dma_wait3A_1164 = arith.constant 0 : i32
      %dma_wait3A_1165 = tpu.memref_slice %arg4[%add3A_146, %dma_wait3A_1164] : memref<262144x32xf32, #tpu.memory_space<hbm>> -> memref<512x32xf32, #tpu.memory_space<hbm>>
      %dma_wait3A_1166 = arith.constant 0 : i32
      %dma_wait3A_1167 = tpu.memref_slice %arg4[%add3A_146, %dma_wait3A_1166] : memref<262144x32xf32, #tpu.memory_space<hbm>> -> memref<512x32xf32, #tpu.memory_space<hbm>>
      %dma_wait3A_1168 = arith.constant 0 : i32
      %dma_wait3A_1169 = arith.constant 64 : i32
      %dma_wait3A_1170 = tpu.memref_slice %arg6[%dma_wait3A_1168, %dma_wait3A_1169] : memref<512x128xf32, #tpu.memory_space<vmem>> -> memref<512x32xf32, #tpu.memory_space<vmem>>
      tpu.wait_dma2 semaphore(%run_scoped3A : memref<!tpu.dma_semaphore, #tpu.memory_space<semaphore_mem>>) src(%dma_wait3A_1170 : memref<512x32xf32, #tpu.memory_space<vmem>>) dst(%dma_wait3A_1167 : memref<512x32xf32, #tpu.memory_space<hbm>>)
      tpu.yield
    }) : () -> ()
    %mul3A_215 = arith.constant 512 : i32
    %mul3A_216 = arith.muli %add3A, %mul3A_215 : i32
    %add3A_217 = arith.constant 49152 : i32
    %add3A_218 = arith.addi %add3A_217, %mul3A_216 : i32
    %mul3A_219 = arith.constant 512 : i32
    %mul3A_220 = arith.muli %add3A, %mul3A_219 : i32
    %add3A_221 = arith.constant 49152 : i32
    %add3A_222 = arith.addi %add3A_221, %mul3A_220 : i32
    "tpu.region"() ({
      %run_scoped3A = tpu.sem_alloc : memref<!tpu.dma_semaphore, #tpu.memory_space<semaphore_mem>>
      %dma_start3A_1151 = tpu.memref_slice %arg2[%add3A_222] : memref<425984xi32, #tpu.memory_space<hbm>> -> memref<512xi32, #tpu.memory_space<hbm>>
      %dma_start3A_1152 = tpu.memref_slice %arg2[%add3A_222] : memref<425984xi32, #tpu.memory_space<hbm>> -> memref<512xi32, #tpu.memory_space<hbm>>
      tpu.enqueue_dma source(%dma_start3A_1152 : memref<512xi32, #tpu.memory_space<hbm>>) target(%arg5 : memref<512xi32, #tpu.memory_space<vmem>>) target_semaphore(%run_scoped3A : memref<!tpu.dma_semaphore, #tpu.memory_space<semaphore_mem>>)
      %dma_wait3A_1153 = tpu.memref_slice %arg2[%add3A_222] : memref<425984xi32, #tpu.memory_space<hbm>> -> memref<512xi32, #tpu.memory_space<hbm>>
      %dma_wait3A_1154 = tpu.memref_slice %arg2[%add3A_222] : memref<425984xi32, #tpu.memory_space<hbm>> -> memref<512xi32, #tpu.memory_space<hbm>>
      tpu.wait_dma2 semaphore(%run_scoped3A : memref<!tpu.dma_semaphore, #tpu.memory_space<semaphore_mem>>) src(%dma_wait3A_1154 : memref<512xi32, #tpu.memory_space<hbm>>) dst(%arg5 : memref<512xi32, #tpu.memory_space<vmem>>)
      tpu.yield
    }) : () -> ()
    %dma_start3A_223 = arith.constant 0 : i32
    %dma_start3A_224 = arith.constant 0 : i32
    %dma_start3A_225 = tpu.memref_slice %arg6[%dma_start3A_223, %dma_start3A_224] : memref<512x128xf32, #tpu.memory_space<vmem>> -> memref<128x128xf32, #tpu.memory_space<vmem>>
    %dma_start3A_226 = arith.constant 0 : i32
    %dma_start3A_227 = tpu.memref_slice %arg5[%dma_start3A_226] : memref<512xi32, #tpu.memory_space<vmem>> -> memref<128xi32, #tpu.memory_space<vmem>>
    %dma_start3A_228 = arith.constant 0 : i32
    %dma_start3A_229 = arith.constant 0 : i32
    %dma_start3A_230 = tpu.memref_slice %arg3[%dma_start3A_228, %dma_start3A_229] : memref<401408x128xf32, #tpu.memory_space<hbm>> -> memref<401408x128xf32, #tpu.memory_space<hbm>>
    tpu.enqueue_indirect_dma source(%dma_start3A_230 : memref<401408x128xf32, #tpu.memory_space<hbm>>) target(%dma_start3A_225 : memref<128x128xf32, #tpu.memory_space<vmem>>) offsets(%dma_start3A_227 : memref<128xi32, #tpu.memory_space<vmem>>) semaphore(%arg7 : memref<!tpu.dma_semaphore, #tpu.memory_space<semaphore_mem>>)
    %dma_start3A_231 = arith.constant 128 : i32
    %dma_start3A_232 = arith.constant 0 : i32
    %dma_start3A_233 = tpu.memref_slice %arg6[%dma_start3A_231, %dma_start3A_232] : memref<512x128xf32, #tpu.memory_space<vmem>> -> memref<128x128xf32, #tpu.memory_space<vmem>>
    %dma_start3A_234 = arith.constant 128 : i32
    %dma_start3A_235 = tpu.memref_slice %arg5[%dma_start3A_234] : memref<512xi32, #tpu.memory_space<vmem>> -> memref<128xi32, #tpu.memory_space<vmem>>
    %dma_start3A_236 = arith.constant 0 : i32
    %dma_start3A_237 = arith.constant 0 : i32
    %dma_start3A_238 = tpu.memref_slice %arg3[%dma_start3A_236, %dma_start3A_237] : memref<401408x128xf32, #tpu.memory_space<hbm>> -> memref<401408x128xf32, #tpu.memory_space<hbm>>
    tpu.enqueue_indirect_dma source(%dma_start3A_238 : memref<401408x128xf32, #tpu.memory_space<hbm>>) target(%dma_start3A_233 : memref<128x128xf32, #tpu.memory_space<vmem>>) offsets(%dma_start3A_235 : memref<128xi32, #tpu.memory_space<vmem>>) semaphore(%arg7 : memref<!tpu.dma_semaphore, #tpu.memory_space<semaphore_mem>>)
    %dma_start3A_239 = arith.constant 256 : i32
    %dma_start3A_240 = arith.constant 0 : i32
    %dma_start3A_241 = tpu.memref_slice %arg6[%dma_start3A_239, %dma_start3A_240] : memref<512x128xf32, #tpu.memory_space<vmem>> -> memref<128x128xf32, #tpu.memory_space<vmem>>
    %dma_start3A_242 = arith.constant 256 : i32
    %dma_start3A_243 = tpu.memref_slice %arg5[%dma_start3A_242] : memref<512xi32, #tpu.memory_space<vmem>> -> memref<128xi32, #tpu.memory_space<vmem>>
    %dma_start3A_244 = arith.constant 0 : i32
    %dma_start3A_245 = arith.constant 0 : i32
    %dma_start3A_246 = tpu.memref_slice %arg3[%dma_start3A_244, %dma_start3A_245] : memref<401408x128xf32, #tpu.memory_space<hbm>> -> memref<401408x128xf32, #tpu.memory_space<hbm>>
    tpu.enqueue_indirect_dma source(%dma_start3A_246 : memref<401408x128xf32, #tpu.memory_space<hbm>>) target(%dma_start3A_241 : memref<128x128xf32, #tpu.memory_space<vmem>>) offsets(%dma_start3A_243 : memref<128xi32, #tpu.memory_space<vmem>>) semaphore(%arg7 : memref<!tpu.dma_semaphore, #tpu.memory_space<semaphore_mem>>)
    %dma_start3A_247 = arith.constant 384 : i32
    %dma_start3A_248 = arith.constant 0 : i32
    %dma_start3A_249 = tpu.memref_slice %arg6[%dma_start3A_247, %dma_start3A_248] : memref<512x128xf32, #tpu.memory_space<vmem>> -> memref<128x128xf32, #tpu.memory_space<vmem>>
    %dma_start3A_250 = arith.constant 384 : i32
    %dma_start3A_251 = tpu.memref_slice %arg5[%dma_start3A_250] : memref<512xi32, #tpu.memory_space<vmem>> -> memref<128xi32, #tpu.memory_space<vmem>>
    %dma_start3A_252 = arith.constant 0 : i32
    %dma_start3A_253 = arith.constant 0 : i32
    %dma_start3A_254 = tpu.memref_slice %arg3[%dma_start3A_252, %dma_start3A_253] : memref<401408x128xf32, #tpu.memory_space<hbm>> -> memref<401408x128xf32, #tpu.memory_space<hbm>>
    tpu.enqueue_indirect_dma source(%dma_start3A_254 : memref<401408x128xf32, #tpu.memory_space<hbm>>) target(%dma_start3A_249 : memref<128x128xf32, #tpu.memory_space<vmem>>) offsets(%dma_start3A_251 : memref<128xi32, #tpu.memory_space<vmem>>) semaphore(%arg7 : memref<!tpu.dma_semaphore, #tpu.memory_space<semaphore_mem>>)
    %dma_wait3A_255 = arith.constant 0 : i32
    %dma_wait3A_256 = arith.constant 0 : i32
    %dma_wait3A_257 = tpu.memref_slice %arg6[%dma_wait3A_255, %dma_wait3A_256] : memref<512x128xf32, #tpu.memory_space<vmem>> -> memref<128x128xf32, #tpu.memory_space<vmem>>
    %dma_wait3A_258 = arith.constant 0 : i32
    %dma_wait3A_259 = tpu.memref_slice %arg5[%dma_wait3A_258] : memref<512xi32, #tpu.memory_space<vmem>> -> memref<128xi32, #tpu.memory_space<vmem>>
    %dma_wait3A_260 = arith.constant 0 : i32
    %dma_wait3A_261 = arith.constant 0 : i32
    %dma_wait3A_262 = tpu.memref_slice %arg3[%dma_wait3A_260, %dma_wait3A_261] : memref<401408x128xf32, #tpu.memory_space<hbm>> -> memref<401408x128xf32, #tpu.memory_space<hbm>>
    tpu.wait_indirect_dma semaphore(%arg7 : memref<!tpu.dma_semaphore, #tpu.memory_space<semaphore_mem>>) src(%dma_wait3A_262 : memref<401408x128xf32, #tpu.memory_space<hbm>>) dst(%dma_wait3A_257 : memref<128x128xf32, #tpu.memory_space<vmem>>)
    %dma_wait3A_263 = arith.constant 128 : i32
    %dma_wait3A_264 = arith.constant 0 : i32
    %dma_wait3A_265 = tpu.memref_slice %arg6[%dma_wait3A_263, %dma_wait3A_264] : memref<512x128xf32, #tpu.memory_space<vmem>> -> memref<128x128xf32, #tpu.memory_space<vmem>>
    %dma_wait3A_266 = arith.constant 128 : i32
    %dma_wait3A_267 = tpu.memref_slice %arg5[%dma_wait3A_266] : memref<512xi32, #tpu.memory_space<vmem>> -> memref<128xi32, #tpu.memory_space<vmem>>
    %dma_wait3A_268 = arith.constant 0 : i32
    %dma_wait3A_269 = arith.constant 0 : i32
    %dma_wait3A_270 = tpu.memref_slice %arg3[%dma_wait3A_268, %dma_wait3A_269] : memref<401408x128xf32, #tpu.memory_space<hbm>> -> memref<401408x128xf32, #tpu.memory_space<hbm>>
    tpu.wait_indirect_dma semaphore(%arg7 : memref<!tpu.dma_semaphore, #tpu.memory_space<semaphore_mem>>) src(%dma_wait3A_270 : memref<401408x128xf32, #tpu.memory_space<hbm>>) dst(%dma_wait3A_265 : memref<128x128xf32, #tpu.memory_space<vmem>>)
    %dma_wait3A_271 = arith.constant 256 : i32
    %dma_wait3A_272 = arith.constant 0 : i32
    %dma_wait3A_273 = tpu.memref_slice %arg6[%dma_wait3A_271, %dma_wait3A_272] : memref<512x128xf32, #tpu.memory_space<vmem>> -> memref<128x128xf32, #tpu.memory_space<vmem>>
    %dma_wait3A_274 = arith.constant 256 : i32
    %dma_wait3A_275 = tpu.memref_slice %arg5[%dma_wait3A_274] : memref<512xi32, #tpu.memory_space<vmem>> -> memref<128xi32, #tpu.memory_space<vmem>>
    %dma_wait3A_276 = arith.constant 0 : i32
    %dma_wait3A_277 = arith.constant 0 : i32
    %dma_wait3A_278 = tpu.memref_slice %arg3[%dma_wait3A_276, %dma_wait3A_277] : memref<401408x128xf32, #tpu.memory_space<hbm>> -> memref<401408x128xf32, #tpu.memory_space<hbm>>
    tpu.wait_indirect_dma semaphore(%arg7 : memref<!tpu.dma_semaphore, #tpu.memory_space<semaphore_mem>>) src(%dma_wait3A_278 : memref<401408x128xf32, #tpu.memory_space<hbm>>) dst(%dma_wait3A_273 : memref<128x128xf32, #tpu.memory_space<vmem>>)
    %dma_wait3A_279 = arith.constant 384 : i32
    %dma_wait3A_280 = arith.constant 0 : i32
    %dma_wait3A_281 = tpu.memref_slice %arg6[%dma_wait3A_279, %dma_wait3A_280] : memref<512x128xf32, #tpu.memory_space<vmem>> -> memref<128x128xf32, #tpu.memory_space<vmem>>
    %dma_wait3A_282 = arith.constant 384 : i32
    %dma_wait3A_283 = tpu.memref_slice %arg5[%dma_wait3A_282] : memref<512xi32, #tpu.memory_space<vmem>> -> memref<128xi32, #tpu.memory_space<vmem>>
    %dma_wait3A_284 = arith.constant 0 : i32
    %dma_wait3A_285 = arith.constant 0 : i32
    %dma_wait3A_286 = tpu.memref_slice %arg3[%dma_wait3A_284, %dma_wait3A_285] : memref<401408x128xf32, #tpu.memory_space<hbm>> -> memref<401408x128xf32, #tpu.memory_space<hbm>>
    tpu.wait_indirect_dma semaphore(%arg7 : memref<!tpu.dma_semaphore, #tpu.memory_space<semaphore_mem>>) src(%dma_wait3A_286 : memref<401408x128xf32, #tpu.memory_space<hbm>>) dst(%dma_wait3A_281 : memref<128x128xf32, #tpu.memory_space<vmem>>)
    "tpu.region"() ({
      %run_scoped3A = tpu.sem_alloc : memref<!tpu.dma_semaphore, #tpu.memory_space<semaphore_mem>>
      %dma_start3A_1151 = arith.constant 0 : i32
      %dma_start3A_1152 = arith.constant 96 : i32
      %dma_start3A_1153 = tpu.memref_slice %arg6[%dma_start3A_1151, %dma_start3A_1152] : memref<512x128xf32, #tpu.memory_space<vmem>> -> memref<512x32xf32, #tpu.memory_space<vmem>>
      %dma_start3A_1154 = arith.constant 0 : i32
      %dma_start3A_1155 = tpu.memref_slice %arg4[%add3A_218, %dma_start3A_1154] : memref<262144x32xf32, #tpu.memory_space<hbm>> -> memref<512x32xf32, #tpu.memory_space<hbm>>
      %dma_start3A_1156 = arith.constant 0 : i32
      %dma_start3A_1157 = tpu.memref_slice %arg4[%add3A_218, %dma_start3A_1156] : memref<262144x32xf32, #tpu.memory_space<hbm>> -> memref<512x32xf32, #tpu.memory_space<hbm>>
      %dma_start3A_1158 = arith.constant 0 : i32
      %dma_start3A_1159 = arith.constant 96 : i32
      %dma_start3A_1160 = tpu.memref_slice %arg6[%dma_start3A_1158, %dma_start3A_1159] : memref<512x128xf32, #tpu.memory_space<vmem>> -> memref<512x32xf32, #tpu.memory_space<vmem>>
      tpu.enqueue_dma source(%dma_start3A_1160 : memref<512x32xf32, #tpu.memory_space<vmem>>) target(%dma_start3A_1157 : memref<512x32xf32, #tpu.memory_space<hbm>>) target_semaphore(%run_scoped3A : memref<!tpu.dma_semaphore, #tpu.memory_space<semaphore_mem>>)
      %dma_wait3A_1161 = arith.constant 0 : i32
      %dma_wait3A_1162 = arith.constant 96 : i32
      %dma_wait3A_1163 = tpu.memref_slice %arg6[%dma_wait3A_1161, %dma_wait3A_1162] : memref<512x128xf32, #tpu.memory_space<vmem>> -> memref<512x32xf32, #tpu.memory_space<vmem>>
      %dma_wait3A_1164 = arith.constant 0 : i32
      %dma_wait3A_1165 = tpu.memref_slice %arg4[%add3A_218, %dma_wait3A_1164] : memref<262144x32xf32, #tpu.memory_space<hbm>> -> memref<512x32xf32, #tpu.memory_space<hbm>>
      %dma_wait3A_1166 = arith.constant 0 : i32
      %dma_wait3A_1167 = tpu.memref_slice %arg4[%add3A_218, %dma_wait3A_1166] : memref<262144x32xf32, #tpu.memory_space<hbm>> -> memref<512x32xf32, #tpu.memory_space<hbm>>
      %dma_wait3A_1168 = arith.constant 0 : i32
      %dma_wait3A_1169 = arith.constant 96 : i32
      %dma_wait3A_1170 = tpu.memref_slice %arg6[%dma_wait3A_1168, %dma_wait3A_1169] : memref<512x128xf32, #tpu.memory_space<vmem>> -> memref<512x32xf32, #tpu.memory_space<vmem>>
      tpu.wait_dma2 semaphore(%run_scoped3A : memref<!tpu.dma_semaphore, #tpu.memory_space<semaphore_mem>>) src(%dma_wait3A_1170 : memref<512x32xf32, #tpu.memory_space<vmem>>) dst(%dma_wait3A_1167 : memref<512x32xf32, #tpu.memory_space<hbm>>)
      tpu.yield
    }) : () -> ()
    %mul3A_287 = arith.constant 512 : i32
    %mul3A_288 = arith.muli %add3A, %mul3A_287 : i32
    %add3A_289 = arith.constant 65536 : i32
    %add3A_290 = arith.addi %add3A_289, %mul3A_288 : i32
    %mul3A_291 = arith.constant 512 : i32
    %mul3A_292 = arith.muli %add3A, %mul3A_291 : i32
    %add3A_293 = arith.constant 65536 : i32
    %add3A_294 = arith.addi %add3A_293, %mul3A_292 : i32
    "tpu.region"() ({
      %run_scoped3A = tpu.sem_alloc : memref<!tpu.dma_semaphore, #tpu.memory_space<semaphore_mem>>
      %dma_start3A_1151 = tpu.memref_slice %arg2[%add3A_294] : memref<425984xi32, #tpu.memory_space<hbm>> -> memref<512xi32, #tpu.memory_space<hbm>>
      %dma_start3A_1152 = tpu.memref_slice %arg2[%add3A_294] : memref<425984xi32, #tpu.memory_space<hbm>> -> memref<512xi32, #tpu.memory_space<hbm>>
      tpu.enqueue_dma source(%dma_start3A_1152 : memref<512xi32, #tpu.memory_space<hbm>>) target(%arg5 : memref<512xi32, #tpu.memory_space<vmem>>) target_semaphore(%run_scoped3A : memref<!tpu.dma_semaphore, #tpu.memory_space<semaphore_mem>>)
      %dma_wait3A_1153 = tpu.memref_slice %arg2[%add3A_294] : memref<425984xi32, #tpu.memory_space<hbm>> -> memref<512xi32, #tpu.memory_space<hbm>>
      %dma_wait3A_1154 = tpu.memref_slice %arg2[%add3A_294] : memref<425984xi32, #tpu.memory_space<hbm>> -> memref<512xi32, #tpu.memory_space<hbm>>
      tpu.wait_dma2 semaphore(%run_scoped3A : memref<!tpu.dma_semaphore, #tpu.memory_space<semaphore_mem>>) src(%dma_wait3A_1154 : memref<512xi32, #tpu.memory_space<hbm>>) dst(%arg5 : memref<512xi32, #tpu.memory_space<vmem>>)
      tpu.yield
    }) : () -> ()
    %dma_start3A_295 = arith.constant 0 : i32
    %dma_start3A_296 = arith.constant 0 : i32
    %dma_start3A_297 = tpu.memref_slice %arg6[%dma_start3A_295, %dma_start3A_296] : memref<512x128xf32, #tpu.memory_space<vmem>> -> memref<128x128xf32, #tpu.memory_space<vmem>>
    %dma_start3A_298 = arith.constant 0 : i32
    %dma_start3A_299 = tpu.memref_slice %arg5[%dma_start3A_298] : memref<512xi32, #tpu.memory_space<vmem>> -> memref<128xi32, #tpu.memory_space<vmem>>
    %dma_start3A_300 = arith.constant 0 : i32
    %dma_start3A_301 = arith.constant 0 : i32
    %dma_start3A_302 = tpu.memref_slice %arg3[%dma_start3A_300, %dma_start3A_301] : memref<401408x128xf32, #tpu.memory_space<hbm>> -> memref<401408x128xf32, #tpu.memory_space<hbm>>
    tpu.enqueue_indirect_dma source(%dma_start3A_302 : memref<401408x128xf32, #tpu.memory_space<hbm>>) target(%dma_start3A_297 : memref<128x128xf32, #tpu.memory_space<vmem>>) offsets(%dma_start3A_299 : memref<128xi32, #tpu.memory_space<vmem>>) semaphore(%arg7 : memref<!tpu.dma_semaphore, #tpu.memory_space<semaphore_mem>>)
    %dma_start3A_303 = arith.constant 128 : i32
    %dma_start3A_304 = arith.constant 0 : i32
    %dma_start3A_305 = tpu.memref_slice %arg6[%dma_start3A_303, %dma_start3A_304] : memref<512x128xf32, #tpu.memory_space<vmem>> -> memref<128x128xf32, #tpu.memory_space<vmem>>
    %dma_start3A_306 = arith.constant 128 : i32
    %dma_start3A_307 = tpu.memref_slice %arg5[%dma_start3A_306] : memref<512xi32, #tpu.memory_space<vmem>> -> memref<128xi32, #tpu.memory_space<vmem>>
    %dma_start3A_308 = arith.constant 0 : i32
    %dma_start3A_309 = arith.constant 0 : i32
    %dma_start3A_310 = tpu.memref_slice %arg3[%dma_start3A_308, %dma_start3A_309] : memref<401408x128xf32, #tpu.memory_space<hbm>> -> memref<401408x128xf32, #tpu.memory_space<hbm>>
    tpu.enqueue_indirect_dma source(%dma_start3A_310 : memref<401408x128xf32, #tpu.memory_space<hbm>>) target(%dma_start3A_305 : memref<128x128xf32, #tpu.memory_space<vmem>>) offsets(%dma_start3A_307 : memref<128xi32, #tpu.memory_space<vmem>>) semaphore(%arg7 : memref<!tpu.dma_semaphore, #tpu.memory_space<semaphore_mem>>)
    %dma_start3A_311 = arith.constant 256 : i32
    %dma_start3A_312 = arith.constant 0 : i32
    %dma_start3A_313 = tpu.memref_slice %arg6[%dma_start3A_311, %dma_start3A_312] : memref<512x128xf32, #tpu.memory_space<vmem>> -> memref<128x128xf32, #tpu.memory_space<vmem>>
    %dma_start3A_314 = arith.constant 256 : i32
    %dma_start3A_315 = tpu.memref_slice %arg5[%dma_start3A_314] : memref<512xi32, #tpu.memory_space<vmem>> -> memref<128xi32, #tpu.memory_space<vmem>>
    %dma_start3A_316 = arith.constant 0 : i32
    %dma_start3A_317 = arith.constant 0 : i32
    %dma_start3A_318 = tpu.memref_slice %arg3[%dma_start3A_316, %dma_start3A_317] : memref<401408x128xf32, #tpu.memory_space<hbm>> -> memref<401408x128xf32, #tpu.memory_space<hbm>>
    tpu.enqueue_indirect_dma source(%dma_start3A_318 : memref<401408x128xf32, #tpu.memory_space<hbm>>) target(%dma_start3A_313 : memref<128x128xf32, #tpu.memory_space<vmem>>) offsets(%dma_start3A_315 : memref<128xi32, #tpu.memory_space<vmem>>) semaphore(%arg7 : memref<!tpu.dma_semaphore, #tpu.memory_space<semaphore_mem>>)
    %dma_start3A_319 = arith.constant 384 : i32
    %dma_start3A_320 = arith.constant 0 : i32
    %dma_start3A_321 = tpu.memref_slice %arg6[%dma_start3A_319, %dma_start3A_320] : memref<512x128xf32, #tpu.memory_space<vmem>> -> memref<128x128xf32, #tpu.memory_space<vmem>>
    %dma_start3A_322 = arith.constant 384 : i32
    %dma_start3A_323 = tpu.memref_slice %arg5[%dma_start3A_322] : memref<512xi32, #tpu.memory_space<vmem>> -> memref<128xi32, #tpu.memory_space<vmem>>
    %dma_start3A_324 = arith.constant 0 : i32
    %dma_start3A_325 = arith.constant 0 : i32
    %dma_start3A_326 = tpu.memref_slice %arg3[%dma_start3A_324, %dma_start3A_325] : memref<401408x128xf32, #tpu.memory_space<hbm>> -> memref<401408x128xf32, #tpu.memory_space<hbm>>
    tpu.enqueue_indirect_dma source(%dma_start3A_326 : memref<401408x128xf32, #tpu.memory_space<hbm>>) target(%dma_start3A_321 : memref<128x128xf32, #tpu.memory_space<vmem>>) offsets(%dma_start3A_323 : memref<128xi32, #tpu.memory_space<vmem>>) semaphore(%arg7 : memref<!tpu.dma_semaphore, #tpu.memory_space<semaphore_mem>>)
    %dma_wait3A_327 = arith.constant 0 : i32
    %dma_wait3A_328 = arith.constant 0 : i32
    %dma_wait3A_329 = tpu.memref_slice %arg6[%dma_wait3A_327, %dma_wait3A_328] : memref<512x128xf32, #tpu.memory_space<vmem>> -> memref<128x128xf32, #tpu.memory_space<vmem>>
    %dma_wait3A_330 = arith.constant 0 : i32
    %dma_wait3A_331 = tpu.memref_slice %arg5[%dma_wait3A_330] : memref<512xi32, #tpu.memory_space<vmem>> -> memref<128xi32, #tpu.memory_space<vmem>>
    %dma_wait3A_332 = arith.constant 0 : i32
    %dma_wait3A_333 = arith.constant 0 : i32
    %dma_wait3A_334 = tpu.memref_slice %arg3[%dma_wait3A_332, %dma_wait3A_333] : memref<401408x128xf32, #tpu.memory_space<hbm>> -> memref<401408x128xf32, #tpu.memory_space<hbm>>
    tpu.wait_indirect_dma semaphore(%arg7 : memref<!tpu.dma_semaphore, #tpu.memory_space<semaphore_mem>>) src(%dma_wait3A_334 : memref<401408x128xf32, #tpu.memory_space<hbm>>) dst(%dma_wait3A_329 : memref<128x128xf32, #tpu.memory_space<vmem>>)
    %dma_wait3A_335 = arith.constant 128 : i32
    %dma_wait3A_336 = arith.constant 0 : i32
    %dma_wait3A_337 = tpu.memref_slice %arg6[%dma_wait3A_335, %dma_wait3A_336] : memref<512x128xf32, #tpu.memory_space<vmem>> -> memref<128x128xf32, #tpu.memory_space<vmem>>
    %dma_wait3A_338 = arith.constant 128 : i32
    %dma_wait3A_339 = tpu.memref_slice %arg5[%dma_wait3A_338] : memref<512xi32, #tpu.memory_space<vmem>> -> memref<128xi32, #tpu.memory_space<vmem>>
    %dma_wait3A_340 = arith.constant 0 : i32
    %dma_wait3A_341 = arith.constant 0 : i32
    %dma_wait3A_342 = tpu.memref_slice %arg3[%dma_wait3A_340, %dma_wait3A_341] : memref<401408x128xf32, #tpu.memory_space<hbm>> -> memref<401408x128xf32, #tpu.memory_space<hbm>>
    tpu.wait_indirect_dma semaphore(%arg7 : memref<!tpu.dma_semaphore, #tpu.memory_space<semaphore_mem>>) src(%dma_wait3A_342 : memref<401408x128xf32, #tpu.memory_space<hbm>>) dst(%dma_wait3A_337 : memref<128x128xf32, #tpu.memory_space<vmem>>)
    %dma_wait3A_343 = arith.constant 256 : i32
    %dma_wait3A_344 = arith.constant 0 : i32
    %dma_wait3A_345 = tpu.memref_slice %arg6[%dma_wait3A_343, %dma_wait3A_344] : memref<512x128xf32, #tpu.memory_space<vmem>> -> memref<128x128xf32, #tpu.memory_space<vmem>>
    %dma_wait3A_346 = arith.constant 256 : i32
    %dma_wait3A_347 = tpu.memref_slice %arg5[%dma_wait3A_346] : memref<512xi32, #tpu.memory_space<vmem>> -> memref<128xi32, #tpu.memory_space<vmem>>
    %dma_wait3A_348 = arith.constant 0 : i32
    %dma_wait3A_349 = arith.constant 0 : i32
    %dma_wait3A_350 = tpu.memref_slice %arg3[%dma_wait3A_348, %dma_wait3A_349] : memref<401408x128xf32, #tpu.memory_space<hbm>> -> memref<401408x128xf32, #tpu.memory_space<hbm>>
    tpu.wait_indirect_dma semaphore(%arg7 : memref<!tpu.dma_semaphore, #tpu.memory_space<semaphore_mem>>) src(%dma_wait3A_350 : memref<401408x128xf32, #tpu.memory_space<hbm>>) dst(%dma_wait3A_345 : memref<128x128xf32, #tpu.memory_space<vmem>>)
    %dma_wait3A_351 = arith.constant 384 : i32
    %dma_wait3A_352 = arith.constant 0 : i32
    %dma_wait3A_353 = tpu.memref_slice %arg6[%dma_wait3A_351, %dma_wait3A_352] : memref<512x128xf32, #tpu.memory_space<vmem>> -> memref<128x128xf32, #tpu.memory_space<vmem>>
    %dma_wait3A_354 = arith.constant 384 : i32
    %dma_wait3A_355 = tpu.memref_slice %arg5[%dma_wait3A_354] : memref<512xi32, #tpu.memory_space<vmem>> -> memref<128xi32, #tpu.memory_space<vmem>>
    %dma_wait3A_356 = arith.constant 0 : i32
    %dma_wait3A_357 = arith.constant 0 : i32
    %dma_wait3A_358 = tpu.memref_slice %arg3[%dma_wait3A_356, %dma_wait3A_357] : memref<401408x128xf32, #tpu.memory_space<hbm>> -> memref<401408x128xf32, #tpu.memory_space<hbm>>
    tpu.wait_indirect_dma semaphore(%arg7 : memref<!tpu.dma_semaphore, #tpu.memory_space<semaphore_mem>>) src(%dma_wait3A_358 : memref<401408x128xf32, #tpu.memory_space<hbm>>) dst(%dma_wait3A_353 : memref<128x128xf32, #tpu.memory_space<vmem>>)
    "tpu.region"() ({
      %run_scoped3A = tpu.sem_alloc : memref<!tpu.dma_semaphore, #tpu.memory_space<semaphore_mem>>
      %dma_start3A_1151 = arith.constant 0 : i32
      %dma_start3A_1152 = arith.constant 0 : i32
      %dma_start3A_1153 = tpu.memref_slice %arg6[%dma_start3A_1151, %dma_start3A_1152] : memref<512x128xf32, #tpu.memory_space<vmem>> -> memref<512x32xf32, #tpu.memory_space<vmem>>
      %dma_start3A_1154 = arith.constant 0 : i32
      %dma_start3A_1155 = tpu.memref_slice %arg4[%add3A_290, %dma_start3A_1154] : memref<262144x32xf32, #tpu.memory_space<hbm>> -> memref<512x32xf32, #tpu.memory_space<hbm>>
      %dma_start3A_1156 = arith.constant 0 : i32
      %dma_start3A_1157 = tpu.memref_slice %arg4[%add3A_290, %dma_start3A_1156] : memref<262144x32xf32, #tpu.memory_space<hbm>> -> memref<512x32xf32, #tpu.memory_space<hbm>>
      %dma_start3A_1158 = arith.constant 0 : i32
      %dma_start3A_1159 = arith.constant 0 : i32
      %dma_start3A_1160 = tpu.memref_slice %arg6[%dma_start3A_1158, %dma_start3A_1159] : memref<512x128xf32, #tpu.memory_space<vmem>> -> memref<512x32xf32, #tpu.memory_space<vmem>>
      tpu.enqueue_dma source(%dma_start3A_1160 : memref<512x32xf32, #tpu.memory_space<vmem>>) target(%dma_start3A_1157 : memref<512x32xf32, #tpu.memory_space<hbm>>) target_semaphore(%run_scoped3A : memref<!tpu.dma_semaphore, #tpu.memory_space<semaphore_mem>>)
      %dma_wait3A_1161 = arith.constant 0 : i32
      %dma_wait3A_1162 = arith.constant 0 : i32
      %dma_wait3A_1163 = tpu.memref_slice %arg6[%dma_wait3A_1161, %dma_wait3A_1162] : memref<512x128xf32, #tpu.memory_space<vmem>> -> memref<512x32xf32, #tpu.memory_space<vmem>>
      %dma_wait3A_1164 = arith.constant 0 : i32
      %dma_wait3A_1165 = tpu.memref_slice %arg4[%add3A_290, %dma_wait3A_1164] : memref<262144x32xf32, #tpu.memory_space<hbm>> -> memref<512x32xf32, #tpu.memory_space<hbm>>
      %dma_wait3A_1166 = arith.constant 0 : i32
      %dma_wait3A_1167 = tpu.memref_slice %arg4[%add3A_290, %dma_wait3A_1166] : memref<262144x32xf32, #tpu.memory_space<hbm>> -> memref<512x32xf32, #tpu.memory_space<hbm>>
      %dma_wait3A_1168 = arith.constant 0 : i32
      %dma_wait3A_1169 = arith.constant 0 : i32
      %dma_wait3A_1170 = tpu.memref_slice %arg6[%dma_wait3A_1168, %dma_wait3A_1169] : memref<512x128xf32, #tpu.memory_space<vmem>> -> memref<512x32xf32, #tpu.memory_space<vmem>>
      tpu.wait_dma2 semaphore(%run_scoped3A : memref<!tpu.dma_semaphore, #tpu.memory_space<semaphore_mem>>) src(%dma_wait3A_1170 : memref<512x32xf32, #tpu.memory_space<vmem>>) dst(%dma_wait3A_1167 : memref<512x32xf32, #tpu.memory_space<hbm>>)
      tpu.yield
    }) : () -> ()
    %mul3A_359 = arith.constant 512 : i32
    %mul3A_360 = arith.muli %add3A, %mul3A_359 : i32
    %add3A_361 = arith.constant 81920 : i32
    %add3A_362 = arith.addi %add3A_361, %mul3A_360 : i32
    %mul3A_363 = arith.constant 512 : i32
    %mul3A_364 = arith.muli %add3A, %mul3A_363 : i32
    %add3A_365 = arith.constant 81920 : i32
    %add3A_366 = arith.addi %add3A_365, %mul3A_364 : i32
    "tpu.region"() ({
      %run_scoped3A = tpu.sem_alloc : memref<!tpu.dma_semaphore, #tpu.memory_space<semaphore_mem>>
      %dma_start3A_1151 = tpu.memref_slice %arg2[%add3A_366] : memref<425984xi32, #tpu.memory_space<hbm>> -> memref<512xi32, #tpu.memory_space<hbm>>
      %dma_start3A_1152 = tpu.memref_slice %arg2[%add3A_366] : memref<425984xi32, #tpu.memory_space<hbm>> -> memref<512xi32, #tpu.memory_space<hbm>>
      tpu.enqueue_dma source(%dma_start3A_1152 : memref<512xi32, #tpu.memory_space<hbm>>) target(%arg5 : memref<512xi32, #tpu.memory_space<vmem>>) target_semaphore(%run_scoped3A : memref<!tpu.dma_semaphore, #tpu.memory_space<semaphore_mem>>)
      %dma_wait3A_1153 = tpu.memref_slice %arg2[%add3A_366] : memref<425984xi32, #tpu.memory_space<hbm>> -> memref<512xi32, #tpu.memory_space<hbm>>
      %dma_wait3A_1154 = tpu.memref_slice %arg2[%add3A_366] : memref<425984xi32, #tpu.memory_space<hbm>> -> memref<512xi32, #tpu.memory_space<hbm>>
      tpu.wait_dma2 semaphore(%run_scoped3A : memref<!tpu.dma_semaphore, #tpu.memory_space<semaphore_mem>>) src(%dma_wait3A_1154 : memref<512xi32, #tpu.memory_space<hbm>>) dst(%arg5 : memref<512xi32, #tpu.memory_space<vmem>>)
      tpu.yield
    }) : () -> ()
    %dma_start3A_367 = arith.constant 0 : i32
    %dma_start3A_368 = arith.constant 0 : i32
    %dma_start3A_369 = tpu.memref_slice %arg6[%dma_start3A_367, %dma_start3A_368] : memref<512x128xf32, #tpu.memory_space<vmem>> -> memref<128x128xf32, #tpu.memory_space<vmem>>
    %dma_start3A_370 = arith.constant 0 : i32
    %dma_start3A_371 = tpu.memref_slice %arg5[%dma_start3A_370] : memref<512xi32, #tpu.memory_space<vmem>> -> memref<128xi32, #tpu.memory_space<vmem>>
    %dma_start3A_372 = arith.constant 0 : i32
    %dma_start3A_373 = arith.constant 0 : i32
    %dma_start3A_374 = tpu.memref_slice %arg3[%dma_start3A_372, %dma_start3A_373] : memref<401408x128xf32, #tpu.memory_space<hbm>> -> memref<401408x128xf32, #tpu.memory_space<hbm>>
    tpu.enqueue_indirect_dma source(%dma_start3A_374 : memref<401408x128xf32, #tpu.memory_space<hbm>>) target(%dma_start3A_369 : memref<128x128xf32, #tpu.memory_space<vmem>>) offsets(%dma_start3A_371 : memref<128xi32, #tpu.memory_space<vmem>>) semaphore(%arg7 : memref<!tpu.dma_semaphore, #tpu.memory_space<semaphore_mem>>)
    %dma_start3A_375 = arith.constant 128 : i32
    %dma_start3A_376 = arith.constant 0 : i32
    %dma_start3A_377 = tpu.memref_slice %arg6[%dma_start3A_375, %dma_start3A_376] : memref<512x128xf32, #tpu.memory_space<vmem>> -> memref<128x128xf32, #tpu.memory_space<vmem>>
    %dma_start3A_378 = arith.constant 128 : i32
    %dma_start3A_379 = tpu.memref_slice %arg5[%dma_start3A_378] : memref<512xi32, #tpu.memory_space<vmem>> -> memref<128xi32, #tpu.memory_space<vmem>>
    %dma_start3A_380 = arith.constant 0 : i32
    %dma_start3A_381 = arith.constant 0 : i32
    %dma_start3A_382 = tpu.memref_slice %arg3[%dma_start3A_380, %dma_start3A_381] : memref<401408x128xf32, #tpu.memory_space<hbm>> -> memref<401408x128xf32, #tpu.memory_space<hbm>>
    tpu.enqueue_indirect_dma source(%dma_start3A_382 : memref<401408x128xf32, #tpu.memory_space<hbm>>) target(%dma_start3A_377 : memref<128x128xf32, #tpu.memory_space<vmem>>) offsets(%dma_start3A_379 : memref<128xi32, #tpu.memory_space<vmem>>) semaphore(%arg7 : memref<!tpu.dma_semaphore, #tpu.memory_space<semaphore_mem>>)
    %dma_start3A_383 = arith.constant 256 : i32
    %dma_start3A_384 = arith.constant 0 : i32
    %dma_start3A_385 = tpu.memref_slice %arg6[%dma_start3A_383, %dma_start3A_384] : memref<512x128xf32, #tpu.memory_space<vmem>> -> memref<128x128xf32, #tpu.memory_space<vmem>>
    %dma_start3A_386 = arith.constant 256 : i32
    %dma_start3A_387 = tpu.memref_slice %arg5[%dma_start3A_386] : memref<512xi32, #tpu.memory_space<vmem>> -> memref<128xi32, #tpu.memory_space<vmem>>
    %dma_start3A_388 = arith.constant 0 : i32
    %dma_start3A_389 = arith.constant 0 : i32
    %dma_start3A_390 = tpu.memref_slice %arg3[%dma_start3A_388, %dma_start3A_389] : memref<401408x128xf32, #tpu.memory_space<hbm>> -> memref<401408x128xf32, #tpu.memory_space<hbm>>
    tpu.enqueue_indirect_dma source(%dma_start3A_390 : memref<401408x128xf32, #tpu.memory_space<hbm>>) target(%dma_start3A_385 : memref<128x128xf32, #tpu.memory_space<vmem>>) offsets(%dma_start3A_387 : memref<128xi32, #tpu.memory_space<vmem>>) semaphore(%arg7 : memref<!tpu.dma_semaphore, #tpu.memory_space<semaphore_mem>>)
    %dma_start3A_391 = arith.constant 384 : i32
    %dma_start3A_392 = arith.constant 0 : i32
    %dma_start3A_393 = tpu.memref_slice %arg6[%dma_start3A_391, %dma_start3A_392] : memref<512x128xf32, #tpu.memory_space<vmem>> -> memref<128x128xf32, #tpu.memory_space<vmem>>
    %dma_start3A_394 = arith.constant 384 : i32
    %dma_start3A_395 = tpu.memref_slice %arg5[%dma_start3A_394] : memref<512xi32, #tpu.memory_space<vmem>> -> memref<128xi32, #tpu.memory_space<vmem>>
    %dma_start3A_396 = arith.constant 0 : i32
    %dma_start3A_397 = arith.constant 0 : i32
    %dma_start3A_398 = tpu.memref_slice %arg3[%dma_start3A_396, %dma_start3A_397] : memref<401408x128xf32, #tpu.memory_space<hbm>> -> memref<401408x128xf32, #tpu.memory_space<hbm>>
    tpu.enqueue_indirect_dma source(%dma_start3A_398 : memref<401408x128xf32, #tpu.memory_space<hbm>>) target(%dma_start3A_393 : memref<128x128xf32, #tpu.memory_space<vmem>>) offsets(%dma_start3A_395 : memref<128xi32, #tpu.memory_space<vmem>>) semaphore(%arg7 : memref<!tpu.dma_semaphore, #tpu.memory_space<semaphore_mem>>)
    %dma_wait3A_399 = arith.constant 0 : i32
    %dma_wait3A_400 = arith.constant 0 : i32
    %dma_wait3A_401 = tpu.memref_slice %arg6[%dma_wait3A_399, %dma_wait3A_400] : memref<512x128xf32, #tpu.memory_space<vmem>> -> memref<128x128xf32, #tpu.memory_space<vmem>>
    %dma_wait3A_402 = arith.constant 0 : i32
    %dma_wait3A_403 = tpu.memref_slice %arg5[%dma_wait3A_402] : memref<512xi32, #tpu.memory_space<vmem>> -> memref<128xi32, #tpu.memory_space<vmem>>
    %dma_wait3A_404 = arith.constant 0 : i32
    %dma_wait3A_405 = arith.constant 0 : i32
    %dma_wait3A_406 = tpu.memref_slice %arg3[%dma_wait3A_404, %dma_wait3A_405] : memref<401408x128xf32, #tpu.memory_space<hbm>> -> memref<401408x128xf32, #tpu.memory_space<hbm>>
    tpu.wait_indirect_dma semaphore(%arg7 : memref<!tpu.dma_semaphore, #tpu.memory_space<semaphore_mem>>) src(%dma_wait3A_406 : memref<401408x128xf32, #tpu.memory_space<hbm>>) dst(%dma_wait3A_401 : memref<128x128xf32, #tpu.memory_space<vmem>>)
    %dma_wait3A_407 = arith.constant 128 : i32
    %dma_wait3A_408 = arith.constant 0 : i32
    %dma_wait3A_409 = tpu.memref_slice %arg6[%dma_wait3A_407, %dma_wait3A_408] : memref<512x128xf32, #tpu.memory_space<vmem>> -> memref<128x128xf32, #tpu.memory_space<vmem>>
    %dma_wait3A_410 = arith.constant 128 : i32
    %dma_wait3A_411 = tpu.memref_slice %arg5[%dma_wait3A_410] : memref<512xi32, #tpu.memory_space<vmem>> -> memref<128xi32, #tpu.memory_space<vmem>>
    %dma_wait3A_412 = arith.constant 0 : i32
    %dma_wait3A_413 = arith.constant 0 : i32
    %dma_wait3A_414 = tpu.memref_slice %arg3[%dma_wait3A_412, %dma_wait3A_413] : memref<401408x128xf32, #tpu.memory_space<hbm>> -> memref<401408x128xf32, #tpu.memory_space<hbm>>
    tpu.wait_indirect_dma semaphore(%arg7 : memref<!tpu.dma_semaphore, #tpu.memory_space<semaphore_mem>>) src(%dma_wait3A_414 : memref<401408x128xf32, #tpu.memory_space<hbm>>) dst(%dma_wait3A_409 : memref<128x128xf32, #tpu.memory_space<vmem>>)
    %dma_wait3A_415 = arith.constant 256 : i32
    %dma_wait3A_416 = arith.constant 0 : i32
    %dma_wait3A_417 = tpu.memref_slice %arg6[%dma_wait3A_415, %dma_wait3A_416] : memref<512x128xf32, #tpu.memory_space<vmem>> -> memref<128x128xf32, #tpu.memory_space<vmem>>
    %dma_wait3A_418 = arith.constant 256 : i32
    %dma_wait3A_419 = tpu.memref_slice %arg5[%dma_wait3A_418] : memref<512xi32, #tpu.memory_space<vmem>> -> memref<128xi32, #tpu.memory_space<vmem>>
    %dma_wait3A_420 = arith.constant 0 : i32
    %dma_wait3A_421 = arith.constant 0 : i32
    %dma_wait3A_422 = tpu.memref_slice %arg3[%dma_wait3A_420, %dma_wait3A_421] : memref<401408x128xf32, #tpu.memory_space<hbm>> -> memref<401408x128xf32, #tpu.memory_space<hbm>>
    tpu.wait_indirect_dma semaphore(%arg7 : memref<!tpu.dma_semaphore, #tpu.memory_space<semaphore_mem>>) src(%dma_wait3A_422 : memref<401408x128xf32, #tpu.memory_space<hbm>>) dst(%dma_wait3A_417 : memref<128x128xf32, #tpu.memory_space<vmem>>)
    %dma_wait3A_423 = arith.constant 384 : i32
    %dma_wait3A_424 = arith.constant 0 : i32
    %dma_wait3A_425 = tpu.memref_slice %arg6[%dma_wait3A_423, %dma_wait3A_424] : memref<512x128xf32, #tpu.memory_space<vmem>> -> memref<128x128xf32, #tpu.memory_space<vmem>>
    %dma_wait3A_426 = arith.constant 384 : i32
    %dma_wait3A_427 = tpu.memref_slice %arg5[%dma_wait3A_426] : memref<512xi32, #tpu.memory_space<vmem>> -> memref<128xi32, #tpu.memory_space<vmem>>
    %dma_wait3A_428 = arith.constant 0 : i32
    %dma_wait3A_429 = arith.constant 0 : i32
    %dma_wait3A_430 = tpu.memref_slice %arg3[%dma_wait3A_428, %dma_wait3A_429] : memref<401408x128xf32, #tpu.memory_space<hbm>> -> memref<401408x128xf32, #tpu.memory_space<hbm>>
    tpu.wait_indirect_dma semaphore(%arg7 : memref<!tpu.dma_semaphore, #tpu.memory_space<semaphore_mem>>) src(%dma_wait3A_430 : memref<401408x128xf32, #tpu.memory_space<hbm>>) dst(%dma_wait3A_425 : memref<128x128xf32, #tpu.memory_space<vmem>>)
    "tpu.region"() ({
      %run_scoped3A = tpu.sem_alloc : memref<!tpu.dma_semaphore, #tpu.memory_space<semaphore_mem>>
      %dma_start3A_1151 = arith.constant 0 : i32
      %dma_start3A_1152 = arith.constant 32 : i32
      %dma_start3A_1153 = tpu.memref_slice %arg6[%dma_start3A_1151, %dma_start3A_1152] : memref<512x128xf32, #tpu.memory_space<vmem>> -> memref<512x32xf32, #tpu.memory_space<vmem>>
      %dma_start3A_1154 = arith.constant 0 : i32
      %dma_start3A_1155 = tpu.memref_slice %arg4[%add3A_362, %dma_start3A_1154] : memref<262144x32xf32, #tpu.memory_space<hbm>> -> memref<512x32xf32, #tpu.memory_space<hbm>>
      %dma_start3A_1156 = arith.constant 0 : i32
      %dma_start3A_1157 = tpu.memref_slice %arg4[%add3A_362, %dma_start3A_1156] : memref<262144x32xf32, #tpu.memory_space<hbm>> -> memref<512x32xf32, #tpu.memory_space<hbm>>
      %dma_start3A_1158 = arith.constant 0 : i32
      %dma_start3A_1159 = arith.constant 32 : i32
      %dma_start3A_1160 = tpu.memref_slice %arg6[%dma_start3A_1158, %dma_start3A_1159] : memref<512x128xf32, #tpu.memory_space<vmem>> -> memref<512x32xf32, #tpu.memory_space<vmem>>
      tpu.enqueue_dma source(%dma_start3A_1160 : memref<512x32xf32, #tpu.memory_space<vmem>>) target(%dma_start3A_1157 : memref<512x32xf32, #tpu.memory_space<hbm>>) target_semaphore(%run_scoped3A : memref<!tpu.dma_semaphore, #tpu.memory_space<semaphore_mem>>)
      %dma_wait3A_1161 = arith.constant 0 : i32
      %dma_wait3A_1162 = arith.constant 32 : i32
      %dma_wait3A_1163 = tpu.memref_slice %arg6[%dma_wait3A_1161, %dma_wait3A_1162] : memref<512x128xf32, #tpu.memory_space<vmem>> -> memref<512x32xf32, #tpu.memory_space<vmem>>
      %dma_wait3A_1164 = arith.constant 0 : i32
      %dma_wait3A_1165 = tpu.memref_slice %arg4[%add3A_362, %dma_wait3A_1164] : memref<262144x32xf32, #tpu.memory_space<hbm>> -> memref<512x32xf32, #tpu.memory_space<hbm>>
      %dma_wait3A_1166 = arith.constant 0 : i32
      %dma_wait3A_1167 = tpu.memref_slice %arg4[%add3A_362, %dma_wait3A_1166] : memref<262144x32xf32, #tpu.memory_space<hbm>> -> memref<512x32xf32, #tpu.memory_space<hbm>>
      %dma_wait3A_1168 = arith.constant 0 : i32
      %dma_wait3A_1169 = arith.constant 32 : i32
      %dma_wait3A_1170 = tpu.memref_slice %arg6[%dma_wait3A_1168, %dma_wait3A_1169] : memref<512x128xf32, #tpu.memory_space<vmem>> -> memref<512x32xf32, #tpu.memory_space<vmem>>
      tpu.wait_dma2 semaphore(%run_scoped3A : memref<!tpu.dma_semaphore, #tpu.memory_space<semaphore_mem>>) src(%dma_wait3A_1170 : memref<512x32xf32, #tpu.memory_space<vmem>>) dst(%dma_wait3A_1167 : memref<512x32xf32, #tpu.memory_space<hbm>>)
      tpu.yield
    }) : () -> ()
    %mul3A_431 = arith.constant 512 : i32
    %mul3A_432 = arith.muli %add3A, %mul3A_431 : i32
    %add3A_433 = arith.constant 98304 : i32
    %add3A_434 = arith.addi %add3A_433, %mul3A_432 : i32
    %mul3A_435 = arith.constant 512 : i32
    %mul3A_436 = arith.muli %add3A, %mul3A_435 : i32
    %add3A_437 = arith.constant 98304 : i32
    %add3A_438 = arith.addi %add3A_437, %mul3A_436 : i32
    "tpu.region"() ({
      %run_scoped3A = tpu.sem_alloc : memref<!tpu.dma_semaphore, #tpu.memory_space<semaphore_mem>>
      %dma_start3A_1151 = tpu.memref_slice %arg2[%add3A_438] : memref<425984xi32, #tpu.memory_space<hbm>> -> memref<512xi32, #tpu.memory_space<hbm>>
      %dma_start3A_1152 = tpu.memref_slice %arg2[%add3A_438] : memref<425984xi32, #tpu.memory_space<hbm>> -> memref<512xi32, #tpu.memory_space<hbm>>
      tpu.enqueue_dma source(%dma_start3A_1152 : memref<512xi32, #tpu.memory_space<hbm>>) target(%arg5 : memref<512xi32, #tpu.memory_space<vmem>>) target_semaphore(%run_scoped3A : memref<!tpu.dma_semaphore, #tpu.memory_space<semaphore_mem>>)
      %dma_wait3A_1153 = tpu.memref_slice %arg2[%add3A_438] : memref<425984xi32, #tpu.memory_space<hbm>> -> memref<512xi32, #tpu.memory_space<hbm>>
      %dma_wait3A_1154 = tpu.memref_slice %arg2[%add3A_438] : memref<425984xi32, #tpu.memory_space<hbm>> -> memref<512xi32, #tpu.memory_space<hbm>>
      tpu.wait_dma2 semaphore(%run_scoped3A : memref<!tpu.dma_semaphore, #tpu.memory_space<semaphore_mem>>) src(%dma_wait3A_1154 : memref<512xi32, #tpu.memory_space<hbm>>) dst(%arg5 : memref<512xi32, #tpu.memory_space<vmem>>)
      tpu.yield
    }) : () -> ()
    %dma_start3A_439 = arith.constant 0 : i32
    %dma_start3A_440 = arith.constant 0 : i32
    %dma_start3A_441 = tpu.memref_slice %arg6[%dma_start3A_439, %dma_start3A_440] : memref<512x128xf32, #tpu.memory_space<vmem>> -> memref<128x128xf32, #tpu.memory_space<vmem>>
    %dma_start3A_442 = arith.constant 0 : i32
    %dma_start3A_443 = tpu.memref_slice %arg5[%dma_start3A_442] : memref<512xi32, #tpu.memory_space<vmem>> -> memref<128xi32, #tpu.memory_space<vmem>>
    %dma_start3A_444 = arith.constant 0 : i32
    %dma_start3A_445 = arith.constant 0 : i32
    %dma_start3A_446 = tpu.memref_slice %arg3[%dma_start3A_444, %dma_start3A_445] : memref<401408x128xf32, #tpu.memory_space<hbm>> -> memref<401408x128xf32, #tpu.memory_space<hbm>>
    tpu.enqueue_indirect_dma source(%dma_start3A_446 : memref<401408x128xf32, #tpu.memory_space<hbm>>) target(%dma_start3A_441 : memref<128x128xf32, #tpu.memory_space<vmem>>) offsets(%dma_start3A_443 : memref<128xi32, #tpu.memory_space<vmem>>) semaphore(%arg7 : memref<!tpu.dma_semaphore, #tpu.memory_space<semaphore_mem>>)
    %dma_start3A_447 = arith.constant 128 : i32
    %dma_start3A_448 = arith.constant 0 : i32
    %dma_start3A_449 = tpu.memref_slice %arg6[%dma_start3A_447, %dma_start3A_448] : memref<512x128xf32, #tpu.memory_space<vmem>> -> memref<128x128xf32, #tpu.memory_space<vmem>>
    %dma_start3A_450 = arith.constant 128 : i32
    %dma_start3A_451 = tpu.memref_slice %arg5[%dma_start3A_450] : memref<512xi32, #tpu.memory_space<vmem>> -> memref<128xi32, #tpu.memory_space<vmem>>
    %dma_start3A_452 = arith.constant 0 : i32
    %dma_start3A_453 = arith.constant 0 : i32
    %dma_start3A_454 = tpu.memref_slice %arg3[%dma_start3A_452, %dma_start3A_453] : memref<401408x128xf32, #tpu.memory_space<hbm>> -> memref<401408x128xf32, #tpu.memory_space<hbm>>
    tpu.enqueue_indirect_dma source(%dma_start3A_454 : memref<401408x128xf32, #tpu.memory_space<hbm>>) target(%dma_start3A_449 : memref<128x128xf32, #tpu.memory_space<vmem>>) offsets(%dma_start3A_451 : memref<128xi32, #tpu.memory_space<vmem>>) semaphore(%arg7 : memref<!tpu.dma_semaphore, #tpu.memory_space<semaphore_mem>>)
    %dma_start3A_455 = arith.constant 256 : i32
    %dma_start3A_456 = arith.constant 0 : i32
    %dma_start3A_457 = tpu.memref_slice %arg6[%dma_start3A_455, %dma_start3A_456] : memref<512x128xf32, #tpu.memory_space<vmem>> -> memref<128x128xf32, #tpu.memory_space<vmem>>
    %dma_start3A_458 = arith.constant 256 : i32
    %dma_start3A_459 = tpu.memref_slice %arg5[%dma_start3A_458] : memref<512xi32, #tpu.memory_space<vmem>> -> memref<128xi32, #tpu.memory_space<vmem>>
    %dma_start3A_460 = arith.constant 0 : i32
    %dma_start3A_461 = arith.constant 0 : i32
    %dma_start3A_462 = tpu.memref_slice %arg3[%dma_start3A_460, %dma_start3A_461] : memref<401408x128xf32, #tpu.memory_space<hbm>> -> memref<401408x128xf32, #tpu.memory_space<hbm>>
    tpu.enqueue_indirect_dma source(%dma_start3A_462 : memref<401408x128xf32, #tpu.memory_space<hbm>>) target(%dma_start3A_457 : memref<128x128xf32, #tpu.memory_space<vmem>>) offsets(%dma_start3A_459 : memref<128xi32, #tpu.memory_space<vmem>>) semaphore(%arg7 : memref<!tpu.dma_semaphore, #tpu.memory_space<semaphore_mem>>)
    %dma_start3A_463 = arith.constant 384 : i32
    %dma_start3A_464 = arith.constant 0 : i32
    %dma_start3A_465 = tpu.memref_slice %arg6[%dma_start3A_463, %dma_start3A_464] : memref<512x128xf32, #tpu.memory_space<vmem>> -> memref<128x128xf32, #tpu.memory_space<vmem>>
    %dma_start3A_466 = arith.constant 384 : i32
    %dma_start3A_467 = tpu.memref_slice %arg5[%dma_start3A_466] : memref<512xi32, #tpu.memory_space<vmem>> -> memref<128xi32, #tpu.memory_space<vmem>>
    %dma_start3A_468 = arith.constant 0 : i32
    %dma_start3A_469 = arith.constant 0 : i32
    %dma_start3A_470 = tpu.memref_slice %arg3[%dma_start3A_468, %dma_start3A_469] : memref<401408x128xf32, #tpu.memory_space<hbm>> -> memref<401408x128xf32, #tpu.memory_space<hbm>>
    tpu.enqueue_indirect_dma source(%dma_start3A_470 : memref<401408x128xf32, #tpu.memory_space<hbm>>) target(%dma_start3A_465 : memref<128x128xf32, #tpu.memory_space<vmem>>) offsets(%dma_start3A_467 : memref<128xi32, #tpu.memory_space<vmem>>) semaphore(%arg7 : memref<!tpu.dma_semaphore, #tpu.memory_space<semaphore_mem>>)
    %dma_wait3A_471 = arith.constant 0 : i32
    %dma_wait3A_472 = arith.constant 0 : i32
    %dma_wait3A_473 = tpu.memref_slice %arg6[%dma_wait3A_471, %dma_wait3A_472] : memref<512x128xf32, #tpu.memory_space<vmem>> -> memref<128x128xf32, #tpu.memory_space<vmem>>
    %dma_wait3A_474 = arith.constant 0 : i32
    %dma_wait3A_475 = tpu.memref_slice %arg5[%dma_wait3A_474] : memref<512xi32, #tpu.memory_space<vmem>> -> memref<128xi32, #tpu.memory_space<vmem>>
    %dma_wait3A_476 = arith.constant 0 : i32
    %dma_wait3A_477 = arith.constant 0 : i32
    %dma_wait3A_478 = tpu.memref_slice %arg3[%dma_wait3A_476, %dma_wait3A_477] : memref<401408x128xf32, #tpu.memory_space<hbm>> -> memref<401408x128xf32, #tpu.memory_space<hbm>>
    tpu.wait_indirect_dma semaphore(%arg7 : memref<!tpu.dma_semaphore, #tpu.memory_space<semaphore_mem>>) src(%dma_wait3A_478 : memref<401408x128xf32, #tpu.memory_space<hbm>>) dst(%dma_wait3A_473 : memref<128x128xf32, #tpu.memory_space<vmem>>)
    %dma_wait3A_479 = arith.constant 128 : i32
    %dma_wait3A_480 = arith.constant 0 : i32
    %dma_wait3A_481 = tpu.memref_slice %arg6[%dma_wait3A_479, %dma_wait3A_480] : memref<512x128xf32, #tpu.memory_space<vmem>> -> memref<128x128xf32, #tpu.memory_space<vmem>>
    %dma_wait3A_482 = arith.constant 128 : i32
    %dma_wait3A_483 = tpu.memref_slice %arg5[%dma_wait3A_482] : memref<512xi32, #tpu.memory_space<vmem>> -> memref<128xi32, #tpu.memory_space<vmem>>
    %dma_wait3A_484 = arith.constant 0 : i32
    %dma_wait3A_485 = arith.constant 0 : i32
    %dma_wait3A_486 = tpu.memref_slice %arg3[%dma_wait3A_484, %dma_wait3A_485] : memref<401408x128xf32, #tpu.memory_space<hbm>> -> memref<401408x128xf32, #tpu.memory_space<hbm>>
    tpu.wait_indirect_dma semaphore(%arg7 : memref<!tpu.dma_semaphore, #tpu.memory_space<semaphore_mem>>) src(%dma_wait3A_486 : memref<401408x128xf32, #tpu.memory_space<hbm>>) dst(%dma_wait3A_481 : memref<128x128xf32, #tpu.memory_space<vmem>>)
    %dma_wait3A_487 = arith.constant 256 : i32
    %dma_wait3A_488 = arith.constant 0 : i32
    %dma_wait3A_489 = tpu.memref_slice %arg6[%dma_wait3A_487, %dma_wait3A_488] : memref<512x128xf32, #tpu.memory_space<vmem>> -> memref<128x128xf32, #tpu.memory_space<vmem>>
    %dma_wait3A_490 = arith.constant 256 : i32
    %dma_wait3A_491 = tpu.memref_slice %arg5[%dma_wait3A_490] : memref<512xi32, #tpu.memory_space<vmem>> -> memref<128xi32, #tpu.memory_space<vmem>>
    %dma_wait3A_492 = arith.constant 0 : i32
    %dma_wait3A_493 = arith.constant 0 : i32
    %dma_wait3A_494 = tpu.memref_slice %arg3[%dma_wait3A_492, %dma_wait3A_493] : memref<401408x128xf32, #tpu.memory_space<hbm>> -> memref<401408x128xf32, #tpu.memory_space<hbm>>
    tpu.wait_indirect_dma semaphore(%arg7 : memref<!tpu.dma_semaphore, #tpu.memory_space<semaphore_mem>>) src(%dma_wait3A_494 : memref<401408x128xf32, #tpu.memory_space<hbm>>) dst(%dma_wait3A_489 : memref<128x128xf32, #tpu.memory_space<vmem>>)
    %dma_wait3A_495 = arith.constant 384 : i32
    %dma_wait3A_496 = arith.constant 0 : i32
    %dma_wait3A_497 = tpu.memref_slice %arg6[%dma_wait3A_495, %dma_wait3A_496] : memref<512x128xf32, #tpu.memory_space<vmem>> -> memref<128x128xf32, #tpu.memory_space<vmem>>
    %dma_wait3A_498 = arith.constant 384 : i32
    %dma_wait3A_499 = tpu.memref_slice %arg5[%dma_wait3A_498] : memref<512xi32, #tpu.memory_space<vmem>> -> memref<128xi32, #tpu.memory_space<vmem>>
    %dma_wait3A_500 = arith.constant 0 : i32
    %dma_wait3A_501 = arith.constant 0 : i32
    %dma_wait3A_502 = tpu.memref_slice %arg3[%dma_wait3A_500, %dma_wait3A_501] : memref<401408x128xf32, #tpu.memory_space<hbm>> -> memref<401408x128xf32, #tpu.memory_space<hbm>>
    tpu.wait_indirect_dma semaphore(%arg7 : memref<!tpu.dma_semaphore, #tpu.memory_space<semaphore_mem>>) src(%dma_wait3A_502 : memref<401408x128xf32, #tpu.memory_space<hbm>>) dst(%dma_wait3A_497 : memref<128x128xf32, #tpu.memory_space<vmem>>)
    "tpu.region"() ({
      %run_scoped3A = tpu.sem_alloc : memref<!tpu.dma_semaphore, #tpu.memory_space<semaphore_mem>>
      %dma_start3A_1151 = arith.constant 0 : i32
      %dma_start3A_1152 = arith.constant 64 : i32
      %dma_start3A_1153 = tpu.memref_slice %arg6[%dma_start3A_1151, %dma_start3A_1152] : memref<512x128xf32, #tpu.memory_space<vmem>> -> memref<512x32xf32, #tpu.memory_space<vmem>>
      %dma_start3A_1154 = arith.constant 0 : i32
      %dma_start3A_1155 = tpu.memref_slice %arg4[%add3A_434, %dma_start3A_1154] : memref<262144x32xf32, #tpu.memory_space<hbm>> -> memref<512x32xf32, #tpu.memory_space<hbm>>
      %dma_start3A_1156 = arith.constant 0 : i32
      %dma_start3A_1157 = tpu.memref_slice %arg4[%add3A_434, %dma_start3A_1156] : memref<262144x32xf32, #tpu.memory_space<hbm>> -> memref<512x32xf32, #tpu.memory_space<hbm>>
      %dma_start3A_1158 = arith.constant 0 : i32
      %dma_start3A_1159 = arith.constant 64 : i32
      %dma_start3A_1160 = tpu.memref_slice %arg6[%dma_start3A_1158, %dma_start3A_1159] : memref<512x128xf32, #tpu.memory_space<vmem>> -> memref<512x32xf32, #tpu.memory_space<vmem>>
      tpu.enqueue_dma source(%dma_start3A_1160 : memref<512x32xf32, #tpu.memory_space<vmem>>) target(%dma_start3A_1157 : memref<512x32xf32, #tpu.memory_space<hbm>>) target_semaphore(%run_scoped3A : memref<!tpu.dma_semaphore, #tpu.memory_space<semaphore_mem>>)
      %dma_wait3A_1161 = arith.constant 0 : i32
      %dma_wait3A_1162 = arith.constant 64 : i32
      %dma_wait3A_1163 = tpu.memref_slice %arg6[%dma_wait3A_1161, %dma_wait3A_1162] : memref<512x128xf32, #tpu.memory_space<vmem>> -> memref<512x32xf32, #tpu.memory_space<vmem>>
      %dma_wait3A_1164 = arith.constant 0 : i32
      %dma_wait3A_1165 = tpu.memref_slice %arg4[%add3A_434, %dma_wait3A_1164] : memref<262144x32xf32, #tpu.memory_space<hbm>> -> memref<512x32xf32, #tpu.memory_space<hbm>>
      %dma_wait3A_1166 = arith.constant 0 : i32
      %dma_wait3A_1167 = tpu.memref_slice %arg4[%add3A_434, %dma_wait3A_1166] : memref<262144x32xf32, #tpu.memory_space<hbm>> -> memref<512x32xf32, #tpu.memory_space<hbm>>
      %dma_wait3A_1168 = arith.constant 0 : i32
      %dma_wait3A_1169 = arith.constant 64 : i32
      %dma_wait3A_1170 = tpu.memref_slice %arg6[%dma_wait3A_1168, %dma_wait3A_1169] : memref<512x128xf32, #tpu.memory_space<vmem>> -> memref<512x32xf32, #tpu.memory_space<vmem>>
      tpu.wait_dma2 semaphore(%run_scoped3A : memref<!tpu.dma_semaphore, #tpu.memory_space<semaphore_mem>>) src(%dma_wait3A_1170 : memref<512x32xf32, #tpu.memory_space<vmem>>) dst(%dma_wait3A_1167 : memref<512x32xf32, #tpu.memory_space<hbm>>)
      tpu.yield
    }) : () -> ()
    %mul3A_503 = arith.constant 512 : i32
    %mul3A_504 = arith.muli %add3A, %mul3A_503 : i32
    %add3A_505 = arith.constant 114688 : i32
    %add3A_506 = arith.addi %add3A_505, %mul3A_504 : i32
    %mul3A_507 = arith.constant 512 : i32
    %mul3A_508 = arith.muli %add3A, %mul3A_507 : i32
    %add3A_509 = arith.constant 114688 : i32
    %add3A_510 = arith.addi %add3A_509, %mul3A_508 : i32
    "tpu.region"() ({
      %run_scoped3A = tpu.sem_alloc : memref<!tpu.dma_semaphore, #tpu.memory_space<semaphore_mem>>
      %dma_start3A_1151 = tpu.memref_slice %arg2[%add3A_510] : memref<425984xi32, #tpu.memory_space<hbm>> -> memref<512xi32, #tpu.memory_space<hbm>>
      %dma_start3A_1152 = tpu.memref_slice %arg2[%add3A_510] : memref<425984xi32, #tpu.memory_space<hbm>> -> memref<512xi32, #tpu.memory_space<hbm>>
      tpu.enqueue_dma source(%dma_start3A_1152 : memref<512xi32, #tpu.memory_space<hbm>>) target(%arg5 : memref<512xi32, #tpu.memory_space<vmem>>) target_semaphore(%run_scoped3A : memref<!tpu.dma_semaphore, #tpu.memory_space<semaphore_mem>>)
      %dma_wait3A_1153 = tpu.memref_slice %arg2[%add3A_510] : memref<425984xi32, #tpu.memory_space<hbm>> -> memref<512xi32, #tpu.memory_space<hbm>>
      %dma_wait3A_1154 = tpu.memref_slice %arg2[%add3A_510] : memref<425984xi32, #tpu.memory_space<hbm>> -> memref<512xi32, #tpu.memory_space<hbm>>
      tpu.wait_dma2 semaphore(%run_scoped3A : memref<!tpu.dma_semaphore, #tpu.memory_space<semaphore_mem>>) src(%dma_wait3A_1154 : memref<512xi32, #tpu.memory_space<hbm>>) dst(%arg5 : memref<512xi32, #tpu.memory_space<vmem>>)
      tpu.yield
    }) : () -> ()
    %dma_start3A_511 = arith.constant 0 : i32
    %dma_start3A_512 = arith.constant 0 : i32
    %dma_start3A_513 = tpu.memref_slice %arg6[%dma_start3A_511, %dma_start3A_512] : memref<512x128xf32, #tpu.memory_space<vmem>> -> memref<128x128xf32, #tpu.memory_space<vmem>>
    %dma_start3A_514 = arith.constant 0 : i32
    %dma_start3A_515 = tpu.memref_slice %arg5[%dma_start3A_514] : memref<512xi32, #tpu.memory_space<vmem>> -> memref<128xi32, #tpu.memory_space<vmem>>
    %dma_start3A_516 = arith.constant 0 : i32
    %dma_start3A_517 = arith.constant 0 : i32
    %dma_start3A_518 = tpu.memref_slice %arg3[%dma_start3A_516, %dma_start3A_517] : memref<401408x128xf32, #tpu.memory_space<hbm>> -> memref<401408x128xf32, #tpu.memory_space<hbm>>
    tpu.enqueue_indirect_dma source(%dma_start3A_518 : memref<401408x128xf32, #tpu.memory_space<hbm>>) target(%dma_start3A_513 : memref<128x128xf32, #tpu.memory_space<vmem>>) offsets(%dma_start3A_515 : memref<128xi32, #tpu.memory_space<vmem>>) semaphore(%arg7 : memref<!tpu.dma_semaphore, #tpu.memory_space<semaphore_mem>>)
    %dma_start3A_519 = arith.constant 128 : i32
    %dma_start3A_520 = arith.constant 0 : i32
    %dma_start3A_521 = tpu.memref_slice %arg6[%dma_start3A_519, %dma_start3A_520] : memref<512x128xf32, #tpu.memory_space<vmem>> -> memref<128x128xf32, #tpu.memory_space<vmem>>
    %dma_start3A_522 = arith.constant 128 : i32
    %dma_start3A_523 = tpu.memref_slice %arg5[%dma_start3A_522] : memref<512xi32, #tpu.memory_space<vmem>> -> memref<128xi32, #tpu.memory_space<vmem>>
    %dma_start3A_524 = arith.constant 0 : i32
    %dma_start3A_525 = arith.constant 0 : i32
    %dma_start3A_526 = tpu.memref_slice %arg3[%dma_start3A_524, %dma_start3A_525] : memref<401408x128xf32, #tpu.memory_space<hbm>> -> memref<401408x128xf32, #tpu.memory_space<hbm>>
    tpu.enqueue_indirect_dma source(%dma_start3A_526 : memref<401408x128xf32, #tpu.memory_space<hbm>>) target(%dma_start3A_521 : memref<128x128xf32, #tpu.memory_space<vmem>>) offsets(%dma_start3A_523 : memref<128xi32, #tpu.memory_space<vmem>>) semaphore(%arg7 : memref<!tpu.dma_semaphore, #tpu.memory_space<semaphore_mem>>)
    %dma_start3A_527 = arith.constant 256 : i32
    %dma_start3A_528 = arith.constant 0 : i32
    %dma_start3A_529 = tpu.memref_slice %arg6[%dma_start3A_527, %dma_start3A_528] : memref<512x128xf32, #tpu.memory_space<vmem>> -> memref<128x128xf32, #tpu.memory_space<vmem>>
    %dma_start3A_530 = arith.constant 256 : i32
    %dma_start3A_531 = tpu.memref_slice %arg5[%dma_start3A_530] : memref<512xi32, #tpu.memory_space<vmem>> -> memref<128xi32, #tpu.memory_space<vmem>>
    %dma_start3A_532 = arith.constant 0 : i32
    %dma_start3A_533 = arith.constant 0 : i32
    %dma_start3A_534 = tpu.memref_slice %arg3[%dma_start3A_532, %dma_start3A_533] : memref<401408x128xf32, #tpu.memory_space<hbm>> -> memref<401408x128xf32, #tpu.memory_space<hbm>>
    tpu.enqueue_indirect_dma source(%dma_start3A_534 : memref<401408x128xf32, #tpu.memory_space<hbm>>) target(%dma_start3A_529 : memref<128x128xf32, #tpu.memory_space<vmem>>) offsets(%dma_start3A_531 : memref<128xi32, #tpu.memory_space<vmem>>) semaphore(%arg7 : memref<!tpu.dma_semaphore, #tpu.memory_space<semaphore_mem>>)
    %dma_start3A_535 = arith.constant 384 : i32
    %dma_start3A_536 = arith.constant 0 : i32
    %dma_start3A_537 = tpu.memref_slice %arg6[%dma_start3A_535, %dma_start3A_536] : memref<512x128xf32, #tpu.memory_space<vmem>> -> memref<128x128xf32, #tpu.memory_space<vmem>>
    %dma_start3A_538 = arith.constant 384 : i32
    %dma_start3A_539 = tpu.memref_slice %arg5[%dma_start3A_538] : memref<512xi32, #tpu.memory_space<vmem>> -> memref<128xi32, #tpu.memory_space<vmem>>
    %dma_start3A_540 = arith.constant 0 : i32
    %dma_start3A_541 = arith.constant 0 : i32
    %dma_start3A_542 = tpu.memref_slice %arg3[%dma_start3A_540, %dma_start3A_541] : memref<401408x128xf32, #tpu.memory_space<hbm>> -> memref<401408x128xf32, #tpu.memory_space<hbm>>
    tpu.enqueue_indirect_dma source(%dma_start3A_542 : memref<401408x128xf32, #tpu.memory_space<hbm>>) target(%dma_start3A_537 : memref<128x128xf32, #tpu.memory_space<vmem>>) offsets(%dma_start3A_539 : memref<128xi32, #tpu.memory_space<vmem>>) semaphore(%arg7 : memref<!tpu.dma_semaphore, #tpu.memory_space<semaphore_mem>>)
    %dma_wait3A_543 = arith.constant 0 : i32
    %dma_wait3A_544 = arith.constant 0 : i32
    %dma_wait3A_545 = tpu.memref_slice %arg6[%dma_wait3A_543, %dma_wait3A_544] : memref<512x128xf32, #tpu.memory_space<vmem>> -> memref<128x128xf32, #tpu.memory_space<vmem>>
    %dma_wait3A_546 = arith.constant 0 : i32
    %dma_wait3A_547 = tpu.memref_slice %arg5[%dma_wait3A_546] : memref<512xi32, #tpu.memory_space<vmem>> -> memref<128xi32, #tpu.memory_space<vmem>>
    %dma_wait3A_548 = arith.constant 0 : i32
    %dma_wait3A_549 = arith.constant 0 : i32
    %dma_wait3A_550 = tpu.memref_slice %arg3[%dma_wait3A_548, %dma_wait3A_549] : memref<401408x128xf32, #tpu.memory_space<hbm>> -> memref<401408x128xf32, #tpu.memory_space<hbm>>
    tpu.wait_indirect_dma semaphore(%arg7 : memref<!tpu.dma_semaphore, #tpu.memory_space<semaphore_mem>>) src(%dma_wait3A_550 : memref<401408x128xf32, #tpu.memory_space<hbm>>) dst(%dma_wait3A_545 : memref<128x128xf32, #tpu.memory_space<vmem>>)
    %dma_wait3A_551 = arith.constant 128 : i32
    %dma_wait3A_552 = arith.constant 0 : i32
    %dma_wait3A_553 = tpu.memref_slice %arg6[%dma_wait3A_551, %dma_wait3A_552] : memref<512x128xf32, #tpu.memory_space<vmem>> -> memref<128x128xf32, #tpu.memory_space<vmem>>
    %dma_wait3A_554 = arith.constant 128 : i32
    %dma_wait3A_555 = tpu.memref_slice %arg5[%dma_wait3A_554] : memref<512xi32, #tpu.memory_space<vmem>> -> memref<128xi32, #tpu.memory_space<vmem>>
    %dma_wait3A_556 = arith.constant 0 : i32
    %dma_wait3A_557 = arith.constant 0 : i32
    %dma_wait3A_558 = tpu.memref_slice %arg3[%dma_wait3A_556, %dma_wait3A_557] : memref<401408x128xf32, #tpu.memory_space<hbm>> -> memref<401408x128xf32, #tpu.memory_space<hbm>>
    tpu.wait_indirect_dma semaphore(%arg7 : memref<!tpu.dma_semaphore, #tpu.memory_space<semaphore_mem>>) src(%dma_wait3A_558 : memref<401408x128xf32, #tpu.memory_space<hbm>>) dst(%dma_wait3A_553 : memref<128x128xf32, #tpu.memory_space<vmem>>)
    %dma_wait3A_559 = arith.constant 256 : i32
    %dma_wait3A_560 = arith.constant 0 : i32
    %dma_wait3A_561 = tpu.memref_slice %arg6[%dma_wait3A_559, %dma_wait3A_560] : memref<512x128xf32, #tpu.memory_space<vmem>> -> memref<128x128xf32, #tpu.memory_space<vmem>>
    %dma_wait3A_562 = arith.constant 256 : i32
    %dma_wait3A_563 = tpu.memref_slice %arg5[%dma_wait3A_562] : memref<512xi32, #tpu.memory_space<vmem>> -> memref<128xi32, #tpu.memory_space<vmem>>
    %dma_wait3A_564 = arith.constant 0 : i32
    %dma_wait3A_565 = arith.constant 0 : i32
    %dma_wait3A_566 = tpu.memref_slice %arg3[%dma_wait3A_564, %dma_wait3A_565] : memref<401408x128xf32, #tpu.memory_space<hbm>> -> memref<401408x128xf32, #tpu.memory_space<hbm>>
    tpu.wait_indirect_dma semaphore(%arg7 : memref<!tpu.dma_semaphore, #tpu.memory_space<semaphore_mem>>) src(%dma_wait3A_566 : memref<401408x128xf32, #tpu.memory_space<hbm>>) dst(%dma_wait3A_561 : memref<128x128xf32, #tpu.memory_space<vmem>>)
    %dma_wait3A_567 = arith.constant 384 : i32
    %dma_wait3A_568 = arith.constant 0 : i32
    %dma_wait3A_569 = tpu.memref_slice %arg6[%dma_wait3A_567, %dma_wait3A_568] : memref<512x128xf32, #tpu.memory_space<vmem>> -> memref<128x128xf32, #tpu.memory_space<vmem>>
    %dma_wait3A_570 = arith.constant 384 : i32
    %dma_wait3A_571 = tpu.memref_slice %arg5[%dma_wait3A_570] : memref<512xi32, #tpu.memory_space<vmem>> -> memref<128xi32, #tpu.memory_space<vmem>>
    %dma_wait3A_572 = arith.constant 0 : i32
    %dma_wait3A_573 = arith.constant 0 : i32
    %dma_wait3A_574 = tpu.memref_slice %arg3[%dma_wait3A_572, %dma_wait3A_573] : memref<401408x128xf32, #tpu.memory_space<hbm>> -> memref<401408x128xf32, #tpu.memory_space<hbm>>
    tpu.wait_indirect_dma semaphore(%arg7 : memref<!tpu.dma_semaphore, #tpu.memory_space<semaphore_mem>>) src(%dma_wait3A_574 : memref<401408x128xf32, #tpu.memory_space<hbm>>) dst(%dma_wait3A_569 : memref<128x128xf32, #tpu.memory_space<vmem>>)
    "tpu.region"() ({
      %run_scoped3A = tpu.sem_alloc : memref<!tpu.dma_semaphore, #tpu.memory_space<semaphore_mem>>
      %dma_start3A_1151 = arith.constant 0 : i32
      %dma_start3A_1152 = arith.constant 96 : i32
      %dma_start3A_1153 = tpu.memref_slice %arg6[%dma_start3A_1151, %dma_start3A_1152] : memref<512x128xf32, #tpu.memory_space<vmem>> -> memref<512x32xf32, #tpu.memory_space<vmem>>
      %dma_start3A_1154 = arith.constant 0 : i32
      %dma_start3A_1155 = tpu.memref_slice %arg4[%add3A_506, %dma_start3A_1154] : memref<262144x32xf32, #tpu.memory_space<hbm>> -> memref<512x32xf32, #tpu.memory_space<hbm>>
      %dma_start3A_1156 = arith.constant 0 : i32
      %dma_start3A_1157 = tpu.memref_slice %arg4[%add3A_506, %dma_start3A_1156] : memref<262144x32xf32, #tpu.memory_space<hbm>> -> memref<512x32xf32, #tpu.memory_space<hbm>>
      %dma_start3A_1158 = arith.constant 0 : i32
      %dma_start3A_1159 = arith.constant 96 : i32
      %dma_start3A_1160 = tpu.memref_slice %arg6[%dma_start3A_1158, %dma_start3A_1159] : memref<512x128xf32, #tpu.memory_space<vmem>> -> memref<512x32xf32, #tpu.memory_space<vmem>>
      tpu.enqueue_dma source(%dma_start3A_1160 : memref<512x32xf32, #tpu.memory_space<vmem>>) target(%dma_start3A_1157 : memref<512x32xf32, #tpu.memory_space<hbm>>) target_semaphore(%run_scoped3A : memref<!tpu.dma_semaphore, #tpu.memory_space<semaphore_mem>>)
      %dma_wait3A_1161 = arith.constant 0 : i32
      %dma_wait3A_1162 = arith.constant 96 : i32
      %dma_wait3A_1163 = tpu.memref_slice %arg6[%dma_wait3A_1161, %dma_wait3A_1162] : memref<512x128xf32, #tpu.memory_space<vmem>> -> memref<512x32xf32, #tpu.memory_space<vmem>>
      %dma_wait3A_1164 = arith.constant 0 : i32
      %dma_wait3A_1165 = tpu.memref_slice %arg4[%add3A_506, %dma_wait3A_1164] : memref<262144x32xf32, #tpu.memory_space<hbm>> -> memref<512x32xf32, #tpu.memory_space<hbm>>
      %dma_wait3A_1166 = arith.constant 0 : i32
      %dma_wait3A_1167 = tpu.memref_slice %arg4[%add3A_506, %dma_wait3A_1166] : memref<262144x32xf32, #tpu.memory_space<hbm>> -> memref<512x32xf32, #tpu.memory_space<hbm>>
      %dma_wait3A_1168 = arith.constant 0 : i32
      %dma_wait3A_1169 = arith.constant 96 : i32
      %dma_wait3A_1170 = tpu.memref_slice %arg6[%dma_wait3A_1168, %dma_wait3A_1169] : memref<512x128xf32, #tpu.memory_space<vmem>> -> memref<512x32xf32, #tpu.memory_space<vmem>>
      tpu.wait_dma2 semaphore(%run_scoped3A : memref<!tpu.dma_semaphore, #tpu.memory_space<semaphore_mem>>) src(%dma_wait3A_1170 : memref<512x32xf32, #tpu.memory_space<vmem>>) dst(%dma_wait3A_1167 : memref<512x32xf32, #tpu.memory_space<hbm>>)
      tpu.yield
    }) : () -> ()
    %mul3A_575 = arith.constant 512 : i32
    %mul3A_576 = arith.muli %add3A, %mul3A_575 : i32
    %add3A_577 = arith.constant 131072 : i32
    %add3A_578 = arith.addi %add3A_577, %mul3A_576 : i32
    %mul3A_579 = arith.constant 512 : i32
    %mul3A_580 = arith.muli %add3A, %mul3A_579 : i32
    %add3A_581 = arith.constant 131072 : i32
    %add3A_582 = arith.addi %add3A_581, %mul3A_580 : i32
    "tpu.region"() ({
      %run_scoped3A = tpu.sem_alloc : memref<!tpu.dma_semaphore, #tpu.memory_space<semaphore_mem>>
      %dma_start3A_1151 = tpu.memref_slice %arg2[%add3A_582] : memref<425984xi32, #tpu.memory_space<hbm>> -> memref<512xi32, #tpu.memory_space<hbm>>
      %dma_start3A_1152 = tpu.memref_slice %arg2[%add3A_582] : memref<425984xi32, #tpu.memory_space<hbm>> -> memref<512xi32, #tpu.memory_space<hbm>>
      tpu.enqueue_dma source(%dma_start3A_1152 : memref<512xi32, #tpu.memory_space<hbm>>) target(%arg5 : memref<512xi32, #tpu.memory_space<vmem>>) target_semaphore(%run_scoped3A : memref<!tpu.dma_semaphore, #tpu.memory_space<semaphore_mem>>)
      %dma_wait3A_1153 = tpu.memref_slice %arg2[%add3A_582] : memref<425984xi32, #tpu.memory_space<hbm>> -> memref<512xi32, #tpu.memory_space<hbm>>
      %dma_wait3A_1154 = tpu.memref_slice %arg2[%add3A_582] : memref<425984xi32, #tpu.memory_space<hbm>> -> memref<512xi32, #tpu.memory_space<hbm>>
      tpu.wait_dma2 semaphore(%run_scoped3A : memref<!tpu.dma_semaphore, #tpu.memory_space<semaphore_mem>>) src(%dma_wait3A_1154 : memref<512xi32, #tpu.memory_space<hbm>>) dst(%arg5 : memref<512xi32, #tpu.memory_space<vmem>>)
      tpu.yield
    }) : () -> ()
    %dma_start3A_583 = arith.constant 0 : i32
    %dma_start3A_584 = arith.constant 0 : i32
    %dma_start3A_585 = tpu.memref_slice %arg6[%dma_start3A_583, %dma_start3A_584] : memref<512x128xf32, #tpu.memory_space<vmem>> -> memref<128x128xf32, #tpu.memory_space<vmem>>
    %dma_start3A_586 = arith.constant 0 : i32
    %dma_start3A_587 = tpu.memref_slice %arg5[%dma_start3A_586] : memref<512xi32, #tpu.memory_space<vmem>> -> memref<128xi32, #tpu.memory_space<vmem>>
    %dma_start3A_588 = arith.constant 0 : i32
    %dma_start3A_589 = arith.constant 0 : i32
    %dma_start3A_590 = tpu.memref_slice %arg3[%dma_start3A_588, %dma_start3A_589] : memref<401408x128xf32, #tpu.memory_space<hbm>> -> memref<401408x128xf32, #tpu.memory_space<hbm>>
    tpu.enqueue_indirect_dma source(%dma_start3A_590 : memref<401408x128xf32, #tpu.memory_space<hbm>>) target(%dma_start3A_585 : memref<128x128xf32, #tpu.memory_space<vmem>>) offsets(%dma_start3A_587 : memref<128xi32, #tpu.memory_space<vmem>>) semaphore(%arg7 : memref<!tpu.dma_semaphore, #tpu.memory_space<semaphore_mem>>)
    %dma_start3A_591 = arith.constant 128 : i32
    %dma_start3A_592 = arith.constant 0 : i32
    %dma_start3A_593 = tpu.memref_slice %arg6[%dma_start3A_591, %dma_start3A_592] : memref<512x128xf32, #tpu.memory_space<vmem>> -> memref<128x128xf32, #tpu.memory_space<vmem>>
    %dma_start3A_594 = arith.constant 128 : i32
    %dma_start3A_595 = tpu.memref_slice %arg5[%dma_start3A_594] : memref<512xi32, #tpu.memory_space<vmem>> -> memref<128xi32, #tpu.memory_space<vmem>>
    %dma_start3A_596 = arith.constant 0 : i32
    %dma_start3A_597 = arith.constant 0 : i32
    %dma_start3A_598 = tpu.memref_slice %arg3[%dma_start3A_596, %dma_start3A_597] : memref<401408x128xf32, #tpu.memory_space<hbm>> -> memref<401408x128xf32, #tpu.memory_space<hbm>>
    tpu.enqueue_indirect_dma source(%dma_start3A_598 : memref<401408x128xf32, #tpu.memory_space<hbm>>) target(%dma_start3A_593 : memref<128x128xf32, #tpu.memory_space<vmem>>) offsets(%dma_start3A_595 : memref<128xi32, #tpu.memory_space<vmem>>) semaphore(%arg7 : memref<!tpu.dma_semaphore, #tpu.memory_space<semaphore_mem>>)
    %dma_start3A_599 = arith.constant 256 : i32
    %dma_start3A_600 = arith.constant 0 : i32
    %dma_start3A_601 = tpu.memref_slice %arg6[%dma_start3A_599, %dma_start3A_600] : memref<512x128xf32, #tpu.memory_space<vmem>> -> memref<128x128xf32, #tpu.memory_space<vmem>>
    %dma_start3A_602 = arith.constant 256 : i32
    %dma_start3A_603 = tpu.memref_slice %arg5[%dma_start3A_602] : memref<512xi32, #tpu.memory_space<vmem>> -> memref<128xi32, #tpu.memory_space<vmem>>
    %dma_start3A_604 = arith.constant 0 : i32
    %dma_start3A_605 = arith.constant 0 : i32
    %dma_start3A_606 = tpu.memref_slice %arg3[%dma_start3A_604, %dma_start3A_605] : memref<401408x128xf32, #tpu.memory_space<hbm>> -> memref<401408x128xf32, #tpu.memory_space<hbm>>
    tpu.enqueue_indirect_dma source(%dma_start3A_606 : memref<401408x128xf32, #tpu.memory_space<hbm>>) target(%dma_start3A_601 : memref<128x128xf32, #tpu.memory_space<vmem>>) offsets(%dma_start3A_603 : memref<128xi32, #tpu.memory_space<vmem>>) semaphore(%arg7 : memref<!tpu.dma_semaphore, #tpu.memory_space<semaphore_mem>>)
    %dma_start3A_607 = arith.constant 384 : i32
    %dma_start3A_608 = arith.constant 0 : i32
    %dma_start3A_609 = tpu.memref_slice %arg6[%dma_start3A_607, %dma_start3A_608] : memref<512x128xf32, #tpu.memory_space<vmem>> -> memref<128x128xf32, #tpu.memory_space<vmem>>
    %dma_start3A_610 = arith.constant 384 : i32
    %dma_start3A_611 = tpu.memref_slice %arg5[%dma_start3A_610] : memref<512xi32, #tpu.memory_space<vmem>> -> memref<128xi32, #tpu.memory_space<vmem>>
    %dma_start3A_612 = arith.constant 0 : i32
    %dma_start3A_613 = arith.constant 0 : i32
    %dma_start3A_614 = tpu.memref_slice %arg3[%dma_start3A_612, %dma_start3A_613] : memref<401408x128xf32, #tpu.memory_space<hbm>> -> memref<401408x128xf32, #tpu.memory_space<hbm>>
    tpu.enqueue_indirect_dma source(%dma_start3A_614 : memref<401408x128xf32, #tpu.memory_space<hbm>>) target(%dma_start3A_609 : memref<128x128xf32, #tpu.memory_space<vmem>>) offsets(%dma_start3A_611 : memref<128xi32, #tpu.memory_space<vmem>>) semaphore(%arg7 : memref<!tpu.dma_semaphore, #tpu.memory_space<semaphore_mem>>)
    %dma_wait3A_615 = arith.constant 0 : i32
    %dma_wait3A_616 = arith.constant 0 : i32
    %dma_wait3A_617 = tpu.memref_slice %arg6[%dma_wait3A_615, %dma_wait3A_616] : memref<512x128xf32, #tpu.memory_space<vmem>> -> memref<128x128xf32, #tpu.memory_space<vmem>>
    %dma_wait3A_618 = arith.constant 0 : i32
    %dma_wait3A_619 = tpu.memref_slice %arg5[%dma_wait3A_618] : memref<512xi32, #tpu.memory_space<vmem>> -> memref<128xi32, #tpu.memory_space<vmem>>
    %dma_wait3A_620 = arith.constant 0 : i32
    %dma_wait3A_621 = arith.constant 0 : i32
    %dma_wait3A_622 = tpu.memref_slice %arg3[%dma_wait3A_620, %dma_wait3A_621] : memref<401408x128xf32, #tpu.memory_space<hbm>> -> memref<401408x128xf32, #tpu.memory_space<hbm>>
    tpu.wait_indirect_dma semaphore(%arg7 : memref<!tpu.dma_semaphore, #tpu.memory_space<semaphore_mem>>) src(%dma_wait3A_622 : memref<401408x128xf32, #tpu.memory_space<hbm>>) dst(%dma_wait3A_617 : memref<128x128xf32, #tpu.memory_space<vmem>>)
    %dma_wait3A_623 = arith.constant 128 : i32
    %dma_wait3A_624 = arith.constant 0 : i32
    %dma_wait3A_625 = tpu.memref_slice %arg6[%dma_wait3A_623, %dma_wait3A_624] : memref<512x128xf32, #tpu.memory_space<vmem>> -> memref<128x128xf32, #tpu.memory_space<vmem>>
    %dma_wait3A_626 = arith.constant 128 : i32
    %dma_wait3A_627 = tpu.memref_slice %arg5[%dma_wait3A_626] : memref<512xi32, #tpu.memory_space<vmem>> -> memref<128xi32, #tpu.memory_space<vmem>>
    %dma_wait3A_628 = arith.constant 0 : i32
    %dma_wait3A_629 = arith.constant 0 : i32
    %dma_wait3A_630 = tpu.memref_slice %arg3[%dma_wait3A_628, %dma_wait3A_629] : memref<401408x128xf32, #tpu.memory_space<hbm>> -> memref<401408x128xf32, #tpu.memory_space<hbm>>
    tpu.wait_indirect_dma semaphore(%arg7 : memref<!tpu.dma_semaphore, #tpu.memory_space<semaphore_mem>>) src(%dma_wait3A_630 : memref<401408x128xf32, #tpu.memory_space<hbm>>) dst(%dma_wait3A_625 : memref<128x128xf32, #tpu.memory_space<vmem>>)
    %dma_wait3A_631 = arith.constant 256 : i32
    %dma_wait3A_632 = arith.constant 0 : i32
    %dma_wait3A_633 = tpu.memref_slice %arg6[%dma_wait3A_631, %dma_wait3A_632] : memref<512x128xf32, #tpu.memory_space<vmem>> -> memref<128x128xf32, #tpu.memory_space<vmem>>
    %dma_wait3A_634 = arith.constant 256 : i32
    %dma_wait3A_635 = tpu.memref_slice %arg5[%dma_wait3A_634] : memref<512xi32, #tpu.memory_space<vmem>> -> memref<128xi32, #tpu.memory_space<vmem>>
    %dma_wait3A_636 = arith.constant 0 : i32
    %dma_wait3A_637 = arith.constant 0 : i32
    %dma_wait3A_638 = tpu.memref_slice %arg3[%dma_wait3A_636, %dma_wait3A_637] : memref<401408x128xf32, #tpu.memory_space<hbm>> -> memref<401408x128xf32, #tpu.memory_space<hbm>>
    tpu.wait_indirect_dma semaphore(%arg7 : memref<!tpu.dma_semaphore, #tpu.memory_space<semaphore_mem>>) src(%dma_wait3A_638 : memref<401408x128xf32, #tpu.memory_space<hbm>>) dst(%dma_wait3A_633 : memref<128x128xf32, #tpu.memory_space<vmem>>)
    %dma_wait3A_639 = arith.constant 384 : i32
    %dma_wait3A_640 = arith.constant 0 : i32
    %dma_wait3A_641 = tpu.memref_slice %arg6[%dma_wait3A_639, %dma_wait3A_640] : memref<512x128xf32, #tpu.memory_space<vmem>> -> memref<128x128xf32, #tpu.memory_space<vmem>>
    %dma_wait3A_642 = arith.constant 384 : i32
    %dma_wait3A_643 = tpu.memref_slice %arg5[%dma_wait3A_642] : memref<512xi32, #tpu.memory_space<vmem>> -> memref<128xi32, #tpu.memory_space<vmem>>
    %dma_wait3A_644 = arith.constant 0 : i32
    %dma_wait3A_645 = arith.constant 0 : i32
    %dma_wait3A_646 = tpu.memref_slice %arg3[%dma_wait3A_644, %dma_wait3A_645] : memref<401408x128xf32, #tpu.memory_space<hbm>> -> memref<401408x128xf32, #tpu.memory_space<hbm>>
    tpu.wait_indirect_dma semaphore(%arg7 : memref<!tpu.dma_semaphore, #tpu.memory_space<semaphore_mem>>) src(%dma_wait3A_646 : memref<401408x128xf32, #tpu.memory_space<hbm>>) dst(%dma_wait3A_641 : memref<128x128xf32, #tpu.memory_space<vmem>>)
    "tpu.region"() ({
      %run_scoped3A = tpu.sem_alloc : memref<!tpu.dma_semaphore, #tpu.memory_space<semaphore_mem>>
      %dma_start3A_1151 = arith.constant 0 : i32
      %dma_start3A_1152 = arith.constant 0 : i32
      %dma_start3A_1153 = tpu.memref_slice %arg6[%dma_start3A_1151, %dma_start3A_1152] : memref<512x128xf32, #tpu.memory_space<vmem>> -> memref<512x32xf32, #tpu.memory_space<vmem>>
      %dma_start3A_1154 = arith.constant 0 : i32
      %dma_start3A_1155 = tpu.memref_slice %arg4[%add3A_578, %dma_start3A_1154] : memref<262144x32xf32, #tpu.memory_space<hbm>> -> memref<512x32xf32, #tpu.memory_space<hbm>>
      %dma_start3A_1156 = arith.constant 0 : i32
      %dma_start3A_1157 = tpu.memref_slice %arg4[%add3A_578, %dma_start3A_1156] : memref<262144x32xf32, #tpu.memory_space<hbm>> -> memref<512x32xf32, #tpu.memory_space<hbm>>
      %dma_start3A_1158 = arith.constant 0 : i32
      %dma_start3A_1159 = arith.constant 0 : i32
      %dma_start3A_1160 = tpu.memref_slice %arg6[%dma_start3A_1158, %dma_start3A_1159] : memref<512x128xf32, #tpu.memory_space<vmem>> -> memref<512x32xf32, #tpu.memory_space<vmem>>
      tpu.enqueue_dma source(%dma_start3A_1160 : memref<512x32xf32, #tpu.memory_space<vmem>>) target(%dma_start3A_1157 : memref<512x32xf32, #tpu.memory_space<hbm>>) target_semaphore(%run_scoped3A : memref<!tpu.dma_semaphore, #tpu.memory_space<semaphore_mem>>)
      %dma_wait3A_1161 = arith.constant 0 : i32
      %dma_wait3A_1162 = arith.constant 0 : i32
      %dma_wait3A_1163 = tpu.memref_slice %arg6[%dma_wait3A_1161, %dma_wait3A_1162] : memref<512x128xf32, #tpu.memory_space<vmem>> -> memref<512x32xf32, #tpu.memory_space<vmem>>
      %dma_wait3A_1164 = arith.constant 0 : i32
      %dma_wait3A_1165 = tpu.memref_slice %arg4[%add3A_578, %dma_wait3A_1164] : memref<262144x32xf32, #tpu.memory_space<hbm>> -> memref<512x32xf32, #tpu.memory_space<hbm>>
      %dma_wait3A_1166 = arith.constant 0 : i32
      %dma_wait3A_1167 = tpu.memref_slice %arg4[%add3A_578, %dma_wait3A_1166] : memref<262144x32xf32, #tpu.memory_space<hbm>> -> memref<512x32xf32, #tpu.memory_space<hbm>>
      %dma_wait3A_1168 = arith.constant 0 : i32
      %dma_wait3A_1169 = arith.constant 0 : i32
      %dma_wait3A_1170 = tpu.memref_slice %arg6[%dma_wait3A_1168, %dma_wait3A_1169] : memref<512x128xf32, #tpu.memory_space<vmem>> -> memref<512x32xf32, #tpu.memory_space<vmem>>
      tpu.wait_dma2 semaphore(%run_scoped3A : memref<!tpu.dma_semaphore, #tpu.memory_space<semaphore_mem>>) src(%dma_wait3A_1170 : memref<512x32xf32, #tpu.memory_space<vmem>>) dst(%dma_wait3A_1167 : memref<512x32xf32, #tpu.memory_space<hbm>>)
      tpu.yield
    }) : () -> ()
    %mul3A_647 = arith.constant 512 : i32
    %mul3A_648 = arith.muli %add3A, %mul3A_647 : i32
    %add3A_649 = arith.constant 147456 : i32
    %add3A_650 = arith.addi %add3A_649, %mul3A_648 : i32
    %mul3A_651 = arith.constant 512 : i32
    %mul3A_652 = arith.muli %add3A, %mul3A_651 : i32
    %add3A_653 = arith.constant 147456 : i32
    %add3A_654 = arith.addi %add3A_653, %mul3A_652 : i32
    "tpu.region"() ({
      %run_scoped3A = tpu.sem_alloc : memref<!tpu.dma_semaphore, #tpu.memory_space<semaphore_mem>>
      %dma_start3A_1151 = tpu.memref_slice %arg2[%add3A_654] : memref<425984xi32, #tpu.memory_space<hbm>> -> memref<512xi32, #tpu.memory_space<hbm>>
      %dma_start3A_1152 = tpu.memref_slice %arg2[%add3A_654] : memref<425984xi32, #tpu.memory_space<hbm>> -> memref<512xi32, #tpu.memory_space<hbm>>
      tpu.enqueue_dma source(%dma_start3A_1152 : memref<512xi32, #tpu.memory_space<hbm>>) target(%arg5 : memref<512xi32, #tpu.memory_space<vmem>>) target_semaphore(%run_scoped3A : memref<!tpu.dma_semaphore, #tpu.memory_space<semaphore_mem>>)
      %dma_wait3A_1153 = tpu.memref_slice %arg2[%add3A_654] : memref<425984xi32, #tpu.memory_space<hbm>> -> memref<512xi32, #tpu.memory_space<hbm>>
      %dma_wait3A_1154 = tpu.memref_slice %arg2[%add3A_654] : memref<425984xi32, #tpu.memory_space<hbm>> -> memref<512xi32, #tpu.memory_space<hbm>>
      tpu.wait_dma2 semaphore(%run_scoped3A : memref<!tpu.dma_semaphore, #tpu.memory_space<semaphore_mem>>) src(%dma_wait3A_1154 : memref<512xi32, #tpu.memory_space<hbm>>) dst(%arg5 : memref<512xi32, #tpu.memory_space<vmem>>)
      tpu.yield
    }) : () -> ()
    %dma_start3A_655 = arith.constant 0 : i32
    %dma_start3A_656 = arith.constant 0 : i32
    %dma_start3A_657 = tpu.memref_slice %arg6[%dma_start3A_655, %dma_start3A_656] : memref<512x128xf32, #tpu.memory_space<vmem>> -> memref<128x128xf32, #tpu.memory_space<vmem>>
    %dma_start3A_658 = arith.constant 0 : i32
    %dma_start3A_659 = tpu.memref_slice %arg5[%dma_start3A_658] : memref<512xi32, #tpu.memory_space<vmem>> -> memref<128xi32, #tpu.memory_space<vmem>>
    %dma_start3A_660 = arith.constant 0 : i32
    %dma_start3A_661 = arith.constant 0 : i32
    %dma_start3A_662 = tpu.memref_slice %arg3[%dma_start3A_660, %dma_start3A_661] : memref<401408x128xf32, #tpu.memory_space<hbm>> -> memref<401408x128xf32, #tpu.memory_space<hbm>>
    tpu.enqueue_indirect_dma source(%dma_start3A_662 : memref<401408x128xf32, #tpu.memory_space<hbm>>) target(%dma_start3A_657 : memref<128x128xf32, #tpu.memory_space<vmem>>) offsets(%dma_start3A_659 : memref<128xi32, #tpu.memory_space<vmem>>) semaphore(%arg7 : memref<!tpu.dma_semaphore, #tpu.memory_space<semaphore_mem>>)
    %dma_start3A_663 = arith.constant 128 : i32
    %dma_start3A_664 = arith.constant 0 : i32
    %dma_start3A_665 = tpu.memref_slice %arg6[%dma_start3A_663, %dma_start3A_664] : memref<512x128xf32, #tpu.memory_space<vmem>> -> memref<128x128xf32, #tpu.memory_space<vmem>>
    %dma_start3A_666 = arith.constant 128 : i32
    %dma_start3A_667 = tpu.memref_slice %arg5[%dma_start3A_666] : memref<512xi32, #tpu.memory_space<vmem>> -> memref<128xi32, #tpu.memory_space<vmem>>
    %dma_start3A_668 = arith.constant 0 : i32
    %dma_start3A_669 = arith.constant 0 : i32
    %dma_start3A_670 = tpu.memref_slice %arg3[%dma_start3A_668, %dma_start3A_669] : memref<401408x128xf32, #tpu.memory_space<hbm>> -> memref<401408x128xf32, #tpu.memory_space<hbm>>
    tpu.enqueue_indirect_dma source(%dma_start3A_670 : memref<401408x128xf32, #tpu.memory_space<hbm>>) target(%dma_start3A_665 : memref<128x128xf32, #tpu.memory_space<vmem>>) offsets(%dma_start3A_667 : memref<128xi32, #tpu.memory_space<vmem>>) semaphore(%arg7 : memref<!tpu.dma_semaphore, #tpu.memory_space<semaphore_mem>>)
    %dma_start3A_671 = arith.constant 256 : i32
    %dma_start3A_672 = arith.constant 0 : i32
    %dma_start3A_673 = tpu.memref_slice %arg6[%dma_start3A_671, %dma_start3A_672] : memref<512x128xf32, #tpu.memory_space<vmem>> -> memref<128x128xf32, #tpu.memory_space<vmem>>
    %dma_start3A_674 = arith.constant 256 : i32
    %dma_start3A_675 = tpu.memref_slice %arg5[%dma_start3A_674] : memref<512xi32, #tpu.memory_space<vmem>> -> memref<128xi32, #tpu.memory_space<vmem>>
    %dma_start3A_676 = arith.constant 0 : i32
    %dma_start3A_677 = arith.constant 0 : i32
    %dma_start3A_678 = tpu.memref_slice %arg3[%dma_start3A_676, %dma_start3A_677] : memref<401408x128xf32, #tpu.memory_space<hbm>> -> memref<401408x128xf32, #tpu.memory_space<hbm>>
    tpu.enqueue_indirect_dma source(%dma_start3A_678 : memref<401408x128xf32, #tpu.memory_space<hbm>>) target(%dma_start3A_673 : memref<128x128xf32, #tpu.memory_space<vmem>>) offsets(%dma_start3A_675 : memref<128xi32, #tpu.memory_space<vmem>>) semaphore(%arg7 : memref<!tpu.dma_semaphore, #tpu.memory_space<semaphore_mem>>)
    %dma_start3A_679 = arith.constant 384 : i32
    %dma_start3A_680 = arith.constant 0 : i32
    %dma_start3A_681 = tpu.memref_slice %arg6[%dma_start3A_679, %dma_start3A_680] : memref<512x128xf32, #tpu.memory_space<vmem>> -> memref<128x128xf32, #tpu.memory_space<vmem>>
    %dma_start3A_682 = arith.constant 384 : i32
    %dma_start3A_683 = tpu.memref_slice %arg5[%dma_start3A_682] : memref<512xi32, #tpu.memory_space<vmem>> -> memref<128xi32, #tpu.memory_space<vmem>>
    %dma_start3A_684 = arith.constant 0 : i32
    %dma_start3A_685 = arith.constant 0 : i32
    %dma_start3A_686 = tpu.memref_slice %arg3[%dma_start3A_684, %dma_start3A_685] : memref<401408x128xf32, #tpu.memory_space<hbm>> -> memref<401408x128xf32, #tpu.memory_space<hbm>>
    tpu.enqueue_indirect_dma source(%dma_start3A_686 : memref<401408x128xf32, #tpu.memory_space<hbm>>) target(%dma_start3A_681 : memref<128x128xf32, #tpu.memory_space<vmem>>) offsets(%dma_start3A_683 : memref<128xi32, #tpu.memory_space<vmem>>) semaphore(%arg7 : memref<!tpu.dma_semaphore, #tpu.memory_space<semaphore_mem>>)
    %dma_wait3A_687 = arith.constant 0 : i32
    %dma_wait3A_688 = arith.constant 0 : i32
    %dma_wait3A_689 = tpu.memref_slice %arg6[%dma_wait3A_687, %dma_wait3A_688] : memref<512x128xf32, #tpu.memory_space<vmem>> -> memref<128x128xf32, #tpu.memory_space<vmem>>
    %dma_wait3A_690 = arith.constant 0 : i32
    %dma_wait3A_691 = tpu.memref_slice %arg5[%dma_wait3A_690] : memref<512xi32, #tpu.memory_space<vmem>> -> memref<128xi32, #tpu.memory_space<vmem>>
    %dma_wait3A_692 = arith.constant 0 : i32
    %dma_wait3A_693 = arith.constant 0 : i32
    %dma_wait3A_694 = tpu.memref_slice %arg3[%dma_wait3A_692, %dma_wait3A_693] : memref<401408x128xf32, #tpu.memory_space<hbm>> -> memref<401408x128xf32, #tpu.memory_space<hbm>>
    tpu.wait_indirect_dma semaphore(%arg7 : memref<!tpu.dma_semaphore, #tpu.memory_space<semaphore_mem>>) src(%dma_wait3A_694 : memref<401408x128xf32, #tpu.memory_space<hbm>>) dst(%dma_wait3A_689 : memref<128x128xf32, #tpu.memory_space<vmem>>)
    %dma_wait3A_695 = arith.constant 128 : i32
    %dma_wait3A_696 = arith.constant 0 : i32
    %dma_wait3A_697 = tpu.memref_slice %arg6[%dma_wait3A_695, %dma_wait3A_696] : memref<512x128xf32, #tpu.memory_space<vmem>> -> memref<128x128xf32, #tpu.memory_space<vmem>>
    %dma_wait3A_698 = arith.constant 128 : i32
    %dma_wait3A_699 = tpu.memref_slice %arg5[%dma_wait3A_698] : memref<512xi32, #tpu.memory_space<vmem>> -> memref<128xi32, #tpu.memory_space<vmem>>
    %dma_wait3A_700 = arith.constant 0 : i32
    %dma_wait3A_701 = arith.constant 0 : i32
    %dma_wait3A_702 = tpu.memref_slice %arg3[%dma_wait3A_700, %dma_wait3A_701] : memref<401408x128xf32, #tpu.memory_space<hbm>> -> memref<401408x128xf32, #tpu.memory_space<hbm>>
    tpu.wait_indirect_dma semaphore(%arg7 : memref<!tpu.dma_semaphore, #tpu.memory_space<semaphore_mem>>) src(%dma_wait3A_702 : memref<401408x128xf32, #tpu.memory_space<hbm>>) dst(%dma_wait3A_697 : memref<128x128xf32, #tpu.memory_space<vmem>>)
    %dma_wait3A_703 = arith.constant 256 : i32
    %dma_wait3A_704 = arith.constant 0 : i32
    %dma_wait3A_705 = tpu.memref_slice %arg6[%dma_wait3A_703, %dma_wait3A_704] : memref<512x128xf32, #tpu.memory_space<vmem>> -> memref<128x128xf32, #tpu.memory_space<vmem>>
    %dma_wait3A_706 = arith.constant 256 : i32
    %dma_wait3A_707 = tpu.memref_slice %arg5[%dma_wait3A_706] : memref<512xi32, #tpu.memory_space<vmem>> -> memref<128xi32, #tpu.memory_space<vmem>>
    %dma_wait3A_708 = arith.constant 0 : i32
    %dma_wait3A_709 = arith.constant 0 : i32
    %dma_wait3A_710 = tpu.memref_slice %arg3[%dma_wait3A_708, %dma_wait3A_709] : memref<401408x128xf32, #tpu.memory_space<hbm>> -> memref<401408x128xf32, #tpu.memory_space<hbm>>
    tpu.wait_indirect_dma semaphore(%arg7 : memref<!tpu.dma_semaphore, #tpu.memory_space<semaphore_mem>>) src(%dma_wait3A_710 : memref<401408x128xf32, #tpu.memory_space<hbm>>) dst(%dma_wait3A_705 : memref<128x128xf32, #tpu.memory_space<vmem>>)
    %dma_wait3A_711 = arith.constant 384 : i32
    %dma_wait3A_712 = arith.constant 0 : i32
    %dma_wait3A_713 = tpu.memref_slice %arg6[%dma_wait3A_711, %dma_wait3A_712] : memref<512x128xf32, #tpu.memory_space<vmem>> -> memref<128x128xf32, #tpu.memory_space<vmem>>
    %dma_wait3A_714 = arith.constant 384 : i32
    %dma_wait3A_715 = tpu.memref_slice %arg5[%dma_wait3A_714] : memref<512xi32, #tpu.memory_space<vmem>> -> memref<128xi32, #tpu.memory_space<vmem>>
    %dma_wait3A_716 = arith.constant 0 : i32
    %dma_wait3A_717 = arith.constant 0 : i32
    %dma_wait3A_718 = tpu.memref_slice %arg3[%dma_wait3A_716, %dma_wait3A_717] : memref<401408x128xf32, #tpu.memory_space<hbm>> -> memref<401408x128xf32, #tpu.memory_space<hbm>>
    tpu.wait_indirect_dma semaphore(%arg7 : memref<!tpu.dma_semaphore, #tpu.memory_space<semaphore_mem>>) src(%dma_wait3A_718 : memref<401408x128xf32, #tpu.memory_space<hbm>>) dst(%dma_wait3A_713 : memref<128x128xf32, #tpu.memory_space<vmem>>)
    "tpu.region"() ({
      %run_scoped3A = tpu.sem_alloc : memref<!tpu.dma_semaphore, #tpu.memory_space<semaphore_mem>>
      %dma_start3A_1151 = arith.constant 0 : i32
      %dma_start3A_1152 = arith.constant 32 : i32
      %dma_start3A_1153 = tpu.memref_slice %arg6[%dma_start3A_1151, %dma_start3A_1152] : memref<512x128xf32, #tpu.memory_space<vmem>> -> memref<512x32xf32, #tpu.memory_space<vmem>>
      %dma_start3A_1154 = arith.constant 0 : i32
      %dma_start3A_1155 = tpu.memref_slice %arg4[%add3A_650, %dma_start3A_1154] : memref<262144x32xf32, #tpu.memory_space<hbm>> -> memref<512x32xf32, #tpu.memory_space<hbm>>
      %dma_start3A_1156 = arith.constant 0 : i32
      %dma_start3A_1157 = tpu.memref_slice %arg4[%add3A_650, %dma_start3A_1156] : memref<262144x32xf32, #tpu.memory_space<hbm>> -> memref<512x32xf32, #tpu.memory_space<hbm>>
      %dma_start3A_1158 = arith.constant 0 : i32
      %dma_start3A_1159 = arith.constant 32 : i32
      %dma_start3A_1160 = tpu.memref_slice %arg6[%dma_start3A_1158, %dma_start3A_1159] : memref<512x128xf32, #tpu.memory_space<vmem>> -> memref<512x32xf32, #tpu.memory_space<vmem>>
      tpu.enqueue_dma source(%dma_start3A_1160 : memref<512x32xf32, #tpu.memory_space<vmem>>) target(%dma_start3A_1157 : memref<512x32xf32, #tpu.memory_space<hbm>>) target_semaphore(%run_scoped3A : memref<!tpu.dma_semaphore, #tpu.memory_space<semaphore_mem>>)
      %dma_wait3A_1161 = arith.constant 0 : i32
      %dma_wait3A_1162 = arith.constant 32 : i32
      %dma_wait3A_1163 = tpu.memref_slice %arg6[%dma_wait3A_1161, %dma_wait3A_1162] : memref<512x128xf32, #tpu.memory_space<vmem>> -> memref<512x32xf32, #tpu.memory_space<vmem>>
      %dma_wait3A_1164 = arith.constant 0 : i32
      %dma_wait3A_1165 = tpu.memref_slice %arg4[%add3A_650, %dma_wait3A_1164] : memref<262144x32xf32, #tpu.memory_space<hbm>> -> memref<512x32xf32, #tpu.memory_space<hbm>>
      %dma_wait3A_1166 = arith.constant 0 : i32
      %dma_wait3A_1167 = tpu.memref_slice %arg4[%add3A_650, %dma_wait3A_1166] : memref<262144x32xf32, #tpu.memory_space<hbm>> -> memref<512x32xf32, #tpu.memory_space<hbm>>
      %dma_wait3A_1168 = arith.constant 0 : i32
      %dma_wait3A_1169 = arith.constant 32 : i32
      %dma_wait3A_1170 = tpu.memref_slice %arg6[%dma_wait3A_1168, %dma_wait3A_1169] : memref<512x128xf32, #tpu.memory_space<vmem>> -> memref<512x32xf32, #tpu.memory_space<vmem>>
      tpu.wait_dma2 semaphore(%run_scoped3A : memref<!tpu.dma_semaphore, #tpu.memory_space<semaphore_mem>>) src(%dma_wait3A_1170 : memref<512x32xf32, #tpu.memory_space<vmem>>) dst(%dma_wait3A_1167 : memref<512x32xf32, #tpu.memory_space<hbm>>)
      tpu.yield
    }) : () -> ()
    %mul3A_719 = arith.constant 512 : i32
    %mul3A_720 = arith.muli %add3A, %mul3A_719 : i32
    %add3A_721 = arith.constant 163840 : i32
    %add3A_722 = arith.addi %add3A_721, %mul3A_720 : i32
    %mul3A_723 = arith.constant 512 : i32
    %mul3A_724 = arith.muli %add3A, %mul3A_723 : i32
    %add3A_725 = arith.constant 163840 : i32
    %add3A_726 = arith.addi %add3A_725, %mul3A_724 : i32
    "tpu.region"() ({
      %run_scoped3A = tpu.sem_alloc : memref<!tpu.dma_semaphore, #tpu.memory_space<semaphore_mem>>
      %dma_start3A_1151 = tpu.memref_slice %arg2[%add3A_726] : memref<425984xi32, #tpu.memory_space<hbm>> -> memref<512xi32, #tpu.memory_space<hbm>>
      %dma_start3A_1152 = tpu.memref_slice %arg2[%add3A_726] : memref<425984xi32, #tpu.memory_space<hbm>> -> memref<512xi32, #tpu.memory_space<hbm>>
      tpu.enqueue_dma source(%dma_start3A_1152 : memref<512xi32, #tpu.memory_space<hbm>>) target(%arg5 : memref<512xi32, #tpu.memory_space<vmem>>) target_semaphore(%run_scoped3A : memref<!tpu.dma_semaphore, #tpu.memory_space<semaphore_mem>>)
      %dma_wait3A_1153 = tpu.memref_slice %arg2[%add3A_726] : memref<425984xi32, #tpu.memory_space<hbm>> -> memref<512xi32, #tpu.memory_space<hbm>>
      %dma_wait3A_1154 = tpu.memref_slice %arg2[%add3A_726] : memref<425984xi32, #tpu.memory_space<hbm>> -> memref<512xi32, #tpu.memory_space<hbm>>
      tpu.wait_dma2 semaphore(%run_scoped3A : memref<!tpu.dma_semaphore, #tpu.memory_space<semaphore_mem>>) src(%dma_wait3A_1154 : memref<512xi32, #tpu.memory_space<hbm>>) dst(%arg5 : memref<512xi32, #tpu.memory_space<vmem>>)
      tpu.yield
    }) : () -> ()
    %dma_start3A_727 = arith.constant 0 : i32
    %dma_start3A_728 = arith.constant 0 : i32
    %dma_start3A_729 = tpu.memref_slice %arg6[%dma_start3A_727, %dma_start3A_728] : memref<512x128xf32, #tpu.memory_space<vmem>> -> memref<128x128xf32, #tpu.memory_space<vmem>>
    %dma_start3A_730 = arith.constant 0 : i32
    %dma_start3A_731 = tpu.memref_slice %arg5[%dma_start3A_730] : memref<512xi32, #tpu.memory_space<vmem>> -> memref<128xi32, #tpu.memory_space<vmem>>
    %dma_start3A_732 = arith.constant 0 : i32
    %dma_start3A_733 = arith.constant 0 : i32
    %dma_start3A_734 = tpu.memref_slice %arg3[%dma_start3A_732, %dma_start3A_733] : memref<401408x128xf32, #tpu.memory_space<hbm>> -> memref<401408x128xf32, #tpu.memory_space<hbm>>
    tpu.enqueue_indirect_dma source(%dma_start3A_734 : memref<401408x128xf32, #tpu.memory_space<hbm>>) target(%dma_start3A_729 : memref<128x128xf32, #tpu.memory_space<vmem>>) offsets(%dma_start3A_731 : memref<128xi32, #tpu.memory_space<vmem>>) semaphore(%arg7 : memref<!tpu.dma_semaphore, #tpu.memory_space<semaphore_mem>>)
    %dma_start3A_735 = arith.constant 128 : i32
    %dma_start3A_736 = arith.constant 0 : i32
    %dma_start3A_737 = tpu.memref_slice %arg6[%dma_start3A_735, %dma_start3A_736] : memref<512x128xf32, #tpu.memory_space<vmem>> -> memref<128x128xf32, #tpu.memory_space<vmem>>
    %dma_start3A_738 = arith.constant 128 : i32
    %dma_start3A_739 = tpu.memref_slice %arg5[%dma_start3A_738] : memref<512xi32, #tpu.memory_space<vmem>> -> memref<128xi32, #tpu.memory_space<vmem>>
    %dma_start3A_740 = arith.constant 0 : i32
    %dma_start3A_741 = arith.constant 0 : i32
    %dma_start3A_742 = tpu.memref_slice %arg3[%dma_start3A_740, %dma_start3A_741] : memref<401408x128xf32, #tpu.memory_space<hbm>> -> memref<401408x128xf32, #tpu.memory_space<hbm>>
    tpu.enqueue_indirect_dma source(%dma_start3A_742 : memref<401408x128xf32, #tpu.memory_space<hbm>>) target(%dma_start3A_737 : memref<128x128xf32, #tpu.memory_space<vmem>>) offsets(%dma_start3A_739 : memref<128xi32, #tpu.memory_space<vmem>>) semaphore(%arg7 : memref<!tpu.dma_semaphore, #tpu.memory_space<semaphore_mem>>)
    %dma_start3A_743 = arith.constant 256 : i32
    %dma_start3A_744 = arith.constant 0 : i32
    %dma_start3A_745 = tpu.memref_slice %arg6[%dma_start3A_743, %dma_start3A_744] : memref<512x128xf32, #tpu.memory_space<vmem>> -> memref<128x128xf32, #tpu.memory_space<vmem>>
    %dma_start3A_746 = arith.constant 256 : i32
    %dma_start3A_747 = tpu.memref_slice %arg5[%dma_start3A_746] : memref<512xi32, #tpu.memory_space<vmem>> -> memref<128xi32, #tpu.memory_space<vmem>>
    %dma_start3A_748 = arith.constant 0 : i32
    %dma_start3A_749 = arith.constant 0 : i32
    %dma_start3A_750 = tpu.memref_slice %arg3[%dma_start3A_748, %dma_start3A_749] : memref<401408x128xf32, #tpu.memory_space<hbm>> -> memref<401408x128xf32, #tpu.memory_space<hbm>>
    tpu.enqueue_indirect_dma source(%dma_start3A_750 : memref<401408x128xf32, #tpu.memory_space<hbm>>) target(%dma_start3A_745 : memref<128x128xf32, #tpu.memory_space<vmem>>) offsets(%dma_start3A_747 : memref<128xi32, #tpu.memory_space<vmem>>) semaphore(%arg7 : memref<!tpu.dma_semaphore, #tpu.memory_space<semaphore_mem>>)
    %dma_start3A_751 = arith.constant 384 : i32
    %dma_start3A_752 = arith.constant 0 : i32
    %dma_start3A_753 = tpu.memref_slice %arg6[%dma_start3A_751, %dma_start3A_752] : memref<512x128xf32, #tpu.memory_space<vmem>> -> memref<128x128xf32, #tpu.memory_space<vmem>>
    %dma_start3A_754 = arith.constant 384 : i32
    %dma_start3A_755 = tpu.memref_slice %arg5[%dma_start3A_754] : memref<512xi32, #tpu.memory_space<vmem>> -> memref<128xi32, #tpu.memory_space<vmem>>
    %dma_start3A_756 = arith.constant 0 : i32
    %dma_start3A_757 = arith.constant 0 : i32
    %dma_start3A_758 = tpu.memref_slice %arg3[%dma_start3A_756, %dma_start3A_757] : memref<401408x128xf32, #tpu.memory_space<hbm>> -> memref<401408x128xf32, #tpu.memory_space<hbm>>
    tpu.enqueue_indirect_dma source(%dma_start3A_758 : memref<401408x128xf32, #tpu.memory_space<hbm>>) target(%dma_start3A_753 : memref<128x128xf32, #tpu.memory_space<vmem>>) offsets(%dma_start3A_755 : memref<128xi32, #tpu.memory_space<vmem>>) semaphore(%arg7 : memref<!tpu.dma_semaphore, #tpu.memory_space<semaphore_mem>>)
    %dma_wait3A_759 = arith.constant 0 : i32
    %dma_wait3A_760 = arith.constant 0 : i32
    %dma_wait3A_761 = tpu.memref_slice %arg6[%dma_wait3A_759, %dma_wait3A_760] : memref<512x128xf32, #tpu.memory_space<vmem>> -> memref<128x128xf32, #tpu.memory_space<vmem>>
    %dma_wait3A_762 = arith.constant 0 : i32
    %dma_wait3A_763 = tpu.memref_slice %arg5[%dma_wait3A_762] : memref<512xi32, #tpu.memory_space<vmem>> -> memref<128xi32, #tpu.memory_space<vmem>>
    %dma_wait3A_764 = arith.constant 0 : i32
    %dma_wait3A_765 = arith.constant 0 : i32
    %dma_wait3A_766 = tpu.memref_slice %arg3[%dma_wait3A_764, %dma_wait3A_765] : memref<401408x128xf32, #tpu.memory_space<hbm>> -> memref<401408x128xf32, #tpu.memory_space<hbm>>
    tpu.wait_indirect_dma semaphore(%arg7 : memref<!tpu.dma_semaphore, #tpu.memory_space<semaphore_mem>>) src(%dma_wait3A_766 : memref<401408x128xf32, #tpu.memory_space<hbm>>) dst(%dma_wait3A_761 : memref<128x128xf32, #tpu.memory_space<vmem>>)
    %dma_wait3A_767 = arith.constant 128 : i32
    %dma_wait3A_768 = arith.constant 0 : i32
    %dma_wait3A_769 = tpu.memref_slice %arg6[%dma_wait3A_767, %dma_wait3A_768] : memref<512x128xf32, #tpu.memory_space<vmem>> -> memref<128x128xf32, #tpu.memory_space<vmem>>
    %dma_wait3A_770 = arith.constant 128 : i32
    %dma_wait3A_771 = tpu.memref_slice %arg5[%dma_wait3A_770] : memref<512xi32, #tpu.memory_space<vmem>> -> memref<128xi32, #tpu.memory_space<vmem>>
    %dma_wait3A_772 = arith.constant 0 : i32
    %dma_wait3A_773 = arith.constant 0 : i32
    %dma_wait3A_774 = tpu.memref_slice %arg3[%dma_wait3A_772, %dma_wait3A_773] : memref<401408x128xf32, #tpu.memory_space<hbm>> -> memref<401408x128xf32, #tpu.memory_space<hbm>>
    tpu.wait_indirect_dma semaphore(%arg7 : memref<!tpu.dma_semaphore, #tpu.memory_space<semaphore_mem>>) src(%dma_wait3A_774 : memref<401408x128xf32, #tpu.memory_space<hbm>>) dst(%dma_wait3A_769 : memref<128x128xf32, #tpu.memory_space<vmem>>)
    %dma_wait3A_775 = arith.constant 256 : i32
    %dma_wait3A_776 = arith.constant 0 : i32
    %dma_wait3A_777 = tpu.memref_slice %arg6[%dma_wait3A_775, %dma_wait3A_776] : memref<512x128xf32, #tpu.memory_space<vmem>> -> memref<128x128xf32, #tpu.memory_space<vmem>>
    %dma_wait3A_778 = arith.constant 256 : i32
    %dma_wait3A_779 = tpu.memref_slice %arg5[%dma_wait3A_778] : memref<512xi32, #tpu.memory_space<vmem>> -> memref<128xi32, #tpu.memory_space<vmem>>
    %dma_wait3A_780 = arith.constant 0 : i32
    %dma_wait3A_781 = arith.constant 0 : i32
    %dma_wait3A_782 = tpu.memref_slice %arg3[%dma_wait3A_780, %dma_wait3A_781] : memref<401408x128xf32, #tpu.memory_space<hbm>> -> memref<401408x128xf32, #tpu.memory_space<hbm>>
    tpu.wait_indirect_dma semaphore(%arg7 : memref<!tpu.dma_semaphore, #tpu.memory_space<semaphore_mem>>) src(%dma_wait3A_782 : memref<401408x128xf32, #tpu.memory_space<hbm>>) dst(%dma_wait3A_777 : memref<128x128xf32, #tpu.memory_space<vmem>>)
    %dma_wait3A_783 = arith.constant 384 : i32
    %dma_wait3A_784 = arith.constant 0 : i32
    %dma_wait3A_785 = tpu.memref_slice %arg6[%dma_wait3A_783, %dma_wait3A_784] : memref<512x128xf32, #tpu.memory_space<vmem>> -> memref<128x128xf32, #tpu.memory_space<vmem>>
    %dma_wait3A_786 = arith.constant 384 : i32
    %dma_wait3A_787 = tpu.memref_slice %arg5[%dma_wait3A_786] : memref<512xi32, #tpu.memory_space<vmem>> -> memref<128xi32, #tpu.memory_space<vmem>>
    %dma_wait3A_788 = arith.constant 0 : i32
    %dma_wait3A_789 = arith.constant 0 : i32
    %dma_wait3A_790 = tpu.memref_slice %arg3[%dma_wait3A_788, %dma_wait3A_789] : memref<401408x128xf32, #tpu.memory_space<hbm>> -> memref<401408x128xf32, #tpu.memory_space<hbm>>
    tpu.wait_indirect_dma semaphore(%arg7 : memref<!tpu.dma_semaphore, #tpu.memory_space<semaphore_mem>>) src(%dma_wait3A_790 : memref<401408x128xf32, #tpu.memory_space<hbm>>) dst(%dma_wait3A_785 : memref<128x128xf32, #tpu.memory_space<vmem>>)
    "tpu.region"() ({
      %run_scoped3A = tpu.sem_alloc : memref<!tpu.dma_semaphore, #tpu.memory_space<semaphore_mem>>
      %dma_start3A_1151 = arith.constant 0 : i32
      %dma_start3A_1152 = arith.constant 64 : i32
      %dma_start3A_1153 = tpu.memref_slice %arg6[%dma_start3A_1151, %dma_start3A_1152] : memref<512x128xf32, #tpu.memory_space<vmem>> -> memref<512x32xf32, #tpu.memory_space<vmem>>
      %dma_start3A_1154 = arith.constant 0 : i32
      %dma_start3A_1155 = tpu.memref_slice %arg4[%add3A_722, %dma_start3A_1154] : memref<262144x32xf32, #tpu.memory_space<hbm>> -> memref<512x32xf32, #tpu.memory_space<hbm>>
      %dma_start3A_1156 = arith.constant 0 : i32
      %dma_start3A_1157 = tpu.memref_slice %arg4[%add3A_722, %dma_start3A_1156] : memref<262144x32xf32, #tpu.memory_space<hbm>> -> memref<512x32xf32, #tpu.memory_space<hbm>>
      %dma_start3A_1158 = arith.constant 0 : i32
      %dma_start3A_1159 = arith.constant 64 : i32
      %dma_start3A_1160 = tpu.memref_slice %arg6[%dma_start3A_1158, %dma_start3A_1159] : memref<512x128xf32, #tpu.memory_space<vmem>> -> memref<512x32xf32, #tpu.memory_space<vmem>>
      tpu.enqueue_dma source(%dma_start3A_1160 : memref<512x32xf32, #tpu.memory_space<vmem>>) target(%dma_start3A_1157 : memref<512x32xf32, #tpu.memory_space<hbm>>) target_semaphore(%run_scoped3A : memref<!tpu.dma_semaphore, #tpu.memory_space<semaphore_mem>>)
      %dma_wait3A_1161 = arith.constant 0 : i32
      %dma_wait3A_1162 = arith.constant 64 : i32
      %dma_wait3A_1163 = tpu.memref_slice %arg6[%dma_wait3A_1161, %dma_wait3A_1162] : memref<512x128xf32, #tpu.memory_space<vmem>> -> memref<512x32xf32, #tpu.memory_space<vmem>>
      %dma_wait3A_1164 = arith.constant 0 : i32
      %dma_wait3A_1165 = tpu.memref_slice %arg4[%add3A_722, %dma_wait3A_1164] : memref<262144x32xf32, #tpu.memory_space<hbm>> -> memref<512x32xf32, #tpu.memory_space<hbm>>
      %dma_wait3A_1166 = arith.constant 0 : i32
      %dma_wait3A_1167 = tpu.memref_slice %arg4[%add3A_722, %dma_wait3A_1166] : memref<262144x32xf32, #tpu.memory_space<hbm>> -> memref<512x32xf32, #tpu.memory_space<hbm>>
      %dma_wait3A_1168 = arith.constant 0 : i32
      %dma_wait3A_1169 = arith.constant 64 : i32
      %dma_wait3A_1170 = tpu.memref_slice %arg6[%dma_wait3A_1168, %dma_wait3A_1169] : memref<512x128xf32, #tpu.memory_space<vmem>> -> memref<512x32xf32, #tpu.memory_space<vmem>>
      tpu.wait_dma2 semaphore(%run_scoped3A : memref<!tpu.dma_semaphore, #tpu.memory_space<semaphore_mem>>) src(%dma_wait3A_1170 : memref<512x32xf32, #tpu.memory_space<vmem>>) dst(%dma_wait3A_1167 : memref<512x32xf32, #tpu.memory_space<hbm>>)
      tpu.yield
    }) : () -> ()
    %mul3A_791 = arith.constant 512 : i32
    %mul3A_792 = arith.muli %add3A, %mul3A_791 : i32
    %add3A_793 = arith.constant 180224 : i32
    %add3A_794 = arith.addi %add3A_793, %mul3A_792 : i32
    %mul3A_795 = arith.constant 512 : i32
    %mul3A_796 = arith.muli %add3A, %mul3A_795 : i32
    %add3A_797 = arith.constant 180224 : i32
    %add3A_798 = arith.addi %add3A_797, %mul3A_796 : i32
    "tpu.region"() ({
      %run_scoped3A = tpu.sem_alloc : memref<!tpu.dma_semaphore, #tpu.memory_space<semaphore_mem>>
      %dma_start3A_1151 = tpu.memref_slice %arg2[%add3A_798] : memref<425984xi32, #tpu.memory_space<hbm>> -> memref<512xi32, #tpu.memory_space<hbm>>
      %dma_start3A_1152 = tpu.memref_slice %arg2[%add3A_798] : memref<425984xi32, #tpu.memory_space<hbm>> -> memref<512xi32, #tpu.memory_space<hbm>>
      tpu.enqueue_dma source(%dma_start3A_1152 : memref<512xi32, #tpu.memory_space<hbm>>) target(%arg5 : memref<512xi32, #tpu.memory_space<vmem>>) target_semaphore(%run_scoped3A : memref<!tpu.dma_semaphore, #tpu.memory_space<semaphore_mem>>)
      %dma_wait3A_1153 = tpu.memref_slice %arg2[%add3A_798] : memref<425984xi32, #tpu.memory_space<hbm>> -> memref<512xi32, #tpu.memory_space<hbm>>
      %dma_wait3A_1154 = tpu.memref_slice %arg2[%add3A_798] : memref<425984xi32, #tpu.memory_space<hbm>> -> memref<512xi32, #tpu.memory_space<hbm>>
      tpu.wait_dma2 semaphore(%run_scoped3A : memref<!tpu.dma_semaphore, #tpu.memory_space<semaphore_mem>>) src(%dma_wait3A_1154 : memref<512xi32, #tpu.memory_space<hbm>>) dst(%arg5 : memref<512xi32, #tpu.memory_space<vmem>>)
      tpu.yield
    }) : () -> ()
    %dma_start3A_799 = arith.constant 0 : i32
    %dma_start3A_800 = arith.constant 0 : i32
    %dma_start3A_801 = tpu.memref_slice %arg6[%dma_start3A_799, %dma_start3A_800] : memref<512x128xf32, #tpu.memory_space<vmem>> -> memref<128x128xf32, #tpu.memory_space<vmem>>
    %dma_start3A_802 = arith.constant 0 : i32
    %dma_start3A_803 = tpu.memref_slice %arg5[%dma_start3A_802] : memref<512xi32, #tpu.memory_space<vmem>> -> memref<128xi32, #tpu.memory_space<vmem>>
    %dma_start3A_804 = arith.constant 0 : i32
    %dma_start3A_805 = arith.constant 0 : i32
    %dma_start3A_806 = tpu.memref_slice %arg3[%dma_start3A_804, %dma_start3A_805] : memref<401408x128xf32, #tpu.memory_space<hbm>> -> memref<401408x128xf32, #tpu.memory_space<hbm>>
    tpu.enqueue_indirect_dma source(%dma_start3A_806 : memref<401408x128xf32, #tpu.memory_space<hbm>>) target(%dma_start3A_801 : memref<128x128xf32, #tpu.memory_space<vmem>>) offsets(%dma_start3A_803 : memref<128xi32, #tpu.memory_space<vmem>>) semaphore(%arg7 : memref<!tpu.dma_semaphore, #tpu.memory_space<semaphore_mem>>)
    %dma_start3A_807 = arith.constant 128 : i32
    %dma_start3A_808 = arith.constant 0 : i32
    %dma_start3A_809 = tpu.memref_slice %arg6[%dma_start3A_807, %dma_start3A_808] : memref<512x128xf32, #tpu.memory_space<vmem>> -> memref<128x128xf32, #tpu.memory_space<vmem>>
    %dma_start3A_810 = arith.constant 128 : i32
    %dma_start3A_811 = tpu.memref_slice %arg5[%dma_start3A_810] : memref<512xi32, #tpu.memory_space<vmem>> -> memref<128xi32, #tpu.memory_space<vmem>>
    %dma_start3A_812 = arith.constant 0 : i32
    %dma_start3A_813 = arith.constant 0 : i32
    %dma_start3A_814 = tpu.memref_slice %arg3[%dma_start3A_812, %dma_start3A_813] : memref<401408x128xf32, #tpu.memory_space<hbm>> -> memref<401408x128xf32, #tpu.memory_space<hbm>>
    tpu.enqueue_indirect_dma source(%dma_start3A_814 : memref<401408x128xf32, #tpu.memory_space<hbm>>) target(%dma_start3A_809 : memref<128x128xf32, #tpu.memory_space<vmem>>) offsets(%dma_start3A_811 : memref<128xi32, #tpu.memory_space<vmem>>) semaphore(%arg7 : memref<!tpu.dma_semaphore, #tpu.memory_space<semaphore_mem>>)
    %dma_start3A_815 = arith.constant 256 : i32
    %dma_start3A_816 = arith.constant 0 : i32
    %dma_start3A_817 = tpu.memref_slice %arg6[%dma_start3A_815, %dma_start3A_816] : memref<512x128xf32, #tpu.memory_space<vmem>> -> memref<128x128xf32, #tpu.memory_space<vmem>>
    %dma_start3A_818 = arith.constant 256 : i32
    %dma_start3A_819 = tpu.memref_slice %arg5[%dma_start3A_818] : memref<512xi32, #tpu.memory_space<vmem>> -> memref<128xi32, #tpu.memory_space<vmem>>
    %dma_start3A_820 = arith.constant 0 : i32
    %dma_start3A_821 = arith.constant 0 : i32
    %dma_start3A_822 = tpu.memref_slice %arg3[%dma_start3A_820, %dma_start3A_821] : memref<401408x128xf32, #tpu.memory_space<hbm>> -> memref<401408x128xf32, #tpu.memory_space<hbm>>
    tpu.enqueue_indirect_dma source(%dma_start3A_822 : memref<401408x128xf32, #tpu.memory_space<hbm>>) target(%dma_start3A_817 : memref<128x128xf32, #tpu.memory_space<vmem>>) offsets(%dma_start3A_819 : memref<128xi32, #tpu.memory_space<vmem>>) semaphore(%arg7 : memref<!tpu.dma_semaphore, #tpu.memory_space<semaphore_mem>>)
    %dma_start3A_823 = arith.constant 384 : i32
    %dma_start3A_824 = arith.constant 0 : i32
    %dma_start3A_825 = tpu.memref_slice %arg6[%dma_start3A_823, %dma_start3A_824] : memref<512x128xf32, #tpu.memory_space<vmem>> -> memref<128x128xf32, #tpu.memory_space<vmem>>
    %dma_start3A_826 = arith.constant 384 : i32
    %dma_start3A_827 = tpu.memref_slice %arg5[%dma_start3A_826] : memref<512xi32, #tpu.memory_space<vmem>> -> memref<128xi32, #tpu.memory_space<vmem>>
    %dma_start3A_828 = arith.constant 0 : i32
    %dma_start3A_829 = arith.constant 0 : i32
    %dma_start3A_830 = tpu.memref_slice %arg3[%dma_start3A_828, %dma_start3A_829] : memref<401408x128xf32, #tpu.memory_space<hbm>> -> memref<401408x128xf32, #tpu.memory_space<hbm>>
    tpu.enqueue_indirect_dma source(%dma_start3A_830 : memref<401408x128xf32, #tpu.memory_space<hbm>>) target(%dma_start3A_825 : memref<128x128xf32, #tpu.memory_space<vmem>>) offsets(%dma_start3A_827 : memref<128xi32, #tpu.memory_space<vmem>>) semaphore(%arg7 : memref<!tpu.dma_semaphore, #tpu.memory_space<semaphore_mem>>)
    %dma_wait3A_831 = arith.constant 0 : i32
    %dma_wait3A_832 = arith.constant 0 : i32
    %dma_wait3A_833 = tpu.memref_slice %arg6[%dma_wait3A_831, %dma_wait3A_832] : memref<512x128xf32, #tpu.memory_space<vmem>> -> memref<128x128xf32, #tpu.memory_space<vmem>>
    %dma_wait3A_834 = arith.constant 0 : i32
    %dma_wait3A_835 = tpu.memref_slice %arg5[%dma_wait3A_834] : memref<512xi32, #tpu.memory_space<vmem>> -> memref<128xi32, #tpu.memory_space<vmem>>
    %dma_wait3A_836 = arith.constant 0 : i32
    %dma_wait3A_837 = arith.constant 0 : i32
    %dma_wait3A_838 = tpu.memref_slice %arg3[%dma_wait3A_836, %dma_wait3A_837] : memref<401408x128xf32, #tpu.memory_space<hbm>> -> memref<401408x128xf32, #tpu.memory_space<hbm>>
    tpu.wait_indirect_dma semaphore(%arg7 : memref<!tpu.dma_semaphore, #tpu.memory_space<semaphore_mem>>) src(%dma_wait3A_838 : memref<401408x128xf32, #tpu.memory_space<hbm>>) dst(%dma_wait3A_833 : memref<128x128xf32, #tpu.memory_space<vmem>>)
    %dma_wait3A_839 = arith.constant 128 : i32
    %dma_wait3A_840 = arith.constant 0 : i32
    %dma_wait3A_841 = tpu.memref_slice %arg6[%dma_wait3A_839, %dma_wait3A_840] : memref<512x128xf32, #tpu.memory_space<vmem>> -> memref<128x128xf32, #tpu.memory_space<vmem>>
    %dma_wait3A_842 = arith.constant 128 : i32
    %dma_wait3A_843 = tpu.memref_slice %arg5[%dma_wait3A_842] : memref<512xi32, #tpu.memory_space<vmem>> -> memref<128xi32, #tpu.memory_space<vmem>>
    %dma_wait3A_844 = arith.constant 0 : i32
    %dma_wait3A_845 = arith.constant 0 : i32
    %dma_wait3A_846 = tpu.memref_slice %arg3[%dma_wait3A_844, %dma_wait3A_845] : memref<401408x128xf32, #tpu.memory_space<hbm>> -> memref<401408x128xf32, #tpu.memory_space<hbm>>
    tpu.wait_indirect_dma semaphore(%arg7 : memref<!tpu.dma_semaphore, #tpu.memory_space<semaphore_mem>>) src(%dma_wait3A_846 : memref<401408x128xf32, #tpu.memory_space<hbm>>) dst(%dma_wait3A_841 : memref<128x128xf32, #tpu.memory_space<vmem>>)
    %dma_wait3A_847 = arith.constant 256 : i32
    %dma_wait3A_848 = arith.constant 0 : i32
    %dma_wait3A_849 = tpu.memref_slice %arg6[%dma_wait3A_847, %dma_wait3A_848] : memref<512x128xf32, #tpu.memory_space<vmem>> -> memref<128x128xf32, #tpu.memory_space<vmem>>
    %dma_wait3A_850 = arith.constant 256 : i32
    %dma_wait3A_851 = tpu.memref_slice %arg5[%dma_wait3A_850] : memref<512xi32, #tpu.memory_space<vmem>> -> memref<128xi32, #tpu.memory_space<vmem>>
    %dma_wait3A_852 = arith.constant 0 : i32
    %dma_wait3A_853 = arith.constant 0 : i32
    %dma_wait3A_854 = tpu.memref_slice %arg3[%dma_wait3A_852, %dma_wait3A_853] : memref<401408x128xf32, #tpu.memory_space<hbm>> -> memref<401408x128xf32, #tpu.memory_space<hbm>>
    tpu.wait_indirect_dma semaphore(%arg7 : memref<!tpu.dma_semaphore, #tpu.memory_space<semaphore_mem>>) src(%dma_wait3A_854 : memref<401408x128xf32, #tpu.memory_space<hbm>>) dst(%dma_wait3A_849 : memref<128x128xf32, #tpu.memory_space<vmem>>)
    %dma_wait3A_855 = arith.constant 384 : i32
    %dma_wait3A_856 = arith.constant 0 : i32
    %dma_wait3A_857 = tpu.memref_slice %arg6[%dma_wait3A_855, %dma_wait3A_856] : memref<512x128xf32, #tpu.memory_space<vmem>> -> memref<128x128xf32, #tpu.memory_space<vmem>>
    %dma_wait3A_858 = arith.constant 384 : i32
    %dma_wait3A_859 = tpu.memref_slice %arg5[%dma_wait3A_858] : memref<512xi32, #tpu.memory_space<vmem>> -> memref<128xi32, #tpu.memory_space<vmem>>
    %dma_wait3A_860 = arith.constant 0 : i32
    %dma_wait3A_861 = arith.constant 0 : i32
    %dma_wait3A_862 = tpu.memref_slice %arg3[%dma_wait3A_860, %dma_wait3A_861] : memref<401408x128xf32, #tpu.memory_space<hbm>> -> memref<401408x128xf32, #tpu.memory_space<hbm>>
    tpu.wait_indirect_dma semaphore(%arg7 : memref<!tpu.dma_semaphore, #tpu.memory_space<semaphore_mem>>) src(%dma_wait3A_862 : memref<401408x128xf32, #tpu.memory_space<hbm>>) dst(%dma_wait3A_857 : memref<128x128xf32, #tpu.memory_space<vmem>>)
    "tpu.region"() ({
      %run_scoped3A = tpu.sem_alloc : memref<!tpu.dma_semaphore, #tpu.memory_space<semaphore_mem>>
      %dma_start3A_1151 = arith.constant 0 : i32
      %dma_start3A_1152 = arith.constant 96 : i32
      %dma_start3A_1153 = tpu.memref_slice %arg6[%dma_start3A_1151, %dma_start3A_1152] : memref<512x128xf32, #tpu.memory_space<vmem>> -> memref<512x32xf32, #tpu.memory_space<vmem>>
      %dma_start3A_1154 = arith.constant 0 : i32
      %dma_start3A_1155 = tpu.memref_slice %arg4[%add3A_794, %dma_start3A_1154] : memref<262144x32xf32, #tpu.memory_space<hbm>> -> memref<512x32xf32, #tpu.memory_space<hbm>>
      %dma_start3A_1156 = arith.constant 0 : i32
      %dma_start3A_1157 = tpu.memref_slice %arg4[%add3A_794, %dma_start3A_1156] : memref<262144x32xf32, #tpu.memory_space<hbm>> -> memref<512x32xf32, #tpu.memory_space<hbm>>
      %dma_start3A_1158 = arith.constant 0 : i32
      %dma_start3A_1159 = arith.constant 96 : i32
      %dma_start3A_1160 = tpu.memref_slice %arg6[%dma_start3A_1158, %dma_start3A_1159] : memref<512x128xf32, #tpu.memory_space<vmem>> -> memref<512x32xf32, #tpu.memory_space<vmem>>
      tpu.enqueue_dma source(%dma_start3A_1160 : memref<512x32xf32, #tpu.memory_space<vmem>>) target(%dma_start3A_1157 : memref<512x32xf32, #tpu.memory_space<hbm>>) target_semaphore(%run_scoped3A : memref<!tpu.dma_semaphore, #tpu.memory_space<semaphore_mem>>)
      %dma_wait3A_1161 = arith.constant 0 : i32
      %dma_wait3A_1162 = arith.constant 96 : i32
      %dma_wait3A_1163 = tpu.memref_slice %arg6[%dma_wait3A_1161, %dma_wait3A_1162] : memref<512x128xf32, #tpu.memory_space<vmem>> -> memref<512x32xf32, #tpu.memory_space<vmem>>
      %dma_wait3A_1164 = arith.constant 0 : i32
      %dma_wait3A_1165 = tpu.memref_slice %arg4[%add3A_794, %dma_wait3A_1164] : memref<262144x32xf32, #tpu.memory_space<hbm>> -> memref<512x32xf32, #tpu.memory_space<hbm>>
      %dma_wait3A_1166 = arith.constant 0 : i32
      %dma_wait3A_1167 = tpu.memref_slice %arg4[%add3A_794, %dma_wait3A_1166] : memref<262144x32xf32, #tpu.memory_space<hbm>> -> memref<512x32xf32, #tpu.memory_space<hbm>>
      %dma_wait3A_1168 = arith.constant 0 : i32
      %dma_wait3A_1169 = arith.constant 96 : i32
      %dma_wait3A_1170 = tpu.memref_slice %arg6[%dma_wait3A_1168, %dma_wait3A_1169] : memref<512x128xf32, #tpu.memory_space<vmem>> -> memref<512x32xf32, #tpu.memory_space<vmem>>
      tpu.wait_dma2 semaphore(%run_scoped3A : memref<!tpu.dma_semaphore, #tpu.memory_space<semaphore_mem>>) src(%dma_wait3A_1170 : memref<512x32xf32, #tpu.memory_space<vmem>>) dst(%dma_wait3A_1167 : memref<512x32xf32, #tpu.memory_space<hbm>>)
      tpu.yield
    }) : () -> ()
    %mul3A_863 = arith.constant 512 : i32
    %mul3A_864 = arith.muli %add3A, %mul3A_863 : i32
    %add3A_865 = arith.constant 196608 : i32
    %add3A_866 = arith.addi %add3A_865, %mul3A_864 : i32
    %mul3A_867 = arith.constant 512 : i32
    %mul3A_868 = arith.muli %add3A, %mul3A_867 : i32
    %add3A_869 = arith.constant 196608 : i32
    %add3A_870 = arith.addi %add3A_869, %mul3A_868 : i32
    "tpu.region"() ({
      %run_scoped3A = tpu.sem_alloc : memref<!tpu.dma_semaphore, #tpu.memory_space<semaphore_mem>>
      %dma_start3A_1151 = tpu.memref_slice %arg2[%add3A_870] : memref<425984xi32, #tpu.memory_space<hbm>> -> memref<512xi32, #tpu.memory_space<hbm>>
      %dma_start3A_1152 = tpu.memref_slice %arg2[%add3A_870] : memref<425984xi32, #tpu.memory_space<hbm>> -> memref<512xi32, #tpu.memory_space<hbm>>
      tpu.enqueue_dma source(%dma_start3A_1152 : memref<512xi32, #tpu.memory_space<hbm>>) target(%arg5 : memref<512xi32, #tpu.memory_space<vmem>>) target_semaphore(%run_scoped3A : memref<!tpu.dma_semaphore, #tpu.memory_space<semaphore_mem>>)
      %dma_wait3A_1153 = tpu.memref_slice %arg2[%add3A_870] : memref<425984xi32, #tpu.memory_space<hbm>> -> memref<512xi32, #tpu.memory_space<hbm>>
      %dma_wait3A_1154 = tpu.memref_slice %arg2[%add3A_870] : memref<425984xi32, #tpu.memory_space<hbm>> -> memref<512xi32, #tpu.memory_space<hbm>>
      tpu.wait_dma2 semaphore(%run_scoped3A : memref<!tpu.dma_semaphore, #tpu.memory_space<semaphore_mem>>) src(%dma_wait3A_1154 : memref<512xi32, #tpu.memory_space<hbm>>) dst(%arg5 : memref<512xi32, #tpu.memory_space<vmem>>)
      tpu.yield
    }) : () -> ()
    %dma_start3A_871 = arith.constant 0 : i32
    %dma_start3A_872 = arith.constant 0 : i32
    %dma_start3A_873 = tpu.memref_slice %arg6[%dma_start3A_871, %dma_start3A_872] : memref<512x128xf32, #tpu.memory_space<vmem>> -> memref<128x128xf32, #tpu.memory_space<vmem>>
    %dma_start3A_874 = arith.constant 0 : i32
    %dma_start3A_875 = tpu.memref_slice %arg5[%dma_start3A_874] : memref<512xi32, #tpu.memory_space<vmem>> -> memref<128xi32, #tpu.memory_space<vmem>>
    %dma_start3A_876 = arith.constant 0 : i32
    %dma_start3A_877 = arith.constant 0 : i32
    %dma_start3A_878 = tpu.memref_slice %arg3[%dma_start3A_876, %dma_start3A_877] : memref<401408x128xf32, #tpu.memory_space<hbm>> -> memref<401408x128xf32, #tpu.memory_space<hbm>>
    tpu.enqueue_indirect_dma source(%dma_start3A_878 : memref<401408x128xf32, #tpu.memory_space<hbm>>) target(%dma_start3A_873 : memref<128x128xf32, #tpu.memory_space<vmem>>) offsets(%dma_start3A_875 : memref<128xi32, #tpu.memory_space<vmem>>) semaphore(%arg7 : memref<!tpu.dma_semaphore, #tpu.memory_space<semaphore_mem>>)
    %dma_start3A_879 = arith.constant 128 : i32
    %dma_start3A_880 = arith.constant 0 : i32
    %dma_start3A_881 = tpu.memref_slice %arg6[%dma_start3A_879, %dma_start3A_880] : memref<512x128xf32, #tpu.memory_space<vmem>> -> memref<128x128xf32, #tpu.memory_space<vmem>>
    %dma_start3A_882 = arith.constant 128 : i32
    %dma_start3A_883 = tpu.memref_slice %arg5[%dma_start3A_882] : memref<512xi32, #tpu.memory_space<vmem>> -> memref<128xi32, #tpu.memory_space<vmem>>
    %dma_start3A_884 = arith.constant 0 : i32
    %dma_start3A_885 = arith.constant 0 : i32
    %dma_start3A_886 = tpu.memref_slice %arg3[%dma_start3A_884, %dma_start3A_885] : memref<401408x128xf32, #tpu.memory_space<hbm>> -> memref<401408x128xf32, #tpu.memory_space<hbm>>
    tpu.enqueue_indirect_dma source(%dma_start3A_886 : memref<401408x128xf32, #tpu.memory_space<hbm>>) target(%dma_start3A_881 : memref<128x128xf32, #tpu.memory_space<vmem>>) offsets(%dma_start3A_883 : memref<128xi32, #tpu.memory_space<vmem>>) semaphore(%arg7 : memref<!tpu.dma_semaphore, #tpu.memory_space<semaphore_mem>>)
    %dma_start3A_887 = arith.constant 256 : i32
    %dma_start3A_888 = arith.constant 0 : i32
    %dma_start3A_889 = tpu.memref_slice %arg6[%dma_start3A_887, %dma_start3A_888] : memref<512x128xf32, #tpu.memory_space<vmem>> -> memref<128x128xf32, #tpu.memory_space<vmem>>
    %dma_start3A_890 = arith.constant 256 : i32
    %dma_start3A_891 = tpu.memref_slice %arg5[%dma_start3A_890] : memref<512xi32, #tpu.memory_space<vmem>> -> memref<128xi32, #tpu.memory_space<vmem>>
    %dma_start3A_892 = arith.constant 0 : i32
    %dma_start3A_893 = arith.constant 0 : i32
    %dma_start3A_894 = tpu.memref_slice %arg3[%dma_start3A_892, %dma_start3A_893] : memref<401408x128xf32, #tpu.memory_space<hbm>> -> memref<401408x128xf32, #tpu.memory_space<hbm>>
    tpu.enqueue_indirect_dma source(%dma_start3A_894 : memref<401408x128xf32, #tpu.memory_space<hbm>>) target(%dma_start3A_889 : memref<128x128xf32, #tpu.memory_space<vmem>>) offsets(%dma_start3A_891 : memref<128xi32, #tpu.memory_space<vmem>>) semaphore(%arg7 : memref<!tpu.dma_semaphore, #tpu.memory_space<semaphore_mem>>)
    %dma_start3A_895 = arith.constant 384 : i32
    %dma_start3A_896 = arith.constant 0 : i32
    %dma_start3A_897 = tpu.memref_slice %arg6[%dma_start3A_895, %dma_start3A_896] : memref<512x128xf32, #tpu.memory_space<vmem>> -> memref<128x128xf32, #tpu.memory_space<vmem>>
    %dma_start3A_898 = arith.constant 384 : i32
    %dma_start3A_899 = tpu.memref_slice %arg5[%dma_start3A_898] : memref<512xi32, #tpu.memory_space<vmem>> -> memref<128xi32, #tpu.memory_space<vmem>>
    %dma_start3A_900 = arith.constant 0 : i32
    %dma_start3A_901 = arith.constant 0 : i32
    %dma_start3A_902 = tpu.memref_slice %arg3[%dma_start3A_900, %dma_start3A_901] : memref<401408x128xf32, #tpu.memory_space<hbm>> -> memref<401408x128xf32, #tpu.memory_space<hbm>>
    tpu.enqueue_indirect_dma source(%dma_start3A_902 : memref<401408x128xf32, #tpu.memory_space<hbm>>) target(%dma_start3A_897 : memref<128x128xf32, #tpu.memory_space<vmem>>) offsets(%dma_start3A_899 : memref<128xi32, #tpu.memory_space<vmem>>) semaphore(%arg7 : memref<!tpu.dma_semaphore, #tpu.memory_space<semaphore_mem>>)
    %dma_wait3A_903 = arith.constant 0 : i32
    %dma_wait3A_904 = arith.constant 0 : i32
    %dma_wait3A_905 = tpu.memref_slice %arg6[%dma_wait3A_903, %dma_wait3A_904] : memref<512x128xf32, #tpu.memory_space<vmem>> -> memref<128x128xf32, #tpu.memory_space<vmem>>
    %dma_wait3A_906 = arith.constant 0 : i32
    %dma_wait3A_907 = tpu.memref_slice %arg5[%dma_wait3A_906] : memref<512xi32, #tpu.memory_space<vmem>> -> memref<128xi32, #tpu.memory_space<vmem>>
    %dma_wait3A_908 = arith.constant 0 : i32
    %dma_wait3A_909 = arith.constant 0 : i32
    %dma_wait3A_910 = tpu.memref_slice %arg3[%dma_wait3A_908, %dma_wait3A_909] : memref<401408x128xf32, #tpu.memory_space<hbm>> -> memref<401408x128xf32, #tpu.memory_space<hbm>>
    tpu.wait_indirect_dma semaphore(%arg7 : memref<!tpu.dma_semaphore, #tpu.memory_space<semaphore_mem>>) src(%dma_wait3A_910 : memref<401408x128xf32, #tpu.memory_space<hbm>>) dst(%dma_wait3A_905 : memref<128x128xf32, #tpu.memory_space<vmem>>)
    %dma_wait3A_911 = arith.constant 128 : i32
    %dma_wait3A_912 = arith.constant 0 : i32
    %dma_wait3A_913 = tpu.memref_slice %arg6[%dma_wait3A_911, %dma_wait3A_912] : memref<512x128xf32, #tpu.memory_space<vmem>> -> memref<128x128xf32, #tpu.memory_space<vmem>>
    %dma_wait3A_914 = arith.constant 128 : i32
    %dma_wait3A_915 = tpu.memref_slice %arg5[%dma_wait3A_914] : memref<512xi32, #tpu.memory_space<vmem>> -> memref<128xi32, #tpu.memory_space<vmem>>
    %dma_wait3A_916 = arith.constant 0 : i32
    %dma_wait3A_917 = arith.constant 0 : i32
    %dma_wait3A_918 = tpu.memref_slice %arg3[%dma_wait3A_916, %dma_wait3A_917] : memref<401408x128xf32, #tpu.memory_space<hbm>> -> memref<401408x128xf32, #tpu.memory_space<hbm>>
    tpu.wait_indirect_dma semaphore(%arg7 : memref<!tpu.dma_semaphore, #tpu.memory_space<semaphore_mem>>) src(%dma_wait3A_918 : memref<401408x128xf32, #tpu.memory_space<hbm>>) dst(%dma_wait3A_913 : memref<128x128xf32, #tpu.memory_space<vmem>>)
    %dma_wait3A_919 = arith.constant 256 : i32
    %dma_wait3A_920 = arith.constant 0 : i32
    %dma_wait3A_921 = tpu.memref_slice %arg6[%dma_wait3A_919, %dma_wait3A_920] : memref<512x128xf32, #tpu.memory_space<vmem>> -> memref<128x128xf32, #tpu.memory_space<vmem>>
    %dma_wait3A_922 = arith.constant 256 : i32
    %dma_wait3A_923 = tpu.memref_slice %arg5[%dma_wait3A_922] : memref<512xi32, #tpu.memory_space<vmem>> -> memref<128xi32, #tpu.memory_space<vmem>>
    %dma_wait3A_924 = arith.constant 0 : i32
    %dma_wait3A_925 = arith.constant 0 : i32
    %dma_wait3A_926 = tpu.memref_slice %arg3[%dma_wait3A_924, %dma_wait3A_925] : memref<401408x128xf32, #tpu.memory_space<hbm>> -> memref<401408x128xf32, #tpu.memory_space<hbm>>
    tpu.wait_indirect_dma semaphore(%arg7 : memref<!tpu.dma_semaphore, #tpu.memory_space<semaphore_mem>>) src(%dma_wait3A_926 : memref<401408x128xf32, #tpu.memory_space<hbm>>) dst(%dma_wait3A_921 : memref<128x128xf32, #tpu.memory_space<vmem>>)
    %dma_wait3A_927 = arith.constant 384 : i32
    %dma_wait3A_928 = arith.constant 0 : i32
    %dma_wait3A_929 = tpu.memref_slice %arg6[%dma_wait3A_927, %dma_wait3A_928] : memref<512x128xf32, #tpu.memory_space<vmem>> -> memref<128x128xf32, #tpu.memory_space<vmem>>
    %dma_wait3A_930 = arith.constant 384 : i32
    %dma_wait3A_931 = tpu.memref_slice %arg5[%dma_wait3A_930] : memref<512xi32, #tpu.memory_space<vmem>> -> memref<128xi32, #tpu.memory_space<vmem>>
    %dma_wait3A_932 = arith.constant 0 : i32
    %dma_wait3A_933 = arith.constant 0 : i32
    %dma_wait3A_934 = tpu.memref_slice %arg3[%dma_wait3A_932, %dma_wait3A_933] : memref<401408x128xf32, #tpu.memory_space<hbm>> -> memref<401408x128xf32, #tpu.memory_space<hbm>>
    tpu.wait_indirect_dma semaphore(%arg7 : memref<!tpu.dma_semaphore, #tpu.memory_space<semaphore_mem>>) src(%dma_wait3A_934 : memref<401408x128xf32, #tpu.memory_space<hbm>>) dst(%dma_wait3A_929 : memref<128x128xf32, #tpu.memory_space<vmem>>)
    "tpu.region"() ({
      %run_scoped3A = tpu.sem_alloc : memref<!tpu.dma_semaphore, #tpu.memory_space<semaphore_mem>>
      %dma_start3A_1151 = arith.constant 0 : i32
      %dma_start3A_1152 = arith.constant 0 : i32
      %dma_start3A_1153 = tpu.memref_slice %arg6[%dma_start3A_1151, %dma_start3A_1152] : memref<512x128xf32, #tpu.memory_space<vmem>> -> memref<512x32xf32, #tpu.memory_space<vmem>>
      %dma_start3A_1154 = arith.constant 0 : i32
      %dma_start3A_1155 = tpu.memref_slice %arg4[%add3A_866, %dma_start3A_1154] : memref<262144x32xf32, #tpu.memory_space<hbm>> -> memref<512x32xf32, #tpu.memory_space<hbm>>
      %dma_start3A_1156 = arith.constant 0 : i32
      %dma_start3A_1157 = tpu.memref_slice %arg4[%add3A_866, %dma_start3A_1156] : memref<262144x32xf32, #tpu.memory_space<hbm>> -> memref<512x32xf32, #tpu.memory_space<hbm>>
      %dma_start3A_1158 = arith.constant 0 : i32
      %dma_start3A_1159 = arith.constant 0 : i32
      %dma_start3A_1160 = tpu.memref_slice %arg6[%dma_start3A_1158, %dma_start3A_1159] : memref<512x128xf32, #tpu.memory_space<vmem>> -> memref<512x32xf32, #tpu.memory_space<vmem>>
      tpu.enqueue_dma source(%dma_start3A_1160 : memref<512x32xf32, #tpu.memory_space<vmem>>) target(%dma_start3A_1157 : memref<512x32xf32, #tpu.memory_space<hbm>>) target_semaphore(%run_scoped3A : memref<!tpu.dma_semaphore, #tpu.memory_space<semaphore_mem>>)
      %dma_wait3A_1161 = arith.constant 0 : i32
      %dma_wait3A_1162 = arith.constant 0 : i32
      %dma_wait3A_1163 = tpu.memref_slice %arg6[%dma_wait3A_1161, %dma_wait3A_1162] : memref<512x128xf32, #tpu.memory_space<vmem>> -> memref<512x32xf32, #tpu.memory_space<vmem>>
      %dma_wait3A_1164 = arith.constant 0 : i32
      %dma_wait3A_1165 = tpu.memref_slice %arg4[%add3A_866, %dma_wait3A_1164] : memref<262144x32xf32, #tpu.memory_space<hbm>> -> memref<512x32xf32, #tpu.memory_space<hbm>>
      %dma_wait3A_1166 = arith.constant 0 : i32
      %dma_wait3A_1167 = tpu.memref_slice %arg4[%add3A_866, %dma_wait3A_1166] : memref<262144x32xf32, #tpu.memory_space<hbm>> -> memref<512x32xf32, #tpu.memory_space<hbm>>
      %dma_wait3A_1168 = arith.constant 0 : i32
      %dma_wait3A_1169 = arith.constant 0 : i32
      %dma_wait3A_1170 = tpu.memref_slice %arg6[%dma_wait3A_1168, %dma_wait3A_1169] : memref<512x128xf32, #tpu.memory_space<vmem>> -> memref<512x32xf32, #tpu.memory_space<vmem>>
      tpu.wait_dma2 semaphore(%run_scoped3A : memref<!tpu.dma_semaphore, #tpu.memory_space<semaphore_mem>>) src(%dma_wait3A_1170 : memref<512x32xf32, #tpu.memory_space<vmem>>) dst(%dma_wait3A_1167 : memref<512x32xf32, #tpu.memory_space<hbm>>)
      tpu.yield
    }) : () -> ()
    %mul3A_935 = arith.constant 512 : i32
    %mul3A_936 = arith.muli %add3A, %mul3A_935 : i32
    %add3A_937 = arith.constant 212992 : i32
    %add3A_938 = arith.addi %add3A_937, %mul3A_936 : i32
    %mul3A_939 = arith.constant 512 : i32
    %mul3A_940 = arith.muli %add3A, %mul3A_939 : i32
    %add3A_941 = arith.constant 212992 : i32
    %add3A_942 = arith.addi %add3A_941, %mul3A_940 : i32
    "tpu.region"() ({
      %run_scoped3A = tpu.sem_alloc : memref<!tpu.dma_semaphore, #tpu.memory_space<semaphore_mem>>
      %dma_start3A_1151 = tpu.memref_slice %arg2[%add3A_942] : memref<425984xi32, #tpu.memory_space<hbm>> -> memref<512xi32, #tpu.memory_space<hbm>>
      %dma_start3A_1152 = tpu.memref_slice %arg2[%add3A_942] : memref<425984xi32, #tpu.memory_space<hbm>> -> memref<512xi32, #tpu.memory_space<hbm>>
      tpu.enqueue_dma source(%dma_start3A_1152 : memref<512xi32, #tpu.memory_space<hbm>>) target(%arg5 : memref<512xi32, #tpu.memory_space<vmem>>) target_semaphore(%run_scoped3A : memref<!tpu.dma_semaphore, #tpu.memory_space<semaphore_mem>>)
      %dma_wait3A_1153 = tpu.memref_slice %arg2[%add3A_942] : memref<425984xi32, #tpu.memory_space<hbm>> -> memref<512xi32, #tpu.memory_space<hbm>>
      %dma_wait3A_1154 = tpu.memref_slice %arg2[%add3A_942] : memref<425984xi32, #tpu.memory_space<hbm>> -> memref<512xi32, #tpu.memory_space<hbm>>
      tpu.wait_dma2 semaphore(%run_scoped3A : memref<!tpu.dma_semaphore, #tpu.memory_space<semaphore_mem>>) src(%dma_wait3A_1154 : memref<512xi32, #tpu.memory_space<hbm>>) dst(%arg5 : memref<512xi32, #tpu.memory_space<vmem>>)
      tpu.yield
    }) : () -> ()
    %dma_start3A_943 = arith.constant 0 : i32
    %dma_start3A_944 = arith.constant 0 : i32
    %dma_start3A_945 = tpu.memref_slice %arg6[%dma_start3A_943, %dma_start3A_944] : memref<512x128xf32, #tpu.memory_space<vmem>> -> memref<128x128xf32, #tpu.memory_space<vmem>>
    %dma_start3A_946 = arith.constant 0 : i32
    %dma_start3A_947 = tpu.memref_slice %arg5[%dma_start3A_946] : memref<512xi32, #tpu.memory_space<vmem>> -> memref<128xi32, #tpu.memory_space<vmem>>
    %dma_start3A_948 = arith.constant 0 : i32
    %dma_start3A_949 = arith.constant 0 : i32
    %dma_start3A_950 = tpu.memref_slice %arg3[%dma_start3A_948, %dma_start3A_949] : memref<401408x128xf32, #tpu.memory_space<hbm>> -> memref<401408x128xf32, #tpu.memory_space<hbm>>
    tpu.enqueue_indirect_dma source(%dma_start3A_950 : memref<401408x128xf32, #tpu.memory_space<hbm>>) target(%dma_start3A_945 : memref<128x128xf32, #tpu.memory_space<vmem>>) offsets(%dma_start3A_947 : memref<128xi32, #tpu.memory_space<vmem>>) semaphore(%arg7 : memref<!tpu.dma_semaphore, #tpu.memory_space<semaphore_mem>>)
    %dma_start3A_951 = arith.constant 128 : i32
    %dma_start3A_952 = arith.constant 0 : i32
    %dma_start3A_953 = tpu.memref_slice %arg6[%dma_start3A_951, %dma_start3A_952] : memref<512x128xf32, #tpu.memory_space<vmem>> -> memref<128x128xf32, #tpu.memory_space<vmem>>
    %dma_start3A_954 = arith.constant 128 : i32
    %dma_start3A_955 = tpu.memref_slice %arg5[%dma_start3A_954] : memref<512xi32, #tpu.memory_space<vmem>> -> memref<128xi32, #tpu.memory_space<vmem>>
    %dma_start3A_956 = arith.constant 0 : i32
    %dma_start3A_957 = arith.constant 0 : i32
    %dma_start3A_958 = tpu.memref_slice %arg3[%dma_start3A_956, %dma_start3A_957] : memref<401408x128xf32, #tpu.memory_space<hbm>> -> memref<401408x128xf32, #tpu.memory_space<hbm>>
    tpu.enqueue_indirect_dma source(%dma_start3A_958 : memref<401408x128xf32, #tpu.memory_space<hbm>>) target(%dma_start3A_953 : memref<128x128xf32, #tpu.memory_space<vmem>>) offsets(%dma_start3A_955 : memref<128xi32, #tpu.memory_space<vmem>>) semaphore(%arg7 : memref<!tpu.dma_semaphore, #tpu.memory_space<semaphore_mem>>)
    %dma_start3A_959 = arith.constant 256 : i32
    %dma_start3A_960 = arith.constant 0 : i32
    %dma_start3A_961 = tpu.memref_slice %arg6[%dma_start3A_959, %dma_start3A_960] : memref<512x128xf32, #tpu.memory_space<vmem>> -> memref<128x128xf32, #tpu.memory_space<vmem>>
    %dma_start3A_962 = arith.constant 256 : i32
    %dma_start3A_963 = tpu.memref_slice %arg5[%dma_start3A_962] : memref<512xi32, #tpu.memory_space<vmem>> -> memref<128xi32, #tpu.memory_space<vmem>>
    %dma_start3A_964 = arith.constant 0 : i32
    %dma_start3A_965 = arith.constant 0 : i32
    %dma_start3A_966 = tpu.memref_slice %arg3[%dma_start3A_964, %dma_start3A_965] : memref<401408x128xf32, #tpu.memory_space<hbm>> -> memref<401408x128xf32, #tpu.memory_space<hbm>>
    tpu.enqueue_indirect_dma source(%dma_start3A_966 : memref<401408x128xf32, #tpu.memory_space<hbm>>) target(%dma_start3A_961 : memref<128x128xf32, #tpu.memory_space<vmem>>) offsets(%dma_start3A_963 : memref<128xi32, #tpu.memory_space<vmem>>) semaphore(%arg7 : memref<!tpu.dma_semaphore, #tpu.memory_space<semaphore_mem>>)
    %dma_start3A_967 = arith.constant 384 : i32
    %dma_start3A_968 = arith.constant 0 : i32
    %dma_start3A_969 = tpu.memref_slice %arg6[%dma_start3A_967, %dma_start3A_968] : memref<512x128xf32, #tpu.memory_space<vmem>> -> memref<128x128xf32, #tpu.memory_space<vmem>>
    %dma_start3A_970 = arith.constant 384 : i32
    %dma_start3A_971 = tpu.memref_slice %arg5[%dma_start3A_970] : memref<512xi32, #tpu.memory_space<vmem>> -> memref<128xi32, #tpu.memory_space<vmem>>
    %dma_start3A_972 = arith.constant 0 : i32
    %dma_start3A_973 = arith.constant 0 : i32
    %dma_start3A_974 = tpu.memref_slice %arg3[%dma_start3A_972, %dma_start3A_973] : memref<401408x128xf32, #tpu.memory_space<hbm>> -> memref<401408x128xf32, #tpu.memory_space<hbm>>
    tpu.enqueue_indirect_dma source(%dma_start3A_974 : memref<401408x128xf32, #tpu.memory_space<hbm>>) target(%dma_start3A_969 : memref<128x128xf32, #tpu.memory_space<vmem>>) offsets(%dma_start3A_971 : memref<128xi32, #tpu.memory_space<vmem>>) semaphore(%arg7 : memref<!tpu.dma_semaphore, #tpu.memory_space<semaphore_mem>>)
    %dma_wait3A_975 = arith.constant 0 : i32
    %dma_wait3A_976 = arith.constant 0 : i32
    %dma_wait3A_977 = tpu.memref_slice %arg6[%dma_wait3A_975, %dma_wait3A_976] : memref<512x128xf32, #tpu.memory_space<vmem>> -> memref<128x128xf32, #tpu.memory_space<vmem>>
    %dma_wait3A_978 = arith.constant 0 : i32
    %dma_wait3A_979 = tpu.memref_slice %arg5[%dma_wait3A_978] : memref<512xi32, #tpu.memory_space<vmem>> -> memref<128xi32, #tpu.memory_space<vmem>>
    %dma_wait3A_980 = arith.constant 0 : i32
    %dma_wait3A_981 = arith.constant 0 : i32
    %dma_wait3A_982 = tpu.memref_slice %arg3[%dma_wait3A_980, %dma_wait3A_981] : memref<401408x128xf32, #tpu.memory_space<hbm>> -> memref<401408x128xf32, #tpu.memory_space<hbm>>
    tpu.wait_indirect_dma semaphore(%arg7 : memref<!tpu.dma_semaphore, #tpu.memory_space<semaphore_mem>>) src(%dma_wait3A_982 : memref<401408x128xf32, #tpu.memory_space<hbm>>) dst(%dma_wait3A_977 : memref<128x128xf32, #tpu.memory_space<vmem>>)
    %dma_wait3A_983 = arith.constant 128 : i32
    %dma_wait3A_984 = arith.constant 0 : i32
    %dma_wait3A_985 = tpu.memref_slice %arg6[%dma_wait3A_983, %dma_wait3A_984] : memref<512x128xf32, #tpu.memory_space<vmem>> -> memref<128x128xf32, #tpu.memory_space<vmem>>
    %dma_wait3A_986 = arith.constant 128 : i32
    %dma_wait3A_987 = tpu.memref_slice %arg5[%dma_wait3A_986] : memref<512xi32, #tpu.memory_space<vmem>> -> memref<128xi32, #tpu.memory_space<vmem>>
    %dma_wait3A_988 = arith.constant 0 : i32
    %dma_wait3A_989 = arith.constant 0 : i32
    %dma_wait3A_990 = tpu.memref_slice %arg3[%dma_wait3A_988, %dma_wait3A_989] : memref<401408x128xf32, #tpu.memory_space<hbm>> -> memref<401408x128xf32, #tpu.memory_space<hbm>>
    tpu.wait_indirect_dma semaphore(%arg7 : memref<!tpu.dma_semaphore, #tpu.memory_space<semaphore_mem>>) src(%dma_wait3A_990 : memref<401408x128xf32, #tpu.memory_space<hbm>>) dst(%dma_wait3A_985 : memref<128x128xf32, #tpu.memory_space<vmem>>)
    %dma_wait3A_991 = arith.constant 256 : i32
    %dma_wait3A_992 = arith.constant 0 : i32
    %dma_wait3A_993 = tpu.memref_slice %arg6[%dma_wait3A_991, %dma_wait3A_992] : memref<512x128xf32, #tpu.memory_space<vmem>> -> memref<128x128xf32, #tpu.memory_space<vmem>>
    %dma_wait3A_994 = arith.constant 256 : i32
    %dma_wait3A_995 = tpu.memref_slice %arg5[%dma_wait3A_994] : memref<512xi32, #tpu.memory_space<vmem>> -> memref<128xi32, #tpu.memory_space<vmem>>
    %dma_wait3A_996 = arith.constant 0 : i32
    %dma_wait3A_997 = arith.constant 0 : i32
    %dma_wait3A_998 = tpu.memref_slice %arg3[%dma_wait3A_996, %dma_wait3A_997] : memref<401408x128xf32, #tpu.memory_space<hbm>> -> memref<401408x128xf32, #tpu.memory_space<hbm>>
    tpu.wait_indirect_dma semaphore(%arg7 : memref<!tpu.dma_semaphore, #tpu.memory_space<semaphore_mem>>) src(%dma_wait3A_998 : memref<401408x128xf32, #tpu.memory_space<hbm>>) dst(%dma_wait3A_993 : memref<128x128xf32, #tpu.memory_space<vmem>>)
    %dma_wait3A_999 = arith.constant 384 : i32
    %dma_wait3A_1000 = arith.constant 0 : i32
    %dma_wait3A_1001 = tpu.memref_slice %arg6[%dma_wait3A_999, %dma_wait3A_1000] : memref<512x128xf32, #tpu.memory_space<vmem>> -> memref<128x128xf32, #tpu.memory_space<vmem>>
    %dma_wait3A_1002 = arith.constant 384 : i32
    %dma_wait3A_1003 = tpu.memref_slice %arg5[%dma_wait3A_1002] : memref<512xi32, #tpu.memory_space<vmem>> -> memref<128xi32, #tpu.memory_space<vmem>>
    %dma_wait3A_1004 = arith.constant 0 : i32
    %dma_wait3A_1005 = arith.constant 0 : i32
    %dma_wait3A_1006 = tpu.memref_slice %arg3[%dma_wait3A_1004, %dma_wait3A_1005] : memref<401408x128xf32, #tpu.memory_space<hbm>> -> memref<401408x128xf32, #tpu.memory_space<hbm>>
    tpu.wait_indirect_dma semaphore(%arg7 : memref<!tpu.dma_semaphore, #tpu.memory_space<semaphore_mem>>) src(%dma_wait3A_1006 : memref<401408x128xf32, #tpu.memory_space<hbm>>) dst(%dma_wait3A_1001 : memref<128x128xf32, #tpu.memory_space<vmem>>)
    "tpu.region"() ({
      %run_scoped3A = tpu.sem_alloc : memref<!tpu.dma_semaphore, #tpu.memory_space<semaphore_mem>>
      %dma_start3A_1151 = arith.constant 0 : i32
      %dma_start3A_1152 = arith.constant 32 : i32
      %dma_start3A_1153 = tpu.memref_slice %arg6[%dma_start3A_1151, %dma_start3A_1152] : memref<512x128xf32, #tpu.memory_space<vmem>> -> memref<512x32xf32, #tpu.memory_space<vmem>>
      %dma_start3A_1154 = arith.constant 0 : i32
      %dma_start3A_1155 = tpu.memref_slice %arg4[%add3A_938, %dma_start3A_1154] : memref<262144x32xf32, #tpu.memory_space<hbm>> -> memref<512x32xf32, #tpu.memory_space<hbm>>
      %dma_start3A_1156 = arith.constant 0 : i32
      %dma_start3A_1157 = tpu.memref_slice %arg4[%add3A_938, %dma_start3A_1156] : memref<262144x32xf32, #tpu.memory_space<hbm>> -> memref<512x32xf32, #tpu.memory_space<hbm>>
      %dma_start3A_1158 = arith.constant 0 : i32
      %dma_start3A_1159 = arith.constant 32 : i32
      %dma_start3A_1160 = tpu.memref_slice %arg6[%dma_start3A_1158, %dma_start3A_1159] : memref<512x128xf32, #tpu.memory_space<vmem>> -> memref<512x32xf32, #tpu.memory_space<vmem>>
      tpu.enqueue_dma source(%dma_start3A_1160 : memref<512x32xf32, #tpu.memory_space<vmem>>) target(%dma_start3A_1157 : memref<512x32xf32, #tpu.memory_space<hbm>>) target_semaphore(%run_scoped3A : memref<!tpu.dma_semaphore, #tpu.memory_space<semaphore_mem>>)
      %dma_wait3A_1161 = arith.constant 0 : i32
      %dma_wait3A_1162 = arith.constant 32 : i32
      %dma_wait3A_1163 = tpu.memref_slice %arg6[%dma_wait3A_1161, %dma_wait3A_1162] : memref<512x128xf32, #tpu.memory_space<vmem>> -> memref<512x32xf32, #tpu.memory_space<vmem>>
      %dma_wait3A_1164 = arith.constant 0 : i32
      %dma_wait3A_1165 = tpu.memref_slice %arg4[%add3A_938, %dma_wait3A_1164] : memref<262144x32xf32, #tpu.memory_space<hbm>> -> memref<512x32xf32, #tpu.memory_space<hbm>>
      %dma_wait3A_1166 = arith.constant 0 : i32
      %dma_wait3A_1167 = tpu.memref_slice %arg4[%add3A_938, %dma_wait3A_1166] : memref<262144x32xf32, #tpu.memory_space<hbm>> -> memref<512x32xf32, #tpu.memory_space<hbm>>
      %dma_wait3A_1168 = arith.constant 0 : i32
      %dma_wait3A_1169 = arith.constant 32 : i32
      %dma_wait3A_1170 = tpu.memref_slice %arg6[%dma_wait3A_1168, %dma_wait3A_1169] : memref<512x128xf32, #tpu.memory_space<vmem>> -> memref<512x32xf32, #tpu.memory_space<vmem>>
      tpu.wait_dma2 semaphore(%run_scoped3A : memref<!tpu.dma_semaphore, #tpu.memory_space<semaphore_mem>>) src(%dma_wait3A_1170 : memref<512x32xf32, #tpu.memory_space<vmem>>) dst(%dma_wait3A_1167 : memref<512x32xf32, #tpu.memory_space<hbm>>)
      tpu.yield
    }) : () -> ()
    %mul3A_1007 = arith.constant 512 : i32
    %mul3A_1008 = arith.muli %add3A, %mul3A_1007 : i32
    %add3A_1009 = arith.constant 229376 : i32
    %add3A_1010 = arith.addi %add3A_1009, %mul3A_1008 : i32
    %mul3A_1011 = arith.constant 512 : i32
    %mul3A_1012 = arith.muli %add3A, %mul3A_1011 : i32
    %add3A_1013 = arith.constant 229376 : i32
    %add3A_1014 = arith.addi %add3A_1013, %mul3A_1012 : i32
    "tpu.region"() ({
      %run_scoped3A = tpu.sem_alloc : memref<!tpu.dma_semaphore, #tpu.memory_space<semaphore_mem>>
      %dma_start3A_1151 = tpu.memref_slice %arg2[%add3A_1014] : memref<425984xi32, #tpu.memory_space<hbm>> -> memref<512xi32, #tpu.memory_space<hbm>>
      %dma_start3A_1152 = tpu.memref_slice %arg2[%add3A_1014] : memref<425984xi32, #tpu.memory_space<hbm>> -> memref<512xi32, #tpu.memory_space<hbm>>
      tpu.enqueue_dma source(%dma_start3A_1152 : memref<512xi32, #tpu.memory_space<hbm>>) target(%arg5 : memref<512xi32, #tpu.memory_space<vmem>>) target_semaphore(%run_scoped3A : memref<!tpu.dma_semaphore, #tpu.memory_space<semaphore_mem>>)
      %dma_wait3A_1153 = tpu.memref_slice %arg2[%add3A_1014] : memref<425984xi32, #tpu.memory_space<hbm>> -> memref<512xi32, #tpu.memory_space<hbm>>
      %dma_wait3A_1154 = tpu.memref_slice %arg2[%add3A_1014] : memref<425984xi32, #tpu.memory_space<hbm>> -> memref<512xi32, #tpu.memory_space<hbm>>
      tpu.wait_dma2 semaphore(%run_scoped3A : memref<!tpu.dma_semaphore, #tpu.memory_space<semaphore_mem>>) src(%dma_wait3A_1154 : memref<512xi32, #tpu.memory_space<hbm>>) dst(%arg5 : memref<512xi32, #tpu.memory_space<vmem>>)
      tpu.yield
    }) : () -> ()
    %dma_start3A_1015 = arith.constant 0 : i32
    %dma_start3A_1016 = arith.constant 0 : i32
    %dma_start3A_1017 = tpu.memref_slice %arg6[%dma_start3A_1015, %dma_start3A_1016] : memref<512x128xf32, #tpu.memory_space<vmem>> -> memref<128x128xf32, #tpu.memory_space<vmem>>
    %dma_start3A_1018 = arith.constant 0 : i32
    %dma_start3A_1019 = tpu.memref_slice %arg5[%dma_start3A_1018] : memref<512xi32, #tpu.memory_space<vmem>> -> memref<128xi32, #tpu.memory_space<vmem>>
    %dma_start3A_1020 = arith.constant 0 : i32
    %dma_start3A_1021 = arith.constant 0 : i32
    %dma_start3A_1022 = tpu.memref_slice %arg3[%dma_start3A_1020, %dma_start3A_1021] : memref<401408x128xf32, #tpu.memory_space<hbm>> -> memref<401408x128xf32, #tpu.memory_space<hbm>>
    tpu.enqueue_indirect_dma source(%dma_start3A_1022 : memref<401408x128xf32, #tpu.memory_space<hbm>>) target(%dma_start3A_1017 : memref<128x128xf32, #tpu.memory_space<vmem>>) offsets(%dma_start3A_1019 : memref<128xi32, #tpu.memory_space<vmem>>) semaphore(%arg7 : memref<!tpu.dma_semaphore, #tpu.memory_space<semaphore_mem>>)
    %dma_start3A_1023 = arith.constant 128 : i32
    %dma_start3A_1024 = arith.constant 0 : i32
    %dma_start3A_1025 = tpu.memref_slice %arg6[%dma_start3A_1023, %dma_start3A_1024] : memref<512x128xf32, #tpu.memory_space<vmem>> -> memref<128x128xf32, #tpu.memory_space<vmem>>
    %dma_start3A_1026 = arith.constant 128 : i32
    %dma_start3A_1027 = tpu.memref_slice %arg5[%dma_start3A_1026] : memref<512xi32, #tpu.memory_space<vmem>> -> memref<128xi32, #tpu.memory_space<vmem>>
    %dma_start3A_1028 = arith.constant 0 : i32
    %dma_start3A_1029 = arith.constant 0 : i32
    %dma_start3A_1030 = tpu.memref_slice %arg3[%dma_start3A_1028, %dma_start3A_1029] : memref<401408x128xf32, #tpu.memory_space<hbm>> -> memref<401408x128xf32, #tpu.memory_space<hbm>>
    tpu.enqueue_indirect_dma source(%dma_start3A_1030 : memref<401408x128xf32, #tpu.memory_space<hbm>>) target(%dma_start3A_1025 : memref<128x128xf32, #tpu.memory_space<vmem>>) offsets(%dma_start3A_1027 : memref<128xi32, #tpu.memory_space<vmem>>) semaphore(%arg7 : memref<!tpu.dma_semaphore, #tpu.memory_space<semaphore_mem>>)
    %dma_start3A_1031 = arith.constant 256 : i32
    %dma_start3A_1032 = arith.constant 0 : i32
    %dma_start3A_1033 = tpu.memref_slice %arg6[%dma_start3A_1031, %dma_start3A_1032] : memref<512x128xf32, #tpu.memory_space<vmem>> -> memref<128x128xf32, #tpu.memory_space<vmem>>
    %dma_start3A_1034 = arith.constant 256 : i32
    %dma_start3A_1035 = tpu.memref_slice %arg5[%dma_start3A_1034] : memref<512xi32, #tpu.memory_space<vmem>> -> memref<128xi32, #tpu.memory_space<vmem>>
    %dma_start3A_1036 = arith.constant 0 : i32
    %dma_start3A_1037 = arith.constant 0 : i32
    %dma_start3A_1038 = tpu.memref_slice %arg3[%dma_start3A_1036, %dma_start3A_1037] : memref<401408x128xf32, #tpu.memory_space<hbm>> -> memref<401408x128xf32, #tpu.memory_space<hbm>>
    tpu.enqueue_indirect_dma source(%dma_start3A_1038 : memref<401408x128xf32, #tpu.memory_space<hbm>>) target(%dma_start3A_1033 : memref<128x128xf32, #tpu.memory_space<vmem>>) offsets(%dma_start3A_1035 : memref<128xi32, #tpu.memory_space<vmem>>) semaphore(%arg7 : memref<!tpu.dma_semaphore, #tpu.memory_space<semaphore_mem>>)
    %dma_start3A_1039 = arith.constant 384 : i32
    %dma_start3A_1040 = arith.constant 0 : i32
    %dma_start3A_1041 = tpu.memref_slice %arg6[%dma_start3A_1039, %dma_start3A_1040] : memref<512x128xf32, #tpu.memory_space<vmem>> -> memref<128x128xf32, #tpu.memory_space<vmem>>
    %dma_start3A_1042 = arith.constant 384 : i32
    %dma_start3A_1043 = tpu.memref_slice %arg5[%dma_start3A_1042] : memref<512xi32, #tpu.memory_space<vmem>> -> memref<128xi32, #tpu.memory_space<vmem>>
    %dma_start3A_1044 = arith.constant 0 : i32
    %dma_start3A_1045 = arith.constant 0 : i32
    %dma_start3A_1046 = tpu.memref_slice %arg3[%dma_start3A_1044, %dma_start3A_1045] : memref<401408x128xf32, #tpu.memory_space<hbm>> -> memref<401408x128xf32, #tpu.memory_space<hbm>>
    tpu.enqueue_indirect_dma source(%dma_start3A_1046 : memref<401408x128xf32, #tpu.memory_space<hbm>>) target(%dma_start3A_1041 : memref<128x128xf32, #tpu.memory_space<vmem>>) offsets(%dma_start3A_1043 : memref<128xi32, #tpu.memory_space<vmem>>) semaphore(%arg7 : memref<!tpu.dma_semaphore, #tpu.memory_space<semaphore_mem>>)
    %dma_wait3A_1047 = arith.constant 0 : i32
    %dma_wait3A_1048 = arith.constant 0 : i32
    %dma_wait3A_1049 = tpu.memref_slice %arg6[%dma_wait3A_1047, %dma_wait3A_1048] : memref<512x128xf32, #tpu.memory_space<vmem>> -> memref<128x128xf32, #tpu.memory_space<vmem>>
    %dma_wait3A_1050 = arith.constant 0 : i32
    %dma_wait3A_1051 = tpu.memref_slice %arg5[%dma_wait3A_1050] : memref<512xi32, #tpu.memory_space<vmem>> -> memref<128xi32, #tpu.memory_space<vmem>>
    %dma_wait3A_1052 = arith.constant 0 : i32
    %dma_wait3A_1053 = arith.constant 0 : i32
    %dma_wait3A_1054 = tpu.memref_slice %arg3[%dma_wait3A_1052, %dma_wait3A_1053] : memref<401408x128xf32, #tpu.memory_space<hbm>> -> memref<401408x128xf32, #tpu.memory_space<hbm>>
    tpu.wait_indirect_dma semaphore(%arg7 : memref<!tpu.dma_semaphore, #tpu.memory_space<semaphore_mem>>) src(%dma_wait3A_1054 : memref<401408x128xf32, #tpu.memory_space<hbm>>) dst(%dma_wait3A_1049 : memref<128x128xf32, #tpu.memory_space<vmem>>)
    %dma_wait3A_1055 = arith.constant 128 : i32
    %dma_wait3A_1056 = arith.constant 0 : i32
    %dma_wait3A_1057 = tpu.memref_slice %arg6[%dma_wait3A_1055, %dma_wait3A_1056] : memref<512x128xf32, #tpu.memory_space<vmem>> -> memref<128x128xf32, #tpu.memory_space<vmem>>
    %dma_wait3A_1058 = arith.constant 128 : i32
    %dma_wait3A_1059 = tpu.memref_slice %arg5[%dma_wait3A_1058] : memref<512xi32, #tpu.memory_space<vmem>> -> memref<128xi32, #tpu.memory_space<vmem>>
    %dma_wait3A_1060 = arith.constant 0 : i32
    %dma_wait3A_1061 = arith.constant 0 : i32
    %dma_wait3A_1062 = tpu.memref_slice %arg3[%dma_wait3A_1060, %dma_wait3A_1061] : memref<401408x128xf32, #tpu.memory_space<hbm>> -> memref<401408x128xf32, #tpu.memory_space<hbm>>
    tpu.wait_indirect_dma semaphore(%arg7 : memref<!tpu.dma_semaphore, #tpu.memory_space<semaphore_mem>>) src(%dma_wait3A_1062 : memref<401408x128xf32, #tpu.memory_space<hbm>>) dst(%dma_wait3A_1057 : memref<128x128xf32, #tpu.memory_space<vmem>>)
    %dma_wait3A_1063 = arith.constant 256 : i32
    %dma_wait3A_1064 = arith.constant 0 : i32
    %dma_wait3A_1065 = tpu.memref_slice %arg6[%dma_wait3A_1063, %dma_wait3A_1064] : memref<512x128xf32, #tpu.memory_space<vmem>> -> memref<128x128xf32, #tpu.memory_space<vmem>>
    %dma_wait3A_1066 = arith.constant 256 : i32
    %dma_wait3A_1067 = tpu.memref_slice %arg5[%dma_wait3A_1066] : memref<512xi32, #tpu.memory_space<vmem>> -> memref<128xi32, #tpu.memory_space<vmem>>
    %dma_wait3A_1068 = arith.constant 0 : i32
    %dma_wait3A_1069 = arith.constant 0 : i32
    %dma_wait3A_1070 = tpu.memref_slice %arg3[%dma_wait3A_1068, %dma_wait3A_1069] : memref<401408x128xf32, #tpu.memory_space<hbm>> -> memref<401408x128xf32, #tpu.memory_space<hbm>>
    tpu.wait_indirect_dma semaphore(%arg7 : memref<!tpu.dma_semaphore, #tpu.memory_space<semaphore_mem>>) src(%dma_wait3A_1070 : memref<401408x128xf32, #tpu.memory_space<hbm>>) dst(%dma_wait3A_1065 : memref<128x128xf32, #tpu.memory_space<vmem>>)
    %dma_wait3A_1071 = arith.constant 384 : i32
    %dma_wait3A_1072 = arith.constant 0 : i32
    %dma_wait3A_1073 = tpu.memref_slice %arg6[%dma_wait3A_1071, %dma_wait3A_1072] : memref<512x128xf32, #tpu.memory_space<vmem>> -> memref<128x128xf32, #tpu.memory_space<vmem>>
    %dma_wait3A_1074 = arith.constant 384 : i32
    %dma_wait3A_1075 = tpu.memref_slice %arg5[%dma_wait3A_1074] : memref<512xi32, #tpu.memory_space<vmem>> -> memref<128xi32, #tpu.memory_space<vmem>>
    %dma_wait3A_1076 = arith.constant 0 : i32
    %dma_wait3A_1077 = arith.constant 0 : i32
    %dma_wait3A_1078 = tpu.memref_slice %arg3[%dma_wait3A_1076, %dma_wait3A_1077] : memref<401408x128xf32, #tpu.memory_space<hbm>> -> memref<401408x128xf32, #tpu.memory_space<hbm>>
    tpu.wait_indirect_dma semaphore(%arg7 : memref<!tpu.dma_semaphore, #tpu.memory_space<semaphore_mem>>) src(%dma_wait3A_1078 : memref<401408x128xf32, #tpu.memory_space<hbm>>) dst(%dma_wait3A_1073 : memref<128x128xf32, #tpu.memory_space<vmem>>)
    "tpu.region"() ({
      %run_scoped3A = tpu.sem_alloc : memref<!tpu.dma_semaphore, #tpu.memory_space<semaphore_mem>>
      %dma_start3A_1151 = arith.constant 0 : i32
      %dma_start3A_1152 = arith.constant 64 : i32
      %dma_start3A_1153 = tpu.memref_slice %arg6[%dma_start3A_1151, %dma_start3A_1152] : memref<512x128xf32, #tpu.memory_space<vmem>> -> memref<512x32xf32, #tpu.memory_space<vmem>>
      %dma_start3A_1154 = arith.constant 0 : i32
      %dma_start3A_1155 = tpu.memref_slice %arg4[%add3A_1010, %dma_start3A_1154] : memref<262144x32xf32, #tpu.memory_space<hbm>> -> memref<512x32xf32, #tpu.memory_space<hbm>>
      %dma_start3A_1156 = arith.constant 0 : i32
      %dma_start3A_1157 = tpu.memref_slice %arg4[%add3A_1010, %dma_start3A_1156] : memref<262144x32xf32, #tpu.memory_space<hbm>> -> memref<512x32xf32, #tpu.memory_space<hbm>>
      %dma_start3A_1158 = arith.constant 0 : i32
      %dma_start3A_1159 = arith.constant 64 : i32
      %dma_start3A_1160 = tpu.memref_slice %arg6[%dma_start3A_1158, %dma_start3A_1159] : memref<512x128xf32, #tpu.memory_space<vmem>> -> memref<512x32xf32, #tpu.memory_space<vmem>>
      tpu.enqueue_dma source(%dma_start3A_1160 : memref<512x32xf32, #tpu.memory_space<vmem>>) target(%dma_start3A_1157 : memref<512x32xf32, #tpu.memory_space<hbm>>) target_semaphore(%run_scoped3A : memref<!tpu.dma_semaphore, #tpu.memory_space<semaphore_mem>>)
      %dma_wait3A_1161 = arith.constant 0 : i32
      %dma_wait3A_1162 = arith.constant 64 : i32
      %dma_wait3A_1163 = tpu.memref_slice %arg6[%dma_wait3A_1161, %dma_wait3A_1162] : memref<512x128xf32, #tpu.memory_space<vmem>> -> memref<512x32xf32, #tpu.memory_space<vmem>>
      %dma_wait3A_1164 = arith.constant 0 : i32
      %dma_wait3A_1165 = tpu.memref_slice %arg4[%add3A_1010, %dma_wait3A_1164] : memref<262144x32xf32, #tpu.memory_space<hbm>> -> memref<512x32xf32, #tpu.memory_space<hbm>>
      %dma_wait3A_1166 = arith.constant 0 : i32
      %dma_wait3A_1167 = tpu.memref_slice %arg4[%add3A_1010, %dma_wait3A_1166] : memref<262144x32xf32, #tpu.memory_space<hbm>> -> memref<512x32xf32, #tpu.memory_space<hbm>>
      %dma_wait3A_1168 = arith.constant 0 : i32
      %dma_wait3A_1169 = arith.constant 64 : i32
      %dma_wait3A_1170 = tpu.memref_slice %arg6[%dma_wait3A_1168, %dma_wait3A_1169] : memref<512x128xf32, #tpu.memory_space<vmem>> -> memref<512x32xf32, #tpu.memory_space<vmem>>
      tpu.wait_dma2 semaphore(%run_scoped3A : memref<!tpu.dma_semaphore, #tpu.memory_space<semaphore_mem>>) src(%dma_wait3A_1170 : memref<512x32xf32, #tpu.memory_space<vmem>>) dst(%dma_wait3A_1167 : memref<512x32xf32, #tpu.memory_space<hbm>>)
      tpu.yield
    }) : () -> ()
    %mul3A_1079 = arith.constant 512 : i32
    %mul3A_1080 = arith.muli %add3A, %mul3A_1079 : i32
    %add3A_1081 = arith.constant 245760 : i32
    %add3A_1082 = arith.addi %add3A_1081, %mul3A_1080 : i32
    %mul3A_1083 = arith.constant 512 : i32
    %mul3A_1084 = arith.muli %add3A, %mul3A_1083 : i32
    %add3A_1085 = arith.constant 245760 : i32
    %add3A_1086 = arith.addi %add3A_1085, %mul3A_1084 : i32
    "tpu.region"() ({
      %run_scoped3A = tpu.sem_alloc : memref<!tpu.dma_semaphore, #tpu.memory_space<semaphore_mem>>
      %dma_start3A_1151 = tpu.memref_slice %arg2[%add3A_1086] : memref<425984xi32, #tpu.memory_space<hbm>> -> memref<512xi32, #tpu.memory_space<hbm>>
      %dma_start3A_1152 = tpu.memref_slice %arg2[%add3A_1086] : memref<425984xi32, #tpu.memory_space<hbm>> -> memref<512xi32, #tpu.memory_space<hbm>>
      tpu.enqueue_dma source(%dma_start3A_1152 : memref<512xi32, #tpu.memory_space<hbm>>) target(%arg5 : memref<512xi32, #tpu.memory_space<vmem>>) target_semaphore(%run_scoped3A : memref<!tpu.dma_semaphore, #tpu.memory_space<semaphore_mem>>)
      %dma_wait3A_1153 = tpu.memref_slice %arg2[%add3A_1086] : memref<425984xi32, #tpu.memory_space<hbm>> -> memref<512xi32, #tpu.memory_space<hbm>>
      %dma_wait3A_1154 = tpu.memref_slice %arg2[%add3A_1086] : memref<425984xi32, #tpu.memory_space<hbm>> -> memref<512xi32, #tpu.memory_space<hbm>>
      tpu.wait_dma2 semaphore(%run_scoped3A : memref<!tpu.dma_semaphore, #tpu.memory_space<semaphore_mem>>) src(%dma_wait3A_1154 : memref<512xi32, #tpu.memory_space<hbm>>) dst(%arg5 : memref<512xi32, #tpu.memory_space<vmem>>)
      tpu.yield
    }) : () -> ()
    %dma_start3A_1087 = arith.constant 0 : i32
    %dma_start3A_1088 = arith.constant 0 : i32
    %dma_start3A_1089 = tpu.memref_slice %arg6[%dma_start3A_1087, %dma_start3A_1088] : memref<512x128xf32, #tpu.memory_space<vmem>> -> memref<128x128xf32, #tpu.memory_space<vmem>>
    %dma_start3A_1090 = arith.constant 0 : i32
    %dma_start3A_1091 = tpu.memref_slice %arg5[%dma_start3A_1090] : memref<512xi32, #tpu.memory_space<vmem>> -> memref<128xi32, #tpu.memory_space<vmem>>
    %dma_start3A_1092 = arith.constant 0 : i32
    %dma_start3A_1093 = arith.constant 0 : i32
    %dma_start3A_1094 = tpu.memref_slice %arg3[%dma_start3A_1092, %dma_start3A_1093] : memref<401408x128xf32, #tpu.memory_space<hbm>> -> memref<401408x128xf32, #tpu.memory_space<hbm>>
    tpu.enqueue_indirect_dma source(%dma_start3A_1094 : memref<401408x128xf32, #tpu.memory_space<hbm>>) target(%dma_start3A_1089 : memref<128x128xf32, #tpu.memory_space<vmem>>) offsets(%dma_start3A_1091 : memref<128xi32, #tpu.memory_space<vmem>>) semaphore(%arg7 : memref<!tpu.dma_semaphore, #tpu.memory_space<semaphore_mem>>)
    %dma_start3A_1095 = arith.constant 128 : i32
    %dma_start3A_1096 = arith.constant 0 : i32
    %dma_start3A_1097 = tpu.memref_slice %arg6[%dma_start3A_1095, %dma_start3A_1096] : memref<512x128xf32, #tpu.memory_space<vmem>> -> memref<128x128xf32, #tpu.memory_space<vmem>>
    %dma_start3A_1098 = arith.constant 128 : i32
    %dma_start3A_1099 = tpu.memref_slice %arg5[%dma_start3A_1098] : memref<512xi32, #tpu.memory_space<vmem>> -> memref<128xi32, #tpu.memory_space<vmem>>
    %dma_start3A_1100 = arith.constant 0 : i32
    %dma_start3A_1101 = arith.constant 0 : i32
    %dma_start3A_1102 = tpu.memref_slice %arg3[%dma_start3A_1100, %dma_start3A_1101] : memref<401408x128xf32, #tpu.memory_space<hbm>> -> memref<401408x128xf32, #tpu.memory_space<hbm>>
    tpu.enqueue_indirect_dma source(%dma_start3A_1102 : memref<401408x128xf32, #tpu.memory_space<hbm>>) target(%dma_start3A_1097 : memref<128x128xf32, #tpu.memory_space<vmem>>) offsets(%dma_start3A_1099 : memref<128xi32, #tpu.memory_space<vmem>>) semaphore(%arg7 : memref<!tpu.dma_semaphore, #tpu.memory_space<semaphore_mem>>)
    %dma_start3A_1103 = arith.constant 256 : i32
    %dma_start3A_1104 = arith.constant 0 : i32
    %dma_start3A_1105 = tpu.memref_slice %arg6[%dma_start3A_1103, %dma_start3A_1104] : memref<512x128xf32, #tpu.memory_space<vmem>> -> memref<128x128xf32, #tpu.memory_space<vmem>>
    %dma_start3A_1106 = arith.constant 256 : i32
    %dma_start3A_1107 = tpu.memref_slice %arg5[%dma_start3A_1106] : memref<512xi32, #tpu.memory_space<vmem>> -> memref<128xi32, #tpu.memory_space<vmem>>
    %dma_start3A_1108 = arith.constant 0 : i32
    %dma_start3A_1109 = arith.constant 0 : i32
    %dma_start3A_1110 = tpu.memref_slice %arg3[%dma_start3A_1108, %dma_start3A_1109] : memref<401408x128xf32, #tpu.memory_space<hbm>> -> memref<401408x128xf32, #tpu.memory_space<hbm>>
    tpu.enqueue_indirect_dma source(%dma_start3A_1110 : memref<401408x128xf32, #tpu.memory_space<hbm>>) target(%dma_start3A_1105 : memref<128x128xf32, #tpu.memory_space<vmem>>) offsets(%dma_start3A_1107 : memref<128xi32, #tpu.memory_space<vmem>>) semaphore(%arg7 : memref<!tpu.dma_semaphore, #tpu.memory_space<semaphore_mem>>)
    %dma_start3A_1111 = arith.constant 384 : i32
    %dma_start3A_1112 = arith.constant 0 : i32
    %dma_start3A_1113 = tpu.memref_slice %arg6[%dma_start3A_1111, %dma_start3A_1112] : memref<512x128xf32, #tpu.memory_space<vmem>> -> memref<128x128xf32, #tpu.memory_space<vmem>>
    %dma_start3A_1114 = arith.constant 384 : i32
    %dma_start3A_1115 = tpu.memref_slice %arg5[%dma_start3A_1114] : memref<512xi32, #tpu.memory_space<vmem>> -> memref<128xi32, #tpu.memory_space<vmem>>
    %dma_start3A_1116 = arith.constant 0 : i32
    %dma_start3A_1117 = arith.constant 0 : i32
    %dma_start3A_1118 = tpu.memref_slice %arg3[%dma_start3A_1116, %dma_start3A_1117] : memref<401408x128xf32, #tpu.memory_space<hbm>> -> memref<401408x128xf32, #tpu.memory_space<hbm>>
    tpu.enqueue_indirect_dma source(%dma_start3A_1118 : memref<401408x128xf32, #tpu.memory_space<hbm>>) target(%dma_start3A_1113 : memref<128x128xf32, #tpu.memory_space<vmem>>) offsets(%dma_start3A_1115 : memref<128xi32, #tpu.memory_space<vmem>>) semaphore(%arg7 : memref<!tpu.dma_semaphore, #tpu.memory_space<semaphore_mem>>)
    %dma_wait3A_1119 = arith.constant 0 : i32
    %dma_wait3A_1120 = arith.constant 0 : i32
    %dma_wait3A_1121 = tpu.memref_slice %arg6[%dma_wait3A_1119, %dma_wait3A_1120] : memref<512x128xf32, #tpu.memory_space<vmem>> -> memref<128x128xf32, #tpu.memory_space<vmem>>
    %dma_wait3A_1122 = arith.constant 0 : i32
    %dma_wait3A_1123 = tpu.memref_slice %arg5[%dma_wait3A_1122] : memref<512xi32, #tpu.memory_space<vmem>> -> memref<128xi32, #tpu.memory_space<vmem>>
    %dma_wait3A_1124 = arith.constant 0 : i32
    %dma_wait3A_1125 = arith.constant 0 : i32
    %dma_wait3A_1126 = tpu.memref_slice %arg3[%dma_wait3A_1124, %dma_wait3A_1125] : memref<401408x128xf32, #tpu.memory_space<hbm>> -> memref<401408x128xf32, #tpu.memory_space<hbm>>
    tpu.wait_indirect_dma semaphore(%arg7 : memref<!tpu.dma_semaphore, #tpu.memory_space<semaphore_mem>>) src(%dma_wait3A_1126 : memref<401408x128xf32, #tpu.memory_space<hbm>>) dst(%dma_wait3A_1121 : memref<128x128xf32, #tpu.memory_space<vmem>>)
    %dma_wait3A_1127 = arith.constant 128 : i32
    %dma_wait3A_1128 = arith.constant 0 : i32
    %dma_wait3A_1129 = tpu.memref_slice %arg6[%dma_wait3A_1127, %dma_wait3A_1128] : memref<512x128xf32, #tpu.memory_space<vmem>> -> memref<128x128xf32, #tpu.memory_space<vmem>>
    %dma_wait3A_1130 = arith.constant 128 : i32
    %dma_wait3A_1131 = tpu.memref_slice %arg5[%dma_wait3A_1130] : memref<512xi32, #tpu.memory_space<vmem>> -> memref<128xi32, #tpu.memory_space<vmem>>
    %dma_wait3A_1132 = arith.constant 0 : i32
    %dma_wait3A_1133 = arith.constant 0 : i32
    %dma_wait3A_1134 = tpu.memref_slice %arg3[%dma_wait3A_1132, %dma_wait3A_1133] : memref<401408x128xf32, #tpu.memory_space<hbm>> -> memref<401408x128xf32, #tpu.memory_space<hbm>>
    tpu.wait_indirect_dma semaphore(%arg7 : memref<!tpu.dma_semaphore, #tpu.memory_space<semaphore_mem>>) src(%dma_wait3A_1134 : memref<401408x128xf32, #tpu.memory_space<hbm>>) dst(%dma_wait3A_1129 : memref<128x128xf32, #tpu.memory_space<vmem>>)
    %dma_wait3A_1135 = arith.constant 256 : i32
    %dma_wait3A_1136 = arith.constant 0 : i32
    %dma_wait3A_1137 = tpu.memref_slice %arg6[%dma_wait3A_1135, %dma_wait3A_1136] : memref<512x128xf32, #tpu.memory_space<vmem>> -> memref<128x128xf32, #tpu.memory_space<vmem>>
    %dma_wait3A_1138 = arith.constant 256 : i32
    %dma_wait3A_1139 = tpu.memref_slice %arg5[%dma_wait3A_1138] : memref<512xi32, #tpu.memory_space<vmem>> -> memref<128xi32, #tpu.memory_space<vmem>>
    %dma_wait3A_1140 = arith.constant 0 : i32
    %dma_wait3A_1141 = arith.constant 0 : i32
    %dma_wait3A_1142 = tpu.memref_slice %arg3[%dma_wait3A_1140, %dma_wait3A_1141] : memref<401408x128xf32, #tpu.memory_space<hbm>> -> memref<401408x128xf32, #tpu.memory_space<hbm>>
    tpu.wait_indirect_dma semaphore(%arg7 : memref<!tpu.dma_semaphore, #tpu.memory_space<semaphore_mem>>) src(%dma_wait3A_1142 : memref<401408x128xf32, #tpu.memory_space<hbm>>) dst(%dma_wait3A_1137 : memref<128x128xf32, #tpu.memory_space<vmem>>)
    %dma_wait3A_1143 = arith.constant 384 : i32
    %dma_wait3A_1144 = arith.constant 0 : i32
    %dma_wait3A_1145 = tpu.memref_slice %arg6[%dma_wait3A_1143, %dma_wait3A_1144] : memref<512x128xf32, #tpu.memory_space<vmem>> -> memref<128x128xf32, #tpu.memory_space<vmem>>
    %dma_wait3A_1146 = arith.constant 384 : i32
    %dma_wait3A_1147 = tpu.memref_slice %arg5[%dma_wait3A_1146] : memref<512xi32, #tpu.memory_space<vmem>> -> memref<128xi32, #tpu.memory_space<vmem>>
    %dma_wait3A_1148 = arith.constant 0 : i32
    %dma_wait3A_1149 = arith.constant 0 : i32
    %dma_wait3A_1150 = tpu.memref_slice %arg3[%dma_wait3A_1148, %dma_wait3A_1149] : memref<401408x128xf32, #tpu.memory_space<hbm>> -> memref<401408x128xf32, #tpu.memory_space<hbm>>
    tpu.wait_indirect_dma semaphore(%arg7 : memref<!tpu.dma_semaphore, #tpu.memory_space<semaphore_mem>>) src(%dma_wait3A_1150 : memref<401408x128xf32, #tpu.memory_space<hbm>>) dst(%dma_wait3A_1145 : memref<128x128xf32, #tpu.memory_space<vmem>>)
    "tpu.region"() ({
      %run_scoped3A = tpu.sem_alloc : memref<!tpu.dma_semaphore, #tpu.memory_space<semaphore_mem>>
      %dma_start3A_1151 = arith.constant 0 : i32
      %dma_start3A_1152 = arith.constant 96 : i32
      %dma_start3A_1153 = tpu.memref_slice %arg6[%dma_start3A_1151, %dma_start3A_1152] : memref<512x128xf32, #tpu.memory_space<vmem>> -> memref<512x32xf32, #tpu.memory_space<vmem>>
      %dma_start3A_1154 = arith.constant 0 : i32
      %dma_start3A_1155 = tpu.memref_slice %arg4[%add3A_1082, %dma_start3A_1154] : memref<262144x32xf32, #tpu.memory_space<hbm>> -> memref<512x32xf32, #tpu.memory_space<hbm>>
      %dma_start3A_1156 = arith.constant 0 : i32
      %dma_start3A_1157 = tpu.memref_slice %arg4[%add3A_1082, %dma_start3A_1156] : memref<262144x32xf32, #tpu.memory_space<hbm>> -> memref<512x32xf32, #tpu.memory_space<hbm>>
      %dma_start3A_1158 = arith.constant 0 : i32
      %dma_start3A_1159 = arith.constant 96 : i32
      %dma_start3A_1160 = tpu.memref_slice %arg6[%dma_start3A_1158, %dma_start3A_1159] : memref<512x128xf32, #tpu.memory_space<vmem>> -> memref<512x32xf32, #tpu.memory_space<vmem>>
      tpu.enqueue_dma source(%dma_start3A_1160 : memref<512x32xf32, #tpu.memory_space<vmem>>) target(%dma_start3A_1157 : memref<512x32xf32, #tpu.memory_space<hbm>>) target_semaphore(%run_scoped3A : memref<!tpu.dma_semaphore, #tpu.memory_space<semaphore_mem>>)
      %dma_wait3A_1161 = arith.constant 0 : i32
      %dma_wait3A_1162 = arith.constant 96 : i32
      %dma_wait3A_1163 = tpu.memref_slice %arg6[%dma_wait3A_1161, %dma_wait3A_1162] : memref<512x128xf32, #tpu.memory_space<vmem>> -> memref<512x32xf32, #tpu.memory_space<vmem>>
      %dma_wait3A_1164 = arith.constant 0 : i32
      %dma_wait3A_1165 = tpu.memref_slice %arg4[%add3A_1082, %dma_wait3A_1164] : memref<262144x32xf32, #tpu.memory_space<hbm>> -> memref<512x32xf32, #tpu.memory_space<hbm>>
      %dma_wait3A_1166 = arith.constant 0 : i32
      %dma_wait3A_1167 = tpu.memref_slice %arg4[%add3A_1082, %dma_wait3A_1166] : memref<262144x32xf32, #tpu.memory_space<hbm>> -> memref<512x32xf32, #tpu.memory_space<hbm>>
      %dma_wait3A_1168 = arith.constant 0 : i32
      %dma_wait3A_1169 = arith.constant 96 : i32
      %dma_wait3A_1170 = tpu.memref_slice %arg6[%dma_wait3A_1168, %dma_wait3A_1169] : memref<512x128xf32, #tpu.memory_space<vmem>> -> memref<512x32xf32, #tpu.memory_space<vmem>>
      tpu.wait_dma2 semaphore(%run_scoped3A : memref<!tpu.dma_semaphore, #tpu.memory_space<semaphore_mem>>) src(%dma_wait3A_1170 : memref<512x32xf32, #tpu.memory_space<vmem>>) dst(%dma_wait3A_1167 : memref<512x32xf32, #tpu.memory_space<hbm>>)
      tpu.yield
    }) : () -> ()
    return
  }
}

#map = affine_map<(d0, d1) -> (0)>
#map1 = affine_map<(d0, d1) -> (0, 0)>
module attributes {stable_mosaic.version = 14 : i64} {
  func.func @_gather_body(%arg0: i32, %arg1: i32, %arg2: memref<425984xi32, #tpu.memory_space<hbm>>, %arg3: memref<301056x128xf32, #tpu.memory_space<hbm>>, %arg4: memref<163840x32xf32, #tpu.memory_space<hbm>>, %arg5: memref<512xi32, #tpu.memory_space<vmem>>, %arg6: memref<512x128xf32, #tpu.memory_space<vmem>>, %arg7: memref<!tpu.dma_semaphore, #tpu.memory_space<semaphore_mem>>) attributes {dimension_semantics = [#tpu.dimension_semantics<core_parallel>, #tpu.dimension_semantics<subcore_parallel>], iteration_bounds = array<i64: 2, 16>, scalar_prefetch = 0 : i64, scratch_operands = 3 : i64, tpu.core_type = #tpu.core_type<sc_vector_subcore>, window_params = [{transform_indices = #map}, {transform_indices = #map1}, {transform_indices = #map1}]} {
    %mul3A = arith.constant 2 : i32
    %mul3A_0 = arith.muli %arg1, %mul3A : i32
    %add3A = arith.addi %mul3A_0, %arg0 : i32
    %mul3A_1 = arith.constant 512 : i32
    %mul3A_2 = arith.muli %add3A, %mul3A_1 : i32
    %add3A_3 = arith.constant 0 : i32
    %add3A_4 = arith.addi %add3A_3, %mul3A_2 : i32
    %mul3A_5 = arith.constant 512 : i32
    %mul3A_6 = arith.muli %add3A, %mul3A_5 : i32
    %add3A_7 = arith.constant 262144 : i32
    %add3A_8 = arith.addi %add3A_7, %mul3A_6 : i32
    "tpu.region"() ({
      %run_scoped3A = tpu.sem_alloc : memref<!tpu.dma_semaphore, #tpu.memory_space<semaphore_mem>>
      %dma_start3A_719 = tpu.memref_slice %arg2[%add3A_8] : memref<425984xi32, #tpu.memory_space<hbm>> -> memref<512xi32, #tpu.memory_space<hbm>>
      %dma_start3A_720 = tpu.memref_slice %arg2[%add3A_8] : memref<425984xi32, #tpu.memory_space<hbm>> -> memref<512xi32, #tpu.memory_space<hbm>>
      tpu.enqueue_dma source(%dma_start3A_720 : memref<512xi32, #tpu.memory_space<hbm>>) target(%arg5 : memref<512xi32, #tpu.memory_space<vmem>>) target_semaphore(%run_scoped3A : memref<!tpu.dma_semaphore, #tpu.memory_space<semaphore_mem>>)
      %dma_wait3A_721 = tpu.memref_slice %arg2[%add3A_8] : memref<425984xi32, #tpu.memory_space<hbm>> -> memref<512xi32, #tpu.memory_space<hbm>>
      %dma_wait3A_722 = tpu.memref_slice %arg2[%add3A_8] : memref<425984xi32, #tpu.memory_space<hbm>> -> memref<512xi32, #tpu.memory_space<hbm>>
      tpu.wait_dma2 semaphore(%run_scoped3A : memref<!tpu.dma_semaphore, #tpu.memory_space<semaphore_mem>>) src(%dma_wait3A_722 : memref<512xi32, #tpu.memory_space<hbm>>) dst(%arg5 : memref<512xi32, #tpu.memory_space<vmem>>)
      tpu.yield
    }) : () -> ()
    %dma_start3A = arith.constant 0 : i32
    %dma_start3A_9 = arith.constant 0 : i32
    %dma_start3A_10 = tpu.memref_slice %arg6[%dma_start3A, %dma_start3A_9] : memref<512x128xf32, #tpu.memory_space<vmem>> -> memref<128x128xf32, #tpu.memory_space<vmem>>
    %dma_start3A_11 = arith.constant 0 : i32
    %dma_start3A_12 = tpu.memref_slice %arg5[%dma_start3A_11] : memref<512xi32, #tpu.memory_space<vmem>> -> memref<128xi32, #tpu.memory_space<vmem>>
    %dma_start3A_13 = arith.constant 0 : i32
    %dma_start3A_14 = arith.constant 0 : i32
    %dma_start3A_15 = tpu.memref_slice %arg3[%dma_start3A_13, %dma_start3A_14] : memref<301056x128xf32, #tpu.memory_space<hbm>> -> memref<301056x128xf32, #tpu.memory_space<hbm>>
    tpu.enqueue_indirect_dma source(%dma_start3A_15 : memref<301056x128xf32, #tpu.memory_space<hbm>>) target(%dma_start3A_10 : memref<128x128xf32, #tpu.memory_space<vmem>>) offsets(%dma_start3A_12 : memref<128xi32, #tpu.memory_space<vmem>>) semaphore(%arg7 : memref<!tpu.dma_semaphore, #tpu.memory_space<semaphore_mem>>)
    %dma_start3A_16 = arith.constant 128 : i32
    %dma_start3A_17 = arith.constant 0 : i32
    %dma_start3A_18 = tpu.memref_slice %arg6[%dma_start3A_16, %dma_start3A_17] : memref<512x128xf32, #tpu.memory_space<vmem>> -> memref<128x128xf32, #tpu.memory_space<vmem>>
    %dma_start3A_19 = arith.constant 128 : i32
    %dma_start3A_20 = tpu.memref_slice %arg5[%dma_start3A_19] : memref<512xi32, #tpu.memory_space<vmem>> -> memref<128xi32, #tpu.memory_space<vmem>>
    %dma_start3A_21 = arith.constant 0 : i32
    %dma_start3A_22 = arith.constant 0 : i32
    %dma_start3A_23 = tpu.memref_slice %arg3[%dma_start3A_21, %dma_start3A_22] : memref<301056x128xf32, #tpu.memory_space<hbm>> -> memref<301056x128xf32, #tpu.memory_space<hbm>>
    tpu.enqueue_indirect_dma source(%dma_start3A_23 : memref<301056x128xf32, #tpu.memory_space<hbm>>) target(%dma_start3A_18 : memref<128x128xf32, #tpu.memory_space<vmem>>) offsets(%dma_start3A_20 : memref<128xi32, #tpu.memory_space<vmem>>) semaphore(%arg7 : memref<!tpu.dma_semaphore, #tpu.memory_space<semaphore_mem>>)
    %dma_start3A_24 = arith.constant 256 : i32
    %dma_start3A_25 = arith.constant 0 : i32
    %dma_start3A_26 = tpu.memref_slice %arg6[%dma_start3A_24, %dma_start3A_25] : memref<512x128xf32, #tpu.memory_space<vmem>> -> memref<128x128xf32, #tpu.memory_space<vmem>>
    %dma_start3A_27 = arith.constant 256 : i32
    %dma_start3A_28 = tpu.memref_slice %arg5[%dma_start3A_27] : memref<512xi32, #tpu.memory_space<vmem>> -> memref<128xi32, #tpu.memory_space<vmem>>
    %dma_start3A_29 = arith.constant 0 : i32
    %dma_start3A_30 = arith.constant 0 : i32
    %dma_start3A_31 = tpu.memref_slice %arg3[%dma_start3A_29, %dma_start3A_30] : memref<301056x128xf32, #tpu.memory_space<hbm>> -> memref<301056x128xf32, #tpu.memory_space<hbm>>
    tpu.enqueue_indirect_dma source(%dma_start3A_31 : memref<301056x128xf32, #tpu.memory_space<hbm>>) target(%dma_start3A_26 : memref<128x128xf32, #tpu.memory_space<vmem>>) offsets(%dma_start3A_28 : memref<128xi32, #tpu.memory_space<vmem>>) semaphore(%arg7 : memref<!tpu.dma_semaphore, #tpu.memory_space<semaphore_mem>>)
    %dma_start3A_32 = arith.constant 384 : i32
    %dma_start3A_33 = arith.constant 0 : i32
    %dma_start3A_34 = tpu.memref_slice %arg6[%dma_start3A_32, %dma_start3A_33] : memref<512x128xf32, #tpu.memory_space<vmem>> -> memref<128x128xf32, #tpu.memory_space<vmem>>
    %dma_start3A_35 = arith.constant 384 : i32
    %dma_start3A_36 = tpu.memref_slice %arg5[%dma_start3A_35] : memref<512xi32, #tpu.memory_space<vmem>> -> memref<128xi32, #tpu.memory_space<vmem>>
    %dma_start3A_37 = arith.constant 0 : i32
    %dma_start3A_38 = arith.constant 0 : i32
    %dma_start3A_39 = tpu.memref_slice %arg3[%dma_start3A_37, %dma_start3A_38] : memref<301056x128xf32, #tpu.memory_space<hbm>> -> memref<301056x128xf32, #tpu.memory_space<hbm>>
    tpu.enqueue_indirect_dma source(%dma_start3A_39 : memref<301056x128xf32, #tpu.memory_space<hbm>>) target(%dma_start3A_34 : memref<128x128xf32, #tpu.memory_space<vmem>>) offsets(%dma_start3A_36 : memref<128xi32, #tpu.memory_space<vmem>>) semaphore(%arg7 : memref<!tpu.dma_semaphore, #tpu.memory_space<semaphore_mem>>)
    %dma_wait3A = arith.constant 0 : i32
    %dma_wait3A_40 = arith.constant 0 : i32
    %dma_wait3A_41 = tpu.memref_slice %arg6[%dma_wait3A, %dma_wait3A_40] : memref<512x128xf32, #tpu.memory_space<vmem>> -> memref<128x128xf32, #tpu.memory_space<vmem>>
    %dma_wait3A_42 = arith.constant 0 : i32
    %dma_wait3A_43 = tpu.memref_slice %arg5[%dma_wait3A_42] : memref<512xi32, #tpu.memory_space<vmem>> -> memref<128xi32, #tpu.memory_space<vmem>>
    %dma_wait3A_44 = arith.constant 0 : i32
    %dma_wait3A_45 = arith.constant 0 : i32
    %dma_wait3A_46 = tpu.memref_slice %arg3[%dma_wait3A_44, %dma_wait3A_45] : memref<301056x128xf32, #tpu.memory_space<hbm>> -> memref<301056x128xf32, #tpu.memory_space<hbm>>
    tpu.wait_indirect_dma semaphore(%arg7 : memref<!tpu.dma_semaphore, #tpu.memory_space<semaphore_mem>>) src(%dma_wait3A_46 : memref<301056x128xf32, #tpu.memory_space<hbm>>) dst(%dma_wait3A_41 : memref<128x128xf32, #tpu.memory_space<vmem>>)
    %dma_wait3A_47 = arith.constant 128 : i32
    %dma_wait3A_48 = arith.constant 0 : i32
    %dma_wait3A_49 = tpu.memref_slice %arg6[%dma_wait3A_47, %dma_wait3A_48] : memref<512x128xf32, #tpu.memory_space<vmem>> -> memref<128x128xf32, #tpu.memory_space<vmem>>
    %dma_wait3A_50 = arith.constant 128 : i32
    %dma_wait3A_51 = tpu.memref_slice %arg5[%dma_wait3A_50] : memref<512xi32, #tpu.memory_space<vmem>> -> memref<128xi32, #tpu.memory_space<vmem>>
    %dma_wait3A_52 = arith.constant 0 : i32
    %dma_wait3A_53 = arith.constant 0 : i32
    %dma_wait3A_54 = tpu.memref_slice %arg3[%dma_wait3A_52, %dma_wait3A_53] : memref<301056x128xf32, #tpu.memory_space<hbm>> -> memref<301056x128xf32, #tpu.memory_space<hbm>>
    tpu.wait_indirect_dma semaphore(%arg7 : memref<!tpu.dma_semaphore, #tpu.memory_space<semaphore_mem>>) src(%dma_wait3A_54 : memref<301056x128xf32, #tpu.memory_space<hbm>>) dst(%dma_wait3A_49 : memref<128x128xf32, #tpu.memory_space<vmem>>)
    %dma_wait3A_55 = arith.constant 256 : i32
    %dma_wait3A_56 = arith.constant 0 : i32
    %dma_wait3A_57 = tpu.memref_slice %arg6[%dma_wait3A_55, %dma_wait3A_56] : memref<512x128xf32, #tpu.memory_space<vmem>> -> memref<128x128xf32, #tpu.memory_space<vmem>>
    %dma_wait3A_58 = arith.constant 256 : i32
    %dma_wait3A_59 = tpu.memref_slice %arg5[%dma_wait3A_58] : memref<512xi32, #tpu.memory_space<vmem>> -> memref<128xi32, #tpu.memory_space<vmem>>
    %dma_wait3A_60 = arith.constant 0 : i32
    %dma_wait3A_61 = arith.constant 0 : i32
    %dma_wait3A_62 = tpu.memref_slice %arg3[%dma_wait3A_60, %dma_wait3A_61] : memref<301056x128xf32, #tpu.memory_space<hbm>> -> memref<301056x128xf32, #tpu.memory_space<hbm>>
    tpu.wait_indirect_dma semaphore(%arg7 : memref<!tpu.dma_semaphore, #tpu.memory_space<semaphore_mem>>) src(%dma_wait3A_62 : memref<301056x128xf32, #tpu.memory_space<hbm>>) dst(%dma_wait3A_57 : memref<128x128xf32, #tpu.memory_space<vmem>>)
    %dma_wait3A_63 = arith.constant 384 : i32
    %dma_wait3A_64 = arith.constant 0 : i32
    %dma_wait3A_65 = tpu.memref_slice %arg6[%dma_wait3A_63, %dma_wait3A_64] : memref<512x128xf32, #tpu.memory_space<vmem>> -> memref<128x128xf32, #tpu.memory_space<vmem>>
    %dma_wait3A_66 = arith.constant 384 : i32
    %dma_wait3A_67 = tpu.memref_slice %arg5[%dma_wait3A_66] : memref<512xi32, #tpu.memory_space<vmem>> -> memref<128xi32, #tpu.memory_space<vmem>>
    %dma_wait3A_68 = arith.constant 0 : i32
    %dma_wait3A_69 = arith.constant 0 : i32
    %dma_wait3A_70 = tpu.memref_slice %arg3[%dma_wait3A_68, %dma_wait3A_69] : memref<301056x128xf32, #tpu.memory_space<hbm>> -> memref<301056x128xf32, #tpu.memory_space<hbm>>
    tpu.wait_indirect_dma semaphore(%arg7 : memref<!tpu.dma_semaphore, #tpu.memory_space<semaphore_mem>>) src(%dma_wait3A_70 : memref<301056x128xf32, #tpu.memory_space<hbm>>) dst(%dma_wait3A_65 : memref<128x128xf32, #tpu.memory_space<vmem>>)
    "tpu.region"() ({
      %run_scoped3A = tpu.sem_alloc : memref<!tpu.dma_semaphore, #tpu.memory_space<semaphore_mem>>
      %dma_start3A_719 = arith.constant 0 : i32
      %dma_start3A_720 = arith.constant 0 : i32
      %dma_start3A_721 = tpu.memref_slice %arg6[%dma_start3A_719, %dma_start3A_720] : memref<512x128xf32, #tpu.memory_space<vmem>> -> memref<512x32xf32, #tpu.memory_space<vmem>>
      %dma_start3A_722 = arith.constant 0 : i32
      %dma_start3A_723 = tpu.memref_slice %arg4[%add3A_4, %dma_start3A_722] : memref<163840x32xf32, #tpu.memory_space<hbm>> -> memref<512x32xf32, #tpu.memory_space<hbm>>
      %dma_start3A_724 = arith.constant 0 : i32
      %dma_start3A_725 = tpu.memref_slice %arg4[%add3A_4, %dma_start3A_724] : memref<163840x32xf32, #tpu.memory_space<hbm>> -> memref<512x32xf32, #tpu.memory_space<hbm>>
      %dma_start3A_726 = arith.constant 0 : i32
      %dma_start3A_727 = arith.constant 0 : i32
      %dma_start3A_728 = tpu.memref_slice %arg6[%dma_start3A_726, %dma_start3A_727] : memref<512x128xf32, #tpu.memory_space<vmem>> -> memref<512x32xf32, #tpu.memory_space<vmem>>
      tpu.enqueue_dma source(%dma_start3A_728 : memref<512x32xf32, #tpu.memory_space<vmem>>) target(%dma_start3A_725 : memref<512x32xf32, #tpu.memory_space<hbm>>) target_semaphore(%run_scoped3A : memref<!tpu.dma_semaphore, #tpu.memory_space<semaphore_mem>>)
      %dma_wait3A_729 = arith.constant 0 : i32
      %dma_wait3A_730 = arith.constant 0 : i32
      %dma_wait3A_731 = tpu.memref_slice %arg6[%dma_wait3A_729, %dma_wait3A_730] : memref<512x128xf32, #tpu.memory_space<vmem>> -> memref<512x32xf32, #tpu.memory_space<vmem>>
      %dma_wait3A_732 = arith.constant 0 : i32
      %dma_wait3A_733 = tpu.memref_slice %arg4[%add3A_4, %dma_wait3A_732] : memref<163840x32xf32, #tpu.memory_space<hbm>> -> memref<512x32xf32, #tpu.memory_space<hbm>>
      %dma_wait3A_734 = arith.constant 0 : i32
      %dma_wait3A_735 = tpu.memref_slice %arg4[%add3A_4, %dma_wait3A_734] : memref<163840x32xf32, #tpu.memory_space<hbm>> -> memref<512x32xf32, #tpu.memory_space<hbm>>
      %dma_wait3A_736 = arith.constant 0 : i32
      %dma_wait3A_737 = arith.constant 0 : i32
      %dma_wait3A_738 = tpu.memref_slice %arg6[%dma_wait3A_736, %dma_wait3A_737] : memref<512x128xf32, #tpu.memory_space<vmem>> -> memref<512x32xf32, #tpu.memory_space<vmem>>
      tpu.wait_dma2 semaphore(%run_scoped3A : memref<!tpu.dma_semaphore, #tpu.memory_space<semaphore_mem>>) src(%dma_wait3A_738 : memref<512x32xf32, #tpu.memory_space<vmem>>) dst(%dma_wait3A_735 : memref<512x32xf32, #tpu.memory_space<hbm>>)
      tpu.yield
    }) : () -> ()
    %mul3A_71 = arith.constant 512 : i32
    %mul3A_72 = arith.muli %add3A, %mul3A_71 : i32
    %add3A_73 = arith.constant 16384 : i32
    %add3A_74 = arith.addi %add3A_73, %mul3A_72 : i32
    %mul3A_75 = arith.constant 512 : i32
    %mul3A_76 = arith.muli %add3A, %mul3A_75 : i32
    %add3A_77 = arith.constant 278528 : i32
    %add3A_78 = arith.addi %add3A_77, %mul3A_76 : i32
    "tpu.region"() ({
      %run_scoped3A = tpu.sem_alloc : memref<!tpu.dma_semaphore, #tpu.memory_space<semaphore_mem>>
      %dma_start3A_719 = tpu.memref_slice %arg2[%add3A_78] : memref<425984xi32, #tpu.memory_space<hbm>> -> memref<512xi32, #tpu.memory_space<hbm>>
      %dma_start3A_720 = tpu.memref_slice %arg2[%add3A_78] : memref<425984xi32, #tpu.memory_space<hbm>> -> memref<512xi32, #tpu.memory_space<hbm>>
      tpu.enqueue_dma source(%dma_start3A_720 : memref<512xi32, #tpu.memory_space<hbm>>) target(%arg5 : memref<512xi32, #tpu.memory_space<vmem>>) target_semaphore(%run_scoped3A : memref<!tpu.dma_semaphore, #tpu.memory_space<semaphore_mem>>)
      %dma_wait3A_721 = tpu.memref_slice %arg2[%add3A_78] : memref<425984xi32, #tpu.memory_space<hbm>> -> memref<512xi32, #tpu.memory_space<hbm>>
      %dma_wait3A_722 = tpu.memref_slice %arg2[%add3A_78] : memref<425984xi32, #tpu.memory_space<hbm>> -> memref<512xi32, #tpu.memory_space<hbm>>
      tpu.wait_dma2 semaphore(%run_scoped3A : memref<!tpu.dma_semaphore, #tpu.memory_space<semaphore_mem>>) src(%dma_wait3A_722 : memref<512xi32, #tpu.memory_space<hbm>>) dst(%arg5 : memref<512xi32, #tpu.memory_space<vmem>>)
      tpu.yield
    }) : () -> ()
    %dma_start3A_79 = arith.constant 0 : i32
    %dma_start3A_80 = arith.constant 0 : i32
    %dma_start3A_81 = tpu.memref_slice %arg6[%dma_start3A_79, %dma_start3A_80] : memref<512x128xf32, #tpu.memory_space<vmem>> -> memref<128x128xf32, #tpu.memory_space<vmem>>
    %dma_start3A_82 = arith.constant 0 : i32
    %dma_start3A_83 = tpu.memref_slice %arg5[%dma_start3A_82] : memref<512xi32, #tpu.memory_space<vmem>> -> memref<128xi32, #tpu.memory_space<vmem>>
    %dma_start3A_84 = arith.constant 0 : i32
    %dma_start3A_85 = arith.constant 0 : i32
    %dma_start3A_86 = tpu.memref_slice %arg3[%dma_start3A_84, %dma_start3A_85] : memref<301056x128xf32, #tpu.memory_space<hbm>> -> memref<301056x128xf32, #tpu.memory_space<hbm>>
    tpu.enqueue_indirect_dma source(%dma_start3A_86 : memref<301056x128xf32, #tpu.memory_space<hbm>>) target(%dma_start3A_81 : memref<128x128xf32, #tpu.memory_space<vmem>>) offsets(%dma_start3A_83 : memref<128xi32, #tpu.memory_space<vmem>>) semaphore(%arg7 : memref<!tpu.dma_semaphore, #tpu.memory_space<semaphore_mem>>)
    %dma_start3A_87 = arith.constant 128 : i32
    %dma_start3A_88 = arith.constant 0 : i32
    %dma_start3A_89 = tpu.memref_slice %arg6[%dma_start3A_87, %dma_start3A_88] : memref<512x128xf32, #tpu.memory_space<vmem>> -> memref<128x128xf32, #tpu.memory_space<vmem>>
    %dma_start3A_90 = arith.constant 128 : i32
    %dma_start3A_91 = tpu.memref_slice %arg5[%dma_start3A_90] : memref<512xi32, #tpu.memory_space<vmem>> -> memref<128xi32, #tpu.memory_space<vmem>>
    %dma_start3A_92 = arith.constant 0 : i32
    %dma_start3A_93 = arith.constant 0 : i32
    %dma_start3A_94 = tpu.memref_slice %arg3[%dma_start3A_92, %dma_start3A_93] : memref<301056x128xf32, #tpu.memory_space<hbm>> -> memref<301056x128xf32, #tpu.memory_space<hbm>>
    tpu.enqueue_indirect_dma source(%dma_start3A_94 : memref<301056x128xf32, #tpu.memory_space<hbm>>) target(%dma_start3A_89 : memref<128x128xf32, #tpu.memory_space<vmem>>) offsets(%dma_start3A_91 : memref<128xi32, #tpu.memory_space<vmem>>) semaphore(%arg7 : memref<!tpu.dma_semaphore, #tpu.memory_space<semaphore_mem>>)
    %dma_start3A_95 = arith.constant 256 : i32
    %dma_start3A_96 = arith.constant 0 : i32
    %dma_start3A_97 = tpu.memref_slice %arg6[%dma_start3A_95, %dma_start3A_96] : memref<512x128xf32, #tpu.memory_space<vmem>> -> memref<128x128xf32, #tpu.memory_space<vmem>>
    %dma_start3A_98 = arith.constant 256 : i32
    %dma_start3A_99 = tpu.memref_slice %arg5[%dma_start3A_98] : memref<512xi32, #tpu.memory_space<vmem>> -> memref<128xi32, #tpu.memory_space<vmem>>
    %dma_start3A_100 = arith.constant 0 : i32
    %dma_start3A_101 = arith.constant 0 : i32
    %dma_start3A_102 = tpu.memref_slice %arg3[%dma_start3A_100, %dma_start3A_101] : memref<301056x128xf32, #tpu.memory_space<hbm>> -> memref<301056x128xf32, #tpu.memory_space<hbm>>
    tpu.enqueue_indirect_dma source(%dma_start3A_102 : memref<301056x128xf32, #tpu.memory_space<hbm>>) target(%dma_start3A_97 : memref<128x128xf32, #tpu.memory_space<vmem>>) offsets(%dma_start3A_99 : memref<128xi32, #tpu.memory_space<vmem>>) semaphore(%arg7 : memref<!tpu.dma_semaphore, #tpu.memory_space<semaphore_mem>>)
    %dma_start3A_103 = arith.constant 384 : i32
    %dma_start3A_104 = arith.constant 0 : i32
    %dma_start3A_105 = tpu.memref_slice %arg6[%dma_start3A_103, %dma_start3A_104] : memref<512x128xf32, #tpu.memory_space<vmem>> -> memref<128x128xf32, #tpu.memory_space<vmem>>
    %dma_start3A_106 = arith.constant 384 : i32
    %dma_start3A_107 = tpu.memref_slice %arg5[%dma_start3A_106] : memref<512xi32, #tpu.memory_space<vmem>> -> memref<128xi32, #tpu.memory_space<vmem>>
    %dma_start3A_108 = arith.constant 0 : i32
    %dma_start3A_109 = arith.constant 0 : i32
    %dma_start3A_110 = tpu.memref_slice %arg3[%dma_start3A_108, %dma_start3A_109] : memref<301056x128xf32, #tpu.memory_space<hbm>> -> memref<301056x128xf32, #tpu.memory_space<hbm>>
    tpu.enqueue_indirect_dma source(%dma_start3A_110 : memref<301056x128xf32, #tpu.memory_space<hbm>>) target(%dma_start3A_105 : memref<128x128xf32, #tpu.memory_space<vmem>>) offsets(%dma_start3A_107 : memref<128xi32, #tpu.memory_space<vmem>>) semaphore(%arg7 : memref<!tpu.dma_semaphore, #tpu.memory_space<semaphore_mem>>)
    %dma_wait3A_111 = arith.constant 0 : i32
    %dma_wait3A_112 = arith.constant 0 : i32
    %dma_wait3A_113 = tpu.memref_slice %arg6[%dma_wait3A_111, %dma_wait3A_112] : memref<512x128xf32, #tpu.memory_space<vmem>> -> memref<128x128xf32, #tpu.memory_space<vmem>>
    %dma_wait3A_114 = arith.constant 0 : i32
    %dma_wait3A_115 = tpu.memref_slice %arg5[%dma_wait3A_114] : memref<512xi32, #tpu.memory_space<vmem>> -> memref<128xi32, #tpu.memory_space<vmem>>
    %dma_wait3A_116 = arith.constant 0 : i32
    %dma_wait3A_117 = arith.constant 0 : i32
    %dma_wait3A_118 = tpu.memref_slice %arg3[%dma_wait3A_116, %dma_wait3A_117] : memref<301056x128xf32, #tpu.memory_space<hbm>> -> memref<301056x128xf32, #tpu.memory_space<hbm>>
    tpu.wait_indirect_dma semaphore(%arg7 : memref<!tpu.dma_semaphore, #tpu.memory_space<semaphore_mem>>) src(%dma_wait3A_118 : memref<301056x128xf32, #tpu.memory_space<hbm>>) dst(%dma_wait3A_113 : memref<128x128xf32, #tpu.memory_space<vmem>>)
    %dma_wait3A_119 = arith.constant 128 : i32
    %dma_wait3A_120 = arith.constant 0 : i32
    %dma_wait3A_121 = tpu.memref_slice %arg6[%dma_wait3A_119, %dma_wait3A_120] : memref<512x128xf32, #tpu.memory_space<vmem>> -> memref<128x128xf32, #tpu.memory_space<vmem>>
    %dma_wait3A_122 = arith.constant 128 : i32
    %dma_wait3A_123 = tpu.memref_slice %arg5[%dma_wait3A_122] : memref<512xi32, #tpu.memory_space<vmem>> -> memref<128xi32, #tpu.memory_space<vmem>>
    %dma_wait3A_124 = arith.constant 0 : i32
    %dma_wait3A_125 = arith.constant 0 : i32
    %dma_wait3A_126 = tpu.memref_slice %arg3[%dma_wait3A_124, %dma_wait3A_125] : memref<301056x128xf32, #tpu.memory_space<hbm>> -> memref<301056x128xf32, #tpu.memory_space<hbm>>
    tpu.wait_indirect_dma semaphore(%arg7 : memref<!tpu.dma_semaphore, #tpu.memory_space<semaphore_mem>>) src(%dma_wait3A_126 : memref<301056x128xf32, #tpu.memory_space<hbm>>) dst(%dma_wait3A_121 : memref<128x128xf32, #tpu.memory_space<vmem>>)
    %dma_wait3A_127 = arith.constant 256 : i32
    %dma_wait3A_128 = arith.constant 0 : i32
    %dma_wait3A_129 = tpu.memref_slice %arg6[%dma_wait3A_127, %dma_wait3A_128] : memref<512x128xf32, #tpu.memory_space<vmem>> -> memref<128x128xf32, #tpu.memory_space<vmem>>
    %dma_wait3A_130 = arith.constant 256 : i32
    %dma_wait3A_131 = tpu.memref_slice %arg5[%dma_wait3A_130] : memref<512xi32, #tpu.memory_space<vmem>> -> memref<128xi32, #tpu.memory_space<vmem>>
    %dma_wait3A_132 = arith.constant 0 : i32
    %dma_wait3A_133 = arith.constant 0 : i32
    %dma_wait3A_134 = tpu.memref_slice %arg3[%dma_wait3A_132, %dma_wait3A_133] : memref<301056x128xf32, #tpu.memory_space<hbm>> -> memref<301056x128xf32, #tpu.memory_space<hbm>>
    tpu.wait_indirect_dma semaphore(%arg7 : memref<!tpu.dma_semaphore, #tpu.memory_space<semaphore_mem>>) src(%dma_wait3A_134 : memref<301056x128xf32, #tpu.memory_space<hbm>>) dst(%dma_wait3A_129 : memref<128x128xf32, #tpu.memory_space<vmem>>)
    %dma_wait3A_135 = arith.constant 384 : i32
    %dma_wait3A_136 = arith.constant 0 : i32
    %dma_wait3A_137 = tpu.memref_slice %arg6[%dma_wait3A_135, %dma_wait3A_136] : memref<512x128xf32, #tpu.memory_space<vmem>> -> memref<128x128xf32, #tpu.memory_space<vmem>>
    %dma_wait3A_138 = arith.constant 384 : i32
    %dma_wait3A_139 = tpu.memref_slice %arg5[%dma_wait3A_138] : memref<512xi32, #tpu.memory_space<vmem>> -> memref<128xi32, #tpu.memory_space<vmem>>
    %dma_wait3A_140 = arith.constant 0 : i32
    %dma_wait3A_141 = arith.constant 0 : i32
    %dma_wait3A_142 = tpu.memref_slice %arg3[%dma_wait3A_140, %dma_wait3A_141] : memref<301056x128xf32, #tpu.memory_space<hbm>> -> memref<301056x128xf32, #tpu.memory_space<hbm>>
    tpu.wait_indirect_dma semaphore(%arg7 : memref<!tpu.dma_semaphore, #tpu.memory_space<semaphore_mem>>) src(%dma_wait3A_142 : memref<301056x128xf32, #tpu.memory_space<hbm>>) dst(%dma_wait3A_137 : memref<128x128xf32, #tpu.memory_space<vmem>>)
    "tpu.region"() ({
      %run_scoped3A = tpu.sem_alloc : memref<!tpu.dma_semaphore, #tpu.memory_space<semaphore_mem>>
      %dma_start3A_719 = arith.constant 0 : i32
      %dma_start3A_720 = arith.constant 32 : i32
      %dma_start3A_721 = tpu.memref_slice %arg6[%dma_start3A_719, %dma_start3A_720] : memref<512x128xf32, #tpu.memory_space<vmem>> -> memref<512x32xf32, #tpu.memory_space<vmem>>
      %dma_start3A_722 = arith.constant 0 : i32
      %dma_start3A_723 = tpu.memref_slice %arg4[%add3A_74, %dma_start3A_722] : memref<163840x32xf32, #tpu.memory_space<hbm>> -> memref<512x32xf32, #tpu.memory_space<hbm>>
      %dma_start3A_724 = arith.constant 0 : i32
      %dma_start3A_725 = tpu.memref_slice %arg4[%add3A_74, %dma_start3A_724] : memref<163840x32xf32, #tpu.memory_space<hbm>> -> memref<512x32xf32, #tpu.memory_space<hbm>>
      %dma_start3A_726 = arith.constant 0 : i32
      %dma_start3A_727 = arith.constant 32 : i32
      %dma_start3A_728 = tpu.memref_slice %arg6[%dma_start3A_726, %dma_start3A_727] : memref<512x128xf32, #tpu.memory_space<vmem>> -> memref<512x32xf32, #tpu.memory_space<vmem>>
      tpu.enqueue_dma source(%dma_start3A_728 : memref<512x32xf32, #tpu.memory_space<vmem>>) target(%dma_start3A_725 : memref<512x32xf32, #tpu.memory_space<hbm>>) target_semaphore(%run_scoped3A : memref<!tpu.dma_semaphore, #tpu.memory_space<semaphore_mem>>)
      %dma_wait3A_729 = arith.constant 0 : i32
      %dma_wait3A_730 = arith.constant 32 : i32
      %dma_wait3A_731 = tpu.memref_slice %arg6[%dma_wait3A_729, %dma_wait3A_730] : memref<512x128xf32, #tpu.memory_space<vmem>> -> memref<512x32xf32, #tpu.memory_space<vmem>>
      %dma_wait3A_732 = arith.constant 0 : i32
      %dma_wait3A_733 = tpu.memref_slice %arg4[%add3A_74, %dma_wait3A_732] : memref<163840x32xf32, #tpu.memory_space<hbm>> -> memref<512x32xf32, #tpu.memory_space<hbm>>
      %dma_wait3A_734 = arith.constant 0 : i32
      %dma_wait3A_735 = tpu.memref_slice %arg4[%add3A_74, %dma_wait3A_734] : memref<163840x32xf32, #tpu.memory_space<hbm>> -> memref<512x32xf32, #tpu.memory_space<hbm>>
      %dma_wait3A_736 = arith.constant 0 : i32
      %dma_wait3A_737 = arith.constant 32 : i32
      %dma_wait3A_738 = tpu.memref_slice %arg6[%dma_wait3A_736, %dma_wait3A_737] : memref<512x128xf32, #tpu.memory_space<vmem>> -> memref<512x32xf32, #tpu.memory_space<vmem>>
      tpu.wait_dma2 semaphore(%run_scoped3A : memref<!tpu.dma_semaphore, #tpu.memory_space<semaphore_mem>>) src(%dma_wait3A_738 : memref<512x32xf32, #tpu.memory_space<vmem>>) dst(%dma_wait3A_735 : memref<512x32xf32, #tpu.memory_space<hbm>>)
      tpu.yield
    }) : () -> ()
    %mul3A_143 = arith.constant 512 : i32
    %mul3A_144 = arith.muli %add3A, %mul3A_143 : i32
    %add3A_145 = arith.constant 32768 : i32
    %add3A_146 = arith.addi %add3A_145, %mul3A_144 : i32
    %mul3A_147 = arith.constant 512 : i32
    %mul3A_148 = arith.muli %add3A, %mul3A_147 : i32
    %add3A_149 = arith.constant 294912 : i32
    %add3A_150 = arith.addi %add3A_149, %mul3A_148 : i32
    "tpu.region"() ({
      %run_scoped3A = tpu.sem_alloc : memref<!tpu.dma_semaphore, #tpu.memory_space<semaphore_mem>>
      %dma_start3A_719 = tpu.memref_slice %arg2[%add3A_150] : memref<425984xi32, #tpu.memory_space<hbm>> -> memref<512xi32, #tpu.memory_space<hbm>>
      %dma_start3A_720 = tpu.memref_slice %arg2[%add3A_150] : memref<425984xi32, #tpu.memory_space<hbm>> -> memref<512xi32, #tpu.memory_space<hbm>>
      tpu.enqueue_dma source(%dma_start3A_720 : memref<512xi32, #tpu.memory_space<hbm>>) target(%arg5 : memref<512xi32, #tpu.memory_space<vmem>>) target_semaphore(%run_scoped3A : memref<!tpu.dma_semaphore, #tpu.memory_space<semaphore_mem>>)
      %dma_wait3A_721 = tpu.memref_slice %arg2[%add3A_150] : memref<425984xi32, #tpu.memory_space<hbm>> -> memref<512xi32, #tpu.memory_space<hbm>>
      %dma_wait3A_722 = tpu.memref_slice %arg2[%add3A_150] : memref<425984xi32, #tpu.memory_space<hbm>> -> memref<512xi32, #tpu.memory_space<hbm>>
      tpu.wait_dma2 semaphore(%run_scoped3A : memref<!tpu.dma_semaphore, #tpu.memory_space<semaphore_mem>>) src(%dma_wait3A_722 : memref<512xi32, #tpu.memory_space<hbm>>) dst(%arg5 : memref<512xi32, #tpu.memory_space<vmem>>)
      tpu.yield
    }) : () -> ()
    %dma_start3A_151 = arith.constant 0 : i32
    %dma_start3A_152 = arith.constant 0 : i32
    %dma_start3A_153 = tpu.memref_slice %arg6[%dma_start3A_151, %dma_start3A_152] : memref<512x128xf32, #tpu.memory_space<vmem>> -> memref<128x128xf32, #tpu.memory_space<vmem>>
    %dma_start3A_154 = arith.constant 0 : i32
    %dma_start3A_155 = tpu.memref_slice %arg5[%dma_start3A_154] : memref<512xi32, #tpu.memory_space<vmem>> -> memref<128xi32, #tpu.memory_space<vmem>>
    %dma_start3A_156 = arith.constant 0 : i32
    %dma_start3A_157 = arith.constant 0 : i32
    %dma_start3A_158 = tpu.memref_slice %arg3[%dma_start3A_156, %dma_start3A_157] : memref<301056x128xf32, #tpu.memory_space<hbm>> -> memref<301056x128xf32, #tpu.memory_space<hbm>>
    tpu.enqueue_indirect_dma source(%dma_start3A_158 : memref<301056x128xf32, #tpu.memory_space<hbm>>) target(%dma_start3A_153 : memref<128x128xf32, #tpu.memory_space<vmem>>) offsets(%dma_start3A_155 : memref<128xi32, #tpu.memory_space<vmem>>) semaphore(%arg7 : memref<!tpu.dma_semaphore, #tpu.memory_space<semaphore_mem>>)
    %dma_start3A_159 = arith.constant 128 : i32
    %dma_start3A_160 = arith.constant 0 : i32
    %dma_start3A_161 = tpu.memref_slice %arg6[%dma_start3A_159, %dma_start3A_160] : memref<512x128xf32, #tpu.memory_space<vmem>> -> memref<128x128xf32, #tpu.memory_space<vmem>>
    %dma_start3A_162 = arith.constant 128 : i32
    %dma_start3A_163 = tpu.memref_slice %arg5[%dma_start3A_162] : memref<512xi32, #tpu.memory_space<vmem>> -> memref<128xi32, #tpu.memory_space<vmem>>
    %dma_start3A_164 = arith.constant 0 : i32
    %dma_start3A_165 = arith.constant 0 : i32
    %dma_start3A_166 = tpu.memref_slice %arg3[%dma_start3A_164, %dma_start3A_165] : memref<301056x128xf32, #tpu.memory_space<hbm>> -> memref<301056x128xf32, #tpu.memory_space<hbm>>
    tpu.enqueue_indirect_dma source(%dma_start3A_166 : memref<301056x128xf32, #tpu.memory_space<hbm>>) target(%dma_start3A_161 : memref<128x128xf32, #tpu.memory_space<vmem>>) offsets(%dma_start3A_163 : memref<128xi32, #tpu.memory_space<vmem>>) semaphore(%arg7 : memref<!tpu.dma_semaphore, #tpu.memory_space<semaphore_mem>>)
    %dma_start3A_167 = arith.constant 256 : i32
    %dma_start3A_168 = arith.constant 0 : i32
    %dma_start3A_169 = tpu.memref_slice %arg6[%dma_start3A_167, %dma_start3A_168] : memref<512x128xf32, #tpu.memory_space<vmem>> -> memref<128x128xf32, #tpu.memory_space<vmem>>
    %dma_start3A_170 = arith.constant 256 : i32
    %dma_start3A_171 = tpu.memref_slice %arg5[%dma_start3A_170] : memref<512xi32, #tpu.memory_space<vmem>> -> memref<128xi32, #tpu.memory_space<vmem>>
    %dma_start3A_172 = arith.constant 0 : i32
    %dma_start3A_173 = arith.constant 0 : i32
    %dma_start3A_174 = tpu.memref_slice %arg3[%dma_start3A_172, %dma_start3A_173] : memref<301056x128xf32, #tpu.memory_space<hbm>> -> memref<301056x128xf32, #tpu.memory_space<hbm>>
    tpu.enqueue_indirect_dma source(%dma_start3A_174 : memref<301056x128xf32, #tpu.memory_space<hbm>>) target(%dma_start3A_169 : memref<128x128xf32, #tpu.memory_space<vmem>>) offsets(%dma_start3A_171 : memref<128xi32, #tpu.memory_space<vmem>>) semaphore(%arg7 : memref<!tpu.dma_semaphore, #tpu.memory_space<semaphore_mem>>)
    %dma_start3A_175 = arith.constant 384 : i32
    %dma_start3A_176 = arith.constant 0 : i32
    %dma_start3A_177 = tpu.memref_slice %arg6[%dma_start3A_175, %dma_start3A_176] : memref<512x128xf32, #tpu.memory_space<vmem>> -> memref<128x128xf32, #tpu.memory_space<vmem>>
    %dma_start3A_178 = arith.constant 384 : i32
    %dma_start3A_179 = tpu.memref_slice %arg5[%dma_start3A_178] : memref<512xi32, #tpu.memory_space<vmem>> -> memref<128xi32, #tpu.memory_space<vmem>>
    %dma_start3A_180 = arith.constant 0 : i32
    %dma_start3A_181 = arith.constant 0 : i32
    %dma_start3A_182 = tpu.memref_slice %arg3[%dma_start3A_180, %dma_start3A_181] : memref<301056x128xf32, #tpu.memory_space<hbm>> -> memref<301056x128xf32, #tpu.memory_space<hbm>>
    tpu.enqueue_indirect_dma source(%dma_start3A_182 : memref<301056x128xf32, #tpu.memory_space<hbm>>) target(%dma_start3A_177 : memref<128x128xf32, #tpu.memory_space<vmem>>) offsets(%dma_start3A_179 : memref<128xi32, #tpu.memory_space<vmem>>) semaphore(%arg7 : memref<!tpu.dma_semaphore, #tpu.memory_space<semaphore_mem>>)
    %dma_wait3A_183 = arith.constant 0 : i32
    %dma_wait3A_184 = arith.constant 0 : i32
    %dma_wait3A_185 = tpu.memref_slice %arg6[%dma_wait3A_183, %dma_wait3A_184] : memref<512x128xf32, #tpu.memory_space<vmem>> -> memref<128x128xf32, #tpu.memory_space<vmem>>
    %dma_wait3A_186 = arith.constant 0 : i32
    %dma_wait3A_187 = tpu.memref_slice %arg5[%dma_wait3A_186] : memref<512xi32, #tpu.memory_space<vmem>> -> memref<128xi32, #tpu.memory_space<vmem>>
    %dma_wait3A_188 = arith.constant 0 : i32
    %dma_wait3A_189 = arith.constant 0 : i32
    %dma_wait3A_190 = tpu.memref_slice %arg3[%dma_wait3A_188, %dma_wait3A_189] : memref<301056x128xf32, #tpu.memory_space<hbm>> -> memref<301056x128xf32, #tpu.memory_space<hbm>>
    tpu.wait_indirect_dma semaphore(%arg7 : memref<!tpu.dma_semaphore, #tpu.memory_space<semaphore_mem>>) src(%dma_wait3A_190 : memref<301056x128xf32, #tpu.memory_space<hbm>>) dst(%dma_wait3A_185 : memref<128x128xf32, #tpu.memory_space<vmem>>)
    %dma_wait3A_191 = arith.constant 128 : i32
    %dma_wait3A_192 = arith.constant 0 : i32
    %dma_wait3A_193 = tpu.memref_slice %arg6[%dma_wait3A_191, %dma_wait3A_192] : memref<512x128xf32, #tpu.memory_space<vmem>> -> memref<128x128xf32, #tpu.memory_space<vmem>>
    %dma_wait3A_194 = arith.constant 128 : i32
    %dma_wait3A_195 = tpu.memref_slice %arg5[%dma_wait3A_194] : memref<512xi32, #tpu.memory_space<vmem>> -> memref<128xi32, #tpu.memory_space<vmem>>
    %dma_wait3A_196 = arith.constant 0 : i32
    %dma_wait3A_197 = arith.constant 0 : i32
    %dma_wait3A_198 = tpu.memref_slice %arg3[%dma_wait3A_196, %dma_wait3A_197] : memref<301056x128xf32, #tpu.memory_space<hbm>> -> memref<301056x128xf32, #tpu.memory_space<hbm>>
    tpu.wait_indirect_dma semaphore(%arg7 : memref<!tpu.dma_semaphore, #tpu.memory_space<semaphore_mem>>) src(%dma_wait3A_198 : memref<301056x128xf32, #tpu.memory_space<hbm>>) dst(%dma_wait3A_193 : memref<128x128xf32, #tpu.memory_space<vmem>>)
    %dma_wait3A_199 = arith.constant 256 : i32
    %dma_wait3A_200 = arith.constant 0 : i32
    %dma_wait3A_201 = tpu.memref_slice %arg6[%dma_wait3A_199, %dma_wait3A_200] : memref<512x128xf32, #tpu.memory_space<vmem>> -> memref<128x128xf32, #tpu.memory_space<vmem>>
    %dma_wait3A_202 = arith.constant 256 : i32
    %dma_wait3A_203 = tpu.memref_slice %arg5[%dma_wait3A_202] : memref<512xi32, #tpu.memory_space<vmem>> -> memref<128xi32, #tpu.memory_space<vmem>>
    %dma_wait3A_204 = arith.constant 0 : i32
    %dma_wait3A_205 = arith.constant 0 : i32
    %dma_wait3A_206 = tpu.memref_slice %arg3[%dma_wait3A_204, %dma_wait3A_205] : memref<301056x128xf32, #tpu.memory_space<hbm>> -> memref<301056x128xf32, #tpu.memory_space<hbm>>
    tpu.wait_indirect_dma semaphore(%arg7 : memref<!tpu.dma_semaphore, #tpu.memory_space<semaphore_mem>>) src(%dma_wait3A_206 : memref<301056x128xf32, #tpu.memory_space<hbm>>) dst(%dma_wait3A_201 : memref<128x128xf32, #tpu.memory_space<vmem>>)
    %dma_wait3A_207 = arith.constant 384 : i32
    %dma_wait3A_208 = arith.constant 0 : i32
    %dma_wait3A_209 = tpu.memref_slice %arg6[%dma_wait3A_207, %dma_wait3A_208] : memref<512x128xf32, #tpu.memory_space<vmem>> -> memref<128x128xf32, #tpu.memory_space<vmem>>
    %dma_wait3A_210 = arith.constant 384 : i32
    %dma_wait3A_211 = tpu.memref_slice %arg5[%dma_wait3A_210] : memref<512xi32, #tpu.memory_space<vmem>> -> memref<128xi32, #tpu.memory_space<vmem>>
    %dma_wait3A_212 = arith.constant 0 : i32
    %dma_wait3A_213 = arith.constant 0 : i32
    %dma_wait3A_214 = tpu.memref_slice %arg3[%dma_wait3A_212, %dma_wait3A_213] : memref<301056x128xf32, #tpu.memory_space<hbm>> -> memref<301056x128xf32, #tpu.memory_space<hbm>>
    tpu.wait_indirect_dma semaphore(%arg7 : memref<!tpu.dma_semaphore, #tpu.memory_space<semaphore_mem>>) src(%dma_wait3A_214 : memref<301056x128xf32, #tpu.memory_space<hbm>>) dst(%dma_wait3A_209 : memref<128x128xf32, #tpu.memory_space<vmem>>)
    "tpu.region"() ({
      %run_scoped3A = tpu.sem_alloc : memref<!tpu.dma_semaphore, #tpu.memory_space<semaphore_mem>>
      %dma_start3A_719 = arith.constant 0 : i32
      %dma_start3A_720 = arith.constant 64 : i32
      %dma_start3A_721 = tpu.memref_slice %arg6[%dma_start3A_719, %dma_start3A_720] : memref<512x128xf32, #tpu.memory_space<vmem>> -> memref<512x32xf32, #tpu.memory_space<vmem>>
      %dma_start3A_722 = arith.constant 0 : i32
      %dma_start3A_723 = tpu.memref_slice %arg4[%add3A_146, %dma_start3A_722] : memref<163840x32xf32, #tpu.memory_space<hbm>> -> memref<512x32xf32, #tpu.memory_space<hbm>>
      %dma_start3A_724 = arith.constant 0 : i32
      %dma_start3A_725 = tpu.memref_slice %arg4[%add3A_146, %dma_start3A_724] : memref<163840x32xf32, #tpu.memory_space<hbm>> -> memref<512x32xf32, #tpu.memory_space<hbm>>
      %dma_start3A_726 = arith.constant 0 : i32
      %dma_start3A_727 = arith.constant 64 : i32
      %dma_start3A_728 = tpu.memref_slice %arg6[%dma_start3A_726, %dma_start3A_727] : memref<512x128xf32, #tpu.memory_space<vmem>> -> memref<512x32xf32, #tpu.memory_space<vmem>>
      tpu.enqueue_dma source(%dma_start3A_728 : memref<512x32xf32, #tpu.memory_space<vmem>>) target(%dma_start3A_725 : memref<512x32xf32, #tpu.memory_space<hbm>>) target_semaphore(%run_scoped3A : memref<!tpu.dma_semaphore, #tpu.memory_space<semaphore_mem>>)
      %dma_wait3A_729 = arith.constant 0 : i32
      %dma_wait3A_730 = arith.constant 64 : i32
      %dma_wait3A_731 = tpu.memref_slice %arg6[%dma_wait3A_729, %dma_wait3A_730] : memref<512x128xf32, #tpu.memory_space<vmem>> -> memref<512x32xf32, #tpu.memory_space<vmem>>
      %dma_wait3A_732 = arith.constant 0 : i32
      %dma_wait3A_733 = tpu.memref_slice %arg4[%add3A_146, %dma_wait3A_732] : memref<163840x32xf32, #tpu.memory_space<hbm>> -> memref<512x32xf32, #tpu.memory_space<hbm>>
      %dma_wait3A_734 = arith.constant 0 : i32
      %dma_wait3A_735 = tpu.memref_slice %arg4[%add3A_146, %dma_wait3A_734] : memref<163840x32xf32, #tpu.memory_space<hbm>> -> memref<512x32xf32, #tpu.memory_space<hbm>>
      %dma_wait3A_736 = arith.constant 0 : i32
      %dma_wait3A_737 = arith.constant 64 : i32
      %dma_wait3A_738 = tpu.memref_slice %arg6[%dma_wait3A_736, %dma_wait3A_737] : memref<512x128xf32, #tpu.memory_space<vmem>> -> memref<512x32xf32, #tpu.memory_space<vmem>>
      tpu.wait_dma2 semaphore(%run_scoped3A : memref<!tpu.dma_semaphore, #tpu.memory_space<semaphore_mem>>) src(%dma_wait3A_738 : memref<512x32xf32, #tpu.memory_space<vmem>>) dst(%dma_wait3A_735 : memref<512x32xf32, #tpu.memory_space<hbm>>)
      tpu.yield
    }) : () -> ()
    %mul3A_215 = arith.constant 512 : i32
    %mul3A_216 = arith.muli %add3A, %mul3A_215 : i32
    %add3A_217 = arith.constant 49152 : i32
    %add3A_218 = arith.addi %add3A_217, %mul3A_216 : i32
    %mul3A_219 = arith.constant 512 : i32
    %mul3A_220 = arith.muli %add3A, %mul3A_219 : i32
    %add3A_221 = arith.constant 311296 : i32
    %add3A_222 = arith.addi %add3A_221, %mul3A_220 : i32
    "tpu.region"() ({
      %run_scoped3A = tpu.sem_alloc : memref<!tpu.dma_semaphore, #tpu.memory_space<semaphore_mem>>
      %dma_start3A_719 = tpu.memref_slice %arg2[%add3A_222] : memref<425984xi32, #tpu.memory_space<hbm>> -> memref<512xi32, #tpu.memory_space<hbm>>
      %dma_start3A_720 = tpu.memref_slice %arg2[%add3A_222] : memref<425984xi32, #tpu.memory_space<hbm>> -> memref<512xi32, #tpu.memory_space<hbm>>
      tpu.enqueue_dma source(%dma_start3A_720 : memref<512xi32, #tpu.memory_space<hbm>>) target(%arg5 : memref<512xi32, #tpu.memory_space<vmem>>) target_semaphore(%run_scoped3A : memref<!tpu.dma_semaphore, #tpu.memory_space<semaphore_mem>>)
      %dma_wait3A_721 = tpu.memref_slice %arg2[%add3A_222] : memref<425984xi32, #tpu.memory_space<hbm>> -> memref<512xi32, #tpu.memory_space<hbm>>
      %dma_wait3A_722 = tpu.memref_slice %arg2[%add3A_222] : memref<425984xi32, #tpu.memory_space<hbm>> -> memref<512xi32, #tpu.memory_space<hbm>>
      tpu.wait_dma2 semaphore(%run_scoped3A : memref<!tpu.dma_semaphore, #tpu.memory_space<semaphore_mem>>) src(%dma_wait3A_722 : memref<512xi32, #tpu.memory_space<hbm>>) dst(%arg5 : memref<512xi32, #tpu.memory_space<vmem>>)
      tpu.yield
    }) : () -> ()
    %dma_start3A_223 = arith.constant 0 : i32
    %dma_start3A_224 = arith.constant 0 : i32
    %dma_start3A_225 = tpu.memref_slice %arg6[%dma_start3A_223, %dma_start3A_224] : memref<512x128xf32, #tpu.memory_space<vmem>> -> memref<128x128xf32, #tpu.memory_space<vmem>>
    %dma_start3A_226 = arith.constant 0 : i32
    %dma_start3A_227 = tpu.memref_slice %arg5[%dma_start3A_226] : memref<512xi32, #tpu.memory_space<vmem>> -> memref<128xi32, #tpu.memory_space<vmem>>
    %dma_start3A_228 = arith.constant 0 : i32
    %dma_start3A_229 = arith.constant 0 : i32
    %dma_start3A_230 = tpu.memref_slice %arg3[%dma_start3A_228, %dma_start3A_229] : memref<301056x128xf32, #tpu.memory_space<hbm>> -> memref<301056x128xf32, #tpu.memory_space<hbm>>
    tpu.enqueue_indirect_dma source(%dma_start3A_230 : memref<301056x128xf32, #tpu.memory_space<hbm>>) target(%dma_start3A_225 : memref<128x128xf32, #tpu.memory_space<vmem>>) offsets(%dma_start3A_227 : memref<128xi32, #tpu.memory_space<vmem>>) semaphore(%arg7 : memref<!tpu.dma_semaphore, #tpu.memory_space<semaphore_mem>>)
    %dma_start3A_231 = arith.constant 128 : i32
    %dma_start3A_232 = arith.constant 0 : i32
    %dma_start3A_233 = tpu.memref_slice %arg6[%dma_start3A_231, %dma_start3A_232] : memref<512x128xf32, #tpu.memory_space<vmem>> -> memref<128x128xf32, #tpu.memory_space<vmem>>
    %dma_start3A_234 = arith.constant 128 : i32
    %dma_start3A_235 = tpu.memref_slice %arg5[%dma_start3A_234] : memref<512xi32, #tpu.memory_space<vmem>> -> memref<128xi32, #tpu.memory_space<vmem>>
    %dma_start3A_236 = arith.constant 0 : i32
    %dma_start3A_237 = arith.constant 0 : i32
    %dma_start3A_238 = tpu.memref_slice %arg3[%dma_start3A_236, %dma_start3A_237] : memref<301056x128xf32, #tpu.memory_space<hbm>> -> memref<301056x128xf32, #tpu.memory_space<hbm>>
    tpu.enqueue_indirect_dma source(%dma_start3A_238 : memref<301056x128xf32, #tpu.memory_space<hbm>>) target(%dma_start3A_233 : memref<128x128xf32, #tpu.memory_space<vmem>>) offsets(%dma_start3A_235 : memref<128xi32, #tpu.memory_space<vmem>>) semaphore(%arg7 : memref<!tpu.dma_semaphore, #tpu.memory_space<semaphore_mem>>)
    %dma_start3A_239 = arith.constant 256 : i32
    %dma_start3A_240 = arith.constant 0 : i32
    %dma_start3A_241 = tpu.memref_slice %arg6[%dma_start3A_239, %dma_start3A_240] : memref<512x128xf32, #tpu.memory_space<vmem>> -> memref<128x128xf32, #tpu.memory_space<vmem>>
    %dma_start3A_242 = arith.constant 256 : i32
    %dma_start3A_243 = tpu.memref_slice %arg5[%dma_start3A_242] : memref<512xi32, #tpu.memory_space<vmem>> -> memref<128xi32, #tpu.memory_space<vmem>>
    %dma_start3A_244 = arith.constant 0 : i32
    %dma_start3A_245 = arith.constant 0 : i32
    %dma_start3A_246 = tpu.memref_slice %arg3[%dma_start3A_244, %dma_start3A_245] : memref<301056x128xf32, #tpu.memory_space<hbm>> -> memref<301056x128xf32, #tpu.memory_space<hbm>>
    tpu.enqueue_indirect_dma source(%dma_start3A_246 : memref<301056x128xf32, #tpu.memory_space<hbm>>) target(%dma_start3A_241 : memref<128x128xf32, #tpu.memory_space<vmem>>) offsets(%dma_start3A_243 : memref<128xi32, #tpu.memory_space<vmem>>) semaphore(%arg7 : memref<!tpu.dma_semaphore, #tpu.memory_space<semaphore_mem>>)
    %dma_start3A_247 = arith.constant 384 : i32
    %dma_start3A_248 = arith.constant 0 : i32
    %dma_start3A_249 = tpu.memref_slice %arg6[%dma_start3A_247, %dma_start3A_248] : memref<512x128xf32, #tpu.memory_space<vmem>> -> memref<128x128xf32, #tpu.memory_space<vmem>>
    %dma_start3A_250 = arith.constant 384 : i32
    %dma_start3A_251 = tpu.memref_slice %arg5[%dma_start3A_250] : memref<512xi32, #tpu.memory_space<vmem>> -> memref<128xi32, #tpu.memory_space<vmem>>
    %dma_start3A_252 = arith.constant 0 : i32
    %dma_start3A_253 = arith.constant 0 : i32
    %dma_start3A_254 = tpu.memref_slice %arg3[%dma_start3A_252, %dma_start3A_253] : memref<301056x128xf32, #tpu.memory_space<hbm>> -> memref<301056x128xf32, #tpu.memory_space<hbm>>
    tpu.enqueue_indirect_dma source(%dma_start3A_254 : memref<301056x128xf32, #tpu.memory_space<hbm>>) target(%dma_start3A_249 : memref<128x128xf32, #tpu.memory_space<vmem>>) offsets(%dma_start3A_251 : memref<128xi32, #tpu.memory_space<vmem>>) semaphore(%arg7 : memref<!tpu.dma_semaphore, #tpu.memory_space<semaphore_mem>>)
    %dma_wait3A_255 = arith.constant 0 : i32
    %dma_wait3A_256 = arith.constant 0 : i32
    %dma_wait3A_257 = tpu.memref_slice %arg6[%dma_wait3A_255, %dma_wait3A_256] : memref<512x128xf32, #tpu.memory_space<vmem>> -> memref<128x128xf32, #tpu.memory_space<vmem>>
    %dma_wait3A_258 = arith.constant 0 : i32
    %dma_wait3A_259 = tpu.memref_slice %arg5[%dma_wait3A_258] : memref<512xi32, #tpu.memory_space<vmem>> -> memref<128xi32, #tpu.memory_space<vmem>>
    %dma_wait3A_260 = arith.constant 0 : i32
    %dma_wait3A_261 = arith.constant 0 : i32
    %dma_wait3A_262 = tpu.memref_slice %arg3[%dma_wait3A_260, %dma_wait3A_261] : memref<301056x128xf32, #tpu.memory_space<hbm>> -> memref<301056x128xf32, #tpu.memory_space<hbm>>
    tpu.wait_indirect_dma semaphore(%arg7 : memref<!tpu.dma_semaphore, #tpu.memory_space<semaphore_mem>>) src(%dma_wait3A_262 : memref<301056x128xf32, #tpu.memory_space<hbm>>) dst(%dma_wait3A_257 : memref<128x128xf32, #tpu.memory_space<vmem>>)
    %dma_wait3A_263 = arith.constant 128 : i32
    %dma_wait3A_264 = arith.constant 0 : i32
    %dma_wait3A_265 = tpu.memref_slice %arg6[%dma_wait3A_263, %dma_wait3A_264] : memref<512x128xf32, #tpu.memory_space<vmem>> -> memref<128x128xf32, #tpu.memory_space<vmem>>
    %dma_wait3A_266 = arith.constant 128 : i32
    %dma_wait3A_267 = tpu.memref_slice %arg5[%dma_wait3A_266] : memref<512xi32, #tpu.memory_space<vmem>> -> memref<128xi32, #tpu.memory_space<vmem>>
    %dma_wait3A_268 = arith.constant 0 : i32
    %dma_wait3A_269 = arith.constant 0 : i32
    %dma_wait3A_270 = tpu.memref_slice %arg3[%dma_wait3A_268, %dma_wait3A_269] : memref<301056x128xf32, #tpu.memory_space<hbm>> -> memref<301056x128xf32, #tpu.memory_space<hbm>>
    tpu.wait_indirect_dma semaphore(%arg7 : memref<!tpu.dma_semaphore, #tpu.memory_space<semaphore_mem>>) src(%dma_wait3A_270 : memref<301056x128xf32, #tpu.memory_space<hbm>>) dst(%dma_wait3A_265 : memref<128x128xf32, #tpu.memory_space<vmem>>)
    %dma_wait3A_271 = arith.constant 256 : i32
    %dma_wait3A_272 = arith.constant 0 : i32
    %dma_wait3A_273 = tpu.memref_slice %arg6[%dma_wait3A_271, %dma_wait3A_272] : memref<512x128xf32, #tpu.memory_space<vmem>> -> memref<128x128xf32, #tpu.memory_space<vmem>>
    %dma_wait3A_274 = arith.constant 256 : i32
    %dma_wait3A_275 = tpu.memref_slice %arg5[%dma_wait3A_274] : memref<512xi32, #tpu.memory_space<vmem>> -> memref<128xi32, #tpu.memory_space<vmem>>
    %dma_wait3A_276 = arith.constant 0 : i32
    %dma_wait3A_277 = arith.constant 0 : i32
    %dma_wait3A_278 = tpu.memref_slice %arg3[%dma_wait3A_276, %dma_wait3A_277] : memref<301056x128xf32, #tpu.memory_space<hbm>> -> memref<301056x128xf32, #tpu.memory_space<hbm>>
    tpu.wait_indirect_dma semaphore(%arg7 : memref<!tpu.dma_semaphore, #tpu.memory_space<semaphore_mem>>) src(%dma_wait3A_278 : memref<301056x128xf32, #tpu.memory_space<hbm>>) dst(%dma_wait3A_273 : memref<128x128xf32, #tpu.memory_space<vmem>>)
    %dma_wait3A_279 = arith.constant 384 : i32
    %dma_wait3A_280 = arith.constant 0 : i32
    %dma_wait3A_281 = tpu.memref_slice %arg6[%dma_wait3A_279, %dma_wait3A_280] : memref<512x128xf32, #tpu.memory_space<vmem>> -> memref<128x128xf32, #tpu.memory_space<vmem>>
    %dma_wait3A_282 = arith.constant 384 : i32
    %dma_wait3A_283 = tpu.memref_slice %arg5[%dma_wait3A_282] : memref<512xi32, #tpu.memory_space<vmem>> -> memref<128xi32, #tpu.memory_space<vmem>>
    %dma_wait3A_284 = arith.constant 0 : i32
    %dma_wait3A_285 = arith.constant 0 : i32
    %dma_wait3A_286 = tpu.memref_slice %arg3[%dma_wait3A_284, %dma_wait3A_285] : memref<301056x128xf32, #tpu.memory_space<hbm>> -> memref<301056x128xf32, #tpu.memory_space<hbm>>
    tpu.wait_indirect_dma semaphore(%arg7 : memref<!tpu.dma_semaphore, #tpu.memory_space<semaphore_mem>>) src(%dma_wait3A_286 : memref<301056x128xf32, #tpu.memory_space<hbm>>) dst(%dma_wait3A_281 : memref<128x128xf32, #tpu.memory_space<vmem>>)
    "tpu.region"() ({
      %run_scoped3A = tpu.sem_alloc : memref<!tpu.dma_semaphore, #tpu.memory_space<semaphore_mem>>
      %dma_start3A_719 = arith.constant 0 : i32
      %dma_start3A_720 = arith.constant 96 : i32
      %dma_start3A_721 = tpu.memref_slice %arg6[%dma_start3A_719, %dma_start3A_720] : memref<512x128xf32, #tpu.memory_space<vmem>> -> memref<512x32xf32, #tpu.memory_space<vmem>>
      %dma_start3A_722 = arith.constant 0 : i32
      %dma_start3A_723 = tpu.memref_slice %arg4[%add3A_218, %dma_start3A_722] : memref<163840x32xf32, #tpu.memory_space<hbm>> -> memref<512x32xf32, #tpu.memory_space<hbm>>
      %dma_start3A_724 = arith.constant 0 : i32
      %dma_start3A_725 = tpu.memref_slice %arg4[%add3A_218, %dma_start3A_724] : memref<163840x32xf32, #tpu.memory_space<hbm>> -> memref<512x32xf32, #tpu.memory_space<hbm>>
      %dma_start3A_726 = arith.constant 0 : i32
      %dma_start3A_727 = arith.constant 96 : i32
      %dma_start3A_728 = tpu.memref_slice %arg6[%dma_start3A_726, %dma_start3A_727] : memref<512x128xf32, #tpu.memory_space<vmem>> -> memref<512x32xf32, #tpu.memory_space<vmem>>
      tpu.enqueue_dma source(%dma_start3A_728 : memref<512x32xf32, #tpu.memory_space<vmem>>) target(%dma_start3A_725 : memref<512x32xf32, #tpu.memory_space<hbm>>) target_semaphore(%run_scoped3A : memref<!tpu.dma_semaphore, #tpu.memory_space<semaphore_mem>>)
      %dma_wait3A_729 = arith.constant 0 : i32
      %dma_wait3A_730 = arith.constant 96 : i32
      %dma_wait3A_731 = tpu.memref_slice %arg6[%dma_wait3A_729, %dma_wait3A_730] : memref<512x128xf32, #tpu.memory_space<vmem>> -> memref<512x32xf32, #tpu.memory_space<vmem>>
      %dma_wait3A_732 = arith.constant 0 : i32
      %dma_wait3A_733 = tpu.memref_slice %arg4[%add3A_218, %dma_wait3A_732] : memref<163840x32xf32, #tpu.memory_space<hbm>> -> memref<512x32xf32, #tpu.memory_space<hbm>>
      %dma_wait3A_734 = arith.constant 0 : i32
      %dma_wait3A_735 = tpu.memref_slice %arg4[%add3A_218, %dma_wait3A_734] : memref<163840x32xf32, #tpu.memory_space<hbm>> -> memref<512x32xf32, #tpu.memory_space<hbm>>
      %dma_wait3A_736 = arith.constant 0 : i32
      %dma_wait3A_737 = arith.constant 96 : i32
      %dma_wait3A_738 = tpu.memref_slice %arg6[%dma_wait3A_736, %dma_wait3A_737] : memref<512x128xf32, #tpu.memory_space<vmem>> -> memref<512x32xf32, #tpu.memory_space<vmem>>
      tpu.wait_dma2 semaphore(%run_scoped3A : memref<!tpu.dma_semaphore, #tpu.memory_space<semaphore_mem>>) src(%dma_wait3A_738 : memref<512x32xf32, #tpu.memory_space<vmem>>) dst(%dma_wait3A_735 : memref<512x32xf32, #tpu.memory_space<hbm>>)
      tpu.yield
    }) : () -> ()
    %mul3A_287 = arith.constant 512 : i32
    %mul3A_288 = arith.muli %add3A, %mul3A_287 : i32
    %add3A_289 = arith.constant 65536 : i32
    %add3A_290 = arith.addi %add3A_289, %mul3A_288 : i32
    %mul3A_291 = arith.constant 512 : i32
    %mul3A_292 = arith.muli %add3A, %mul3A_291 : i32
    %add3A_293 = arith.constant 327680 : i32
    %add3A_294 = arith.addi %add3A_293, %mul3A_292 : i32
    "tpu.region"() ({
      %run_scoped3A = tpu.sem_alloc : memref<!tpu.dma_semaphore, #tpu.memory_space<semaphore_mem>>
      %dma_start3A_719 = tpu.memref_slice %arg2[%add3A_294] : memref<425984xi32, #tpu.memory_space<hbm>> -> memref<512xi32, #tpu.memory_space<hbm>>
      %dma_start3A_720 = tpu.memref_slice %arg2[%add3A_294] : memref<425984xi32, #tpu.memory_space<hbm>> -> memref<512xi32, #tpu.memory_space<hbm>>
      tpu.enqueue_dma source(%dma_start3A_720 : memref<512xi32, #tpu.memory_space<hbm>>) target(%arg5 : memref<512xi32, #tpu.memory_space<vmem>>) target_semaphore(%run_scoped3A : memref<!tpu.dma_semaphore, #tpu.memory_space<semaphore_mem>>)
      %dma_wait3A_721 = tpu.memref_slice %arg2[%add3A_294] : memref<425984xi32, #tpu.memory_space<hbm>> -> memref<512xi32, #tpu.memory_space<hbm>>
      %dma_wait3A_722 = tpu.memref_slice %arg2[%add3A_294] : memref<425984xi32, #tpu.memory_space<hbm>> -> memref<512xi32, #tpu.memory_space<hbm>>
      tpu.wait_dma2 semaphore(%run_scoped3A : memref<!tpu.dma_semaphore, #tpu.memory_space<semaphore_mem>>) src(%dma_wait3A_722 : memref<512xi32, #tpu.memory_space<hbm>>) dst(%arg5 : memref<512xi32, #tpu.memory_space<vmem>>)
      tpu.yield
    }) : () -> ()
    %dma_start3A_295 = arith.constant 0 : i32
    %dma_start3A_296 = arith.constant 0 : i32
    %dma_start3A_297 = tpu.memref_slice %arg6[%dma_start3A_295, %dma_start3A_296] : memref<512x128xf32, #tpu.memory_space<vmem>> -> memref<128x128xf32, #tpu.memory_space<vmem>>
    %dma_start3A_298 = arith.constant 0 : i32
    %dma_start3A_299 = tpu.memref_slice %arg5[%dma_start3A_298] : memref<512xi32, #tpu.memory_space<vmem>> -> memref<128xi32, #tpu.memory_space<vmem>>
    %dma_start3A_300 = arith.constant 0 : i32
    %dma_start3A_301 = arith.constant 0 : i32
    %dma_start3A_302 = tpu.memref_slice %arg3[%dma_start3A_300, %dma_start3A_301] : memref<301056x128xf32, #tpu.memory_space<hbm>> -> memref<301056x128xf32, #tpu.memory_space<hbm>>
    tpu.enqueue_indirect_dma source(%dma_start3A_302 : memref<301056x128xf32, #tpu.memory_space<hbm>>) target(%dma_start3A_297 : memref<128x128xf32, #tpu.memory_space<vmem>>) offsets(%dma_start3A_299 : memref<128xi32, #tpu.memory_space<vmem>>) semaphore(%arg7 : memref<!tpu.dma_semaphore, #tpu.memory_space<semaphore_mem>>)
    %dma_start3A_303 = arith.constant 128 : i32
    %dma_start3A_304 = arith.constant 0 : i32
    %dma_start3A_305 = tpu.memref_slice %arg6[%dma_start3A_303, %dma_start3A_304] : memref<512x128xf32, #tpu.memory_space<vmem>> -> memref<128x128xf32, #tpu.memory_space<vmem>>
    %dma_start3A_306 = arith.constant 128 : i32
    %dma_start3A_307 = tpu.memref_slice %arg5[%dma_start3A_306] : memref<512xi32, #tpu.memory_space<vmem>> -> memref<128xi32, #tpu.memory_space<vmem>>
    %dma_start3A_308 = arith.constant 0 : i32
    %dma_start3A_309 = arith.constant 0 : i32
    %dma_start3A_310 = tpu.memref_slice %arg3[%dma_start3A_308, %dma_start3A_309] : memref<301056x128xf32, #tpu.memory_space<hbm>> -> memref<301056x128xf32, #tpu.memory_space<hbm>>
    tpu.enqueue_indirect_dma source(%dma_start3A_310 : memref<301056x128xf32, #tpu.memory_space<hbm>>) target(%dma_start3A_305 : memref<128x128xf32, #tpu.memory_space<vmem>>) offsets(%dma_start3A_307 : memref<128xi32, #tpu.memory_space<vmem>>) semaphore(%arg7 : memref<!tpu.dma_semaphore, #tpu.memory_space<semaphore_mem>>)
    %dma_start3A_311 = arith.constant 256 : i32
    %dma_start3A_312 = arith.constant 0 : i32
    %dma_start3A_313 = tpu.memref_slice %arg6[%dma_start3A_311, %dma_start3A_312] : memref<512x128xf32, #tpu.memory_space<vmem>> -> memref<128x128xf32, #tpu.memory_space<vmem>>
    %dma_start3A_314 = arith.constant 256 : i32
    %dma_start3A_315 = tpu.memref_slice %arg5[%dma_start3A_314] : memref<512xi32, #tpu.memory_space<vmem>> -> memref<128xi32, #tpu.memory_space<vmem>>
    %dma_start3A_316 = arith.constant 0 : i32
    %dma_start3A_317 = arith.constant 0 : i32
    %dma_start3A_318 = tpu.memref_slice %arg3[%dma_start3A_316, %dma_start3A_317] : memref<301056x128xf32, #tpu.memory_space<hbm>> -> memref<301056x128xf32, #tpu.memory_space<hbm>>
    tpu.enqueue_indirect_dma source(%dma_start3A_318 : memref<301056x128xf32, #tpu.memory_space<hbm>>) target(%dma_start3A_313 : memref<128x128xf32, #tpu.memory_space<vmem>>) offsets(%dma_start3A_315 : memref<128xi32, #tpu.memory_space<vmem>>) semaphore(%arg7 : memref<!tpu.dma_semaphore, #tpu.memory_space<semaphore_mem>>)
    %dma_start3A_319 = arith.constant 384 : i32
    %dma_start3A_320 = arith.constant 0 : i32
    %dma_start3A_321 = tpu.memref_slice %arg6[%dma_start3A_319, %dma_start3A_320] : memref<512x128xf32, #tpu.memory_space<vmem>> -> memref<128x128xf32, #tpu.memory_space<vmem>>
    %dma_start3A_322 = arith.constant 384 : i32
    %dma_start3A_323 = tpu.memref_slice %arg5[%dma_start3A_322] : memref<512xi32, #tpu.memory_space<vmem>> -> memref<128xi32, #tpu.memory_space<vmem>>
    %dma_start3A_324 = arith.constant 0 : i32
    %dma_start3A_325 = arith.constant 0 : i32
    %dma_start3A_326 = tpu.memref_slice %arg3[%dma_start3A_324, %dma_start3A_325] : memref<301056x128xf32, #tpu.memory_space<hbm>> -> memref<301056x128xf32, #tpu.memory_space<hbm>>
    tpu.enqueue_indirect_dma source(%dma_start3A_326 : memref<301056x128xf32, #tpu.memory_space<hbm>>) target(%dma_start3A_321 : memref<128x128xf32, #tpu.memory_space<vmem>>) offsets(%dma_start3A_323 : memref<128xi32, #tpu.memory_space<vmem>>) semaphore(%arg7 : memref<!tpu.dma_semaphore, #tpu.memory_space<semaphore_mem>>)
    %dma_wait3A_327 = arith.constant 0 : i32
    %dma_wait3A_328 = arith.constant 0 : i32
    %dma_wait3A_329 = tpu.memref_slice %arg6[%dma_wait3A_327, %dma_wait3A_328] : memref<512x128xf32, #tpu.memory_space<vmem>> -> memref<128x128xf32, #tpu.memory_space<vmem>>
    %dma_wait3A_330 = arith.constant 0 : i32
    %dma_wait3A_331 = tpu.memref_slice %arg5[%dma_wait3A_330] : memref<512xi32, #tpu.memory_space<vmem>> -> memref<128xi32, #tpu.memory_space<vmem>>
    %dma_wait3A_332 = arith.constant 0 : i32
    %dma_wait3A_333 = arith.constant 0 : i32
    %dma_wait3A_334 = tpu.memref_slice %arg3[%dma_wait3A_332, %dma_wait3A_333] : memref<301056x128xf32, #tpu.memory_space<hbm>> -> memref<301056x128xf32, #tpu.memory_space<hbm>>
    tpu.wait_indirect_dma semaphore(%arg7 : memref<!tpu.dma_semaphore, #tpu.memory_space<semaphore_mem>>) src(%dma_wait3A_334 : memref<301056x128xf32, #tpu.memory_space<hbm>>) dst(%dma_wait3A_329 : memref<128x128xf32, #tpu.memory_space<vmem>>)
    %dma_wait3A_335 = arith.constant 128 : i32
    %dma_wait3A_336 = arith.constant 0 : i32
    %dma_wait3A_337 = tpu.memref_slice %arg6[%dma_wait3A_335, %dma_wait3A_336] : memref<512x128xf32, #tpu.memory_space<vmem>> -> memref<128x128xf32, #tpu.memory_space<vmem>>
    %dma_wait3A_338 = arith.constant 128 : i32
    %dma_wait3A_339 = tpu.memref_slice %arg5[%dma_wait3A_338] : memref<512xi32, #tpu.memory_space<vmem>> -> memref<128xi32, #tpu.memory_space<vmem>>
    %dma_wait3A_340 = arith.constant 0 : i32
    %dma_wait3A_341 = arith.constant 0 : i32
    %dma_wait3A_342 = tpu.memref_slice %arg3[%dma_wait3A_340, %dma_wait3A_341] : memref<301056x128xf32, #tpu.memory_space<hbm>> -> memref<301056x128xf32, #tpu.memory_space<hbm>>
    tpu.wait_indirect_dma semaphore(%arg7 : memref<!tpu.dma_semaphore, #tpu.memory_space<semaphore_mem>>) src(%dma_wait3A_342 : memref<301056x128xf32, #tpu.memory_space<hbm>>) dst(%dma_wait3A_337 : memref<128x128xf32, #tpu.memory_space<vmem>>)
    %dma_wait3A_343 = arith.constant 256 : i32
    %dma_wait3A_344 = arith.constant 0 : i32
    %dma_wait3A_345 = tpu.memref_slice %arg6[%dma_wait3A_343, %dma_wait3A_344] : memref<512x128xf32, #tpu.memory_space<vmem>> -> memref<128x128xf32, #tpu.memory_space<vmem>>
    %dma_wait3A_346 = arith.constant 256 : i32
    %dma_wait3A_347 = tpu.memref_slice %arg5[%dma_wait3A_346] : memref<512xi32, #tpu.memory_space<vmem>> -> memref<128xi32, #tpu.memory_space<vmem>>
    %dma_wait3A_348 = arith.constant 0 : i32
    %dma_wait3A_349 = arith.constant 0 : i32
    %dma_wait3A_350 = tpu.memref_slice %arg3[%dma_wait3A_348, %dma_wait3A_349] : memref<301056x128xf32, #tpu.memory_space<hbm>> -> memref<301056x128xf32, #tpu.memory_space<hbm>>
    tpu.wait_indirect_dma semaphore(%arg7 : memref<!tpu.dma_semaphore, #tpu.memory_space<semaphore_mem>>) src(%dma_wait3A_350 : memref<301056x128xf32, #tpu.memory_space<hbm>>) dst(%dma_wait3A_345 : memref<128x128xf32, #tpu.memory_space<vmem>>)
    %dma_wait3A_351 = arith.constant 384 : i32
    %dma_wait3A_352 = arith.constant 0 : i32
    %dma_wait3A_353 = tpu.memref_slice %arg6[%dma_wait3A_351, %dma_wait3A_352] : memref<512x128xf32, #tpu.memory_space<vmem>> -> memref<128x128xf32, #tpu.memory_space<vmem>>
    %dma_wait3A_354 = arith.constant 384 : i32
    %dma_wait3A_355 = tpu.memref_slice %arg5[%dma_wait3A_354] : memref<512xi32, #tpu.memory_space<vmem>> -> memref<128xi32, #tpu.memory_space<vmem>>
    %dma_wait3A_356 = arith.constant 0 : i32
    %dma_wait3A_357 = arith.constant 0 : i32
    %dma_wait3A_358 = tpu.memref_slice %arg3[%dma_wait3A_356, %dma_wait3A_357] : memref<301056x128xf32, #tpu.memory_space<hbm>> -> memref<301056x128xf32, #tpu.memory_space<hbm>>
    tpu.wait_indirect_dma semaphore(%arg7 : memref<!tpu.dma_semaphore, #tpu.memory_space<semaphore_mem>>) src(%dma_wait3A_358 : memref<301056x128xf32, #tpu.memory_space<hbm>>) dst(%dma_wait3A_353 : memref<128x128xf32, #tpu.memory_space<vmem>>)
    "tpu.region"() ({
      %run_scoped3A = tpu.sem_alloc : memref<!tpu.dma_semaphore, #tpu.memory_space<semaphore_mem>>
      %dma_start3A_719 = arith.constant 0 : i32
      %dma_start3A_720 = arith.constant 0 : i32
      %dma_start3A_721 = tpu.memref_slice %arg6[%dma_start3A_719, %dma_start3A_720] : memref<512x128xf32, #tpu.memory_space<vmem>> -> memref<512x32xf32, #tpu.memory_space<vmem>>
      %dma_start3A_722 = arith.constant 0 : i32
      %dma_start3A_723 = tpu.memref_slice %arg4[%add3A_290, %dma_start3A_722] : memref<163840x32xf32, #tpu.memory_space<hbm>> -> memref<512x32xf32, #tpu.memory_space<hbm>>
      %dma_start3A_724 = arith.constant 0 : i32
      %dma_start3A_725 = tpu.memref_slice %arg4[%add3A_290, %dma_start3A_724] : memref<163840x32xf32, #tpu.memory_space<hbm>> -> memref<512x32xf32, #tpu.memory_space<hbm>>
      %dma_start3A_726 = arith.constant 0 : i32
      %dma_start3A_727 = arith.constant 0 : i32
      %dma_start3A_728 = tpu.memref_slice %arg6[%dma_start3A_726, %dma_start3A_727] : memref<512x128xf32, #tpu.memory_space<vmem>> -> memref<512x32xf32, #tpu.memory_space<vmem>>
      tpu.enqueue_dma source(%dma_start3A_728 : memref<512x32xf32, #tpu.memory_space<vmem>>) target(%dma_start3A_725 : memref<512x32xf32, #tpu.memory_space<hbm>>) target_semaphore(%run_scoped3A : memref<!tpu.dma_semaphore, #tpu.memory_space<semaphore_mem>>)
      %dma_wait3A_729 = arith.constant 0 : i32
      %dma_wait3A_730 = arith.constant 0 : i32
      %dma_wait3A_731 = tpu.memref_slice %arg6[%dma_wait3A_729, %dma_wait3A_730] : memref<512x128xf32, #tpu.memory_space<vmem>> -> memref<512x32xf32, #tpu.memory_space<vmem>>
      %dma_wait3A_732 = arith.constant 0 : i32
      %dma_wait3A_733 = tpu.memref_slice %arg4[%add3A_290, %dma_wait3A_732] : memref<163840x32xf32, #tpu.memory_space<hbm>> -> memref<512x32xf32, #tpu.memory_space<hbm>>
      %dma_wait3A_734 = arith.constant 0 : i32
      %dma_wait3A_735 = tpu.memref_slice %arg4[%add3A_290, %dma_wait3A_734] : memref<163840x32xf32, #tpu.memory_space<hbm>> -> memref<512x32xf32, #tpu.memory_space<hbm>>
      %dma_wait3A_736 = arith.constant 0 : i32
      %dma_wait3A_737 = arith.constant 0 : i32
      %dma_wait3A_738 = tpu.memref_slice %arg6[%dma_wait3A_736, %dma_wait3A_737] : memref<512x128xf32, #tpu.memory_space<vmem>> -> memref<512x32xf32, #tpu.memory_space<vmem>>
      tpu.wait_dma2 semaphore(%run_scoped3A : memref<!tpu.dma_semaphore, #tpu.memory_space<semaphore_mem>>) src(%dma_wait3A_738 : memref<512x32xf32, #tpu.memory_space<vmem>>) dst(%dma_wait3A_735 : memref<512x32xf32, #tpu.memory_space<hbm>>)
      tpu.yield
    }) : () -> ()
    %mul3A_359 = arith.constant 512 : i32
    %mul3A_360 = arith.muli %add3A, %mul3A_359 : i32
    %add3A_361 = arith.constant 81920 : i32
    %add3A_362 = arith.addi %add3A_361, %mul3A_360 : i32
    %mul3A_363 = arith.constant 512 : i32
    %mul3A_364 = arith.muli %add3A, %mul3A_363 : i32
    %add3A_365 = arith.constant 344064 : i32
    %add3A_366 = arith.addi %add3A_365, %mul3A_364 : i32
    "tpu.region"() ({
      %run_scoped3A = tpu.sem_alloc : memref<!tpu.dma_semaphore, #tpu.memory_space<semaphore_mem>>
      %dma_start3A_719 = tpu.memref_slice %arg2[%add3A_366] : memref<425984xi32, #tpu.memory_space<hbm>> -> memref<512xi32, #tpu.memory_space<hbm>>
      %dma_start3A_720 = tpu.memref_slice %arg2[%add3A_366] : memref<425984xi32, #tpu.memory_space<hbm>> -> memref<512xi32, #tpu.memory_space<hbm>>
      tpu.enqueue_dma source(%dma_start3A_720 : memref<512xi32, #tpu.memory_space<hbm>>) target(%arg5 : memref<512xi32, #tpu.memory_space<vmem>>) target_semaphore(%run_scoped3A : memref<!tpu.dma_semaphore, #tpu.memory_space<semaphore_mem>>)
      %dma_wait3A_721 = tpu.memref_slice %arg2[%add3A_366] : memref<425984xi32, #tpu.memory_space<hbm>> -> memref<512xi32, #tpu.memory_space<hbm>>
      %dma_wait3A_722 = tpu.memref_slice %arg2[%add3A_366] : memref<425984xi32, #tpu.memory_space<hbm>> -> memref<512xi32, #tpu.memory_space<hbm>>
      tpu.wait_dma2 semaphore(%run_scoped3A : memref<!tpu.dma_semaphore, #tpu.memory_space<semaphore_mem>>) src(%dma_wait3A_722 : memref<512xi32, #tpu.memory_space<hbm>>) dst(%arg5 : memref<512xi32, #tpu.memory_space<vmem>>)
      tpu.yield
    }) : () -> ()
    %dma_start3A_367 = arith.constant 0 : i32
    %dma_start3A_368 = arith.constant 0 : i32
    %dma_start3A_369 = tpu.memref_slice %arg6[%dma_start3A_367, %dma_start3A_368] : memref<512x128xf32, #tpu.memory_space<vmem>> -> memref<128x128xf32, #tpu.memory_space<vmem>>
    %dma_start3A_370 = arith.constant 0 : i32
    %dma_start3A_371 = tpu.memref_slice %arg5[%dma_start3A_370] : memref<512xi32, #tpu.memory_space<vmem>> -> memref<128xi32, #tpu.memory_space<vmem>>
    %dma_start3A_372 = arith.constant 0 : i32
    %dma_start3A_373 = arith.constant 0 : i32
    %dma_start3A_374 = tpu.memref_slice %arg3[%dma_start3A_372, %dma_start3A_373] : memref<301056x128xf32, #tpu.memory_space<hbm>> -> memref<301056x128xf32, #tpu.memory_space<hbm>>
    tpu.enqueue_indirect_dma source(%dma_start3A_374 : memref<301056x128xf32, #tpu.memory_space<hbm>>) target(%dma_start3A_369 : memref<128x128xf32, #tpu.memory_space<vmem>>) offsets(%dma_start3A_371 : memref<128xi32, #tpu.memory_space<vmem>>) semaphore(%arg7 : memref<!tpu.dma_semaphore, #tpu.memory_space<semaphore_mem>>)
    %dma_start3A_375 = arith.constant 128 : i32
    %dma_start3A_376 = arith.constant 0 : i32
    %dma_start3A_377 = tpu.memref_slice %arg6[%dma_start3A_375, %dma_start3A_376] : memref<512x128xf32, #tpu.memory_space<vmem>> -> memref<128x128xf32, #tpu.memory_space<vmem>>
    %dma_start3A_378 = arith.constant 128 : i32
    %dma_start3A_379 = tpu.memref_slice %arg5[%dma_start3A_378] : memref<512xi32, #tpu.memory_space<vmem>> -> memref<128xi32, #tpu.memory_space<vmem>>
    %dma_start3A_380 = arith.constant 0 : i32
    %dma_start3A_381 = arith.constant 0 : i32
    %dma_start3A_382 = tpu.memref_slice %arg3[%dma_start3A_380, %dma_start3A_381] : memref<301056x128xf32, #tpu.memory_space<hbm>> -> memref<301056x128xf32, #tpu.memory_space<hbm>>
    tpu.enqueue_indirect_dma source(%dma_start3A_382 : memref<301056x128xf32, #tpu.memory_space<hbm>>) target(%dma_start3A_377 : memref<128x128xf32, #tpu.memory_space<vmem>>) offsets(%dma_start3A_379 : memref<128xi32, #tpu.memory_space<vmem>>) semaphore(%arg7 : memref<!tpu.dma_semaphore, #tpu.memory_space<semaphore_mem>>)
    %dma_start3A_383 = arith.constant 256 : i32
    %dma_start3A_384 = arith.constant 0 : i32
    %dma_start3A_385 = tpu.memref_slice %arg6[%dma_start3A_383, %dma_start3A_384] : memref<512x128xf32, #tpu.memory_space<vmem>> -> memref<128x128xf32, #tpu.memory_space<vmem>>
    %dma_start3A_386 = arith.constant 256 : i32
    %dma_start3A_387 = tpu.memref_slice %arg5[%dma_start3A_386] : memref<512xi32, #tpu.memory_space<vmem>> -> memref<128xi32, #tpu.memory_space<vmem>>
    %dma_start3A_388 = arith.constant 0 : i32
    %dma_start3A_389 = arith.constant 0 : i32
    %dma_start3A_390 = tpu.memref_slice %arg3[%dma_start3A_388, %dma_start3A_389] : memref<301056x128xf32, #tpu.memory_space<hbm>> -> memref<301056x128xf32, #tpu.memory_space<hbm>>
    tpu.enqueue_indirect_dma source(%dma_start3A_390 : memref<301056x128xf32, #tpu.memory_space<hbm>>) target(%dma_start3A_385 : memref<128x128xf32, #tpu.memory_space<vmem>>) offsets(%dma_start3A_387 : memref<128xi32, #tpu.memory_space<vmem>>) semaphore(%arg7 : memref<!tpu.dma_semaphore, #tpu.memory_space<semaphore_mem>>)
    %dma_start3A_391 = arith.constant 384 : i32
    %dma_start3A_392 = arith.constant 0 : i32
    %dma_start3A_393 = tpu.memref_slice %arg6[%dma_start3A_391, %dma_start3A_392] : memref<512x128xf32, #tpu.memory_space<vmem>> -> memref<128x128xf32, #tpu.memory_space<vmem>>
    %dma_start3A_394 = arith.constant 384 : i32
    %dma_start3A_395 = tpu.memref_slice %arg5[%dma_start3A_394] : memref<512xi32, #tpu.memory_space<vmem>> -> memref<128xi32, #tpu.memory_space<vmem>>
    %dma_start3A_396 = arith.constant 0 : i32
    %dma_start3A_397 = arith.constant 0 : i32
    %dma_start3A_398 = tpu.memref_slice %arg3[%dma_start3A_396, %dma_start3A_397] : memref<301056x128xf32, #tpu.memory_space<hbm>> -> memref<301056x128xf32, #tpu.memory_space<hbm>>
    tpu.enqueue_indirect_dma source(%dma_start3A_398 : memref<301056x128xf32, #tpu.memory_space<hbm>>) target(%dma_start3A_393 : memref<128x128xf32, #tpu.memory_space<vmem>>) offsets(%dma_start3A_395 : memref<128xi32, #tpu.memory_space<vmem>>) semaphore(%arg7 : memref<!tpu.dma_semaphore, #tpu.memory_space<semaphore_mem>>)
    %dma_wait3A_399 = arith.constant 0 : i32
    %dma_wait3A_400 = arith.constant 0 : i32
    %dma_wait3A_401 = tpu.memref_slice %arg6[%dma_wait3A_399, %dma_wait3A_400] : memref<512x128xf32, #tpu.memory_space<vmem>> -> memref<128x128xf32, #tpu.memory_space<vmem>>
    %dma_wait3A_402 = arith.constant 0 : i32
    %dma_wait3A_403 = tpu.memref_slice %arg5[%dma_wait3A_402] : memref<512xi32, #tpu.memory_space<vmem>> -> memref<128xi32, #tpu.memory_space<vmem>>
    %dma_wait3A_404 = arith.constant 0 : i32
    %dma_wait3A_405 = arith.constant 0 : i32
    %dma_wait3A_406 = tpu.memref_slice %arg3[%dma_wait3A_404, %dma_wait3A_405] : memref<301056x128xf32, #tpu.memory_space<hbm>> -> memref<301056x128xf32, #tpu.memory_space<hbm>>
    tpu.wait_indirect_dma semaphore(%arg7 : memref<!tpu.dma_semaphore, #tpu.memory_space<semaphore_mem>>) src(%dma_wait3A_406 : memref<301056x128xf32, #tpu.memory_space<hbm>>) dst(%dma_wait3A_401 : memref<128x128xf32, #tpu.memory_space<vmem>>)
    %dma_wait3A_407 = arith.constant 128 : i32
    %dma_wait3A_408 = arith.constant 0 : i32
    %dma_wait3A_409 = tpu.memref_slice %arg6[%dma_wait3A_407, %dma_wait3A_408] : memref<512x128xf32, #tpu.memory_space<vmem>> -> memref<128x128xf32, #tpu.memory_space<vmem>>
    %dma_wait3A_410 = arith.constant 128 : i32
    %dma_wait3A_411 = tpu.memref_slice %arg5[%dma_wait3A_410] : memref<512xi32, #tpu.memory_space<vmem>> -> memref<128xi32, #tpu.memory_space<vmem>>
    %dma_wait3A_412 = arith.constant 0 : i32
    %dma_wait3A_413 = arith.constant 0 : i32
    %dma_wait3A_414 = tpu.memref_slice %arg3[%dma_wait3A_412, %dma_wait3A_413] : memref<301056x128xf32, #tpu.memory_space<hbm>> -> memref<301056x128xf32, #tpu.memory_space<hbm>>
    tpu.wait_indirect_dma semaphore(%arg7 : memref<!tpu.dma_semaphore, #tpu.memory_space<semaphore_mem>>) src(%dma_wait3A_414 : memref<301056x128xf32, #tpu.memory_space<hbm>>) dst(%dma_wait3A_409 : memref<128x128xf32, #tpu.memory_space<vmem>>)
    %dma_wait3A_415 = arith.constant 256 : i32
    %dma_wait3A_416 = arith.constant 0 : i32
    %dma_wait3A_417 = tpu.memref_slice %arg6[%dma_wait3A_415, %dma_wait3A_416] : memref<512x128xf32, #tpu.memory_space<vmem>> -> memref<128x128xf32, #tpu.memory_space<vmem>>
    %dma_wait3A_418 = arith.constant 256 : i32
    %dma_wait3A_419 = tpu.memref_slice %arg5[%dma_wait3A_418] : memref<512xi32, #tpu.memory_space<vmem>> -> memref<128xi32, #tpu.memory_space<vmem>>
    %dma_wait3A_420 = arith.constant 0 : i32
    %dma_wait3A_421 = arith.constant 0 : i32
    %dma_wait3A_422 = tpu.memref_slice %arg3[%dma_wait3A_420, %dma_wait3A_421] : memref<301056x128xf32, #tpu.memory_space<hbm>> -> memref<301056x128xf32, #tpu.memory_space<hbm>>
    tpu.wait_indirect_dma semaphore(%arg7 : memref<!tpu.dma_semaphore, #tpu.memory_space<semaphore_mem>>) src(%dma_wait3A_422 : memref<301056x128xf32, #tpu.memory_space<hbm>>) dst(%dma_wait3A_417 : memref<128x128xf32, #tpu.memory_space<vmem>>)
    %dma_wait3A_423 = arith.constant 384 : i32
    %dma_wait3A_424 = arith.constant 0 : i32
    %dma_wait3A_425 = tpu.memref_slice %arg6[%dma_wait3A_423, %dma_wait3A_424] : memref<512x128xf32, #tpu.memory_space<vmem>> -> memref<128x128xf32, #tpu.memory_space<vmem>>
    %dma_wait3A_426 = arith.constant 384 : i32
    %dma_wait3A_427 = tpu.memref_slice %arg5[%dma_wait3A_426] : memref<512xi32, #tpu.memory_space<vmem>> -> memref<128xi32, #tpu.memory_space<vmem>>
    %dma_wait3A_428 = arith.constant 0 : i32
    %dma_wait3A_429 = arith.constant 0 : i32
    %dma_wait3A_430 = tpu.memref_slice %arg3[%dma_wait3A_428, %dma_wait3A_429] : memref<301056x128xf32, #tpu.memory_space<hbm>> -> memref<301056x128xf32, #tpu.memory_space<hbm>>
    tpu.wait_indirect_dma semaphore(%arg7 : memref<!tpu.dma_semaphore, #tpu.memory_space<semaphore_mem>>) src(%dma_wait3A_430 : memref<301056x128xf32, #tpu.memory_space<hbm>>) dst(%dma_wait3A_425 : memref<128x128xf32, #tpu.memory_space<vmem>>)
    "tpu.region"() ({
      %run_scoped3A = tpu.sem_alloc : memref<!tpu.dma_semaphore, #tpu.memory_space<semaphore_mem>>
      %dma_start3A_719 = arith.constant 0 : i32
      %dma_start3A_720 = arith.constant 32 : i32
      %dma_start3A_721 = tpu.memref_slice %arg6[%dma_start3A_719, %dma_start3A_720] : memref<512x128xf32, #tpu.memory_space<vmem>> -> memref<512x32xf32, #tpu.memory_space<vmem>>
      %dma_start3A_722 = arith.constant 0 : i32
      %dma_start3A_723 = tpu.memref_slice %arg4[%add3A_362, %dma_start3A_722] : memref<163840x32xf32, #tpu.memory_space<hbm>> -> memref<512x32xf32, #tpu.memory_space<hbm>>
      %dma_start3A_724 = arith.constant 0 : i32
      %dma_start3A_725 = tpu.memref_slice %arg4[%add3A_362, %dma_start3A_724] : memref<163840x32xf32, #tpu.memory_space<hbm>> -> memref<512x32xf32, #tpu.memory_space<hbm>>
      %dma_start3A_726 = arith.constant 0 : i32
      %dma_start3A_727 = arith.constant 32 : i32
      %dma_start3A_728 = tpu.memref_slice %arg6[%dma_start3A_726, %dma_start3A_727] : memref<512x128xf32, #tpu.memory_space<vmem>> -> memref<512x32xf32, #tpu.memory_space<vmem>>
      tpu.enqueue_dma source(%dma_start3A_728 : memref<512x32xf32, #tpu.memory_space<vmem>>) target(%dma_start3A_725 : memref<512x32xf32, #tpu.memory_space<hbm>>) target_semaphore(%run_scoped3A : memref<!tpu.dma_semaphore, #tpu.memory_space<semaphore_mem>>)
      %dma_wait3A_729 = arith.constant 0 : i32
      %dma_wait3A_730 = arith.constant 32 : i32
      %dma_wait3A_731 = tpu.memref_slice %arg6[%dma_wait3A_729, %dma_wait3A_730] : memref<512x128xf32, #tpu.memory_space<vmem>> -> memref<512x32xf32, #tpu.memory_space<vmem>>
      %dma_wait3A_732 = arith.constant 0 : i32
      %dma_wait3A_733 = tpu.memref_slice %arg4[%add3A_362, %dma_wait3A_732] : memref<163840x32xf32, #tpu.memory_space<hbm>> -> memref<512x32xf32, #tpu.memory_space<hbm>>
      %dma_wait3A_734 = arith.constant 0 : i32
      %dma_wait3A_735 = tpu.memref_slice %arg4[%add3A_362, %dma_wait3A_734] : memref<163840x32xf32, #tpu.memory_space<hbm>> -> memref<512x32xf32, #tpu.memory_space<hbm>>
      %dma_wait3A_736 = arith.constant 0 : i32
      %dma_wait3A_737 = arith.constant 32 : i32
      %dma_wait3A_738 = tpu.memref_slice %arg6[%dma_wait3A_736, %dma_wait3A_737] : memref<512x128xf32, #tpu.memory_space<vmem>> -> memref<512x32xf32, #tpu.memory_space<vmem>>
      tpu.wait_dma2 semaphore(%run_scoped3A : memref<!tpu.dma_semaphore, #tpu.memory_space<semaphore_mem>>) src(%dma_wait3A_738 : memref<512x32xf32, #tpu.memory_space<vmem>>) dst(%dma_wait3A_735 : memref<512x32xf32, #tpu.memory_space<hbm>>)
      tpu.yield
    }) : () -> ()
    %mul3A_431 = arith.constant 512 : i32
    %mul3A_432 = arith.muli %add3A, %mul3A_431 : i32
    %add3A_433 = arith.constant 98304 : i32
    %add3A_434 = arith.addi %add3A_433, %mul3A_432 : i32
    %mul3A_435 = arith.constant 512 : i32
    %mul3A_436 = arith.muli %add3A, %mul3A_435 : i32
    %add3A_437 = arith.constant 360448 : i32
    %add3A_438 = arith.addi %add3A_437, %mul3A_436 : i32
    "tpu.region"() ({
      %run_scoped3A = tpu.sem_alloc : memref<!tpu.dma_semaphore, #tpu.memory_space<semaphore_mem>>
      %dma_start3A_719 = tpu.memref_slice %arg2[%add3A_438] : memref<425984xi32, #tpu.memory_space<hbm>> -> memref<512xi32, #tpu.memory_space<hbm>>
      %dma_start3A_720 = tpu.memref_slice %arg2[%add3A_438] : memref<425984xi32, #tpu.memory_space<hbm>> -> memref<512xi32, #tpu.memory_space<hbm>>
      tpu.enqueue_dma source(%dma_start3A_720 : memref<512xi32, #tpu.memory_space<hbm>>) target(%arg5 : memref<512xi32, #tpu.memory_space<vmem>>) target_semaphore(%run_scoped3A : memref<!tpu.dma_semaphore, #tpu.memory_space<semaphore_mem>>)
      %dma_wait3A_721 = tpu.memref_slice %arg2[%add3A_438] : memref<425984xi32, #tpu.memory_space<hbm>> -> memref<512xi32, #tpu.memory_space<hbm>>
      %dma_wait3A_722 = tpu.memref_slice %arg2[%add3A_438] : memref<425984xi32, #tpu.memory_space<hbm>> -> memref<512xi32, #tpu.memory_space<hbm>>
      tpu.wait_dma2 semaphore(%run_scoped3A : memref<!tpu.dma_semaphore, #tpu.memory_space<semaphore_mem>>) src(%dma_wait3A_722 : memref<512xi32, #tpu.memory_space<hbm>>) dst(%arg5 : memref<512xi32, #tpu.memory_space<vmem>>)
      tpu.yield
    }) : () -> ()
    %dma_start3A_439 = arith.constant 0 : i32
    %dma_start3A_440 = arith.constant 0 : i32
    %dma_start3A_441 = tpu.memref_slice %arg6[%dma_start3A_439, %dma_start3A_440] : memref<512x128xf32, #tpu.memory_space<vmem>> -> memref<128x128xf32, #tpu.memory_space<vmem>>
    %dma_start3A_442 = arith.constant 0 : i32
    %dma_start3A_443 = tpu.memref_slice %arg5[%dma_start3A_442] : memref<512xi32, #tpu.memory_space<vmem>> -> memref<128xi32, #tpu.memory_space<vmem>>
    %dma_start3A_444 = arith.constant 0 : i32
    %dma_start3A_445 = arith.constant 0 : i32
    %dma_start3A_446 = tpu.memref_slice %arg3[%dma_start3A_444, %dma_start3A_445] : memref<301056x128xf32, #tpu.memory_space<hbm>> -> memref<301056x128xf32, #tpu.memory_space<hbm>>
    tpu.enqueue_indirect_dma source(%dma_start3A_446 : memref<301056x128xf32, #tpu.memory_space<hbm>>) target(%dma_start3A_441 : memref<128x128xf32, #tpu.memory_space<vmem>>) offsets(%dma_start3A_443 : memref<128xi32, #tpu.memory_space<vmem>>) semaphore(%arg7 : memref<!tpu.dma_semaphore, #tpu.memory_space<semaphore_mem>>)
    %dma_start3A_447 = arith.constant 128 : i32
    %dma_start3A_448 = arith.constant 0 : i32
    %dma_start3A_449 = tpu.memref_slice %arg6[%dma_start3A_447, %dma_start3A_448] : memref<512x128xf32, #tpu.memory_space<vmem>> -> memref<128x128xf32, #tpu.memory_space<vmem>>
    %dma_start3A_450 = arith.constant 128 : i32
    %dma_start3A_451 = tpu.memref_slice %arg5[%dma_start3A_450] : memref<512xi32, #tpu.memory_space<vmem>> -> memref<128xi32, #tpu.memory_space<vmem>>
    %dma_start3A_452 = arith.constant 0 : i32
    %dma_start3A_453 = arith.constant 0 : i32
    %dma_start3A_454 = tpu.memref_slice %arg3[%dma_start3A_452, %dma_start3A_453] : memref<301056x128xf32, #tpu.memory_space<hbm>> -> memref<301056x128xf32, #tpu.memory_space<hbm>>
    tpu.enqueue_indirect_dma source(%dma_start3A_454 : memref<301056x128xf32, #tpu.memory_space<hbm>>) target(%dma_start3A_449 : memref<128x128xf32, #tpu.memory_space<vmem>>) offsets(%dma_start3A_451 : memref<128xi32, #tpu.memory_space<vmem>>) semaphore(%arg7 : memref<!tpu.dma_semaphore, #tpu.memory_space<semaphore_mem>>)
    %dma_start3A_455 = arith.constant 256 : i32
    %dma_start3A_456 = arith.constant 0 : i32
    %dma_start3A_457 = tpu.memref_slice %arg6[%dma_start3A_455, %dma_start3A_456] : memref<512x128xf32, #tpu.memory_space<vmem>> -> memref<128x128xf32, #tpu.memory_space<vmem>>
    %dma_start3A_458 = arith.constant 256 : i32
    %dma_start3A_459 = tpu.memref_slice %arg5[%dma_start3A_458] : memref<512xi32, #tpu.memory_space<vmem>> -> memref<128xi32, #tpu.memory_space<vmem>>
    %dma_start3A_460 = arith.constant 0 : i32
    %dma_start3A_461 = arith.constant 0 : i32
    %dma_start3A_462 = tpu.memref_slice %arg3[%dma_start3A_460, %dma_start3A_461] : memref<301056x128xf32, #tpu.memory_space<hbm>> -> memref<301056x128xf32, #tpu.memory_space<hbm>>
    tpu.enqueue_indirect_dma source(%dma_start3A_462 : memref<301056x128xf32, #tpu.memory_space<hbm>>) target(%dma_start3A_457 : memref<128x128xf32, #tpu.memory_space<vmem>>) offsets(%dma_start3A_459 : memref<128xi32, #tpu.memory_space<vmem>>) semaphore(%arg7 : memref<!tpu.dma_semaphore, #tpu.memory_space<semaphore_mem>>)
    %dma_start3A_463 = arith.constant 384 : i32
    %dma_start3A_464 = arith.constant 0 : i32
    %dma_start3A_465 = tpu.memref_slice %arg6[%dma_start3A_463, %dma_start3A_464] : memref<512x128xf32, #tpu.memory_space<vmem>> -> memref<128x128xf32, #tpu.memory_space<vmem>>
    %dma_start3A_466 = arith.constant 384 : i32
    %dma_start3A_467 = tpu.memref_slice %arg5[%dma_start3A_466] : memref<512xi32, #tpu.memory_space<vmem>> -> memref<128xi32, #tpu.memory_space<vmem>>
    %dma_start3A_468 = arith.constant 0 : i32
    %dma_start3A_469 = arith.constant 0 : i32
    %dma_start3A_470 = tpu.memref_slice %arg3[%dma_start3A_468, %dma_start3A_469] : memref<301056x128xf32, #tpu.memory_space<hbm>> -> memref<301056x128xf32, #tpu.memory_space<hbm>>
    tpu.enqueue_indirect_dma source(%dma_start3A_470 : memref<301056x128xf32, #tpu.memory_space<hbm>>) target(%dma_start3A_465 : memref<128x128xf32, #tpu.memory_space<vmem>>) offsets(%dma_start3A_467 : memref<128xi32, #tpu.memory_space<vmem>>) semaphore(%arg7 : memref<!tpu.dma_semaphore, #tpu.memory_space<semaphore_mem>>)
    %dma_wait3A_471 = arith.constant 0 : i32
    %dma_wait3A_472 = arith.constant 0 : i32
    %dma_wait3A_473 = tpu.memref_slice %arg6[%dma_wait3A_471, %dma_wait3A_472] : memref<512x128xf32, #tpu.memory_space<vmem>> -> memref<128x128xf32, #tpu.memory_space<vmem>>
    %dma_wait3A_474 = arith.constant 0 : i32
    %dma_wait3A_475 = tpu.memref_slice %arg5[%dma_wait3A_474] : memref<512xi32, #tpu.memory_space<vmem>> -> memref<128xi32, #tpu.memory_space<vmem>>
    %dma_wait3A_476 = arith.constant 0 : i32
    %dma_wait3A_477 = arith.constant 0 : i32
    %dma_wait3A_478 = tpu.memref_slice %arg3[%dma_wait3A_476, %dma_wait3A_477] : memref<301056x128xf32, #tpu.memory_space<hbm>> -> memref<301056x128xf32, #tpu.memory_space<hbm>>
    tpu.wait_indirect_dma semaphore(%arg7 : memref<!tpu.dma_semaphore, #tpu.memory_space<semaphore_mem>>) src(%dma_wait3A_478 : memref<301056x128xf32, #tpu.memory_space<hbm>>) dst(%dma_wait3A_473 : memref<128x128xf32, #tpu.memory_space<vmem>>)
    %dma_wait3A_479 = arith.constant 128 : i32
    %dma_wait3A_480 = arith.constant 0 : i32
    %dma_wait3A_481 = tpu.memref_slice %arg6[%dma_wait3A_479, %dma_wait3A_480] : memref<512x128xf32, #tpu.memory_space<vmem>> -> memref<128x128xf32, #tpu.memory_space<vmem>>
    %dma_wait3A_482 = arith.constant 128 : i32
    %dma_wait3A_483 = tpu.memref_slice %arg5[%dma_wait3A_482] : memref<512xi32, #tpu.memory_space<vmem>> -> memref<128xi32, #tpu.memory_space<vmem>>
    %dma_wait3A_484 = arith.constant 0 : i32
    %dma_wait3A_485 = arith.constant 0 : i32
    %dma_wait3A_486 = tpu.memref_slice %arg3[%dma_wait3A_484, %dma_wait3A_485] : memref<301056x128xf32, #tpu.memory_space<hbm>> -> memref<301056x128xf32, #tpu.memory_space<hbm>>
    tpu.wait_indirect_dma semaphore(%arg7 : memref<!tpu.dma_semaphore, #tpu.memory_space<semaphore_mem>>) src(%dma_wait3A_486 : memref<301056x128xf32, #tpu.memory_space<hbm>>) dst(%dma_wait3A_481 : memref<128x128xf32, #tpu.memory_space<vmem>>)
    %dma_wait3A_487 = arith.constant 256 : i32
    %dma_wait3A_488 = arith.constant 0 : i32
    %dma_wait3A_489 = tpu.memref_slice %arg6[%dma_wait3A_487, %dma_wait3A_488] : memref<512x128xf32, #tpu.memory_space<vmem>> -> memref<128x128xf32, #tpu.memory_space<vmem>>
    %dma_wait3A_490 = arith.constant 256 : i32
    %dma_wait3A_491 = tpu.memref_slice %arg5[%dma_wait3A_490] : memref<512xi32, #tpu.memory_space<vmem>> -> memref<128xi32, #tpu.memory_space<vmem>>
    %dma_wait3A_492 = arith.constant 0 : i32
    %dma_wait3A_493 = arith.constant 0 : i32
    %dma_wait3A_494 = tpu.memref_slice %arg3[%dma_wait3A_492, %dma_wait3A_493] : memref<301056x128xf32, #tpu.memory_space<hbm>> -> memref<301056x128xf32, #tpu.memory_space<hbm>>
    tpu.wait_indirect_dma semaphore(%arg7 : memref<!tpu.dma_semaphore, #tpu.memory_space<semaphore_mem>>) src(%dma_wait3A_494 : memref<301056x128xf32, #tpu.memory_space<hbm>>) dst(%dma_wait3A_489 : memref<128x128xf32, #tpu.memory_space<vmem>>)
    %dma_wait3A_495 = arith.constant 384 : i32
    %dma_wait3A_496 = arith.constant 0 : i32
    %dma_wait3A_497 = tpu.memref_slice %arg6[%dma_wait3A_495, %dma_wait3A_496] : memref<512x128xf32, #tpu.memory_space<vmem>> -> memref<128x128xf32, #tpu.memory_space<vmem>>
    %dma_wait3A_498 = arith.constant 384 : i32
    %dma_wait3A_499 = tpu.memref_slice %arg5[%dma_wait3A_498] : memref<512xi32, #tpu.memory_space<vmem>> -> memref<128xi32, #tpu.memory_space<vmem>>
    %dma_wait3A_500 = arith.constant 0 : i32
    %dma_wait3A_501 = arith.constant 0 : i32
    %dma_wait3A_502 = tpu.memref_slice %arg3[%dma_wait3A_500, %dma_wait3A_501] : memref<301056x128xf32, #tpu.memory_space<hbm>> -> memref<301056x128xf32, #tpu.memory_space<hbm>>
    tpu.wait_indirect_dma semaphore(%arg7 : memref<!tpu.dma_semaphore, #tpu.memory_space<semaphore_mem>>) src(%dma_wait3A_502 : memref<301056x128xf32, #tpu.memory_space<hbm>>) dst(%dma_wait3A_497 : memref<128x128xf32, #tpu.memory_space<vmem>>)
    "tpu.region"() ({
      %run_scoped3A = tpu.sem_alloc : memref<!tpu.dma_semaphore, #tpu.memory_space<semaphore_mem>>
      %dma_start3A_719 = arith.constant 0 : i32
      %dma_start3A_720 = arith.constant 64 : i32
      %dma_start3A_721 = tpu.memref_slice %arg6[%dma_start3A_719, %dma_start3A_720] : memref<512x128xf32, #tpu.memory_space<vmem>> -> memref<512x32xf32, #tpu.memory_space<vmem>>
      %dma_start3A_722 = arith.constant 0 : i32
      %dma_start3A_723 = tpu.memref_slice %arg4[%add3A_434, %dma_start3A_722] : memref<163840x32xf32, #tpu.memory_space<hbm>> -> memref<512x32xf32, #tpu.memory_space<hbm>>
      %dma_start3A_724 = arith.constant 0 : i32
      %dma_start3A_725 = tpu.memref_slice %arg4[%add3A_434, %dma_start3A_724] : memref<163840x32xf32, #tpu.memory_space<hbm>> -> memref<512x32xf32, #tpu.memory_space<hbm>>
      %dma_start3A_726 = arith.constant 0 : i32
      %dma_start3A_727 = arith.constant 64 : i32
      %dma_start3A_728 = tpu.memref_slice %arg6[%dma_start3A_726, %dma_start3A_727] : memref<512x128xf32, #tpu.memory_space<vmem>> -> memref<512x32xf32, #tpu.memory_space<vmem>>
      tpu.enqueue_dma source(%dma_start3A_728 : memref<512x32xf32, #tpu.memory_space<vmem>>) target(%dma_start3A_725 : memref<512x32xf32, #tpu.memory_space<hbm>>) target_semaphore(%run_scoped3A : memref<!tpu.dma_semaphore, #tpu.memory_space<semaphore_mem>>)
      %dma_wait3A_729 = arith.constant 0 : i32
      %dma_wait3A_730 = arith.constant 64 : i32
      %dma_wait3A_731 = tpu.memref_slice %arg6[%dma_wait3A_729, %dma_wait3A_730] : memref<512x128xf32, #tpu.memory_space<vmem>> -> memref<512x32xf32, #tpu.memory_space<vmem>>
      %dma_wait3A_732 = arith.constant 0 : i32
      %dma_wait3A_733 = tpu.memref_slice %arg4[%add3A_434, %dma_wait3A_732] : memref<163840x32xf32, #tpu.memory_space<hbm>> -> memref<512x32xf32, #tpu.memory_space<hbm>>
      %dma_wait3A_734 = arith.constant 0 : i32
      %dma_wait3A_735 = tpu.memref_slice %arg4[%add3A_434, %dma_wait3A_734] : memref<163840x32xf32, #tpu.memory_space<hbm>> -> memref<512x32xf32, #tpu.memory_space<hbm>>
      %dma_wait3A_736 = arith.constant 0 : i32
      %dma_wait3A_737 = arith.constant 64 : i32
      %dma_wait3A_738 = tpu.memref_slice %arg6[%dma_wait3A_736, %dma_wait3A_737] : memref<512x128xf32, #tpu.memory_space<vmem>> -> memref<512x32xf32, #tpu.memory_space<vmem>>
      tpu.wait_dma2 semaphore(%run_scoped3A : memref<!tpu.dma_semaphore, #tpu.memory_space<semaphore_mem>>) src(%dma_wait3A_738 : memref<512x32xf32, #tpu.memory_space<vmem>>) dst(%dma_wait3A_735 : memref<512x32xf32, #tpu.memory_space<hbm>>)
      tpu.yield
    }) : () -> ()
    %mul3A_503 = arith.constant 512 : i32
    %mul3A_504 = arith.muli %add3A, %mul3A_503 : i32
    %add3A_505 = arith.constant 114688 : i32
    %add3A_506 = arith.addi %add3A_505, %mul3A_504 : i32
    %mul3A_507 = arith.constant 512 : i32
    %mul3A_508 = arith.muli %add3A, %mul3A_507 : i32
    %add3A_509 = arith.constant 376832 : i32
    %add3A_510 = arith.addi %add3A_509, %mul3A_508 : i32
    "tpu.region"() ({
      %run_scoped3A = tpu.sem_alloc : memref<!tpu.dma_semaphore, #tpu.memory_space<semaphore_mem>>
      %dma_start3A_719 = tpu.memref_slice %arg2[%add3A_510] : memref<425984xi32, #tpu.memory_space<hbm>> -> memref<512xi32, #tpu.memory_space<hbm>>
      %dma_start3A_720 = tpu.memref_slice %arg2[%add3A_510] : memref<425984xi32, #tpu.memory_space<hbm>> -> memref<512xi32, #tpu.memory_space<hbm>>
      tpu.enqueue_dma source(%dma_start3A_720 : memref<512xi32, #tpu.memory_space<hbm>>) target(%arg5 : memref<512xi32, #tpu.memory_space<vmem>>) target_semaphore(%run_scoped3A : memref<!tpu.dma_semaphore, #tpu.memory_space<semaphore_mem>>)
      %dma_wait3A_721 = tpu.memref_slice %arg2[%add3A_510] : memref<425984xi32, #tpu.memory_space<hbm>> -> memref<512xi32, #tpu.memory_space<hbm>>
      %dma_wait3A_722 = tpu.memref_slice %arg2[%add3A_510] : memref<425984xi32, #tpu.memory_space<hbm>> -> memref<512xi32, #tpu.memory_space<hbm>>
      tpu.wait_dma2 semaphore(%run_scoped3A : memref<!tpu.dma_semaphore, #tpu.memory_space<semaphore_mem>>) src(%dma_wait3A_722 : memref<512xi32, #tpu.memory_space<hbm>>) dst(%arg5 : memref<512xi32, #tpu.memory_space<vmem>>)
      tpu.yield
    }) : () -> ()
    %dma_start3A_511 = arith.constant 0 : i32
    %dma_start3A_512 = arith.constant 0 : i32
    %dma_start3A_513 = tpu.memref_slice %arg6[%dma_start3A_511, %dma_start3A_512] : memref<512x128xf32, #tpu.memory_space<vmem>> -> memref<128x128xf32, #tpu.memory_space<vmem>>
    %dma_start3A_514 = arith.constant 0 : i32
    %dma_start3A_515 = tpu.memref_slice %arg5[%dma_start3A_514] : memref<512xi32, #tpu.memory_space<vmem>> -> memref<128xi32, #tpu.memory_space<vmem>>
    %dma_start3A_516 = arith.constant 0 : i32
    %dma_start3A_517 = arith.constant 0 : i32
    %dma_start3A_518 = tpu.memref_slice %arg3[%dma_start3A_516, %dma_start3A_517] : memref<301056x128xf32, #tpu.memory_space<hbm>> -> memref<301056x128xf32, #tpu.memory_space<hbm>>
    tpu.enqueue_indirect_dma source(%dma_start3A_518 : memref<301056x128xf32, #tpu.memory_space<hbm>>) target(%dma_start3A_513 : memref<128x128xf32, #tpu.memory_space<vmem>>) offsets(%dma_start3A_515 : memref<128xi32, #tpu.memory_space<vmem>>) semaphore(%arg7 : memref<!tpu.dma_semaphore, #tpu.memory_space<semaphore_mem>>)
    %dma_start3A_519 = arith.constant 128 : i32
    %dma_start3A_520 = arith.constant 0 : i32
    %dma_start3A_521 = tpu.memref_slice %arg6[%dma_start3A_519, %dma_start3A_520] : memref<512x128xf32, #tpu.memory_space<vmem>> -> memref<128x128xf32, #tpu.memory_space<vmem>>
    %dma_start3A_522 = arith.constant 128 : i32
    %dma_start3A_523 = tpu.memref_slice %arg5[%dma_start3A_522] : memref<512xi32, #tpu.memory_space<vmem>> -> memref<128xi32, #tpu.memory_space<vmem>>
    %dma_start3A_524 = arith.constant 0 : i32
    %dma_start3A_525 = arith.constant 0 : i32
    %dma_start3A_526 = tpu.memref_slice %arg3[%dma_start3A_524, %dma_start3A_525] : memref<301056x128xf32, #tpu.memory_space<hbm>> -> memref<301056x128xf32, #tpu.memory_space<hbm>>
    tpu.enqueue_indirect_dma source(%dma_start3A_526 : memref<301056x128xf32, #tpu.memory_space<hbm>>) target(%dma_start3A_521 : memref<128x128xf32, #tpu.memory_space<vmem>>) offsets(%dma_start3A_523 : memref<128xi32, #tpu.memory_space<vmem>>) semaphore(%arg7 : memref<!tpu.dma_semaphore, #tpu.memory_space<semaphore_mem>>)
    %dma_start3A_527 = arith.constant 256 : i32
    %dma_start3A_528 = arith.constant 0 : i32
    %dma_start3A_529 = tpu.memref_slice %arg6[%dma_start3A_527, %dma_start3A_528] : memref<512x128xf32, #tpu.memory_space<vmem>> -> memref<128x128xf32, #tpu.memory_space<vmem>>
    %dma_start3A_530 = arith.constant 256 : i32
    %dma_start3A_531 = tpu.memref_slice %arg5[%dma_start3A_530] : memref<512xi32, #tpu.memory_space<vmem>> -> memref<128xi32, #tpu.memory_space<vmem>>
    %dma_start3A_532 = arith.constant 0 : i32
    %dma_start3A_533 = arith.constant 0 : i32
    %dma_start3A_534 = tpu.memref_slice %arg3[%dma_start3A_532, %dma_start3A_533] : memref<301056x128xf32, #tpu.memory_space<hbm>> -> memref<301056x128xf32, #tpu.memory_space<hbm>>
    tpu.enqueue_indirect_dma source(%dma_start3A_534 : memref<301056x128xf32, #tpu.memory_space<hbm>>) target(%dma_start3A_529 : memref<128x128xf32, #tpu.memory_space<vmem>>) offsets(%dma_start3A_531 : memref<128xi32, #tpu.memory_space<vmem>>) semaphore(%arg7 : memref<!tpu.dma_semaphore, #tpu.memory_space<semaphore_mem>>)
    %dma_start3A_535 = arith.constant 384 : i32
    %dma_start3A_536 = arith.constant 0 : i32
    %dma_start3A_537 = tpu.memref_slice %arg6[%dma_start3A_535, %dma_start3A_536] : memref<512x128xf32, #tpu.memory_space<vmem>> -> memref<128x128xf32, #tpu.memory_space<vmem>>
    %dma_start3A_538 = arith.constant 384 : i32
    %dma_start3A_539 = tpu.memref_slice %arg5[%dma_start3A_538] : memref<512xi32, #tpu.memory_space<vmem>> -> memref<128xi32, #tpu.memory_space<vmem>>
    %dma_start3A_540 = arith.constant 0 : i32
    %dma_start3A_541 = arith.constant 0 : i32
    %dma_start3A_542 = tpu.memref_slice %arg3[%dma_start3A_540, %dma_start3A_541] : memref<301056x128xf32, #tpu.memory_space<hbm>> -> memref<301056x128xf32, #tpu.memory_space<hbm>>
    tpu.enqueue_indirect_dma source(%dma_start3A_542 : memref<301056x128xf32, #tpu.memory_space<hbm>>) target(%dma_start3A_537 : memref<128x128xf32, #tpu.memory_space<vmem>>) offsets(%dma_start3A_539 : memref<128xi32, #tpu.memory_space<vmem>>) semaphore(%arg7 : memref<!tpu.dma_semaphore, #tpu.memory_space<semaphore_mem>>)
    %dma_wait3A_543 = arith.constant 0 : i32
    %dma_wait3A_544 = arith.constant 0 : i32
    %dma_wait3A_545 = tpu.memref_slice %arg6[%dma_wait3A_543, %dma_wait3A_544] : memref<512x128xf32, #tpu.memory_space<vmem>> -> memref<128x128xf32, #tpu.memory_space<vmem>>
    %dma_wait3A_546 = arith.constant 0 : i32
    %dma_wait3A_547 = tpu.memref_slice %arg5[%dma_wait3A_546] : memref<512xi32, #tpu.memory_space<vmem>> -> memref<128xi32, #tpu.memory_space<vmem>>
    %dma_wait3A_548 = arith.constant 0 : i32
    %dma_wait3A_549 = arith.constant 0 : i32
    %dma_wait3A_550 = tpu.memref_slice %arg3[%dma_wait3A_548, %dma_wait3A_549] : memref<301056x128xf32, #tpu.memory_space<hbm>> -> memref<301056x128xf32, #tpu.memory_space<hbm>>
    tpu.wait_indirect_dma semaphore(%arg7 : memref<!tpu.dma_semaphore, #tpu.memory_space<semaphore_mem>>) src(%dma_wait3A_550 : memref<301056x128xf32, #tpu.memory_space<hbm>>) dst(%dma_wait3A_545 : memref<128x128xf32, #tpu.memory_space<vmem>>)
    %dma_wait3A_551 = arith.constant 128 : i32
    %dma_wait3A_552 = arith.constant 0 : i32
    %dma_wait3A_553 = tpu.memref_slice %arg6[%dma_wait3A_551, %dma_wait3A_552] : memref<512x128xf32, #tpu.memory_space<vmem>> -> memref<128x128xf32, #tpu.memory_space<vmem>>
    %dma_wait3A_554 = arith.constant 128 : i32
    %dma_wait3A_555 = tpu.memref_slice %arg5[%dma_wait3A_554] : memref<512xi32, #tpu.memory_space<vmem>> -> memref<128xi32, #tpu.memory_space<vmem>>
    %dma_wait3A_556 = arith.constant 0 : i32
    %dma_wait3A_557 = arith.constant 0 : i32
    %dma_wait3A_558 = tpu.memref_slice %arg3[%dma_wait3A_556, %dma_wait3A_557] : memref<301056x128xf32, #tpu.memory_space<hbm>> -> memref<301056x128xf32, #tpu.memory_space<hbm>>
    tpu.wait_indirect_dma semaphore(%arg7 : memref<!tpu.dma_semaphore, #tpu.memory_space<semaphore_mem>>) src(%dma_wait3A_558 : memref<301056x128xf32, #tpu.memory_space<hbm>>) dst(%dma_wait3A_553 : memref<128x128xf32, #tpu.memory_space<vmem>>)
    %dma_wait3A_559 = arith.constant 256 : i32
    %dma_wait3A_560 = arith.constant 0 : i32
    %dma_wait3A_561 = tpu.memref_slice %arg6[%dma_wait3A_559, %dma_wait3A_560] : memref<512x128xf32, #tpu.memory_space<vmem>> -> memref<128x128xf32, #tpu.memory_space<vmem>>
    %dma_wait3A_562 = arith.constant 256 : i32
    %dma_wait3A_563 = tpu.memref_slice %arg5[%dma_wait3A_562] : memref<512xi32, #tpu.memory_space<vmem>> -> memref<128xi32, #tpu.memory_space<vmem>>
    %dma_wait3A_564 = arith.constant 0 : i32
    %dma_wait3A_565 = arith.constant 0 : i32
    %dma_wait3A_566 = tpu.memref_slice %arg3[%dma_wait3A_564, %dma_wait3A_565] : memref<301056x128xf32, #tpu.memory_space<hbm>> -> memref<301056x128xf32, #tpu.memory_space<hbm>>
    tpu.wait_indirect_dma semaphore(%arg7 : memref<!tpu.dma_semaphore, #tpu.memory_space<semaphore_mem>>) src(%dma_wait3A_566 : memref<301056x128xf32, #tpu.memory_space<hbm>>) dst(%dma_wait3A_561 : memref<128x128xf32, #tpu.memory_space<vmem>>)
    %dma_wait3A_567 = arith.constant 384 : i32
    %dma_wait3A_568 = arith.constant 0 : i32
    %dma_wait3A_569 = tpu.memref_slice %arg6[%dma_wait3A_567, %dma_wait3A_568] : memref<512x128xf32, #tpu.memory_space<vmem>> -> memref<128x128xf32, #tpu.memory_space<vmem>>
    %dma_wait3A_570 = arith.constant 384 : i32
    %dma_wait3A_571 = tpu.memref_slice %arg5[%dma_wait3A_570] : memref<512xi32, #tpu.memory_space<vmem>> -> memref<128xi32, #tpu.memory_space<vmem>>
    %dma_wait3A_572 = arith.constant 0 : i32
    %dma_wait3A_573 = arith.constant 0 : i32
    %dma_wait3A_574 = tpu.memref_slice %arg3[%dma_wait3A_572, %dma_wait3A_573] : memref<301056x128xf32, #tpu.memory_space<hbm>> -> memref<301056x128xf32, #tpu.memory_space<hbm>>
    tpu.wait_indirect_dma semaphore(%arg7 : memref<!tpu.dma_semaphore, #tpu.memory_space<semaphore_mem>>) src(%dma_wait3A_574 : memref<301056x128xf32, #tpu.memory_space<hbm>>) dst(%dma_wait3A_569 : memref<128x128xf32, #tpu.memory_space<vmem>>)
    "tpu.region"() ({
      %run_scoped3A = tpu.sem_alloc : memref<!tpu.dma_semaphore, #tpu.memory_space<semaphore_mem>>
      %dma_start3A_719 = arith.constant 0 : i32
      %dma_start3A_720 = arith.constant 96 : i32
      %dma_start3A_721 = tpu.memref_slice %arg6[%dma_start3A_719, %dma_start3A_720] : memref<512x128xf32, #tpu.memory_space<vmem>> -> memref<512x32xf32, #tpu.memory_space<vmem>>
      %dma_start3A_722 = arith.constant 0 : i32
      %dma_start3A_723 = tpu.memref_slice %arg4[%add3A_506, %dma_start3A_722] : memref<163840x32xf32, #tpu.memory_space<hbm>> -> memref<512x32xf32, #tpu.memory_space<hbm>>
      %dma_start3A_724 = arith.constant 0 : i32
      %dma_start3A_725 = tpu.memref_slice %arg4[%add3A_506, %dma_start3A_724] : memref<163840x32xf32, #tpu.memory_space<hbm>> -> memref<512x32xf32, #tpu.memory_space<hbm>>
      %dma_start3A_726 = arith.constant 0 : i32
      %dma_start3A_727 = arith.constant 96 : i32
      %dma_start3A_728 = tpu.memref_slice %arg6[%dma_start3A_726, %dma_start3A_727] : memref<512x128xf32, #tpu.memory_space<vmem>> -> memref<512x32xf32, #tpu.memory_space<vmem>>
      tpu.enqueue_dma source(%dma_start3A_728 : memref<512x32xf32, #tpu.memory_space<vmem>>) target(%dma_start3A_725 : memref<512x32xf32, #tpu.memory_space<hbm>>) target_semaphore(%run_scoped3A : memref<!tpu.dma_semaphore, #tpu.memory_space<semaphore_mem>>)
      %dma_wait3A_729 = arith.constant 0 : i32
      %dma_wait3A_730 = arith.constant 96 : i32
      %dma_wait3A_731 = tpu.memref_slice %arg6[%dma_wait3A_729, %dma_wait3A_730] : memref<512x128xf32, #tpu.memory_space<vmem>> -> memref<512x32xf32, #tpu.memory_space<vmem>>
      %dma_wait3A_732 = arith.constant 0 : i32
      %dma_wait3A_733 = tpu.memref_slice %arg4[%add3A_506, %dma_wait3A_732] : memref<163840x32xf32, #tpu.memory_space<hbm>> -> memref<512x32xf32, #tpu.memory_space<hbm>>
      %dma_wait3A_734 = arith.constant 0 : i32
      %dma_wait3A_735 = tpu.memref_slice %arg4[%add3A_506, %dma_wait3A_734] : memref<163840x32xf32, #tpu.memory_space<hbm>> -> memref<512x32xf32, #tpu.memory_space<hbm>>
      %dma_wait3A_736 = arith.constant 0 : i32
      %dma_wait3A_737 = arith.constant 96 : i32
      %dma_wait3A_738 = tpu.memref_slice %arg6[%dma_wait3A_736, %dma_wait3A_737] : memref<512x128xf32, #tpu.memory_space<vmem>> -> memref<512x32xf32, #tpu.memory_space<vmem>>
      tpu.wait_dma2 semaphore(%run_scoped3A : memref<!tpu.dma_semaphore, #tpu.memory_space<semaphore_mem>>) src(%dma_wait3A_738 : memref<512x32xf32, #tpu.memory_space<vmem>>) dst(%dma_wait3A_735 : memref<512x32xf32, #tpu.memory_space<hbm>>)
      tpu.yield
    }) : () -> ()
    %mul3A_575 = arith.constant 512 : i32
    %mul3A_576 = arith.muli %add3A, %mul3A_575 : i32
    %add3A_577 = arith.constant 131072 : i32
    %add3A_578 = arith.addi %add3A_577, %mul3A_576 : i32
    %mul3A_579 = arith.constant 512 : i32
    %mul3A_580 = arith.muli %add3A, %mul3A_579 : i32
    %add3A_581 = arith.constant 393216 : i32
    %add3A_582 = arith.addi %add3A_581, %mul3A_580 : i32
    "tpu.region"() ({
      %run_scoped3A = tpu.sem_alloc : memref<!tpu.dma_semaphore, #tpu.memory_space<semaphore_mem>>
      %dma_start3A_719 = tpu.memref_slice %arg2[%add3A_582] : memref<425984xi32, #tpu.memory_space<hbm>> -> memref<512xi32, #tpu.memory_space<hbm>>
      %dma_start3A_720 = tpu.memref_slice %arg2[%add3A_582] : memref<425984xi32, #tpu.memory_space<hbm>> -> memref<512xi32, #tpu.memory_space<hbm>>
      tpu.enqueue_dma source(%dma_start3A_720 : memref<512xi32, #tpu.memory_space<hbm>>) target(%arg5 : memref<512xi32, #tpu.memory_space<vmem>>) target_semaphore(%run_scoped3A : memref<!tpu.dma_semaphore, #tpu.memory_space<semaphore_mem>>)
      %dma_wait3A_721 = tpu.memref_slice %arg2[%add3A_582] : memref<425984xi32, #tpu.memory_space<hbm>> -> memref<512xi32, #tpu.memory_space<hbm>>
      %dma_wait3A_722 = tpu.memref_slice %arg2[%add3A_582] : memref<425984xi32, #tpu.memory_space<hbm>> -> memref<512xi32, #tpu.memory_space<hbm>>
      tpu.wait_dma2 semaphore(%run_scoped3A : memref<!tpu.dma_semaphore, #tpu.memory_space<semaphore_mem>>) src(%dma_wait3A_722 : memref<512xi32, #tpu.memory_space<hbm>>) dst(%arg5 : memref<512xi32, #tpu.memory_space<vmem>>)
      tpu.yield
    }) : () -> ()
    %dma_start3A_583 = arith.constant 0 : i32
    %dma_start3A_584 = arith.constant 0 : i32
    %dma_start3A_585 = tpu.memref_slice %arg6[%dma_start3A_583, %dma_start3A_584] : memref<512x128xf32, #tpu.memory_space<vmem>> -> memref<128x128xf32, #tpu.memory_space<vmem>>
    %dma_start3A_586 = arith.constant 0 : i32
    %dma_start3A_587 = tpu.memref_slice %arg5[%dma_start3A_586] : memref<512xi32, #tpu.memory_space<vmem>> -> memref<128xi32, #tpu.memory_space<vmem>>
    %dma_start3A_588 = arith.constant 0 : i32
    %dma_start3A_589 = arith.constant 0 : i32
    %dma_start3A_590 = tpu.memref_slice %arg3[%dma_start3A_588, %dma_start3A_589] : memref<301056x128xf32, #tpu.memory_space<hbm>> -> memref<301056x128xf32, #tpu.memory_space<hbm>>
    tpu.enqueue_indirect_dma source(%dma_start3A_590 : memref<301056x128xf32, #tpu.memory_space<hbm>>) target(%dma_start3A_585 : memref<128x128xf32, #tpu.memory_space<vmem>>) offsets(%dma_start3A_587 : memref<128xi32, #tpu.memory_space<vmem>>) semaphore(%arg7 : memref<!tpu.dma_semaphore, #tpu.memory_space<semaphore_mem>>)
    %dma_start3A_591 = arith.constant 128 : i32
    %dma_start3A_592 = arith.constant 0 : i32
    %dma_start3A_593 = tpu.memref_slice %arg6[%dma_start3A_591, %dma_start3A_592] : memref<512x128xf32, #tpu.memory_space<vmem>> -> memref<128x128xf32, #tpu.memory_space<vmem>>
    %dma_start3A_594 = arith.constant 128 : i32
    %dma_start3A_595 = tpu.memref_slice %arg5[%dma_start3A_594] : memref<512xi32, #tpu.memory_space<vmem>> -> memref<128xi32, #tpu.memory_space<vmem>>
    %dma_start3A_596 = arith.constant 0 : i32
    %dma_start3A_597 = arith.constant 0 : i32
    %dma_start3A_598 = tpu.memref_slice %arg3[%dma_start3A_596, %dma_start3A_597] : memref<301056x128xf32, #tpu.memory_space<hbm>> -> memref<301056x128xf32, #tpu.memory_space<hbm>>
    tpu.enqueue_indirect_dma source(%dma_start3A_598 : memref<301056x128xf32, #tpu.memory_space<hbm>>) target(%dma_start3A_593 : memref<128x128xf32, #tpu.memory_space<vmem>>) offsets(%dma_start3A_595 : memref<128xi32, #tpu.memory_space<vmem>>) semaphore(%arg7 : memref<!tpu.dma_semaphore, #tpu.memory_space<semaphore_mem>>)
    %dma_start3A_599 = arith.constant 256 : i32
    %dma_start3A_600 = arith.constant 0 : i32
    %dma_start3A_601 = tpu.memref_slice %arg6[%dma_start3A_599, %dma_start3A_600] : memref<512x128xf32, #tpu.memory_space<vmem>> -> memref<128x128xf32, #tpu.memory_space<vmem>>
    %dma_start3A_602 = arith.constant 256 : i32
    %dma_start3A_603 = tpu.memref_slice %arg5[%dma_start3A_602] : memref<512xi32, #tpu.memory_space<vmem>> -> memref<128xi32, #tpu.memory_space<vmem>>
    %dma_start3A_604 = arith.constant 0 : i32
    %dma_start3A_605 = arith.constant 0 : i32
    %dma_start3A_606 = tpu.memref_slice %arg3[%dma_start3A_604, %dma_start3A_605] : memref<301056x128xf32, #tpu.memory_space<hbm>> -> memref<301056x128xf32, #tpu.memory_space<hbm>>
    tpu.enqueue_indirect_dma source(%dma_start3A_606 : memref<301056x128xf32, #tpu.memory_space<hbm>>) target(%dma_start3A_601 : memref<128x128xf32, #tpu.memory_space<vmem>>) offsets(%dma_start3A_603 : memref<128xi32, #tpu.memory_space<vmem>>) semaphore(%arg7 : memref<!tpu.dma_semaphore, #tpu.memory_space<semaphore_mem>>)
    %dma_start3A_607 = arith.constant 384 : i32
    %dma_start3A_608 = arith.constant 0 : i32
    %dma_start3A_609 = tpu.memref_slice %arg6[%dma_start3A_607, %dma_start3A_608] : memref<512x128xf32, #tpu.memory_space<vmem>> -> memref<128x128xf32, #tpu.memory_space<vmem>>
    %dma_start3A_610 = arith.constant 384 : i32
    %dma_start3A_611 = tpu.memref_slice %arg5[%dma_start3A_610] : memref<512xi32, #tpu.memory_space<vmem>> -> memref<128xi32, #tpu.memory_space<vmem>>
    %dma_start3A_612 = arith.constant 0 : i32
    %dma_start3A_613 = arith.constant 0 : i32
    %dma_start3A_614 = tpu.memref_slice %arg3[%dma_start3A_612, %dma_start3A_613] : memref<301056x128xf32, #tpu.memory_space<hbm>> -> memref<301056x128xf32, #tpu.memory_space<hbm>>
    tpu.enqueue_indirect_dma source(%dma_start3A_614 : memref<301056x128xf32, #tpu.memory_space<hbm>>) target(%dma_start3A_609 : memref<128x128xf32, #tpu.memory_space<vmem>>) offsets(%dma_start3A_611 : memref<128xi32, #tpu.memory_space<vmem>>) semaphore(%arg7 : memref<!tpu.dma_semaphore, #tpu.memory_space<semaphore_mem>>)
    %dma_wait3A_615 = arith.constant 0 : i32
    %dma_wait3A_616 = arith.constant 0 : i32
    %dma_wait3A_617 = tpu.memref_slice %arg6[%dma_wait3A_615, %dma_wait3A_616] : memref<512x128xf32, #tpu.memory_space<vmem>> -> memref<128x128xf32, #tpu.memory_space<vmem>>
    %dma_wait3A_618 = arith.constant 0 : i32
    %dma_wait3A_619 = tpu.memref_slice %arg5[%dma_wait3A_618] : memref<512xi32, #tpu.memory_space<vmem>> -> memref<128xi32, #tpu.memory_space<vmem>>
    %dma_wait3A_620 = arith.constant 0 : i32
    %dma_wait3A_621 = arith.constant 0 : i32
    %dma_wait3A_622 = tpu.memref_slice %arg3[%dma_wait3A_620, %dma_wait3A_621] : memref<301056x128xf32, #tpu.memory_space<hbm>> -> memref<301056x128xf32, #tpu.memory_space<hbm>>
    tpu.wait_indirect_dma semaphore(%arg7 : memref<!tpu.dma_semaphore, #tpu.memory_space<semaphore_mem>>) src(%dma_wait3A_622 : memref<301056x128xf32, #tpu.memory_space<hbm>>) dst(%dma_wait3A_617 : memref<128x128xf32, #tpu.memory_space<vmem>>)
    %dma_wait3A_623 = arith.constant 128 : i32
    %dma_wait3A_624 = arith.constant 0 : i32
    %dma_wait3A_625 = tpu.memref_slice %arg6[%dma_wait3A_623, %dma_wait3A_624] : memref<512x128xf32, #tpu.memory_space<vmem>> -> memref<128x128xf32, #tpu.memory_space<vmem>>
    %dma_wait3A_626 = arith.constant 128 : i32
    %dma_wait3A_627 = tpu.memref_slice %arg5[%dma_wait3A_626] : memref<512xi32, #tpu.memory_space<vmem>> -> memref<128xi32, #tpu.memory_space<vmem>>
    %dma_wait3A_628 = arith.constant 0 : i32
    %dma_wait3A_629 = arith.constant 0 : i32
    %dma_wait3A_630 = tpu.memref_slice %arg3[%dma_wait3A_628, %dma_wait3A_629] : memref<301056x128xf32, #tpu.memory_space<hbm>> -> memref<301056x128xf32, #tpu.memory_space<hbm>>
    tpu.wait_indirect_dma semaphore(%arg7 : memref<!tpu.dma_semaphore, #tpu.memory_space<semaphore_mem>>) src(%dma_wait3A_630 : memref<301056x128xf32, #tpu.memory_space<hbm>>) dst(%dma_wait3A_625 : memref<128x128xf32, #tpu.memory_space<vmem>>)
    %dma_wait3A_631 = arith.constant 256 : i32
    %dma_wait3A_632 = arith.constant 0 : i32
    %dma_wait3A_633 = tpu.memref_slice %arg6[%dma_wait3A_631, %dma_wait3A_632] : memref<512x128xf32, #tpu.memory_space<vmem>> -> memref<128x128xf32, #tpu.memory_space<vmem>>
    %dma_wait3A_634 = arith.constant 256 : i32
    %dma_wait3A_635 = tpu.memref_slice %arg5[%dma_wait3A_634] : memref<512xi32, #tpu.memory_space<vmem>> -> memref<128xi32, #tpu.memory_space<vmem>>
    %dma_wait3A_636 = arith.constant 0 : i32
    %dma_wait3A_637 = arith.constant 0 : i32
    %dma_wait3A_638 = tpu.memref_slice %arg3[%dma_wait3A_636, %dma_wait3A_637] : memref<301056x128xf32, #tpu.memory_space<hbm>> -> memref<301056x128xf32, #tpu.memory_space<hbm>>
    tpu.wait_indirect_dma semaphore(%arg7 : memref<!tpu.dma_semaphore, #tpu.memory_space<semaphore_mem>>) src(%dma_wait3A_638 : memref<301056x128xf32, #tpu.memory_space<hbm>>) dst(%dma_wait3A_633 : memref<128x128xf32, #tpu.memory_space<vmem>>)
    %dma_wait3A_639 = arith.constant 384 : i32
    %dma_wait3A_640 = arith.constant 0 : i32
    %dma_wait3A_641 = tpu.memref_slice %arg6[%dma_wait3A_639, %dma_wait3A_640] : memref<512x128xf32, #tpu.memory_space<vmem>> -> memref<128x128xf32, #tpu.memory_space<vmem>>
    %dma_wait3A_642 = arith.constant 384 : i32
    %dma_wait3A_643 = tpu.memref_slice %arg5[%dma_wait3A_642] : memref<512xi32, #tpu.memory_space<vmem>> -> memref<128xi32, #tpu.memory_space<vmem>>
    %dma_wait3A_644 = arith.constant 0 : i32
    %dma_wait3A_645 = arith.constant 0 : i32
    %dma_wait3A_646 = tpu.memref_slice %arg3[%dma_wait3A_644, %dma_wait3A_645] : memref<301056x128xf32, #tpu.memory_space<hbm>> -> memref<301056x128xf32, #tpu.memory_space<hbm>>
    tpu.wait_indirect_dma semaphore(%arg7 : memref<!tpu.dma_semaphore, #tpu.memory_space<semaphore_mem>>) src(%dma_wait3A_646 : memref<301056x128xf32, #tpu.memory_space<hbm>>) dst(%dma_wait3A_641 : memref<128x128xf32, #tpu.memory_space<vmem>>)
    "tpu.region"() ({
      %run_scoped3A = tpu.sem_alloc : memref<!tpu.dma_semaphore, #tpu.memory_space<semaphore_mem>>
      %dma_start3A_719 = arith.constant 0 : i32
      %dma_start3A_720 = arith.constant 0 : i32
      %dma_start3A_721 = tpu.memref_slice %arg6[%dma_start3A_719, %dma_start3A_720] : memref<512x128xf32, #tpu.memory_space<vmem>> -> memref<512x32xf32, #tpu.memory_space<vmem>>
      %dma_start3A_722 = arith.constant 0 : i32
      %dma_start3A_723 = tpu.memref_slice %arg4[%add3A_578, %dma_start3A_722] : memref<163840x32xf32, #tpu.memory_space<hbm>> -> memref<512x32xf32, #tpu.memory_space<hbm>>
      %dma_start3A_724 = arith.constant 0 : i32
      %dma_start3A_725 = tpu.memref_slice %arg4[%add3A_578, %dma_start3A_724] : memref<163840x32xf32, #tpu.memory_space<hbm>> -> memref<512x32xf32, #tpu.memory_space<hbm>>
      %dma_start3A_726 = arith.constant 0 : i32
      %dma_start3A_727 = arith.constant 0 : i32
      %dma_start3A_728 = tpu.memref_slice %arg6[%dma_start3A_726, %dma_start3A_727] : memref<512x128xf32, #tpu.memory_space<vmem>> -> memref<512x32xf32, #tpu.memory_space<vmem>>
      tpu.enqueue_dma source(%dma_start3A_728 : memref<512x32xf32, #tpu.memory_space<vmem>>) target(%dma_start3A_725 : memref<512x32xf32, #tpu.memory_space<hbm>>) target_semaphore(%run_scoped3A : memref<!tpu.dma_semaphore, #tpu.memory_space<semaphore_mem>>)
      %dma_wait3A_729 = arith.constant 0 : i32
      %dma_wait3A_730 = arith.constant 0 : i32
      %dma_wait3A_731 = tpu.memref_slice %arg6[%dma_wait3A_729, %dma_wait3A_730] : memref<512x128xf32, #tpu.memory_space<vmem>> -> memref<512x32xf32, #tpu.memory_space<vmem>>
      %dma_wait3A_732 = arith.constant 0 : i32
      %dma_wait3A_733 = tpu.memref_slice %arg4[%add3A_578, %dma_wait3A_732] : memref<163840x32xf32, #tpu.memory_space<hbm>> -> memref<512x32xf32, #tpu.memory_space<hbm>>
      %dma_wait3A_734 = arith.constant 0 : i32
      %dma_wait3A_735 = tpu.memref_slice %arg4[%add3A_578, %dma_wait3A_734] : memref<163840x32xf32, #tpu.memory_space<hbm>> -> memref<512x32xf32, #tpu.memory_space<hbm>>
      %dma_wait3A_736 = arith.constant 0 : i32
      %dma_wait3A_737 = arith.constant 0 : i32
      %dma_wait3A_738 = tpu.memref_slice %arg6[%dma_wait3A_736, %dma_wait3A_737] : memref<512x128xf32, #tpu.memory_space<vmem>> -> memref<512x32xf32, #tpu.memory_space<vmem>>
      tpu.wait_dma2 semaphore(%run_scoped3A : memref<!tpu.dma_semaphore, #tpu.memory_space<semaphore_mem>>) src(%dma_wait3A_738 : memref<512x32xf32, #tpu.memory_space<vmem>>) dst(%dma_wait3A_735 : memref<512x32xf32, #tpu.memory_space<hbm>>)
      tpu.yield
    }) : () -> ()
    %mul3A_647 = arith.constant 512 : i32
    %mul3A_648 = arith.muli %add3A, %mul3A_647 : i32
    %add3A_649 = arith.constant 147456 : i32
    %add3A_650 = arith.addi %add3A_649, %mul3A_648 : i32
    %mul3A_651 = arith.constant 512 : i32
    %mul3A_652 = arith.muli %add3A, %mul3A_651 : i32
    %add3A_653 = arith.constant 409600 : i32
    %add3A_654 = arith.addi %add3A_653, %mul3A_652 : i32
    "tpu.region"() ({
      %run_scoped3A = tpu.sem_alloc : memref<!tpu.dma_semaphore, #tpu.memory_space<semaphore_mem>>
      %dma_start3A_719 = tpu.memref_slice %arg2[%add3A_654] : memref<425984xi32, #tpu.memory_space<hbm>> -> memref<512xi32, #tpu.memory_space<hbm>>
      %dma_start3A_720 = tpu.memref_slice %arg2[%add3A_654] : memref<425984xi32, #tpu.memory_space<hbm>> -> memref<512xi32, #tpu.memory_space<hbm>>
      tpu.enqueue_dma source(%dma_start3A_720 : memref<512xi32, #tpu.memory_space<hbm>>) target(%arg5 : memref<512xi32, #tpu.memory_space<vmem>>) target_semaphore(%run_scoped3A : memref<!tpu.dma_semaphore, #tpu.memory_space<semaphore_mem>>)
      %dma_wait3A_721 = tpu.memref_slice %arg2[%add3A_654] : memref<425984xi32, #tpu.memory_space<hbm>> -> memref<512xi32, #tpu.memory_space<hbm>>
      %dma_wait3A_722 = tpu.memref_slice %arg2[%add3A_654] : memref<425984xi32, #tpu.memory_space<hbm>> -> memref<512xi32, #tpu.memory_space<hbm>>
      tpu.wait_dma2 semaphore(%run_scoped3A : memref<!tpu.dma_semaphore, #tpu.memory_space<semaphore_mem>>) src(%dma_wait3A_722 : memref<512xi32, #tpu.memory_space<hbm>>) dst(%arg5 : memref<512xi32, #tpu.memory_space<vmem>>)
      tpu.yield
    }) : () -> ()
    %dma_start3A_655 = arith.constant 0 : i32
    %dma_start3A_656 = arith.constant 0 : i32
    %dma_start3A_657 = tpu.memref_slice %arg6[%dma_start3A_655, %dma_start3A_656] : memref<512x128xf32, #tpu.memory_space<vmem>> -> memref<128x128xf32, #tpu.memory_space<vmem>>
    %dma_start3A_658 = arith.constant 0 : i32
    %dma_start3A_659 = tpu.memref_slice %arg5[%dma_start3A_658] : memref<512xi32, #tpu.memory_space<vmem>> -> memref<128xi32, #tpu.memory_space<vmem>>
    %dma_start3A_660 = arith.constant 0 : i32
    %dma_start3A_661 = arith.constant 0 : i32
    %dma_start3A_662 = tpu.memref_slice %arg3[%dma_start3A_660, %dma_start3A_661] : memref<301056x128xf32, #tpu.memory_space<hbm>> -> memref<301056x128xf32, #tpu.memory_space<hbm>>
    tpu.enqueue_indirect_dma source(%dma_start3A_662 : memref<301056x128xf32, #tpu.memory_space<hbm>>) target(%dma_start3A_657 : memref<128x128xf32, #tpu.memory_space<vmem>>) offsets(%dma_start3A_659 : memref<128xi32, #tpu.memory_space<vmem>>) semaphore(%arg7 : memref<!tpu.dma_semaphore, #tpu.memory_space<semaphore_mem>>)
    %dma_start3A_663 = arith.constant 128 : i32
    %dma_start3A_664 = arith.constant 0 : i32
    %dma_start3A_665 = tpu.memref_slice %arg6[%dma_start3A_663, %dma_start3A_664] : memref<512x128xf32, #tpu.memory_space<vmem>> -> memref<128x128xf32, #tpu.memory_space<vmem>>
    %dma_start3A_666 = arith.constant 128 : i32
    %dma_start3A_667 = tpu.memref_slice %arg5[%dma_start3A_666] : memref<512xi32, #tpu.memory_space<vmem>> -> memref<128xi32, #tpu.memory_space<vmem>>
    %dma_start3A_668 = arith.constant 0 : i32
    %dma_start3A_669 = arith.constant 0 : i32
    %dma_start3A_670 = tpu.memref_slice %arg3[%dma_start3A_668, %dma_start3A_669] : memref<301056x128xf32, #tpu.memory_space<hbm>> -> memref<301056x128xf32, #tpu.memory_space<hbm>>
    tpu.enqueue_indirect_dma source(%dma_start3A_670 : memref<301056x128xf32, #tpu.memory_space<hbm>>) target(%dma_start3A_665 : memref<128x128xf32, #tpu.memory_space<vmem>>) offsets(%dma_start3A_667 : memref<128xi32, #tpu.memory_space<vmem>>) semaphore(%arg7 : memref<!tpu.dma_semaphore, #tpu.memory_space<semaphore_mem>>)
    %dma_start3A_671 = arith.constant 256 : i32
    %dma_start3A_672 = arith.constant 0 : i32
    %dma_start3A_673 = tpu.memref_slice %arg6[%dma_start3A_671, %dma_start3A_672] : memref<512x128xf32, #tpu.memory_space<vmem>> -> memref<128x128xf32, #tpu.memory_space<vmem>>
    %dma_start3A_674 = arith.constant 256 : i32
    %dma_start3A_675 = tpu.memref_slice %arg5[%dma_start3A_674] : memref<512xi32, #tpu.memory_space<vmem>> -> memref<128xi32, #tpu.memory_space<vmem>>
    %dma_start3A_676 = arith.constant 0 : i32
    %dma_start3A_677 = arith.constant 0 : i32
    %dma_start3A_678 = tpu.memref_slice %arg3[%dma_start3A_676, %dma_start3A_677] : memref<301056x128xf32, #tpu.memory_space<hbm>> -> memref<301056x128xf32, #tpu.memory_space<hbm>>
    tpu.enqueue_indirect_dma source(%dma_start3A_678 : memref<301056x128xf32, #tpu.memory_space<hbm>>) target(%dma_start3A_673 : memref<128x128xf32, #tpu.memory_space<vmem>>) offsets(%dma_start3A_675 : memref<128xi32, #tpu.memory_space<vmem>>) semaphore(%arg7 : memref<!tpu.dma_semaphore, #tpu.memory_space<semaphore_mem>>)
    %dma_start3A_679 = arith.constant 384 : i32
    %dma_start3A_680 = arith.constant 0 : i32
    %dma_start3A_681 = tpu.memref_slice %arg6[%dma_start3A_679, %dma_start3A_680] : memref<512x128xf32, #tpu.memory_space<vmem>> -> memref<128x128xf32, #tpu.memory_space<vmem>>
    %dma_start3A_682 = arith.constant 384 : i32
    %dma_start3A_683 = tpu.memref_slice %arg5[%dma_start3A_682] : memref<512xi32, #tpu.memory_space<vmem>> -> memref<128xi32, #tpu.memory_space<vmem>>
    %dma_start3A_684 = arith.constant 0 : i32
    %dma_start3A_685 = arith.constant 0 : i32
    %dma_start3A_686 = tpu.memref_slice %arg3[%dma_start3A_684, %dma_start3A_685] : memref<301056x128xf32, #tpu.memory_space<hbm>> -> memref<301056x128xf32, #tpu.memory_space<hbm>>
    tpu.enqueue_indirect_dma source(%dma_start3A_686 : memref<301056x128xf32, #tpu.memory_space<hbm>>) target(%dma_start3A_681 : memref<128x128xf32, #tpu.memory_space<vmem>>) offsets(%dma_start3A_683 : memref<128xi32, #tpu.memory_space<vmem>>) semaphore(%arg7 : memref<!tpu.dma_semaphore, #tpu.memory_space<semaphore_mem>>)
    %dma_wait3A_687 = arith.constant 0 : i32
    %dma_wait3A_688 = arith.constant 0 : i32
    %dma_wait3A_689 = tpu.memref_slice %arg6[%dma_wait3A_687, %dma_wait3A_688] : memref<512x128xf32, #tpu.memory_space<vmem>> -> memref<128x128xf32, #tpu.memory_space<vmem>>
    %dma_wait3A_690 = arith.constant 0 : i32
    %dma_wait3A_691 = tpu.memref_slice %arg5[%dma_wait3A_690] : memref<512xi32, #tpu.memory_space<vmem>> -> memref<128xi32, #tpu.memory_space<vmem>>
    %dma_wait3A_692 = arith.constant 0 : i32
    %dma_wait3A_693 = arith.constant 0 : i32
    %dma_wait3A_694 = tpu.memref_slice %arg3[%dma_wait3A_692, %dma_wait3A_693] : memref<301056x128xf32, #tpu.memory_space<hbm>> -> memref<301056x128xf32, #tpu.memory_space<hbm>>
    tpu.wait_indirect_dma semaphore(%arg7 : memref<!tpu.dma_semaphore, #tpu.memory_space<semaphore_mem>>) src(%dma_wait3A_694 : memref<301056x128xf32, #tpu.memory_space<hbm>>) dst(%dma_wait3A_689 : memref<128x128xf32, #tpu.memory_space<vmem>>)
    %dma_wait3A_695 = arith.constant 128 : i32
    %dma_wait3A_696 = arith.constant 0 : i32
    %dma_wait3A_697 = tpu.memref_slice %arg6[%dma_wait3A_695, %dma_wait3A_696] : memref<512x128xf32, #tpu.memory_space<vmem>> -> memref<128x128xf32, #tpu.memory_space<vmem>>
    %dma_wait3A_698 = arith.constant 128 : i32
    %dma_wait3A_699 = tpu.memref_slice %arg5[%dma_wait3A_698] : memref<512xi32, #tpu.memory_space<vmem>> -> memref<128xi32, #tpu.memory_space<vmem>>
    %dma_wait3A_700 = arith.constant 0 : i32
    %dma_wait3A_701 = arith.constant 0 : i32
    %dma_wait3A_702 = tpu.memref_slice %arg3[%dma_wait3A_700, %dma_wait3A_701] : memref<301056x128xf32, #tpu.memory_space<hbm>> -> memref<301056x128xf32, #tpu.memory_space<hbm>>
    tpu.wait_indirect_dma semaphore(%arg7 : memref<!tpu.dma_semaphore, #tpu.memory_space<semaphore_mem>>) src(%dma_wait3A_702 : memref<301056x128xf32, #tpu.memory_space<hbm>>) dst(%dma_wait3A_697 : memref<128x128xf32, #tpu.memory_space<vmem>>)
    %dma_wait3A_703 = arith.constant 256 : i32
    %dma_wait3A_704 = arith.constant 0 : i32
    %dma_wait3A_705 = tpu.memref_slice %arg6[%dma_wait3A_703, %dma_wait3A_704] : memref<512x128xf32, #tpu.memory_space<vmem>> -> memref<128x128xf32, #tpu.memory_space<vmem>>
    %dma_wait3A_706 = arith.constant 256 : i32
    %dma_wait3A_707 = tpu.memref_slice %arg5[%dma_wait3A_706] : memref<512xi32, #tpu.memory_space<vmem>> -> memref<128xi32, #tpu.memory_space<vmem>>
    %dma_wait3A_708 = arith.constant 0 : i32
    %dma_wait3A_709 = arith.constant 0 : i32
    %dma_wait3A_710 = tpu.memref_slice %arg3[%dma_wait3A_708, %dma_wait3A_709] : memref<301056x128xf32, #tpu.memory_space<hbm>> -> memref<301056x128xf32, #tpu.memory_space<hbm>>
    tpu.wait_indirect_dma semaphore(%arg7 : memref<!tpu.dma_semaphore, #tpu.memory_space<semaphore_mem>>) src(%dma_wait3A_710 : memref<301056x128xf32, #tpu.memory_space<hbm>>) dst(%dma_wait3A_705 : memref<128x128xf32, #tpu.memory_space<vmem>>)
    %dma_wait3A_711 = arith.constant 384 : i32
    %dma_wait3A_712 = arith.constant 0 : i32
    %dma_wait3A_713 = tpu.memref_slice %arg6[%dma_wait3A_711, %dma_wait3A_712] : memref<512x128xf32, #tpu.memory_space<vmem>> -> memref<128x128xf32, #tpu.memory_space<vmem>>
    %dma_wait3A_714 = arith.constant 384 : i32
    %dma_wait3A_715 = tpu.memref_slice %arg5[%dma_wait3A_714] : memref<512xi32, #tpu.memory_space<vmem>> -> memref<128xi32, #tpu.memory_space<vmem>>
    %dma_wait3A_716 = arith.constant 0 : i32
    %dma_wait3A_717 = arith.constant 0 : i32
    %dma_wait3A_718 = tpu.memref_slice %arg3[%dma_wait3A_716, %dma_wait3A_717] : memref<301056x128xf32, #tpu.memory_space<hbm>> -> memref<301056x128xf32, #tpu.memory_space<hbm>>
    tpu.wait_indirect_dma semaphore(%arg7 : memref<!tpu.dma_semaphore, #tpu.memory_space<semaphore_mem>>) src(%dma_wait3A_718 : memref<301056x128xf32, #tpu.memory_space<hbm>>) dst(%dma_wait3A_713 : memref<128x128xf32, #tpu.memory_space<vmem>>)
    "tpu.region"() ({
      %run_scoped3A = tpu.sem_alloc : memref<!tpu.dma_semaphore, #tpu.memory_space<semaphore_mem>>
      %dma_start3A_719 = arith.constant 0 : i32
      %dma_start3A_720 = arith.constant 32 : i32
      %dma_start3A_721 = tpu.memref_slice %arg6[%dma_start3A_719, %dma_start3A_720] : memref<512x128xf32, #tpu.memory_space<vmem>> -> memref<512x32xf32, #tpu.memory_space<vmem>>
      %dma_start3A_722 = arith.constant 0 : i32
      %dma_start3A_723 = tpu.memref_slice %arg4[%add3A_650, %dma_start3A_722] : memref<163840x32xf32, #tpu.memory_space<hbm>> -> memref<512x32xf32, #tpu.memory_space<hbm>>
      %dma_start3A_724 = arith.constant 0 : i32
      %dma_start3A_725 = tpu.memref_slice %arg4[%add3A_650, %dma_start3A_724] : memref<163840x32xf32, #tpu.memory_space<hbm>> -> memref<512x32xf32, #tpu.memory_space<hbm>>
      %dma_start3A_726 = arith.constant 0 : i32
      %dma_start3A_727 = arith.constant 32 : i32
      %dma_start3A_728 = tpu.memref_slice %arg6[%dma_start3A_726, %dma_start3A_727] : memref<512x128xf32, #tpu.memory_space<vmem>> -> memref<512x32xf32, #tpu.memory_space<vmem>>
      tpu.enqueue_dma source(%dma_start3A_728 : memref<512x32xf32, #tpu.memory_space<vmem>>) target(%dma_start3A_725 : memref<512x32xf32, #tpu.memory_space<hbm>>) target_semaphore(%run_scoped3A : memref<!tpu.dma_semaphore, #tpu.memory_space<semaphore_mem>>)
      %dma_wait3A_729 = arith.constant 0 : i32
      %dma_wait3A_730 = arith.constant 32 : i32
      %dma_wait3A_731 = tpu.memref_slice %arg6[%dma_wait3A_729, %dma_wait3A_730] : memref<512x128xf32, #tpu.memory_space<vmem>> -> memref<512x32xf32, #tpu.memory_space<vmem>>
      %dma_wait3A_732 = arith.constant 0 : i32
      %dma_wait3A_733 = tpu.memref_slice %arg4[%add3A_650, %dma_wait3A_732] : memref<163840x32xf32, #tpu.memory_space<hbm>> -> memref<512x32xf32, #tpu.memory_space<hbm>>
      %dma_wait3A_734 = arith.constant 0 : i32
      %dma_wait3A_735 = tpu.memref_slice %arg4[%add3A_650, %dma_wait3A_734] : memref<163840x32xf32, #tpu.memory_space<hbm>> -> memref<512x32xf32, #tpu.memory_space<hbm>>
      %dma_wait3A_736 = arith.constant 0 : i32
      %dma_wait3A_737 = arith.constant 32 : i32
      %dma_wait3A_738 = tpu.memref_slice %arg6[%dma_wait3A_736, %dma_wait3A_737] : memref<512x128xf32, #tpu.memory_space<vmem>> -> memref<512x32xf32, #tpu.memory_space<vmem>>
      tpu.wait_dma2 semaphore(%run_scoped3A : memref<!tpu.dma_semaphore, #tpu.memory_space<semaphore_mem>>) src(%dma_wait3A_738 : memref<512x32xf32, #tpu.memory_space<vmem>>) dst(%dma_wait3A_735 : memref<512x32xf32, #tpu.memory_space<hbm>>)
      tpu.yield
    }) : () -> ()
    return
  }
}

module attributes {stable_mosaic.version = 14 : i64} {
  func.func @_regroup_body(%arg0: i32, %arg1: i32, %arg2: memref<4x32x2048xf32, #tpu.memory_space<vmem>>, %arg3: memref<2048x128xf32, #tpu.memory_space<vmem>>) attributes {dimension_semantics = [#tpu.dimension_semantics<arbitrary>, #tpu.dimension_semantics<arbitrary>], iteration_bounds = array<i64: 4, 49>, scalar_prefetch = 0 : i64, scratch_operands = 0 : i64, tpu.core_type = #tpu.core_type<tc>, window_params = [{transform_indices = @transform_0, window_bounds = array<i64: 4, 32, 2048>}, {transform_indices = @transform_1, window_bounds = array<i64: 2048, 128>}]} {
    %get3A = arith.constant 0 : index
    %get3A_0 = arith.constant 0 : index
    %get3A_1 = arith.constant 0 : index
    %get3A_2 = vector.load %arg2[%get3A, %get3A_0, %get3A_1] : memref<4x32x2048xf32, #tpu.memory_space<vmem>>, vector<4x32x2048xf32>
    %reshape3A = vector.shape_cast %get3A_2 : vector<4x32x2048xf32> to vector<128x2048xf32>
    %transpose3A = tpu.transpose %reshape3A, [1, 0] : vector<128x2048xf32> -> vector<2048x128xf32>
    %swap3A = arith.constant 0 : index
    %swap3A_3 = arith.constant 0 : index
    %swap3A_4 = vector.load %arg3[%swap3A, %swap3A_3] : memref<2048x128xf32, #tpu.memory_space<vmem>>, vector<2048x128xf32>
    tpu.vector_store %arg3[%swap3A, %swap3A_3], %transpose3A {strides = array<i32>} : memref<2048x128xf32, #tpu.memory_space<vmem>>, vector<2048x128xf32>,
    return
  }
  func.func @transform_0(%arg0: i32, %arg1: i32) -> (i32, i32, i32) {
    %add3A = arith.constant 0 : i32
    %add3A_0 = arith.addi %add3A, %arg0 : i32
    %c0_i32 = arith.constant 0 : i32
    %c0_i32_1 = arith.constant 0 : i32
    return %add3A_0, %c0_i32, %arg1 : i32, i32, i32
  }
  func.func @transform_1(%arg0: i32, %arg1: i32) -> (i32, i32) {
    %mul3A = arith.constant 49 : i32
    %mul3A_0 = arith.muli %arg0, %mul3A : i32
    %add3A = arith.addi %mul3A_0, %arg1 : i32
    %c0_i32 = arith.constant 0 : i32
    %c0_i32_1 = arith.constant 0 : i32
    return %add3A, %c0_i32 : i32, i32
  }
}

module attributes {stable_mosaic.version = 14 : i64} {
  func.func @_regroup_body(%arg0: i32, %arg1: i32, %arg2: memref<4x32x2048xf32, #tpu.memory_space<vmem>>, %arg3: memref<2048x128xf32, #tpu.memory_space<vmem>>) attributes {dimension_semantics = [#tpu.dimension_semantics<arbitrary>, #tpu.dimension_semantics<arbitrary>], iteration_bounds = array<i64: 3, 49>, scalar_prefetch = 0 : i64, scratch_operands = 0 : i64, tpu.core_type = #tpu.core_type<tc>, window_params = [{transform_indices = @transform_0, window_bounds = array<i64: 4, 32, 2048>}, {transform_indices = @transform_1, window_bounds = array<i64: 2048, 128>}]} {
    %get3A = arith.constant 0 : index
    %get3A_0 = arith.constant 0 : index
    %get3A_1 = arith.constant 0 : index
    %get3A_2 = vector.load %arg2[%get3A, %get3A_0, %get3A_1] : memref<4x32x2048xf32, #tpu.memory_space<vmem>>, vector<4x32x2048xf32>
    %reshape3A = vector.shape_cast %get3A_2 : vector<4x32x2048xf32> to vector<128x2048xf32>
    %transpose3A = tpu.transpose %reshape3A, [1, 0] : vector<128x2048xf32> -> vector<2048x128xf32>
    %swap3A = arith.constant 0 : index
    %swap3A_3 = arith.constant 0 : index
    %swap3A_4 = vector.load %arg3[%swap3A, %swap3A_3] : memref<2048x128xf32, #tpu.memory_space<vmem>>, vector<2048x128xf32>
    tpu.vector_store %arg3[%swap3A, %swap3A_3], %transpose3A {strides = array<i32>} : memref<2048x128xf32, #tpu.memory_space<vmem>>, vector<2048x128xf32>,
    return
  }
  func.func @transform_0(%arg0: i32, %arg1: i32) -> (i32, i32, i32) {
    %add3A = arith.constant 4 : i32
    %add3A_0 = arith.addi %add3A, %arg0 : i32
    %c0_i32 = arith.constant 0 : i32
    %c0_i32_1 = arith.constant 0 : i32
    return %add3A_0, %c0_i32, %arg1 : i32, i32, i32
  }
  func.func @transform_1(%arg0: i32, %arg1: i32) -> (i32, i32) {
    %mul3A = arith.constant 49 : i32
    %mul3A_0 = arith.muli %arg0, %mul3A : i32
    %add3A = arith.addi %mul3A_0, %arg1 : i32
    %c0_i32 = arith.constant 0 : i32
    %c0_i32_1 = arith.constant 0 : i32
    return %add3A, %c0_i32 : i32, i32
  }
}

module attributes {stable_mosaic.version = 14 : i64} {
  func.func @_prep_body(%arg0: memref<26x16384xi32, #tpu.memory_space<vmem>>, %arg1: memref<13x16384xf32, #tpu.memory_space<vmem>>, %arg2: memref<13x1xf32, #tpu.memory_space<vmem>>, %arg3: memref<13x1xf32, #tpu.memory_space<vmem>>, %arg4: memref<26x16384xi32, #tpu.memory_space<vmem>>, %arg5: memref<13x16384xf32, #tpu.memory_space<vmem>>) attributes {dimension_semantics = [], scalar_prefetch = 0 : i64, scratch_operands = 0 : i64, tpu.core_type = #tpu.core_type<tc>} {
    %get3A = arith.constant 0 : index
    %get3A_0 = arith.constant 0 : index
    %get3A_1 = vector.load %arg0[%get3A, %get3A_0] : memref<26x16384xi32, #tpu.memory_space<vmem>>, vector<26x16384xi32>
    %jit3A = arith.constant 0 : i32
    %jit3A_2 = arith.constant 99999 : i32
    %max3A = vector.broadcast %jit3A : i32 to vector<26x16384xi32>
    %max3A_3 = arith.maxsi %max3A, %get3A_1 : vector<26x16384xi32>
    %min3A = vector.broadcast %jit3A_2 : i32 to vector<26x16384xi32>
    %min3A_4 = arith.minsi %min3A, %max3A_3 : vector<26x16384xi32>
    %iota3A = tpu.iota {dimensions = array<i32: 0>} : vector<26x1xi32>
    %jit3A_5 = arith.constant 4 : i32
    %div3A = vector.broadcast %jit3A_5 : i32 to vector<26x1xi32>
    %div3A_6 = arith.divsi %iota3A, %div3A : vector<26x1xi32>
    %sign3A = arith.constant 0 : i32
    %sign3A_7 = vector.broadcast %sign3A : i32 to vector<26x1xi32>
    %sign3A_8 = arith.cmpi sgt, %iota3A, %sign3A_7 : vector<26x1xi32>
    %sign3A_9 = arith.extui %sign3A_8 : vector<26x1xi1> to vector<26x1xi32>
    %sign3A_10 = arith.constant 0 : i32
    %sign3A_11 = vector.broadcast %sign3A_10 : i32 to vector<26x1xi32>
    %sign3A_12 = arith.cmpi slt, %iota3A, %sign3A_11 : vector<26x1xi32>
    %sign3A_13 = arith.extui %sign3A_12 : vector<26x1xi1> to vector<26x1xi32>
    %sign3A_14 = arith.subi %sign3A_9, %sign3A_13 : vector<26x1xi32>
    %sign3A_15 = arith.constant 0 : i32
    %sign3A_16 = arith.cmpi sgt, %jit3A_5, %sign3A_15 : i32
    %sign3A_17 = arith.extui %sign3A_16 : i1 to i32
    %sign3A_18 = arith.constant 0 : i32
    %sign3A_19 = arith.cmpi slt, %jit3A_5, %sign3A_18 : i32
    %sign3A_20 = arith.extui %sign3A_19 : i1 to i32
    %sign3A_21 = arith.subi %sign3A_17, %sign3A_20 : i32
    %ne3A = vector.broadcast %sign3A_21 : i32 to vector<26x1xi32>
    %ne3A_22 = arith.cmpi ne, %sign3A_14, %ne3A : vector<26x1xi32>
    %rem3A = vector.broadcast %jit3A_5 : i32 to vector<26x1xi32>
    %rem3A_23 = arith.remsi %iota3A, %rem3A : vector<26x1xi32>
    %ne3A_24 = arith.constant 0 : i32
    %ne3A_25 = vector.broadcast %ne3A_24 : i32 to vector<26x1xi32>
    %ne3A_26 = arith.cmpi ne, %rem3A_23, %ne3A_25 : vector<26x1xi32>
    %and3A = arith.andi %ne3A_22, %ne3A_26 : vector<26x1xi1>
    %sub3A = arith.constant 1 : i32
    %sub3A_27 = vector.broadcast %sub3A : i32 to vector<26x1xi32>
    %sub3A_28 = arith.subi %div3A_6, %sub3A_27 : vector<26x1xi32>
    %select_n3A = arith.select %and3A, %sub3A_28, %div3A_6 : vector<26x1xi1>, vector<26x1xi32>
    %jit3A_29 = arith.constant 4 : i32
    %eq3A = arith.constant 0 : i32
    %eq3A_30 = arith.cmpi eq, %jit3A_29, %eq3A : i32
    %jit3A_31 = arith.constant 1 : i32
    %select_n3A_32 = arith.select %eq3A_30, %jit3A_31, %jit3A_29 : i32
    %rem3A_33 = vector.broadcast %select_n3A_32 : i32 to vector<26x1xi32>
    %rem3A_34 = arith.remsi %select_n3A, %rem3A_33 : vector<26x1xi32>
    %ne3A_35 = arith.constant 0 : i32
    %ne3A_36 = vector.broadcast %ne3A_35 : i32 to vector<26x1xi32>
    %ne3A_37 = arith.cmpi ne, %rem3A_34, %ne3A_36 : vector<26x1xi32>
    %lt3A = arith.constant 0 : i32
    %lt3A_38 = vector.broadcast %lt3A : i32 to vector<26x1xi32>
    %lt3A_39 = arith.cmpi slt, %rem3A_34, %lt3A_38 : vector<26x1xi32>
    %lt3A_40 = arith.constant 0 : i32
    %lt3A_41 = arith.cmpi slt, %select_n3A_32, %lt3A_40 : i32
    %ne3A_42 = vector.broadcast %lt3A_41 : i1 to vector<26x1xi1>
    %ne3A_43 = vector.broadcast %ne3A_42 : vector<26x1xi1> to vector<26x1xi1>
    %ne3A_44 = arith.xori %lt3A_39, %ne3A_43 : vector<26x1xi1>
    %and3A_45 = arith.andi %ne3A_44, %ne3A_37 : vector<26x1xi1>
    %add3A = vector.broadcast %select_n3A_32 : i32 to vector<26x1xi32>
    %add3A_46 = arith.addi %rem3A_34, %add3A : vector<26x1xi32>
    %select_n3A_47 = arith.select %and3A_45, %add3A_46, %rem3A_34 : vector<26x1xi1>, vector<26x1xi32>
    %mul3A = arith.constant 100352 : i32
    %mul3A_48 = vector.broadcast %mul3A : i32 to vector<26x1xi32>
    %mul3A_49 = arith.muli %select_n3A_47, %mul3A_48 : vector<26x1xi32>
    %add3A_50 = vector.broadcast %mul3A_49 : vector<26x1xi32> to vector<26x16384xi32>
    %add3A_51 = arith.addi %min3A_4, %add3A_50 : vector<26x16384xi32>
    %convert_element_type3A = arith.sitofp %add3A_51 : vector<26x16384xi32> to vector<26x16384xf32>
    %iota3A_52 = tpu.iota {dimensions = array<i32: 0>} : vector<512x512xi32>
    %iota3A_53 = tpu.iota {dimensions = array<i32: 1>} : vector<512x512xi32>
    %jit3A_54 = arith.constant 4 : i32
    %eq3A_55 = arith.constant 0 : i32
    %eq3A_56 = arith.cmpi eq, %jit3A_54, %eq3A_55 : i32
    %jit3A_57 = arith.constant 1 : i32
    %select_n3A_58 = arith.select %eq3A_56, %jit3A_57, %jit3A_54 : i32
    %rem3A_59 = vector.broadcast %select_n3A_58 : i32 to vector<512x512xi32>
    %rem3A_60 = arith.remsi %iota3A_53, %rem3A_59 : vector<512x512xi32>
    %ne3A_61 = arith.constant 0 : i32
    %ne3A_62 = vector.broadcast %ne3A_61 : i32 to vector<512x512xi32>
    %ne3A_63 = arith.cmpi ne, %rem3A_60, %ne3A_62 : vector<512x512xi32>
    %lt3A_64 = arith.constant 0 : i32
    %lt3A_65 = vector.broadcast %lt3A_64 : i32 to vector<512x512xi32>
    %lt3A_66 = arith.cmpi slt, %rem3A_60, %lt3A_65 : vector<512x512xi32>
    %lt3A_67 = arith.constant 0 : i32
    %lt3A_68 = arith.cmpi slt, %select_n3A_58, %lt3A_67 : i32
    %ne3A_69 = vector.broadcast %lt3A_68 : i1 to vector<512x512xi1>
    %ne3A_70 = vector.broadcast %ne3A_69 : vector<512x512xi1> to vector<512x512xi1>
    %ne3A_71 = arith.xori %lt3A_66, %ne3A_70 : vector<512x512xi1>
    %and3A_72 = arith.andi %ne3A_71, %ne3A_63 : vector<512x512xi1>
    %add3A_73 = vector.broadcast %select_n3A_58 : i32 to vector<512x512xi32>
    %add3A_74 = arith.addi %rem3A_60, %add3A_73 : vector<512x512xi32>
    %select_n3A_75 = arith.select %and3A_72, %add3A_74, %rem3A_60 : vector<512x512xi1>, vector<512x512xi32>
    %mul3A_76 = arith.constant 128 : i32
    %mul3A_77 = vector.broadcast %mul3A_76 : i32 to vector<512x512xi32>
    %mul3A_78 = arith.muli %select_n3A_75, %mul3A_77 : vector<512x512xi32>
    %jit3A_79 = arith.constant 4 : i32
    %div3A_80 = vector.broadcast %jit3A_79 : i32 to vector<512x512xi32>
    %div3A_81 = arith.divsi %iota3A_53, %div3A_80 : vector<512x512xi32>
    %sign3A_82 = arith.constant 0 : i32
    %sign3A_83 = vector.broadcast %sign3A_82 : i32 to vector<512x512xi32>
    %sign3A_84 = arith.cmpi sgt, %iota3A_53, %sign3A_83 : vector<512x512xi32>
    %sign3A_85 = arith.extui %sign3A_84 : vector<512x512xi1> to vector<512x512xi32>
    %sign3A_86 = arith.constant 0 : i32
    %sign3A_87 = vector.broadcast %sign3A_86 : i32 to vector<512x512xi32>
    %sign3A_88 = arith.cmpi slt, %iota3A_53, %sign3A_87 : vector<512x512xi32>
    %sign3A_89 = arith.extui %sign3A_88 : vector<512x512xi1> to vector<512x512xi32>
    %sign3A_90 = arith.subi %sign3A_85, %sign3A_89 : vector<512x512xi32>
    %sign3A_91 = arith.constant 0 : i32
    %sign3A_92 = arith.cmpi sgt, %jit3A_79, %sign3A_91 : i32
    %sign3A_93 = arith.extui %sign3A_92 : i1 to i32
    %sign3A_94 = arith.constant 0 : i32
    %sign3A_95 = arith.cmpi slt, %jit3A_79, %sign3A_94 : i32
    %sign3A_96 = arith.extui %sign3A_95 : i1 to i32
    %sign3A_97 = arith.subi %sign3A_93, %sign3A_96 : i32
    %ne3A_98 = vector.broadcast %sign3A_97 : i32 to vector<512x512xi32>
    %ne3A_99 = arith.cmpi ne, %sign3A_90, %ne3A_98 : vector<512x512xi32>
    %rem3A_100 = vector.broadcast %jit3A_79 : i32 to vector<512x512xi32>
    %rem3A_101 = arith.remsi %iota3A_53, %rem3A_100 : vector<512x512xi32>
    %ne3A_102 = arith.constant 0 : i32
    %ne3A_103 = vector.broadcast %ne3A_102 : i32 to vector<512x512xi32>
    %ne3A_104 = arith.cmpi ne, %rem3A_101, %ne3A_103 : vector<512x512xi32>
    %and3A_105 = arith.andi %ne3A_99, %ne3A_104 : vector<512x512xi1>
    %sub3A_106 = arith.constant 1 : i32
    %sub3A_107 = vector.broadcast %sub3A_106 : i32 to vector<512x512xi32>
    %sub3A_108 = arith.subi %div3A_81, %sub3A_107 : vector<512x512xi32>
    %select_n3A_109 = arith.select %and3A_105, %sub3A_108, %div3A_81 : vector<512x512xi1>, vector<512x512xi32>
    %add3A_110 = arith.addi %mul3A_78, %select_n3A_109 : vector<512x512xi32>
    %eq3A_111 = arith.cmpi eq, %iota3A_52, %add3A_110 : vector<512x512xi32>
    %convert_element_type3A_112 = arith.extui %eq3A_111 : vector<512x512xi1> to vector<512x512xi32>
    %convert_element_type3A_113 = arith.sitofp %convert_element_type3A_112 : vector<512x512xi32> to vector<512x512xf32>
    %reshape3A = vector.shape_cast %convert_element_type3A : vector<26x16384xf32> to vector<832x512xf32>
    %dot_general3A = arith.constant dense<0.000000e+00> : vector<832x512xf32>
    %dot_general3A_114 = tpu.matmul %reshape3A, %convert_element_type3A_113, %dot_general3A {dimension_numbers = #tpu.dot_dimension_numbers<[1], [0], [0], [1], [0, 0, 1, 1], [], []>, precision = #tpu.contract_precision<fp32>, transpose_lhs_hint = false} : vector<832x512xf32>, vector<512x512xf32>, vector<832x512xf32> -> vector<832x512xf32>
    %reshape3A_115 = vector.shape_cast %dot_general3A_114 : vector<832x512xf32> to vector<26x16384xf32>
    %convert_element_type3A_116 = arith.fptosi %reshape3A_115 : vector<26x16384xf32> to vector<26x16384xi32>
    %swap3A = arith.constant 0 : index
    %swap3A_117 = arith.constant 0 : index
    %swap3A_118 = vector.load %arg4[%swap3A, %swap3A_117] : memref<26x16384xi32, #tpu.memory_space<vmem>>, vector<26x16384xi32>
    tpu.vector_store %arg4[%swap3A, %swap3A_117], %convert_element_type3A_116 {strides = array<i32>} : memref<26x16384xi32, #tpu.memory_space<vmem>>, vector<26x16384xi32>,
    %get3A_119 = arith.constant 0 : index
    %get3A_120 = arith.constant 0 : index
    %get3A_121 = vector.load %arg1[%get3A_119, %get3A_120] : memref<13x16384xf32, #tpu.memory_space<vmem>>, vector<13x16384xf32>
    %reduce_sum3A = arith.constant dense<0.000000e+00> : vector<13xf32>
    %reduce_sum3A_122 = vector.multi_reduction <add>, %get3A_121, %reduce_sum3A [1] : vector<13x16384xf32> to vector<13xf32>
    %broadcast_in_dim3A = vector.shape_cast %reduce_sum3A_122 : vector<13xf32> to vector<13x1xf32>
    %div3A_123 = arith.constant 1.638400e+04 : f32
    %div3A_124 = vector.broadcast %div3A_123 : f32 to vector<13x1xf32>
    %div3A_125 = arith.divf %broadcast_in_dim3A, %div3A_124 : vector<13x1xf32>
    %sub3A_126 = vector.broadcast %div3A_125 : vector<13x1xf32> to vector<13x16384xf32>
    %sub3A_127 = arith.subf %get3A_121, %sub3A_126 : vector<13x16384xf32>
    %sub3A_128 = vector.broadcast %div3A_125 : vector<13x1xf32> to vector<13x16384xf32>
    %sub3A_129 = arith.subf %get3A_121, %sub3A_128 : vector<13x16384xf32>
    %mul3A_130 = arith.mulf %sub3A_127, %sub3A_129 : vector<13x16384xf32>
    %reduce_sum3A_131 = arith.constant dense<0.000000e+00> : vector<13xf32>
    %reduce_sum3A_132 = vector.multi_reduction <add>, %mul3A_130, %reduce_sum3A_131 [1] : vector<13x16384xf32> to vector<13xf32>
    %broadcast_in_dim3A_133 = vector.shape_cast %reduce_sum3A_132 : vector<13xf32> to vector<13x1xf32>
    %div3A_134 = arith.constant 1.638400e+04 : f32
    %div3A_135 = vector.broadcast %div3A_134 : f32 to vector<13x1xf32>
    %div3A_136 = arith.divf %broadcast_in_dim3A_133, %div3A_135 : vector<13x1xf32>
    %sub3A_137 = vector.broadcast %div3A_125 : vector<13x1xf32> to vector<13x16384xf32>
    %sub3A_138 = arith.subf %get3A_121, %sub3A_137 : vector<13x16384xf32>
    %add3A_139 = arith.constant 9.99999974E-6 : f32
    %add3A_140 = vector.broadcast %add3A_139 : f32 to vector<13x1xf32>
    %add3A_141 = arith.addf %div3A_136, %add3A_140 : vector<13x1xf32>
    %rsqrt3A = math.rsqrt %add3A_141 : vector<13x1xf32>
    %mul3A_142 = vector.broadcast %rsqrt3A : vector<13x1xf32> to vector<13x16384xf32>
    %mul3A_143 = arith.mulf %sub3A_138, %mul3A_142 : vector<13x16384xf32>
    %get3A_144 = arith.constant 0 : index
    %get3A_145 = arith.constant 0 : index
    %get3A_146 = vector.load %arg2[%get3A_144, %get3A_145] : memref<13x1xf32, #tpu.memory_space<vmem>>, vector<13x1xf32>
    %mul3A_147 = vector.broadcast %get3A_146 : vector<13x1xf32> to vector<13x16384xf32>
    %mul3A_148 = arith.mulf %mul3A_143, %mul3A_147 : vector<13x16384xf32>
    %get3A_149 = arith.constant 0 : index
    %get3A_150 = arith.constant 0 : index
    %get3A_151 = vector.load %arg3[%get3A_149, %get3A_150] : memref<13x1xf32, #tpu.memory_space<vmem>>, vector<13x1xf32>
    %add3A_152 = vector.broadcast %get3A_151 : vector<13x1xf32> to vector<13x16384xf32>
    %add3A_153 = arith.addf %mul3A_148, %add3A_152 : vector<13x16384xf32>
    %swap3A_154 = arith.constant 0 : index
    %swap3A_155 = arith.constant 0 : index
    %swap3A_156 = vector.load %arg5[%swap3A_154, %swap3A_155] : memref<13x16384xf32, #tpu.memory_space<vmem>>, vector<13x16384xf32>
    tpu.vector_store %arg5[%swap3A_154, %swap3A_155], %add3A_153 {strides = array<i32>} : memref<13x16384xf32, #tpu.memory_space<vmem>>, vector<13x16384xf32>,
    return
  }
}

module attributes {stable_mosaic.version = 14 : i64} {
  func.func @_assemble_a_body(%arg0: i32, %arg1: memref<16x128x128xf32, #tpu.memory_space<vmem>>, %arg2: memref<512x512xf32, #tpu.memory_space<vmem>>) attributes {dimension_semantics = [#tpu.dimension_semantics<arbitrary>], iteration_bounds = array<i64: 32>, scalar_prefetch = 0 : i64, scratch_operands = 0 : i64, tpu.core_type = #tpu.core_type<tc>, window_params = [{transform_indices = @transform_0, window_bounds = array<i64: 16, 128, 128>}, {transform_indices = @transform_1, window_bounds = array<i64: 512, 512>}]} {
    %get3A = arith.constant 0 : index
    %get3A_0 = arith.constant 0 : index
    %get3A_1 = arith.constant 0 : index
    %get3A_2 = vector.load %arg1[%get3A, %get3A_0, %get3A_1] : memref<16x128x128xf32, #tpu.memory_space<vmem>>, vector<16x128x128xf32>
    %slice3A = vector.extract_strided_slice %get3A_2 {offsets = [0, 0, 0], sizes = [1, 128, 128], strides = [1, 1, 1]} : vector<16x128x128xf32> to vector<1x128x128xf32>
    %squeeze3A = vector.shape_cast %slice3A : vector<1x128x128xf32> to vector<128x128xf32>
    %transpose3A = tpu.transpose %squeeze3A, [1, 0] : vector<128x128xf32> -> vector<128x128xf32>
    %reshape3A = vector.shape_cast %transpose3A : vector<128x128xf32> to vector<4x32x128xf32>
    %transpose3A_3 = tpu.transpose %reshape3A, [1, 0, 2] : vector<4x32x128xf32> -> vector<32x4x128xf32>
    %reshape3A_4 = vector.shape_cast %transpose3A_3 : vector<32x4x128xf32> to vector<32x512xf32>
    %slice3A_5 = vector.extract_strided_slice %get3A_2 {offsets = [1, 0, 0], sizes = [1, 128, 128], strides = [1, 1, 1]} : vector<16x128x128xf32> to vector<1x128x128xf32>
    %squeeze3A_6 = vector.shape_cast %slice3A_5 : vector<1x128x128xf32> to vector<128x128xf32>
    %transpose3A_7 = tpu.transpose %squeeze3A_6, [1, 0] : vector<128x128xf32> -> vector<128x128xf32>
    %reshape3A_8 = vector.shape_cast %transpose3A_7 : vector<128x128xf32> to vector<4x32x128xf32>
    %transpose3A_9 = tpu.transpose %reshape3A_8, [1, 0, 2] : vector<4x32x128xf32> -> vector<32x4x128xf32>
    %reshape3A_10 = vector.shape_cast %transpose3A_9 : vector<32x4x128xf32> to vector<32x512xf32>
    %slice3A_11 = vector.extract_strided_slice %get3A_2 {offsets = [2, 0, 0], sizes = [1, 128, 128], strides = [1, 1, 1]} : vector<16x128x128xf32> to vector<1x128x128xf32>
    %squeeze3A_12 = vector.shape_cast %slice3A_11 : vector<1x128x128xf32> to vector<128x128xf32>
    %transpose3A_13 = tpu.transpose %squeeze3A_12, [1, 0] : vector<128x128xf32> -> vector<128x128xf32>
    %reshape3A_14 = vector.shape_cast %transpose3A_13 : vector<128x128xf32> to vector<4x32x128xf32>
    %transpose3A_15 = tpu.transpose %reshape3A_14, [1, 0, 2] : vector<4x32x128xf32> -> vector<32x4x128xf32>
    %reshape3A_16 = vector.shape_cast %transpose3A_15 : vector<32x4x128xf32> to vector<32x512xf32>
    %slice3A_17 = vector.extract_strided_slice %get3A_2 {offsets = [3, 0, 0], sizes = [1, 128, 128], strides = [1, 1, 1]} : vector<16x128x128xf32> to vector<1x128x128xf32>
    %squeeze3A_18 = vector.shape_cast %slice3A_17 : vector<1x128x128xf32> to vector<128x128xf32>
    %transpose3A_19 = tpu.transpose %squeeze3A_18, [1, 0] : vector<128x128xf32> -> vector<128x128xf32>
    %reshape3A_20 = vector.shape_cast %transpose3A_19 : vector<128x128xf32> to vector<4x32x128xf32>
    %transpose3A_21 = tpu.transpose %reshape3A_20, [1, 0, 2] : vector<4x32x128xf32> -> vector<32x4x128xf32>
    %reshape3A_22 = vector.shape_cast %transpose3A_21 : vector<32x4x128xf32> to vector<32x512xf32>
    %slice3A_23 = vector.extract_strided_slice %get3A_2 {offsets = [4, 0, 0], sizes = [1, 128, 128], strides = [1, 1, 1]} : vector<16x128x128xf32> to vector<1x128x128xf32>
    %squeeze3A_24 = vector.shape_cast %slice3A_23 : vector<1x128x128xf32> to vector<128x128xf32>
    %transpose3A_25 = tpu.transpose %squeeze3A_24, [1, 0] : vector<128x128xf32> -> vector<128x128xf32>
    %reshape3A_26 = vector.shape_cast %transpose3A_25 : vector<128x128xf32> to vector<4x32x128xf32>
    %transpose3A_27 = tpu.transpose %reshape3A_26, [1, 0, 2] : vector<4x32x128xf32> -> vector<32x4x128xf32>
    %reshape3A_28 = vector.shape_cast %transpose3A_27 : vector<32x4x128xf32> to vector<32x512xf32>
    %slice3A_29 = vector.extract_strided_slice %get3A_2 {offsets = [5, 0, 0], sizes = [1, 128, 128], strides = [1, 1, 1]} : vector<16x128x128xf32> to vector<1x128x128xf32>
    %squeeze3A_30 = vector.shape_cast %slice3A_29 : vector<1x128x128xf32> to vector<128x128xf32>
    %transpose3A_31 = tpu.transpose %squeeze3A_30, [1, 0] : vector<128x128xf32> -> vector<128x128xf32>
    %reshape3A_32 = vector.shape_cast %transpose3A_31 : vector<128x128xf32> to vector<4x32x128xf32>
    %transpose3A_33 = tpu.transpose %reshape3A_32, [1, 0, 2] : vector<4x32x128xf32> -> vector<32x4x128xf32>
    %reshape3A_34 = vector.shape_cast %transpose3A_33 : vector<32x4x128xf32> to vector<32x512xf32>
    %slice3A_35 = vector.extract_strided_slice %get3A_2 {offsets = [6, 0, 0], sizes = [1, 128, 128], strides = [1, 1, 1]} : vector<16x128x128xf32> to vector<1x128x128xf32>
    %squeeze3A_36 = vector.shape_cast %slice3A_35 : vector<1x128x128xf32> to vector<128x128xf32>
    %transpose3A_37 = tpu.transpose %squeeze3A_36, [1, 0] : vector<128x128xf32> -> vector<128x128xf32>
    %reshape3A_38 = vector.shape_cast %transpose3A_37 : vector<128x128xf32> to vector<4x32x128xf32>
    %transpose3A_39 = tpu.transpose %reshape3A_38, [1, 0, 2] : vector<4x32x128xf32> -> vector<32x4x128xf32>
    %reshape3A_40 = vector.shape_cast %transpose3A_39 : vector<32x4x128xf32> to vector<32x512xf32>
    %slice3A_41 = vector.extract_strided_slice %get3A_2 {offsets = [7, 0, 0], sizes = [1, 128, 128], strides = [1, 1, 1]} : vector<16x128x128xf32> to vector<1x128x128xf32>
    %squeeze3A_42 = vector.shape_cast %slice3A_41 : vector<1x128x128xf32> to vector<128x128xf32>
    %transpose3A_43 = tpu.transpose %squeeze3A_42, [1, 0] : vector<128x128xf32> -> vector<128x128xf32>
    %reshape3A_44 = vector.shape_cast %transpose3A_43 : vector<128x128xf32> to vector<4x32x128xf32>
    %transpose3A_45 = tpu.transpose %reshape3A_44, [1, 0, 2] : vector<4x32x128xf32> -> vector<32x4x128xf32>
    %reshape3A_46 = vector.shape_cast %transpose3A_45 : vector<32x4x128xf32> to vector<32x512xf32>
    %slice3A_47 = vector.extract_strided_slice %get3A_2 {offsets = [8, 0, 0], sizes = [1, 128, 128], strides = [1, 1, 1]} : vector<16x128x128xf32> to vector<1x128x128xf32>
    %squeeze3A_48 = vector.shape_cast %slice3A_47 : vector<1x128x128xf32> to vector<128x128xf32>
    %transpose3A_49 = tpu.transpose %squeeze3A_48, [1, 0] : vector<128x128xf32> -> vector<128x128xf32>
    %reshape3A_50 = vector.shape_cast %transpose3A_49 : vector<128x128xf32> to vector<4x32x128xf32>
    %transpose3A_51 = tpu.transpose %reshape3A_50, [1, 0, 2] : vector<4x32x128xf32> -> vector<32x4x128xf32>
    %reshape3A_52 = vector.shape_cast %transpose3A_51 : vector<32x4x128xf32> to vector<32x512xf32>
    %slice3A_53 = vector.extract_strided_slice %get3A_2 {offsets = [9, 0, 0], sizes = [1, 128, 128], strides = [1, 1, 1]} : vector<16x128x128xf32> to vector<1x128x128xf32>
    %squeeze3A_54 = vector.shape_cast %slice3A_53 : vector<1x128x128xf32> to vector<128x128xf32>
    %transpose3A_55 = tpu.transpose %squeeze3A_54, [1, 0] : vector<128x128xf32> -> vector<128x128xf32>
    %reshape3A_56 = vector.shape_cast %transpose3A_55 : vector<128x128xf32> to vector<4x32x128xf32>
    %transpose3A_57 = tpu.transpose %reshape3A_56, [1, 0, 2] : vector<4x32x128xf32> -> vector<32x4x128xf32>
    %reshape3A_58 = vector.shape_cast %transpose3A_57 : vector<32x4x128xf32> to vector<32x512xf32>
    %slice3A_59 = vector.extract_strided_slice %get3A_2 {offsets = [10, 0, 0], sizes = [1, 128, 128], strides = [1, 1, 1]} : vector<16x128x128xf32> to vector<1x128x128xf32>
    %squeeze3A_60 = vector.shape_cast %slice3A_59 : vector<1x128x128xf32> to vector<128x128xf32>
    %transpose3A_61 = tpu.transpose %squeeze3A_60, [1, 0] : vector<128x128xf32> -> vector<128x128xf32>
    %reshape3A_62 = vector.shape_cast %transpose3A_61 : vector<128x128xf32> to vector<4x32x128xf32>
    %transpose3A_63 = tpu.transpose %reshape3A_62, [1, 0, 2] : vector<4x32x128xf32> -> vector<32x4x128xf32>
    %reshape3A_64 = vector.shape_cast %transpose3A_63 : vector<32x4x128xf32> to vector<32x512xf32>
    %slice3A_65 = vector.extract_strided_slice %get3A_2 {offsets = [11, 0, 0], sizes = [1, 128, 128], strides = [1, 1, 1]} : vector<16x128x128xf32> to vector<1x128x128xf32>
    %squeeze3A_66 = vector.shape_cast %slice3A_65 : vector<1x128x128xf32> to vector<128x128xf32>
    %transpose3A_67 = tpu.transpose %squeeze3A_66, [1, 0] : vector<128x128xf32> -> vector<128x128xf32>
    %reshape3A_68 = vector.shape_cast %transpose3A_67 : vector<128x128xf32> to vector<4x32x128xf32>
    %transpose3A_69 = tpu.transpose %reshape3A_68, [1, 0, 2] : vector<4x32x128xf32> -> vector<32x4x128xf32>
    %reshape3A_70 = vector.shape_cast %transpose3A_69 : vector<32x4x128xf32> to vector<32x512xf32>
    %slice3A_71 = vector.extract_strided_slice %get3A_2 {offsets = [12, 0, 0], sizes = [1, 128, 128], strides = [1, 1, 1]} : vector<16x128x128xf32> to vector<1x128x128xf32>
    %squeeze3A_72 = vector.shape_cast %slice3A_71 : vector<1x128x128xf32> to vector<128x128xf32>
    %transpose3A_73 = tpu.transpose %squeeze3A_72, [1, 0] : vector<128x128xf32> -> vector<128x128xf32>
    %reshape3A_74 = vector.shape_cast %transpose3A_73 : vector<128x128xf32> to vector<4x32x128xf32>
    %transpose3A_75 = tpu.transpose %reshape3A_74, [1, 0, 2] : vector<4x32x128xf32> -> vector<32x4x128xf32>
    %reshape3A_76 = vector.shape_cast %transpose3A_75 : vector<32x4x128xf32> to vector<32x512xf32>
    %slice3A_77 = vector.extract_strided_slice %get3A_2 {offsets = [13, 0, 0], sizes = [1, 128, 128], strides = [1, 1, 1]} : vector<16x128x128xf32> to vector<1x128x128xf32>
    %squeeze3A_78 = vector.shape_cast %slice3A_77 : vector<1x128x128xf32> to vector<128x128xf32>
    %transpose3A_79 = tpu.transpose %squeeze3A_78, [1, 0] : vector<128x128xf32> -> vector<128x128xf32>
    %reshape3A_80 = vector.shape_cast %transpose3A_79 : vector<128x128xf32> to vector<4x32x128xf32>
    %transpose3A_81 = tpu.transpose %reshape3A_80, [1, 0, 2] : vector<4x32x128xf32> -> vector<32x4x128xf32>
    %reshape3A_82 = vector.shape_cast %transpose3A_81 : vector<32x4x128xf32> to vector<32x512xf32>
    %slice3A_83 = vector.extract_strided_slice %get3A_2 {offsets = [14, 0, 0], sizes = [1, 128, 128], strides = [1, 1, 1]} : vector<16x128x128xf32> to vector<1x128x128xf32>
    %squeeze3A_84 = vector.shape_cast %slice3A_83 : vector<1x128x128xf32> to vector<128x128xf32>
    %transpose3A_85 = tpu.transpose %squeeze3A_84, [1, 0] : vector<128x128xf32> -> vector<128x128xf32>
    %reshape3A_86 = vector.shape_cast %transpose3A_85 : vector<128x128xf32> to vector<4x32x128xf32>
    %transpose3A_87 = tpu.transpose %reshape3A_86, [1, 0, 2] : vector<4x32x128xf32> -> vector<32x4x128xf32>
    %reshape3A_88 = vector.shape_cast %transpose3A_87 : vector<32x4x128xf32> to vector<32x512xf32>
    %slice3A_89 = vector.extract_strided_slice %get3A_2 {offsets = [15, 0, 0], sizes = [1, 128, 128], strides = [1, 1, 1]} : vector<16x128x128xf32> to vector<1x128x128xf32>
    %squeeze3A_90 = vector.shape_cast %slice3A_89 : vector<1x128x128xf32> to vector<128x128xf32>
    %transpose3A_91 = tpu.transpose %squeeze3A_90, [1, 0] : vector<128x128xf32> -> vector<128x128xf32>
    %reshape3A_92 = vector.shape_cast %transpose3A_91 : vector<128x128xf32> to vector<4x32x128xf32>
    %transpose3A_93 = tpu.transpose %reshape3A_92, [1, 0, 2] : vector<4x32x128xf32> -> vector<32x4x128xf32>
    %reshape3A_94 = vector.shape_cast %transpose3A_93 : vector<32x4x128xf32> to vector<32x512xf32>
    %concatenate3A = tpu.concatenate %reshape3A_4, %reshape3A_10, %reshape3A_16, %reshape3A_22, %reshape3A_28, %reshape3A_34, %reshape3A_40, %reshape3A_46, %reshape3A_52, %reshape3A_58, %reshape3A_64, %reshape3A_70, %reshape3A_76, %reshape3A_82, %reshape3A_88, %reshape3A_94 in 0 : vector<32x512xf32>, vector<32x512xf32>, vector<32x512xf32>, vector<32x512xf32>, vector<32x512xf32>, vector<32x512xf32>, vector<32x512xf32>, vector<32x512xf32>, vector<32x512xf32>, vector<32x512xf32>, vector<32x512xf32>, vector<32x512xf32>, vector<32x512xf32>, vector<32x512xf32>, vector<32x512xf32>, vector<32x512xf32> -> vector<512x512xf32>
    %swap3A = arith.constant 0 : index
    %swap3A_95 = arith.constant 0 : index
    %swap3A_96 = vector.load %arg2[%swap3A, %swap3A_95] : memref<512x512xf32, #tpu.memory_space<vmem>>, vector<512x512xf32>
    tpu.vector_store %arg2[%swap3A, %swap3A_95], %concatenate3A {strides = array<i32>} : memref<512x512xf32, #tpu.memory_space<vmem>>, vector<512x512xf32>,
    return
  }
  func.func @transform_0(%arg0: i32) -> (i32, i32, i32) {
    %c0_i32 = arith.constant 0 : i32
    %c0_i32_0 = arith.constant 0 : i32
    %c0_i32_1 = arith.constant 0 : i32
    return %c0_i32, %arg0, %c0_i32_0 : i32, i32, i32
  }
  func.func @transform_1(%arg0: i32) -> (i32, i32) {
    %c0_i32 = arith.constant 0 : i32
    %c0_i32_0 = arith.constant 0 : i32
    return %c0_i32, %arg0 : i32, i32
  }
}

module attributes {stable_mosaic.version = 14 : i64} {
  func.func @_bn_write_body(%arg0: i32, %arg1: memref<13x512xf32, #tpu.memory_space<vmem>>, %arg2: memref<845x16384xf32, #tpu.memory_space<any>>, %arg3: memref<64x512xf32, #tpu.memory_space<vmem>>) attributes {dimension_semantics = [#tpu.dimension_semantics<arbitrary>], iteration_bounds = array<i64: 32>, scalar_prefetch = 0 : i64, scratch_operands = 0 : i64, tpu.core_type = #tpu.core_type<tc>, window_params = [{transform_indices = @transform_0, window_bounds = array<i64: 13, 512>}, {}, {transform_indices = @transform_2, window_bounds = array<i64: 64, 512>}]} {
    %get3A = arith.constant 0 : index
    %get3A_0 = arith.constant 0 : index
    %get3A_1 = vector.load %arg1[%get3A, %get3A_0] : memref<13x512xf32, #tpu.memory_space<vmem>>, vector<13x512xf32>
    %swap3A = arith.constant 0 : index
    %swap3A_2 = arith.constant 0 : index
    %swap3A_3 = vector.load %arg3[%swap3A, %swap3A_2] : memref<64x512xf32, #tpu.memory_space<vmem>>, vector<13x512xf32>
    tpu.vector_store %arg3[%swap3A, %swap3A_2], %get3A_1 {strides = array<i32>} : memref<64x512xf32, #tpu.memory_space<vmem>>, vector<13x512xf32>,
    return
  }
  func.func @transform_0(%arg0: i32) -> (i32, i32) {
    %c0_i32 = arith.constant 0 : i32
    %c0_i32_0 = arith.constant 0 : i32
    return %c0_i32, %arg0 : i32, i32
  }
  func.func @transform_2(%arg0: i32) -> (i32, i32) {
    %c13_i32 = arith.constant 13 : i32
    %c0_i32 = arith.constant 0 : i32
    return %c13_i32, %arg0 : i32, i32
  }
}

module attributes {stable_mosaic.version = 14 : i64} {
  func.func @_assemble_b_body(%arg0: i32, %arg1: i32, %arg2: memref<2x128x128xf32, #tpu.memory_space<vmem>>, %arg3: memref<845x16384xf32, #tpu.memory_space<any>>, %arg4: memref<64x512xf32, #tpu.memory_space<vmem>>) attributes {dimension_semantics = [#tpu.dimension_semantics<arbitrary>, #tpu.dimension_semantics<arbitrary>], iteration_bounds = array<i64: 5, 32>, scalar_prefetch = 0 : i64, scratch_operands = 0 : i64, tpu.core_type = #tpu.core_type<tc>, window_params = [{transform_indices = @transform_0, window_bounds = array<i64: 2, 128, 128>}, {}, {transform_indices = @transform_2, window_bounds = array<i64: 64, 512>}]} {
    %get3A = arith.constant 0 : index
    %get3A_0 = arith.constant 0 : index
    %get3A_1 = arith.constant 0 : index
    %get3A_2 = vector.load %arg2[%get3A, %get3A_0, %get3A_1] : memref<2x128x128xf32, #tpu.memory_space<vmem>>, vector<2x128x128xf32>
    %slice3A = vector.extract_strided_slice %get3A_2 {offsets = [0, 0, 0], sizes = [1, 128, 128], strides = [1, 1, 1]} : vector<2x128x128xf32> to vector<1x128x128xf32>
    %squeeze3A = vector.shape_cast %slice3A : vector<1x128x128xf32> to vector<128x128xf32>
    %transpose3A = tpu.transpose %squeeze3A, [1, 0] : vector<128x128xf32> -> vector<128x128xf32>
    %reshape3A = vector.shape_cast %transpose3A : vector<128x128xf32> to vector<4x32x128xf32>
    %transpose3A_3 = tpu.transpose %reshape3A, [1, 0, 2] : vector<4x32x128xf32> -> vector<32x4x128xf32>
    %reshape3A_4 = vector.shape_cast %transpose3A_3 : vector<32x4x128xf32> to vector<32x512xf32>
    %slice3A_5 = vector.extract_strided_slice %get3A_2 {offsets = [1, 0, 0], sizes = [1, 128, 128], strides = [1, 1, 1]} : vector<2x128x128xf32> to vector<1x128x128xf32>
    %squeeze3A_6 = vector.shape_cast %slice3A_5 : vector<1x128x128xf32> to vector<128x128xf32>
    %transpose3A_7 = tpu.transpose %squeeze3A_6, [1, 0] : vector<128x128xf32> -> vector<128x128xf32>
    %reshape3A_8 = vector.shape_cast %transpose3A_7 : vector<128x128xf32> to vector<4x32x128xf32>
    %transpose3A_9 = tpu.transpose %reshape3A_8, [1, 0, 2] : vector<4x32x128xf32> -> vector<32x4x128xf32>
    %reshape3A_10 = vector.shape_cast %transpose3A_9 : vector<32x4x128xf32> to vector<32x512xf32>
    %concatenate3A = tpu.concatenate %reshape3A_4, %reshape3A_10 in 0 : vector<32x512xf32>, vector<32x512xf32> -> vector<64x512xf32>
    %swap3A = arith.constant 0 : index
    %swap3A_11 = arith.constant 0 : index
    %swap3A_12 = vector.load %arg4[%swap3A, %swap3A_11] : memref<64x512xf32, #tpu.memory_space<vmem>>, vector<64x512xf32>
    tpu.vector_store %arg4[%swap3A, %swap3A_11], %concatenate3A {strides = array<i32>} : memref<64x512xf32, #tpu.memory_space<vmem>>, vector<64x512xf32>,
    return
  }
  func.func @transform_0(%arg0: i32, %arg1: i32) -> (i32, i32, i32) {
    %c0_i32 = arith.constant 0 : i32
    %c0_i32_0 = arith.constant 0 : i32
    return %arg0, %arg1, %c0_i32 : i32, i32, i32
  }
  func.func @transform_2(%arg0: i32, %arg1: i32) -> (i32, i32) {
    %add3A = arith.constant 8 : i32
    %add3A_0 = arith.addi %add3A, %arg0 : i32
    %c0_i32 = arith.constant 0 : i32
    return %add3A_0, %arg1 : i32, i32
  }
}

</mosaic_0001>

<sc_bundles>
// kernel: kernel.10.cloned.1.call-start
scs
__scs_entry_jumppad:
0x0: {  	(pc) =	sbr.rel $0x88, $3  }
0x1: {  	(tag) =	ssettag $0x0;
	lr =	simm.s32 $0x1  }
0x2: {  	[smem:$0x3F9C] =	sst lr;
	_ =	strace $0xD0000000  }
0x3: {  	_ = 	snop  }
0x4: {  	_ = 	snop  }
0x5: {  	_ = 	snop  }
0x6: {  	_ = 	snop  }
0x7: {  	_ = 	snop  }
__scs_overlays_trampoline_lowered:
0x8: {  	[smem:$0x3FAB] =	sst s0  }
0x9: {  	[smem:$0x3FAC] =	sst s1  }
0xa: {  	[smem:$0x3FAD] =	sst s2  }
0xb: {  	[smem:$0x3FAE] =	sst s3  }
0xc: {  	[smem:$0x3FAF] =	sst s4  }
0xd: {  	[smem:$0x3FB0] =	sst s5  }
0xe: {  	[smem:$0x3FB1] =	sst s6  }
0xf: {  	[smem:$0x3FB2] =	sst s7  }
0x10: {  	[smem:$0x3FB3] =	sst s8  }
0x11: {  	[smem:$0x3FB4] =	sst s9;
	s0 =	simm.s32 @!p0 $0x0  }
0x12: {  	s1 =	sld [smem:$0x3F9A];
	s0 =	simm.s32 @p0 $0x1  }
0x13: {  	[smem:$0x3FB5] =	sst s0;
	s0 =	simm.s32 @!p1 $0x0  }
0x14: {  	s2 =	sld [smem:$0x3F99];
	s0 =	simm.s32 @p1 $0x1  }
0x15: {  	[smem:$0x3FB6] =	sst s0;
	s0 =	simm.s32 @!p2 $0x0  }
0x16: {  	s3 =	sld [smem:$0x3FDB];
	s0 =	simm.s32 @p2 $0x1  }
0x17: {  	s4 =	simm.s32 $0x1BF5;
	[smem:$0x3FB8] =	sst s0  }
0x18: {  	s0 =	sld [smem:$0x3F9B];
	_ =	swait.ge [sflag:s4], $0x0  }
0x19: {  	s7 =	sld [smem:$0x3F9C]  }
0x1a: {  	s8 =	sadd.s32 $0xFFFFE003, lr  }
0x1b: {  	s9 =	sadd.s32 $0xFFFFFEF7, lr;
	s5 =	simm.s32 $0xFFFFFFFF;
	p2 =	slt.u32 s8, $0xFFFFF086  }
0x1c: {  	p1 =	slt.u32 s9, $0xF7A;
	s5 =	simm.s32 @!p2 $0x0  }
0x1d: {  	s5 =	simm.s32 @p1 $0x1;
	p0 =	seq.s32 s7, s2  }
0x1e: {  	s7 =	smul.u32 @!p0 $0xF7A, s2;
	p2 =	seq.s32 @!p0 s5, $0x0  }
0x1f: {  	s9 =	smul.u32 $0xF7A, s1;
	s8 =	simm.s32 @!p0 $0x1BF5;
	p2 =	por !p2, p0  }
0x20: {  	[sflag:s8] =	ssyncset.s32 @!p0 $0xFFFFF086;
	s6 =	sadd.s32 @!p0 s3, s7;
	s7 =	simm.s32 @!p0 $0x108  }
0x21: {  	s3 =	sadd.s32 s3, s9;
	s6 =	sadd.s32 @!p0 $0x88, s6;
	s7 =	simm.s32 @p2 $0x1082  }
0x22: {  	[simem:s7], [sflag:s8] =	dma.local @!p0 [hbm:s6], $0xF7A  }
0x23: {  	s9 =	sor.u32 $0xD0000000, s2;
	s6 =	simm.s32 $0x108;
	_ =	swait.ge @!p0 [sflag:s8], $0x0  }
0x24: {  	s3 =	sadd.s32 $0x88, s3;
	s6 =	simm.s32 @!p1 $0x1082;
	[sflag:s4] =	ssyncset.s32 $0xFFFFF086  }
0x25: {  	[simem:s6], [sflag:s4] =	dma.local [hbm:s3], $0xF7A  }
0x26: {  	[smem:$0x3F9C] =	sst s1;
	(tag) =	ssettag s2;
	_ =	strace s9  }
0x27: {  	s1 =	sld [smem:$0x3FAC]  }
0x28: {  	s2 =	sld [smem:$0x3FAD]  }
0x29: {  	s4 =	sld [smem:$0x3FAF]  }
0x2a: {  	p0 =	seq.s32 s5, $0x0;
	s5 =	sld [smem:$0x3FB0]  }
0x2b: {  	s6 =	sld [smem:$0x3FB1]  }
0x2c: {  	s7 =	sld [smem:$0x3FB2]  }
0x2d: {  	s3 =	simm.s32 $0x108;
	s8 =	sld [smem:$0x3FB3]  }
0x2e: {  	s3 =	simm.s32 @!p0 $0x1082;
	s9 =	sld [smem:$0x3FB4]  }
0x2f: {  	lr =	sadd.s32 s0, s3;
	s0 =	sld [smem:$0x3FAB]  }
0x30: {  	s3 =	sld [smem:$0x3FAE]  }
0x31: {  	[smem:$0x3FB7] =	sst s10  }
0x32: {  	s10 =	sld [smem:$0x3FB5];
	_ =	sdelay $0x3  }
0x33: {  	p0 =	seq.s32 s10, $0x1;
	s10 =	sld [smem:$0x3FB7];
	_ =	sdelay $0x3  }
0x34: {  	[smem:$0x3FB7] =	sst s10  }
0x35: {  	s10 =	sld [smem:$0x3FB6];
	_ =	sdelay $0x3  }
0x36: {  	p1 =	seq.s32 s10, $0x1;
	s10 =	sld [smem:$0x3FB7];
	_ =	sdelay $0x3  }
0x37: {  	[smem:$0x3FB7] =	sst s10  }
0x38: {  	s10 =	sld [smem:$0x3FB8]  }
0x39: {  	_ = 	snop;
	(pc) =	sbr.ind lr, $3  }
0x3a: {  	_ = 	snop  }
0x3b: {  	_ = 	snop  }
0x3c: {  	p2 =	seq.s32 s10, $0x1;
	s10 =	sld [smem:$0x3FB7]  }
0x3d: {  	_ =	shalt  }
0x3e: {  	_ =	shalt  }
0x3f: {  	_ =	shalt  }
0x40: {  	_ =	shalt  }
0x41: {  	_ =	shalt  }
0x42: {  	_ =	shalt  }
0x43: {  	_ =	shalt  }
0x44: {  	_ =	shalt  }
0x45: {  	_ =	shalt  }
0x46: {  	_ =	shalt  }
0x47: {  	_ =	shalt  }
0x48: {  	_ =	shalt  }
0x49: {  	_ =	shalt  }
0x4a: {  	_ =	shalt  }
0x4b: {  	_ =	shalt  }
0x4c: {  	_ =	shalt  }
0x4d: {  	_ =	shalt  }
0x4e: {  	_ =	shalt  }
0x4f: {  	_ =	shalt  }
0x50: {  	_ =	shalt  }
0x51: {  	_ =	shalt  }
0x52: {  	_ =	shalt  }
0x53: {  	_ =	shalt  }
0x54: {  	_ =	shalt  }
0x55: {  	_ =	shalt  }
0x56: {  	_ =	shalt  }
0x57: {  	_ =	shalt  }
0x58: {  	_ =	shalt  }
0x59: {  	_ =	shalt  }
0x5a: {  	_ =	shalt  }
0x5b: {  	_ =	shalt  }
0x5c: {  	_ =	shalt  }
0x5d: {  	_ =	shalt  }
0x5e: {  	_ =	shalt  }
0x5f: {  	_ =	shalt  }
0x60: {  	_ =	shalt  }
0x61: {  	_ =	shalt  }
0x62: {  	_ =	shalt  }
0x63: {  	_ =	shalt  }
0x64: {  	_ =	shalt  }
0x65: {  	_ =	shalt  }
0x66: {  	_ =	shalt  }
0x67: {  	_ =	shalt  }
0x68: {  	_ =	shalt  }
0x69: {  	_ =	shalt  }
0x6a: {  	_ =	shalt  }
0x6b: {  	_ =	shalt  }
0x6c: {  	_ =	shalt  }
0x6d: {  	_ =	shalt  }
0x6e: {  	_ =	shalt  }
0x6f: {  	_ =	shalt  }
0x70: {  	_ =	shalt  }
0x71: {  	_ =	shalt  }
0x72: {  	_ =	shalt  }
0x73: {  	_ =	shalt  }
0x74: {  	_ =	shalt  }
0x75: {  	_ =	shalt  }
0x76: {  	_ =	shalt  }
0x77: {  	_ =	shalt  }
0x78: {  	_ =	shalt  }
0x79: {  	_ =	shalt  }
0x7a: {  	_ =	shalt  }
0x7b: {  	_ =	shalt  }
0x7c: {  	_ =	shalt  }
0x7d: {  	_ =	shalt  }
0x7e: {  	_ =	shalt  }
0x7f: {  	_ =	shalt  }
0x80: {  	_ =	shalt  }
0x81: {  	_ =	shalt  }
0x82: {  	_ =	shalt  }
0x83: {  	_ =	shalt  }
0x84: {  	_ =	shalt  }
0x85: {  	_ =	shalt  }
0x86: {  	_ =	shalt  }
0x87: {  	_ =	shalt  }
.Lfunc_end0:
.L_simem_size_0:
called_computation_lowered:
.L_overlay_start_0:
0x88: {  	s2 =	sld [smem:$0x3FD9]  }
0x89: {  	s3 =	sld [smem:$0x3FFE];
	_ =	sdelay $0x1  }
0x8a: {  	s1 =	srdreg.scid  }
0x8b: {  	s0 =	sand.u32 $0x1, s1  }
0x8c: {  	s16 =	sshll.u32 s0, $0xA;
	s2 =	sadd.s32 s3, s2  }
0x8d: {  	s2 =	sadd.s32 s2, s16  }
0x8e: {  	[smem:$0x3FC3] =	sst s2  }
0x8f: {  	_ = 	snop  }
0x90: {  	(tm) =	ssettm $0x1  }
0x91: {  	s17 =	sld [smem:$0x3FFB];
	_ =	sdelay $0x3  }
0x92: {  	_ =	strace s17  }
0x93: {  	s2 =	sld [smem:$0x3FFC];
	_ =	sdelay $0x3  }
0x94: {  	_ =	strace s2  }
0x95: {  	s2 =	sld [smem:$0x3FFD];
	_ =	sdelay $0x3  }
0x96: {  	_ =	strace s2  }
0x97: {  	_ =	strace $0x8FFFFFFF  }
0x98: {  	s18 =	sld [smem:$0x3FDB];
	_ =	sdelay $0x1  }
0x99: {  	s19 =	simm.s32 $_scs_section_size  }
0x9a: {  	s4 =	simm.s32 $_size__tile_overlayer_lowered;
	s5 =	simm.s32 $_tile_overlayer_lowered  }
0x9b: {  	s22 =	simm.s32 $0x1BFF;
	s21 =	sshll.u32 s5, $0x1;
	s2 =	sadd.s32 s19, s18  }
0x9c: {  	s6 =	simm.s32 $0x0;
	s20 =	sshll.u32 s4, $0x1;
	s4 =	sadd.s32 s21, s2  }
0x9d: {  	[timem:s6], [sflag:s22] =	dma.local [hbm:s4], s20  }
0x9e: {  	_ =	swait.ge [sflag:s22], s20  }
0x9f: {  	s3 =	ssub.s32 $0x0, s20;
	[sflag:s22] =	ssyncset.done $0x0  }
0xa0: {  	[sflag:s22] =	ssyncadd.s32 s3;
	_ =	sdelay $0x1  }
0xa1: {  	s23 =	simm.s32 $0x1B8B  }
0xa2: {  	_ =	swait.ge [sflag:s23], $0x1  }
0xa3: {  	[sflag:s23] =	ssyncset.done $0x0  }
0xa4: {  	s25 =	simm.s32 $0x1B8E;
	s24 =	sld [smem:$0x3FFE];
	[sflag:s23] =	ssyncadd.s32 $0xFFFFFFFF  }
0xa5: {  	s26 =	simm.s32 $execute0_lowered;
	[smem:$0x3FD2] =	sst s25  }
0xa6: {  	s4 =	sshll.u32 s26, $0x1;
	_ =	strace $0x80000046;
	[dreg:$0x1] =	wrdreg $0xFFFFFFFF  }
0xa7: {  	s28 =	simm.s32 $_size_execute0_lowered;
	s2 =	sadd.s32 s2, s4;
	[dreg:$0x0] =	wrdreg $0x0  }
0xa8: {  	s4 =	sshll.u32 s28, $0x1;
	[dreg:$0x2] =	wrdreg s2  }
0xa9: {  	[dreg:$0x3] =	wrdreg s4  }
0xaa: {  	[dreg:$0x4] =	wrdreg $0xC0  }
0xab: {  	_ =	task [dreg:s6], $0x5FFFF  }
0xac: {  	[dreg:$0x1] =	wrdreg $0xFFFFFFFF  }
0xad: {  	[dreg:$0x0] =	wrdreg $0x60  }
0xae: {  	[dreg:$0x2] =	wrdreg s24  }
0xaf: {  	[dreg:$0x3] =	wrdreg $0x9  }
0xb0: {  	_ =	task.clear_ibuf [dreg:s6], $0x4FFFF;
	_ =	strace $0x90000046  }
0xb1: {  	s29 =	simm.s32 $0x9;
	_ =	strace $0x80000048  }
0xb2: {  	_ =	swait.ge [sflag:s29], $0x1  }
0xb3: {  	[sflag:s29] =	ssyncadd.s32 $0xFFFFFFFF  }
0xb4: {  	_ =	strace $0x90000048  }
0xb5: {  	_ =	sfence  }
0xb6: {  	s30 =	sld [smem:$0x0];
	_ =	sdelay $0x2  }
0xb7: {  	s31 =	sshll.u32 s1, $0xD;
	s1 =	sshrl.u32 s1, $0x2  }
0xb8: {  	s3 =	sand.u32 $0x4000, s31;
	s1 =	sadd.s32 s1, s30  }
0xb9: {  	s0 =	sor.u32 s3, s0;
	s1 =	sshll.u32 s1, $0x11  }
0xba: {  	s0 =	sor.u32 s1, s0  }
0xbb: {  	s0 =	sadd.s32 $0x8F2B, s0  }
0xbc: {  	[sflag:s0] =	ssyncadd.remote.s32 $0x1  }
0xbd: {  	_ =	sfence.sel $0xFFFF  }
0xbe: {  	[dreg:$0x0] =	wrdreg $0xFFFFFFFF;
	(pc) =	sbr.abs _section_cstart, $3  }
0xbf: {  	[dreg:$0x1] =	wrdreg $0xFFFFFFFF  }
0xc0: {  	_ =	task.clear_ibuf [dreg:s6], $0x2FFFF;
	_ =	strace $0x9FFFFFFF  }
0xc1: {  	(tm) =	ssettm $0x7FFFFFFF  }
tec
execute0_lowered:
.L_overlay_start_1:
0x0: {  	(tag) =	ssettag $0x1  }
0x1: {  	s0 =	srdreg.scid  }
0x2: {  	s1 =	stileid.u32;
	s0 =	sand.u32 $0x1, s0  }
0x3: {  	s1 =	sshll.u32 s1, $0xA;
	s2 =	sshll.u32 s0, $0x9  }
0x4: {  	s19 =	rddreg [dreg:$0x0];
	s0 =	ssub.s32 $0x2, s0;
	s1 =	sor.u32 s2, s1  }
0x5: {  	s2 =	sadd.s32 $0x9400, s19;
	s4 =	sshrl.u32 s0, $0x1;
	s5 =	sshrl.u32 s1, $0x3  }
0x6: {  	s0 =	ssub.s32 s0, s4;
	s6 =	sor.u32 $0x8000, s1;
	s7 =	sor.u32 $0xC000, s1  }
0x7: {  	s9 =	sor.u32 $0x14000, s1;
	s10 =	sor.u32 $0x18000, s1;
	s12 =	sor.u32 $0x20000, s1  }
0x8: {  	s13 =	sor.u32 $0x24000, s1;
	[dreg:$0x13] =	wrdreg s0;
	s14 =	sadd.s32 s2, s5  }
0x9: {  	s0 =	sor.u32 $0x4000, s1;
	s16 =	sshrl.u32 s6, $0x3;
	s8 =	sshrl.u32 s7, $0x3  }
0xa: {  	s5 =	sor.u32 $0x10000, s1;
	s22 =	sshrl.u32 s9, $0x3;
	s11 =	sshrl.u32 s10, $0x3  }
0xb: {  	s4 =	sshrl.u32 s12, $0x3;
	[dreg:$0x2] =	wrdreg s14;
	s15 =	sshrl.u32 s0, $0x3  }
0xc: {  	s17 =	sadd.s32 s2, s16;
	s18 =	sadd.s32 s2, s8;
	s20 =	sshrl.u32 s5, $0x3  }
0xd: {  	s23 =	sadd.s32 s2, s22;
	s24 =	sadd.s32 s2, s11;
	[dreg:$0x4] =	wrdreg s17  }
0xe: {  	s8 =	sor.u32 $0x1C000, s1;
	s14 =	sshrl.u32 s13, $0x3;
	[dreg:$0x5] =	wrdreg s18  }
0xf: {  	s11 =	sor.u32 $0x28000, s1;
	s0 =	sshll.u32 s0, $0x2;
	[dreg:$0x7] =	wrdreg s23  }
0x10: {  	s5 =	sshll.u32 s5, $0x2;
	s3 =	sadd.s32 s2, s15;
	[dreg:$0x8] =	wrdreg s24  }
0x11: {  	s21 =	sadd.s32 s2, s20;
	s25 =	sshrl.u32 s8, $0x3;
	[dreg:$0x3] =	wrdreg s3  }
0x12: {  	s15 =	sadd.s32 s2, s4;
	s16 =	sadd.s32 s2, s14;
	[dreg:$0x6] =	wrdreg s21  }
0x13: {  	s17 =	sshrl.u32 s11, $0x3;
	s14 =	sor.u32 $0x34000, s1;
	[dreg:$0xa] =	wrdreg s15  }
0x14: {  	s4 =	sor.u32 $0x3C000, s1;
	s26 =	sadd.s32 s2, s25;
	[dreg:$0xb] =	wrdreg s16  }
0x15: {  	s15 =	sor.u32 $0x2C000, s1;
	s16 =	sor.u32 $0x30000, s1;
	s18 =	sadd.s32 s2, s17  }
0x16: {  	s23 =	sshrl.u32 s14, $0x3;
	s3 =	sor.u32 $0x38000, s1;
	s1 =	sshll.u32 s1, $0x2  }
0x17: {  	s25 =	sshll.u32 s6, $0x2;
	s6 =	sshll.u32 s8, $0x2;
	[dreg:$0x9] =	wrdreg s26  }
0x18: {  	s8 =	sshll.u32 s13, $0x2;
	[dreg:$0xc] =	wrdreg s18;
	s20 =	sshrl.u32 s15, $0x3  }
0x19: {  	s17 =	sshrl.u32 s16, $0x3;
	s24 =	sshrl.u32 s3, $0x3;
	s21 =	sadd.s32 s2, s20  }
0x1a: {  	s18 =	sshrl.u32 s4, $0x3;
	s22 =	sadd.s32 s2, s17;
	[dreg:$0xd] =	wrdreg s21  }
0x1b: {  	s26 =	sshll.u32 s7, $0x2;
	s17 =	sadd.s32 s2, s23;
	[dreg:$0xe] =	wrdreg s22  }
0x1c: {  	s7 =	sshll.u32 s12, $0x2;
	[dreg:$0xf] =	wrdreg s17;
	s17 =	sadd.s32 s2, s24  }
0x1d: {  	s12 =	sshll.u32 s14, $0x2;
	s2 =	sadd.s32 s2, s18;
	[dreg:$0x10] =	wrdreg s17  }
0x1e: {  	s13 =	sshll.u32 s3, $0x2;
	[dreg:$0x11] =	wrdreg s2;
	s17 =	simm.s32 $0x0  }
0x1f: {  	s14 =	sshll.u32 s4, $0x2;
	s2 =	sadd.s32 $0x636400, s19;
	[smem:$0x7FF] =	sst s17  }
0x20: {  	s18 =	sadd.s32 s2, s1;
	s19 =	sadd.s32 s2, s0;
	s20 =	sadd.s32 s2, s25  }
0x21: {  	s21 =	sadd.s32 s2, s26;
	s22 =	sadd.s32 s2, s5;
	s1 =	sshll.u32 s9, $0x2  }
0x22: {  	s5 =	sshll.u32 s10, $0x2;
	s25 =	sadd.s32 s2, s6;
	s9 =	sshll.u32 s11, $0x2  }
0x23: {  	s26 =	sadd.s32 s2, s7;
	s28 =	sadd.s32 s2, s8;
	s10 =	sshll.u32 s15, $0x2  }
0x24: {  	s11 =	sshll.u32 s16, $0x2;
	s0 =	sadd.s32 s2, s12;
	s6 =	simm.s32 $0x80  }
0x25: {  	s7 =	simm.s32 $0x4200;
	s8 =	simm.s32 $0x100;
	s12 =	simm.s32 $0x1  }
0x26: {  	s23 =	sadd.s32 s2, s1;
	s24 =	sadd.s32 s2, s5;
	s29 =	sadd.s32 s2, s9  }
0x27: {  	s31 =	sadd.s32 s2, s10;
	s30 =	sadd.s32 s2, s11;
	s1 =	sadd.s32 s2, s13  }
0x28: {  	s2 =	sadd.s32 s2, s14;
	_ =	strace $0x80000047;
	s5 =	simm.s32 $0x2  }
0x29: {  	s9 =	simm.s32 $0x8200;
	s10 =	simm.s32 $0x180;
	s16 =	rddreg [dreg:$0x13]  }
0x2a: {  	s11 =	simm.s32 $0xC200;
	s15 =	rddreg [dreg:$0x0];
	s4 =	smax.u32 s16, $0x1  }
0x2b: {  	s14 =	simm.s32 $0x0;
	s3 =	sadd.s32 $0x16400, s15;
	[dreg:$0x12] =	wrdreg s4  }
.LBB2_1:
0x2c: {  	s4 =	rddreg [dreg:$0x2]  }
0x2d: {  	[tilespmem:s17], [sflag:$0x2] =	stream.linear.gather [hbm4b:s4+s17], $0x200, $0x38;
	[tilespmem:$0x10200] =	vst v63  }
0x2e: {  	_ =	swait.ge [sflag:s5], $0x200  }
0x2f: {  	[sflag:s5] =	ssyncset.done $0x0  }
0x30: {  	s16 =	simm.s32 $0x200;
	[sflag:s5] =	ssyncadd.s32 $0xFFFFFE00  }
0x31: {  	[tilespmem:s16], [sflag:$0x1] =	stream.indirect.gather [hbm4b:s3+s6], $0x80, s17, s6, $0xb8;
	[tilespmem:$0x10200] =	vst v63  }
0x32: {  	_ = 	snop  }
0x33: {  	[tilespmem:s7], [sflag:$0x1] =	stream.indirect.gather [hbm4b:s3+s6], $0x80, s6, s6, $0xb8;
	[tilespmem:$0x10200] =	vst v63  }
0x34: {  	_ = 	snop  }
0x35: {  	[tilespmem:s9], [sflag:$0x1] =	stream.indirect.gather [hbm4b:s3+s6], $0x80, s8, s6, $0xb8;
	[tilespmem:$0x10200] =	vst v63  }
0x36: {  	_ = 	snop  }
0x37: {  	[tilespmem:s11], [sflag:$0x1] =	stream.indirect.gather [hbm4b:s3+s6], $0x80, s10, s6, $0xb8;
	[tilespmem:$0x10200] =	vst v63  }
0x38: {  	_ =	swait.ge [sflag:s12], $0x4000  }
0x39: {  	[sflag:s12] =	ssyncset.done $0x0  }
0x3a: {  	[sflag:s12] =	ssyncadd.s32 $0xFFFFC000  }
0x3b: {  	_ =	swait.ge [sflag:s12], $0x4000  }
0x3c: {  	[sflag:s12] =	ssyncset.done $0x0  }
0x3d: {  	[sflag:s12] =	ssyncadd.s32 $0xFFFFC000  }
0x3e: {  	_ =	swait.ge [sflag:s12], $0x4000  }
0x3f: {  	[sflag:s12] =	ssyncset.done $0x0  }
0x40: {  	[sflag:s12] =	ssyncadd.s32 $0xFFFFC000  }
0x41: {  	_ =	swait.ge [sflag:s12], $0x4000  }
0x42: {  	s15 =	simm.s32 $0x4;
	s13 =	sadd.s32 $0x0, s18;
	[sflag:s12] =	ssyncset.done $0x0  }
0x43: {  	s4 =	simm.s32 $0x200;
	s16 =	simm.s32 $0x280;
	[sflag:s12] =	ssyncadd.s32 $0xFFFFC000  }
.LBB2_2:
0x44: {  	[hbm4b:s13+s17] =	stream.linear.scatter [tilespmem:s4], [sflag:$0x2], $0x20, $0x38;
	[tilespmem:$0x10200] =	vst v63  }
0x45: {  	s13 =	smov.u32 s15;
	s4 =	smov.u32 s16;
	p0 =	sne.s32 s15, $0x7FC  }
.Ltmp0:
0x46: {  	s15 =	sadd.s32 $0x4, s15;
	(pc) =	sbr.rel @p0 .LBB2_2-.Ltmp0, $2  }
0x47: {  	_ =	sdelay $0x2  }
0x48: {  	s16 =	sadd.s32 $0x80, s16;
	s13 =	sadd.s32 s13, s18  }
0x49: {  	[hbm4b:s13+s17] =	stream.linear.scatter [tilespmem:s4], [sflag:$0x2], $0x20, $0x38;
	[tilespmem:$0x10200] =	vst v63  }
0x4a: {  	_ =	swait.ge [sflag:s5], $0x4000  }
0x4b: {  	[sflag:s5] =	ssyncset.done $0x0  }
0x4c: {  	s4 =	simm.s32 $0x0;
	s15 =	rddreg [dreg:$0x3];
	[sflag:s5] =	ssyncadd.s32 $0xFFFFC000  }
0x4d: {  	[tilespmem:s4], [sflag:$0x2] =	stream.linear.gather [hbm4b:s15+s4], $0x200, $0x38;
	[tilespmem:$0x10200] =	vst v63  }
0x4e: {  	_ =	swait.ge [sflag:s5], $0x200  }
0x4f: {  	[sflag:s5] =	ssyncset.done $0x0  }
0x50: {  	s16 =	simm.s32 $0x200;
	[sflag:s5] =	ssyncadd.s32 $0xFFFFFE00  }
0x51: {  	[tilespmem:s16], [sflag:$0x1] =	stream.indirect.gather [hbm4b:s3+s6], $0x80, s4, s6, $0xb8;
	[tilespmem:$0x10200] =	vst v63  }
0x52: {  	_ = 	snop  }
0x53: {  	[tilespmem:s7], [sflag:$0x1] =	stream.indirect.gather [hbm4b:s3+s6], $0x80, s6, s6, $0xb8;
	[tilespmem:$0x10200] =	vst v63  }
0x54: {  	_ = 	snop  }
0x55: {  	[tilespmem:s9], [sflag:$0x1] =	stream.indirect.gather [hbm4b:s3+s6], $0x80, s8, s6, $0xb8;
	[tilespmem:$0x10200] =	vst v63  }
0x56: {  	_ = 	snop  }
0x57: {  	[tilespmem:s11], [sflag:$0x1] =	stream.indirect.gather [hbm4b:s3+s6], $0x80, s10, s6, $0xb8;
	[tilespmem:$0x10200] =	vst v63  }
0x58: {  	_ =	swait.ge [sflag:s12], $0x4000  }
0x59: {  	[sflag:s12] =	ssyncset.done $0x0  }
0x5a: {  	[sflag:s12] =	ssyncadd.s32 $0xFFFFC000  }
0x5b: {  	_ =	swait.ge [sflag:s12], $0x4000  }
0x5c: {  	[sflag:s12] =	ssyncset.done $0x0  }
0x5d: {  	[sflag:s12] =	ssyncadd.s32 $0xFFFFC000  }
0x5e: {  	_ =	swait.ge [sflag:s12], $0x4000  }
0x5f: {  	[sflag:s12] =	ssyncset.done $0x0  }
0x60: {  	[sflag:s12] =	ssyncadd.s32 $0xFFFFC000  }
0x61: {  	_ =	swait.ge [sflag:s12], $0x4000  }
0x62: {  	s13 =	sadd.s32 $0x0, s19;
	s15 =	simm.s32 $0x220;
	[sflag:s12] =	ssyncset.done $0x0  }
0x63: {  	s16 =	simm.s32 $0x4;
	s4 =	simm.s32 $0x2A0;
	[sflag:s12] =	ssyncadd.s32 $0xFFFFC000  }
.LBB2_4:
0x64: {  	[hbm4b:s13+s17] =	stream.linear.scatter [tilespmem:s15], [sflag:$0x2], $0x20, $0x38;
	[tilespmem:$0x10200] =	vst v63  }
0x65: {  	s13 =	smov.u32 s16;
	s15 =	smov.u32 s4;
	p0 =	sne.s32 s16, $0x7FC  }
.Ltmp1:
0x66: {  	s16 =	sadd.s32 $0x4, s16;
	(pc) =	sbr.rel @p0 .LBB2_4-.Ltmp1, $2  }
0x67: {  	_ =	sdelay $0x2  }
0x68: {  	s4 =	sadd.s32 $0x80, s4;
	s13 =	sadd.s32 s13, s19  }
0x69: {  	[hbm4b:s13+s17] =	stream.linear.scatter [tilespmem:s15], [sflag:$0x2], $0x20, $0x38;
	[tilespmem:$0x10200] =	vst v63  }
0x6a: {  	_ =	swait.ge [sflag:s5], $0x4000  }
0x6b: {  	[sflag:s5] =	ssyncset.done $0x0  }
0x6c: {  	s4 =	simm.s32 $0x0;
	s15 =	rddreg [dreg:$0x4];
	[sflag:s5] =	ssyncadd.s32 $0xFFFFC000  }
0x6d: {  	[tilespmem:s4], [sflag:$0x2] =	stream.linear.gather [hbm4b:s15+s4], $0x200, $0x38;
	[tilespmem:$0x10200] =	vst v63  }
0x6e: {  	_ =	swait.ge [sflag:s5], $0x200  }
0x6f: {  	[sflag:s5] =	ssyncset.done $0x0  }
0x70: {  	s16 =	simm.s32 $0x200;
	[sflag:s5] =	ssyncadd.s32 $0xFFFFFE00  }
0x71: {  	[tilespmem:s16], [sflag:$0x1] =	stream.indirect.gather [hbm4b:s3+s6], $0x80, s4, s6, $0xb8;
	[tilespmem:$0x10200] =	vst v63  }
0x72: {  	_ = 	snop  }
0x73: {  	[tilespmem:s7], [sflag:$0x1] =	stream.indirect.gather [hbm4b:s3+s6], $0x80, s6, s6, $0xb8;
	[tilespmem:$0x10200] =	vst v63  }
0x74: {  	_ = 	snop  }
0x75: {  	[tilespmem:s9], [sflag:$0x1] =	stream.indirect.gather [hbm4b:s3+s6], $0x80, s8, s6, $0xb8;
	[tilespmem:$0x10200] =	vst v63  }
0x76: {  	_ = 	snop  }
0x77: {  	[tilespmem:s11], [sflag:$0x1] =	stream.indirect.gather [hbm4b:s3+s6], $0x80, s10, s6, $0xb8;
	[tilespmem:$0x10200] =	vst v63  }
0x78: {  	_ =	swait.ge [sflag:s12], $0x4000  }
0x79: {  	[sflag:s12] =	ssyncset.done $0x0  }
0x7a: {  	[sflag:s12] =	ssyncadd.s32 $0xFFFFC000  }
0x7b: {  	_ =	swait.ge [sflag:s12], $0x4000  }
0x7c: {  	[sflag:s12] =	ssyncset.done $0x0  }
0x7d: {  	[sflag:s12] =	ssyncadd.s32 $0xFFFFC000  }
0x7e: {  	_ =	swait.ge [sflag:s12], $0x4000  }
0x7f: {  	[sflag:s12] =	ssyncset.done $0x0  }
0x80: {  	[sflag:s12] =	ssyncadd.s32 $0xFFFFC000  }
0x81: {  	_ =	swait.ge [sflag:s12], $0x4000  }
0x82: {  	s13 =	sadd.s32 $0x0, s20;
	s15 =	simm.s32 $0x240;
	[sflag:s12] =	ssyncset.done $0x0  }
0x83: {  	s16 =	simm.s32 $0x4;
	s4 =	simm.s32 $0x2C0;
	[sflag:s12] =	ssyncadd.s32 $0xFFFFC000  }
.LBB2_6:
0x84: {  	[hbm4b:s13+s17] =	stream.linear.scatter [tilespmem:s15], [sflag:$0x2], $0x20, $0x38;
	[tilespmem:$0x10200] =	vst v63  }
0x85: {  	s13 =	smov.u32 s16;
	s15 =	smov.u32 s4;
	p0 =	sne.s32 s16, $0x7FC  }
.Ltmp2:
0x86: {  	s16 =	sadd.s32 $0x4, s16;
	(pc) =	sbr.rel @p0 .LBB2_6-.Ltmp2, $2  }
0x87: {  	_ =	sdelay $0x2  }
0x88: {  	s4 =	sadd.s32 $0x80, s4;
	s13 =	sadd.s32 s13, s20  }
0x89: {  	[hbm4b:s13+s17] =	stream.linear.scatter [tilespmem:s15], [sflag:$0x2], $0x20, $0x38;
	[tilespmem:$0x10200] =	vst v63  }
0x8a: {  	_ =	swait.ge [sflag:s5], $0x4000  }
0x8b: {  	[sflag:s5] =	ssyncset.done $0x0  }
0x8c: {  	s4 =	simm.s32 $0x0;
	s15 =	rddreg [dreg:$0x5];
	[sflag:s5] =	ssyncadd.s32 $0xFFFFC000  }
0x8d: {  	[tilespmem:s4], [sflag:$0x2] =	stream.linear.gather [hbm4b:s15+s4], $0x200, $0x38;
	[tilespmem:$0x10200] =	vst v63  }
0x8e: {  	_ =	swait.ge [sflag:s5], $0x200  }
0x8f: {  	[sflag:s5] =	ssyncset.done $0x0  }
0x90: {  	s16 =	simm.s32 $0x200;
	[sflag:s5] =	ssyncadd.s32 $0xFFFFFE00  }
0x91: {  	[tilespmem:s16], [sflag:$0x1] =	stream.indirect.gather [hbm4b:s3+s6], $0x80, s4, s6, $0xb8;
	[tilespmem:$0x10200] =	vst v63  }
0x92: {  	_ = 	snop  }
0x93: {  	[tilespmem:s7], [sflag:$0x1] =	stream.indirect.gather [hbm4b:s3+s6], $0x80, s6, s6, $0xb8;
	[tilespmem:$0x10200] =	vst v63  }
0x94: {  	_ = 	snop  }
0x95: {  	[tilespmem:s9], [sflag:$0x1] =	stream.indirect.gather [hbm4b:s3+s6], $0x80, s8, s6, $0xb8;
	[tilespmem:$0x10200] =	vst v63  }
0x96: {  	_ = 	snop  }
0x97: {  	[tilespmem:s11], [sflag:$0x1] =	stream.indirect.gather [hbm4b:s3+s6], $0x80, s10, s6, $0xb8;
	[tilespmem:$0x10200] =	vst v63  }
0x98: {  	_ =	swait.ge [sflag:s12], $0x4000  }
0x99: {  	[sflag:s12] =	ssyncset.done $0x0  }
0x9a: {  	[sflag:s12] =	ssyncadd.s32 $0xFFFFC000  }
0x9b: {  	_ =	swait.ge [sflag:s12], $0x4000  }
0x9c: {  	[sflag:s12] =	ssyncset.done $0x0  }
0x9d: {  	[sflag:s12] =	ssyncadd.s32 $0xFFFFC000  }
0x9e: {  	_ =	swait.ge [sflag:s12], $0x4000  }
0x9f: {  	[sflag:s12] =	ssyncset.done $0x0  }
0xa0: {  	[sflag:s12] =	ssyncadd.s32 $0xFFFFC000  }
0xa1: {  	_ =	swait.ge [sflag:s12], $0x4000  }
0xa2: {  	s13 =	sadd.s32 $0x0, s21;
	s15 =	simm.s32 $0x260;
	[sflag:s12] =	ssyncset.done $0x0  }
0xa3: {  	s16 =	simm.s32 $0x4;
	s4 =	simm.s32 $0x2E0;
	[sflag:s12] =	ssyncadd.s32 $0xFFFFC000  }
.LBB2_8:
0xa4: {  	[hbm4b:s13+s17] =	stream.linear.scatter [tilespmem:s15], [sflag:$0x2], $0x20, $0x38;
	[tilespmem:$0x10200] =	vst v63  }
0xa5: {  	s13 =	smov.u32 s16;
	s15 =	smov.u32 s4;
	p0 =	sne.s32 s16, $0x7FC  }
.Ltmp3:
0xa6: {  	s16 =	sadd.s32 $0x4, s16;
	(pc) =	sbr.rel @p0 .LBB2_8-.Ltmp3, $2  }
0xa7: {  	_ =	sdelay $0x2  }
0xa8: {  	s4 =	sadd.s32 $0x80, s4;
	s13 =	sadd.s32 s13, s21  }
0xa9: {  	[hbm4b:s13+s17] =	stream.linear.scatter [tilespmem:s15], [sflag:$0x2], $0x20, $0x38;
	[tilespmem:$0x10200] =	vst v63  }
0xaa: {  	_ =	swait.ge [sflag:s5], $0x4000  }
0xab: {  	[sflag:s5] =	ssyncset.done $0x0  }
0xac: {  	s4 =	simm.s32 $0x0;
	s16 =	rddreg [dreg:$0x6];
	[sflag:s5] =	ssyncadd.s32 $0xFFFFC000  }
0xad: {  	[tilespmem:s4], [sflag:$0x2] =	stream.linear.gather [hbm4b:s16+s4], $0x200, $0x38;
	[tilespmem:$0x10200] =	vst v63  }
0xae: {  	_ =	swait.ge [sflag:s5], $0x200  }
0xaf: {  	[sflag:s5] =	ssyncset.done $0x0  }
0xb0: {  	s15 =	simm.s32 $0x200;
	[sflag:s5] =	ssyncadd.s32 $0xFFFFFE00  }
0xb1: {  	[tilespmem:s15], [sflag:$0x1] =	stream.indirect.gather [hbm4b:s3+s6], $0x80, s4, s6, $0xb8;
	[tilespmem:$0x10200] =	vst v63  }
0xb2: {  	_ = 	snop  }
0xb3: {  	[tilespmem:s7], [sflag:$0x1] =	stream.indirect.gather [hbm4b:s3+s6], $0x80, s6, s6, $0xb8;
	[tilespmem:$0x10200] =	vst v63  }
0xb4: {  	_ = 	snop  }
0xb5: {  	[tilespmem:s9], [sflag:$0x1] =	stream.indirect.gather [hbm4b:s3+s6], $0x80, s8, s6, $0xb8;
	[tilespmem:$0x10200] =	vst v63  }
0xb6: {  	_ = 	snop  }
0xb7: {  	[tilespmem:s11], [sflag:$0x1] =	stream.indirect.gather [hbm4b:s3+s6], $0x80, s10, s6, $0xb8;
	[tilespmem:$0x10200] =	vst v63  }
0xb8: {  	_ =	swait.ge [sflag:s12], $0x4000  }
0xb9: {  	[sflag:s12] =	ssyncset.done $0x0  }
0xba: {  	[sflag:s12] =	ssyncadd.s32 $0xFFFFC000  }
0xbb: {  	_ =	swait.ge [sflag:s12], $0x4000  }
0xbc: {  	[sflag:s12] =	ssyncset.done $0x0  }
0xbd: {  	[sflag:s12] =	ssyncadd.s32 $0xFFFFC000  }
0xbe: {  	_ =	swait.ge [sflag:s12], $0x4000  }
0xbf: {  	[sflag:s12] =	ssyncset.done $0x0  }
0xc0: {  	[sflag:s12] =	ssyncadd.s32 $0xFFFFC000  }
0xc1: {  	_ =	swait.ge [sflag:s12], $0x4000  }
0xc2: {  	s13 =	sadd.s32 $0x0, s22;
	[sflag:s12] =	ssyncset.done $0x0  }
0xc3: {  	s16 =	simm.s32 $0x4;
	s4 =	simm.s32 $0x280;
	[sflag:s12] =	ssyncadd.s32 $0xFFFFC000  }
.LBB2_10:
0xc4: {  	[hbm4b:s13+s17] =	stream.linear.scatter [tilespmem:s15], [sflag:$0x2], $0x20, $0x38;
	[tilespmem:$0x10200] =	vst v63  }
0xc5: {  	s13 =	smov.u32 s16;
	s15 =	smov.u32 s4;
	p0 =	sne.s32 s16, $0x7FC  }
.Ltmp4:
0xc6: {  	s16 =	sadd.s32 $0x4, s16;
	(pc) =	sbr.rel @p0 .LBB2_10-.Ltmp4, $2  }
0xc7: {  	_ =	sdelay $0x2  }
0xc8: {  	s4 =	sadd.s32 $0x80, s4;
	s13 =	sadd.s32 s13, s22  }
0xc9: {  	[hbm4b:s13+s17] =	stream.linear.scatter [tilespmem:s15], [sflag:$0x2], $0x20, $0x38;
	[tilespmem:$0x10200] =	vst v63  }
0xca: {  	_ =	swait.ge [sflag:s5], $0x4000  }
0xcb: {  	[sflag:s5] =	ssyncset.done $0x0  }
0xcc: {  	s4 =	simm.s32 $0x0;
	s15 =	rddreg [dreg:$0x7];
	[sflag:s5] =	ssyncadd.s32 $0xFFFFC000  }
0xcd: {  	[tilespmem:s4], [sflag:$0x2] =	stream.linear.gather [hbm4b:s15+s4], $0x200, $0x38;
	[tilespmem:$0x10200] =	vst v63  }
0xce: {  	_ =	swait.ge [sflag:s5], $0x200  }
0xcf: {  	[sflag:s5] =	ssyncset.done $0x0  }
0xd0: {  	s16 =	simm.s32 $0x200;
	[sflag:s5] =	ssyncadd.s32 $0xFFFFFE00  }
0xd1: {  	[tilespmem:s16], [sflag:$0x1] =	stream.indirect.gather [hbm4b:s3+s6], $0x80, s4, s6, $0xb8;
	[tilespmem:$0x10200] =	vst v63  }
0xd2: {  	_ = 	snop  }
0xd3: {  	[tilespmem:s7], [sflag:$0x1] =	stream.indirect.gather [hbm4b:s3+s6], $0x80, s6, s6, $0xb8;
	[tilespmem:$0x10200] =	vst v63  }
0xd4: {  	_ = 	snop  }
0xd5: {  	[tilespmem:s9], [sflag:$0x1] =	stream.indirect.gather [hbm4b:s3+s6], $0x80, s8, s6, $0xb8;
	[tilespmem:$0x10200] =	vst v63  }
0xd6: {  	_ = 	snop  }
0xd7: {  	[tilespmem:s11], [sflag:$0x1] =	stream.indirect.gather [hbm4b:s3+s6], $0x80, s10, s6, $0xb8;
	[tilespmem:$0x10200] =	vst v63  }
0xd8: {  	_ =	swait.ge [sflag:s12], $0x4000  }
0xd9: {  	[sflag:s12] =	ssyncset.done $0x0  }
0xda: {  	[sflag:s12] =	ssyncadd.s32 $0xFFFFC000  }
0xdb: {  	_ =	swait.ge [sflag:s12], $0x4000  }
0xdc: {  	[sflag:s12] =	ssyncset.done $0x0  }
0xdd: {  	[sflag:s12] =	ssyncadd.s32 $0xFFFFC000  }
0xde: {  	_ =	swait.ge [sflag:s12], $0x4000  }
0xdf: {  	[sflag:s12] =	ssyncset.done $0x0  }
0xe0: {  	[sflag:s12] =	ssyncadd.s32 $0xFFFFC000  }
0xe1: {  	_ =	swait.ge [sflag:s12], $0x4000  }
0xe2: {  	s13 =	sadd.s32 $0x0, s23;
	s15 =	simm.s32 $0x220;
	[sflag:s12] =	ssyncset.done $0x0  }
0xe3: {  	s16 =	simm.s32 $0x4;
	s4 =	simm.s32 $0x2A0;
	[sflag:s12] =	ssyncadd.s32 $0xFFFFC000  }
.LBB2_12:
0xe4: {  	[hbm4b:s13+s17] =	stream.linear.scatter [tilespmem:s15], [sflag:$0x2], $0x20, $0x38;
	[tilespmem:$0x10200] =	vst v63  }
0xe5: {  	s13 =	smov.u32 s16;
	s15 =	smov.u32 s4;
	p0 =	sne.s32 s16, $0x7FC  }
.Ltmp5:
0xe6: {  	s16 =	sadd.s32 $0x4, s16;
	(pc) =	sbr.rel @p0 .LBB2_12-.Ltmp5, $2  }
0xe7: {  	_ =	sdelay $0x2  }
0xe8: {  	s4 =	sadd.s32 $0x80, s4;
	s13 =	sadd.s32 s13, s23  }
0xe9: {  	[hbm4b:s13+s17] =	stream.linear.scatter [tilespmem:s15], [sflag:$0x2], $0x20, $0x38;
	[tilespmem:$0x10200] =	vst v63  }
0xea: {  	_ =	swait.ge [sflag:s5], $0x4000  }
0xeb: {  	[sflag:s5] =	ssyncset.done $0x0  }
0xec: {  	s4 =	simm.s32 $0x0;
	s15 =	rddreg [dreg:$0x8];
	[sflag:s5] =	ssyncadd.s32 $0xFFFFC000  }
0xed: {  	[tilespmem:s4], [sflag:$0x2] =	stream.linear.gather [hbm4b:s15+s4], $0x200, $0x38;
	[tilespmem:$0x10200] =	vst v63  }
0xee: {  	_ =	swait.ge [sflag:s5], $0x200  }
0xef: {  	[sflag:s5] =	ssyncset.done $0x0  }
0xf0: {  	s16 =	simm.s32 $0x200;
	[sflag:s5] =	ssyncadd.s32 $0xFFFFFE00  }
0xf1: {  	[tilespmem:s16], [sflag:$0x1] =	stream.indirect.gather [hbm4b:s3+s6], $0x80, s4, s6, $0xb8;
	[tilespmem:$0x10200] =	vst v63  }
0xf2: {  	_ = 	snop  }
0xf3: {  	[tilespmem:s7], [sflag:$0x1] =	stream.indirect.gather [hbm4b:s3+s6], $0x80, s6, s6, $0xb8;
	[tilespmem:$0x10200] =	vst v63  }
0xf4: {  	_ = 	snop  }
0xf5: {  	[tilespmem:s9], [sflag:$0x1] =	stream.indirect.gather [hbm4b:s3+s6], $0x80, s8, s6, $0xb8;
	[tilespmem:$0x10200] =	vst v63  }
0xf6: {  	_ = 	snop  }
0xf7: {  	[tilespmem:s11], [sflag:$0x1] =	stream.indirect.gather [hbm4b:s3+s6], $0x80, s10, s6, $0xb8;
	[tilespmem:$0x10200] =	vst v63  }
0xf8: {  	_ =	swait.ge [sflag:s12], $0x4000  }
0xf9: {  	[sflag:s12] =	ssyncset.done $0x0  }
0xfa: {  	[sflag:s12] =	ssyncadd.s32 $0xFFFFC000  }
0xfb: {  	_ =	swait.ge [sflag:s12], $0x4000  }
0xfc: {  	[sflag:s12] =	ssyncset.done $0x0  }
0xfd: {  	[sflag:s12] =	ssyncadd.s32 $0xFFFFC000  }
0xfe: {  	_ =	swait.ge [sflag:s12], $0x4000  }
0xff: {  	[sflag:s12] =	ssyncset.done $0x0  }
0x100: {  	[sflag:s12] =	ssyncadd.s32 $0xFFFFC000  }
0x101: {  	_ =	swait.ge [sflag:s12], $0x4000  }
0x102: {  	s13 =	sadd.s32 $0x0, s24;
	s15 =	simm.s32 $0x240;
	[sflag:s12] =	ssyncset.done $0x0  }
0x103: {  	s16 =	simm.s32 $0x4;
	s4 =	simm.s32 $0x2C0;
	[sflag:s12] =	ssyncadd.s32 $0xFFFFC000  }
.LBB2_14:
0x104: {  	[hbm4b:s13+s17] =	stream.linear.scatter [tilespmem:s15], [sflag:$0x2], $0x20, $0x38;
	[tilespmem:$0x10200] =	vst v63  }
0x105: {  	s13 =	smov.u32 s16;
	s15 =	smov.u32 s4;
	p0 =	sne.s32 s16, $0x7FC  }
.Ltmp6:
0x106: {  	s16 =	sadd.s32 $0x4, s16;
	(pc) =	sbr.rel @p0 .LBB2_14-.Ltmp6, $2  }
0x107: {  	_ =	sdelay $0x2  }
0x108: {  	s4 =	sadd.s32 $0x80, s4;
	s13 =	sadd.s32 s13, s24  }
0x109: {  	[hbm4b:s13+s17] =	stream.linear.scatter [tilespmem:s15], [sflag:$0x2], $0x20, $0x38;
	[tilespmem:$0x10200] =	vst v63  }
0x10a: {  	_ =	swait.ge [sflag:s5], $0x4000  }
0x10b: {  	[sflag:s5] =	ssyncset.done $0x0  }
0x10c: {  	s4 =	simm.s32 $0x0;
	s15 =	rddreg [dreg:$0x9];
	[sflag:s5] =	ssyncadd.s32 $0xFFFFC000  }
0x10d: {  	[tilespmem:s4], [sflag:$0x2] =	stream.linear.gather [hbm4b:s15+s4], $0x200, $0x38;
	[tilespmem:$0x10200] =	vst v63  }
0x10e: {  	_ =	swait.ge [sflag:s5], $0x200  }
0x10f: {  	[sflag:s5] =	ssyncset.done $0x0  }
0x110: {  	s16 =	simm.s32 $0x200;
	[sflag:s5] =	ssyncadd.s32 $0xFFFFFE00  }
0x111: {  	[tilespmem:s16], [sflag:$0x1] =	stream.indirect.gather [hbm4b:s3+s6], $0x80, s4, s6, $0xb8;
	[tilespmem:$0x10200] =	vst v63  }
0x112: {  	_ = 	snop  }
0x113: {  	[tilespmem:s7], [sflag:$0x1] =	stream.indirect.gather [hbm4b:s3+s6], $0x80, s6, s6, $0xb8;
	[tilespmem:$0x10200] =	vst v63  }
0x114: {  	_ = 	snop  }
0x115: {  	[tilespmem:s9], [sflag:$0x1] =	stream.indirect.gather [hbm4b:s3+s6], $0x80, s8, s6, $0xb8;
	[tilespmem:$0x10200] =	vst v63  }
0x116: {  	_ = 	snop  }
0x117: {  	[tilespmem:s11], [sflag:$0x1] =	stream.indirect.gather [hbm4b:s3+s6], $0x80, s10, s6, $0xb8;
	[tilespmem:$0x10200] =	vst v63  }
0x118: {  	_ =	swait.ge [sflag:s12], $0x4000  }
0x119: {  	[sflag:s12] =	ssyncset.done $0x0  }
0x11a: {  	[sflag:s12] =	ssyncadd.s32 $0xFFFFC000  }
0x11b: {  	_ =	swait.ge [sflag:s12], $0x4000  }
0x11c: {  	[sflag:s12] =	ssyncset.done $0x0  }
0x11d: {  	[sflag:s12] =	ssyncadd.s32 $0xFFFFC000  }
0x11e: {  	_ =	swait.ge [sflag:s12], $0x4000  }
0x11f: {  	[sflag:s12] =	ssyncset.done $0x0  }
0x120: {  	[sflag:s12] =	ssyncadd.s32 $0xFFFFC000  }
0x121: {  	_ =	swait.ge [sflag:s12], $0x4000  }
0x122: {  	s13 =	sadd.s32 $0x0, s25;
	s15 =	simm.s32 $0x260;
	[sflag:s12] =	ssyncset.done $0x0  }
0x123: {  	s16 =	simm.s32 $0x4;
	s4 =	simm.s32 $0x2E0;
	[sflag:s12] =	ssyncadd.s32 $0xFFFFC000  }
.LBB2_16:
0x124: {  	[hbm4b:s13+s17] =	stream.linear.scatter [tilespmem:s15], [sflag:$0x2], $0x20, $0x38;
	[tilespmem:$0x10200] =	vst v63  }
0x125: {  	s13 =	smov.u32 s16;
	s15 =	smov.u32 s4;
	p0 =	sne.s32 s16, $0x7FC  }
.Ltmp7:
0x126: {  	s16 =	sadd.s32 $0x4, s16;
	(pc) =	sbr.rel @p0 .LBB2_16-.Ltmp7, $2  }
0x127: {  	_ =	sdelay $0x2  }
0x128: {  	s4 =	sadd.s32 $0x80, s4;
	s13 =	sadd.s32 s13, s25  }
0x129: {  	[hbm4b:s13+s17] =	stream.linear.scatter [tilespmem:s15], [sflag:$0x2], $0x20, $0x38;
	[tilespmem:$0x10200] =	vst v63  }
0x12a: {  	_ =	swait.ge [sflag:s5], $0x4000  }
0x12b: {  	[sflag:s5] =	ssyncset.done $0x0  }
0x12c: {  	s4 =	simm.s32 $0x0;
	s16 =	rddreg [dreg:$0xa];
	[sflag:s5] =	ssyncadd.s32 $0xFFFFC000  }
0x12d: {  	[tilespmem:s4], [sflag:$0x2] =	stream.linear.gather [hbm4b:s16+s4], $0x200, $0x38;
	[tilespmem:$0x10200] =	vst v63  }
0x12e: {  	_ =	swait.ge [sflag:s5], $0x200  }
0x12f: {  	[sflag:s5] =	ssyncset.done $0x0  }
0x130: {  	s15 =	simm.s32 $0x200;
	[sflag:s5] =	ssyncadd.s32 $0xFFFFFE00  }
0x131: {  	[tilespmem:s15], [sflag:$0x1] =	stream.indirect.gather [hbm4b:s3+s6], $0x80, s4, s6, $0xb8;
	[tilespmem:$0x10200] =	vst v63  }
0x132: {  	_ = 	snop  }
0x133: {  	[tilespmem:s7], [sflag:$0x1] =	stream.indirect.gather [hbm4b:s3+s6], $0x80, s6, s6, $0xb8;
	[tilespmem:$0x10200] =	vst v63  }
0x134: {  	_ = 	snop  }
0x135: {  	[tilespmem:s9], [sflag:$0x1] =	stream.indirect.gather [hbm4b:s3+s6], $0x80, s8, s6, $0xb8;
	[tilespmem:$0x10200] =	vst v63  }
0x136: {  	_ = 	snop  }
0x137: {  	[tilespmem:s11], [sflag:$0x1] =	stream.indirect.gather [hbm4b:s3+s6], $0x80, s10, s6, $0xb8;
	[tilespmem:$0x10200] =	vst v63  }
0x138: {  	_ =	swait.ge [sflag:s12], $0x4000  }
0x139: {  	[sflag:s12] =	ssyncset.done $0x0  }
0x13a: {  	[sflag:s12] =	ssyncadd.s32 $0xFFFFC000  }
0x13b: {  	_ =	swait.ge [sflag:s12], $0x4000  }
0x13c: {  	[sflag:s12] =	ssyncset.done $0x0  }
0x13d: {  	[sflag:s12] =	ssyncadd.s32 $0xFFFFC000  }
0x13e: {  	_ =	swait.ge [sflag:s12], $0x4000  }
0x13f: {  	[sflag:s12] =	ssyncset.done $0x0  }
0x140: {  	[sflag:s12] =	ssyncadd.s32 $0xFFFFC000  }
0x141: {  	_ =	swait.ge [sflag:s12], $0x4000  }
0x142: {  	s13 =	sadd.s32 $0x0, s26;
	[sflag:s12] =	ssyncset.done $0x0  }
0x143: {  	s16 =	simm.s32 $0x4;
	s4 =	simm.s32 $0x280;
	[sflag:s12] =	ssyncadd.s32 $0xFFFFC000  }
.LBB2_18:
0x144: {  	[hbm4b:s13+s17] =	stream.linear.scatter [tilespmem:s15], [sflag:$0x2], $0x20, $0x38;
	[tilespmem:$0x10200] =	vst v63  }
0x145: {  	s13 =	smov.u32 s16;
	s15 =	smov.u32 s4;
	p0 =	sne.s32 s16, $0x7FC  }
.Ltmp8:
0x146: {  	s16 =	sadd.s32 $0x4, s16;
	(pc) =	sbr.rel @p0 .LBB2_18-.Ltmp8, $2  }
0x147: {  	_ =	sdelay $0x2  }
0x148: {  	s4 =	sadd.s32 $0x80, s4;
	s13 =	sadd.s32 s13, s26  }
0x149: {  	[hbm4b:s13+s17] =	stream.linear.scatter [tilespmem:s15], [sflag:$0x2], $0x20, $0x38;
	[tilespmem:$0x10200] =	vst v63  }
0x14a: {  	_ =	swait.ge [sflag:s5], $0x4000  }
0x14b: {  	[sflag:s5] =	ssyncset.done $0x0  }
0x14c: {  	s4 =	simm.s32 $0x0;
	s15 =	rddreg [dreg:$0xb];
	[sflag:s5] =	ssyncadd.s32 $0xFFFFC000  }
0x14d: {  	[tilespmem:s4], [sflag:$0x2] =	stream.linear.gather [hbm4b:s15+s4], $0x200, $0x38;
	[tilespmem:$0x10200] =	vst v63  }
0x14e: {  	_ =	swait.ge [sflag:s5], $0x200  }
0x14f: {  	[sflag:s5] =	ssyncset.done $0x0  }
0x150: {  	s16 =	simm.s32 $0x200;
	[sflag:s5] =	ssyncadd.s32 $0xFFFFFE00  }
0x151: {  	[tilespmem:s16], [sflag:$0x1] =	stream.indirect.gather [hbm4b:s3+s6], $0x80, s4, s6, $0xb8;
	[tilespmem:$0x10200] =	vst v63  }
0x152: {  	_ = 	snop  }
0x153: {  	[tilespmem:s7], [sflag:$0x1] =	stream.indirect.gather [hbm4b:s3+s6], $0x80, s6, s6, $0xb8;
	[tilespmem:$0x10200] =	vst v63  }
0x154: {  	_ = 	snop  }
0x155: {  	[tilespmem:s9], [sflag:$0x1] =	stream.indirect.gather [hbm4b:s3+s6], $0x80, s8, s6, $0xb8;
	[tilespmem:$0x10200] =	vst v63  }
0x156: {  	_ = 	snop  }
0x157: {  	[tilespmem:s11], [sflag:$0x1] =	stream.indirect.gather [hbm4b:s3+s6], $0x80, s10, s6, $0xb8;
	[tilespmem:$0x10200] =	vst v63  }
0x158: {  	_ =	swait.ge [sflag:s12], $0x4000  }
0x159: {  	[sflag:s12] =	ssyncset.done $0x0  }
0x15a: {  	[sflag:s12] =	ssyncadd.s32 $0xFFFFC000  }
0x15b: {  	_ =	swait.ge [sflag:s12], $0x4000  }
0x15c: {  	[sflag:s12] =	ssyncset.done $0x0  }
0x15d: {  	[sflag:s12] =	ssyncadd.s32 $0xFFFFC000  }
0x15e: {  	_ =	swait.ge [sflag:s12], $0x4000  }
0x15f: {  	[sflag:s12] =	ssyncset.done $0x0  }
0x160: {  	[sflag:s12] =	ssyncadd.s32 $0xFFFFC000  }
0x161: {  	_ =	swait.ge [sflag:s12], $0x4000  }
0x162: {  	s13 =	sadd.s32 $0x0, s28;
	s15 =	simm.s32 $0x220;
	[sflag:s12] =	ssyncset.done $0x0  }
0x163: {  	s16 =	simm.s32 $0x4;
	s4 =	simm.s32 $0x2A0;
	[sflag:s12] =	ssyncadd.s32 $0xFFFFC000  }
.LBB2_20:
0x164: {  	[hbm4b:s13+s17] =	stream.linear.scatter [tilespmem:s15], [sflag:$0x2], $0x20, $0x38;
	[tilespmem:$0x10200] =	vst v63  }
0x165: {  	s13 =	smov.u32 s16;
	s15 =	smov.u32 s4;
	p0 =	sne.s32 s16, $0x7FC  }
.Ltmp9:
0x166: {  	s16 =	sadd.s32 $0x4, s16;
	(pc) =	sbr.rel @p0 .LBB2_20-.Ltmp9, $2  }
0x167: {  	_ =	sdelay $0x2  }
0x168: {  	s4 =	sadd.s32 $0x80, s4;
	s13 =	sadd.s32 s13, s28  }
0x169: {  	[hbm4b:s13+s17] =	stream.linear.scatter [tilespmem:s15], [sflag:$0x2], $0x20, $0x38;
	[tilespmem:$0x10200] =	vst v63  }
0x16a: {  	_ =	swait.ge [sflag:s5], $0x4000  }
0x16b: {  	[sflag:s5] =	ssyncset.done $0x0  }
0x16c: {  	s4 =	simm.s32 $0x0;
	s15 =	rddreg [dreg:$0xc];
	[sflag:s5] =	ssyncadd.s32 $0xFFFFC000  }
0x16d: {  	[tilespmem:s4], [sflag:$0x2] =	stream.linear.gather [hbm4b:s15+s4], $0x200, $0x38;
	[tilespmem:$0x10200] =	vst v63  }
0x16e: {  	_ =	swait.ge [sflag:s5], $0x200  }
0x16f: {  	[sflag:s5] =	ssyncset.done $0x0  }
0x170: {  	s16 =	simm.s32 $0x200;
	[sflag:s5] =	ssyncadd.s32 $0xFFFFFE00  }
0x171: {  	[tilespmem:s16], [sflag:$0x1] =	stream.indirect.gather [hbm4b:s3+s6], $0x80, s4, s6, $0xb8;
	[tilespmem:$0x10200] =	vst v63  }
0x172: {  	_ = 	snop  }
0x173: {  	[tilespmem:s7], [sflag:$0x1] =	stream.indirect.gather [hbm4b:s3+s6], $0x80, s6, s6, $0xb8;
	[tilespmem:$0x10200] =	vst v63  }
0x174: {  	_ = 	snop  }
0x175: {  	[tilespmem:s9], [sflag:$0x1] =	stream.indirect.gather [hbm4b:s3+s6], $0x80, s8, s6, $0xb8;
	[tilespmem:$0x10200] =	vst v63  }
0x176: {  	_ = 	snop  }
0x177: {  	[tilespmem:s11], [sflag:$0x1] =	stream.indirect.gather [hbm4b:s3+s6], $0x80, s10, s6, $0xb8;
	[tilespmem:$0x10200] =	vst v63  }
0x178: {  	_ =	swait.ge [sflag:s12], $0x4000  }
0x179: {  	[sflag:s12] =	ssyncset.done $0x0  }
0x17a: {  	[sflag:s12] =	ssyncadd.s32 $0xFFFFC000  }
0x17b: {  	_ =	swait.ge [sflag:s12], $0x4000  }
0x17c: {  	[sflag:s12] =	ssyncset.done $0x0  }
0x17d: {  	[sflag:s12] =	ssyncadd.s32 $0xFFFFC000  }
0x17e: {  	_ =	swait.ge [sflag:s12], $0x4000  }
0x17f: {  	[sflag:s12] =	ssyncset.done $0x0  }
0x180: {  	[sflag:s12] =	ssyncadd.s32 $0xFFFFC000  }
0x181: {  	_ =	swait.ge [sflag:s12], $0x4000  }
0x182: {  	s13 =	sadd.s32 $0x0, s29;
	s15 =	simm.s32 $0x240;
	[sflag:s12] =	ssyncset.done $0x0  }
0x183: {  	s16 =	simm.s32 $0x4;
	s4 =	simm.s32 $0x2C0;
	[sflag:s12] =	ssyncadd.s32 $0xFFFFC000  }
.LBB2_22:
0x184: {  	[hbm4b:s13+s17] =	stream.linear.scatter [tilespmem:s15], [sflag:$0x2], $0x20, $0x38;
	[tilespmem:$0x10200] =	vst v63  }
0x185: {  	s13 =	smov.u32 s16;
	s15 =	smov.u32 s4;
	p0 =	sne.s32 s16, $0x7FC  }
.Ltmp10:
0x186: {  	s16 =	sadd.s32 $0x4, s16;
	(pc) =	sbr.rel @p0 .LBB2_22-.Ltmp10, $2  }
0x187: {  	_ =	sdelay $0x2  }
0x188: {  	s4 =	sadd.s32 $0x80, s4;
	s13 =	sadd.s32 s13, s29  }
0x189: {  	[hbm4b:s13+s17] =	stream.linear.scatter [tilespmem:s15], [sflag:$0x2], $0x20, $0x38;
	[tilespmem:$0x10200] =	vst v63  }
0x18a: {  	_ =	swait.ge [sflag:s5], $0x4000  }
0x18b: {  	[sflag:s5] =	ssyncset.done $0x0  }
0x18c: {  	s4 =	simm.s32 $0x0;
	s15 =	rddreg [dreg:$0xd];
	[sflag:s5] =	ssyncadd.s32 $0xFFFFC000  }
0x18d: {  	[tilespmem:s4], [sflag:$0x2] =	stream.linear.gather [hbm4b:s15+s4], $0x200, $0x38;
	[tilespmem:$0x10200] =	vst v63  }
0x18e: {  	_ =	swait.ge [sflag:s5], $0x200  }
0x18f: {  	[sflag:s5] =	ssyncset.done $0x0  }
0x190: {  	s16 =	simm.s32 $0x200;
	[sflag:s5] =	ssyncadd.s32 $0xFFFFFE00  }
0x191: {  	[tilespmem:s16], [sflag:$0x1] =	stream.indirect.gather [hbm4b:s3+s6], $0x80, s4, s6, $0xb8;
	[tilespmem:$0x10200] =	vst v63  }
0x192: {  	_ = 	snop  }
0x193: {  	[tilespmem:s7], [sflag:$0x1] =	stream.indirect.gather [hbm4b:s3+s6], $0x80, s6, s6, $0xb8;
	[tilespmem:$0x10200] =	vst v63  }
0x194: {  	_ = 	snop  }
0x195: {  	[tilespmem:s9], [sflag:$0x1] =	stream.indirect.gather [hbm4b:s3+s6], $0x80, s8, s6, $0xb8;
	[tilespmem:$0x10200] =	vst v63  }
0x196: {  	_ = 	snop  }
0x197: {  	[tilespmem:s11], [sflag:$0x1] =	stream.indirect.gather [hbm4b:s3+s6], $0x80, s10, s6, $0xb8;
	[tilespmem:$0x10200] =	vst v63  }
0x198: {  	_ =	swait.ge [sflag:s12], $0x4000  }
0x199: {  	[sflag:s12] =	ssyncset.done $0x0  }
0x19a: {  	[sflag:s12] =	ssyncadd.s32 $0xFFFFC000  }
0x19b: {  	_ =	swait.ge [sflag:s12], $0x4000  }
0x19c: {  	[sflag:s12] =	ssyncset.done $0x0  }
0x19d: {  	[sflag:s12] =	ssyncadd.s32 $0xFFFFC000  }
0x19e: {  	_ =	swait.ge [sflag:s12], $0x4000  }
0x19f: {  	[sflag:s12] =	ssyncset.done $0x0  }
0x1a0: {  	[sflag:s12] =	ssyncadd.s32 $0xFFFFC000  }
0x1a1: {  	_ =	swait.ge [sflag:s12], $0x4000  }
0x1a2: {  	s13 =	sadd.s32 $0x0, s31;
	s15 =	simm.s32 $0x260;
	[sflag:s12] =	ssyncset.done $0x0  }
0x1a3: {  	s16 =	simm.s32 $0x4;
	s4 =	simm.s32 $0x2E0;
	[sflag:s12] =	ssyncadd.s32 $0xFFFFC000  }
.LBB2_24:
0x1a4: {  	[hbm4b:s13+s17] =	stream.linear.scatter [tilespmem:s15], [sflag:$0x2], $0x20, $0x38;
	[tilespmem:$0x10200] =	vst v63  }
0x1a5: {  	s13 =	smov.u32 s16;
	s15 =	smov.u32 s4;
	p0 =	sne.s32 s16, $0x7FC  }
.Ltmp11:
0x1a6: {  	s16 =	sadd.s32 $0x4, s16;
	(pc) =	sbr.rel @p0 .LBB2_24-.Ltmp11, $2  }
0x1a7: {  	_ =	sdelay $0x2  }
0x1a8: {  	s4 =	sadd.s32 $0x80, s4;
	s13 =	sadd.s32 s13, s31  }
0x1a9: {  	[hbm4b:s13+s17] =	stream.linear.scatter [tilespmem:s15], [sflag:$0x2], $0x20, $0x38;
	[tilespmem:$0x10200] =	vst v63  }
0x1aa: {  	_ =	swait.ge [sflag:s5], $0x4000  }
0x1ab: {  	[sflag:s5] =	ssyncset.done $0x0  }
0x1ac: {  	s4 =	simm.s32 $0x0;
	s16 =	rddreg [dreg:$0xe];
	[sflag:s5] =	ssyncadd.s32 $0xFFFFC000  }
0x1ad: {  	[tilespmem:s4], [sflag:$0x2] =	stream.linear.gather [hbm4b:s16+s4], $0x200, $0x38;
	[tilespmem:$0x10200] =	vst v63  }
0x1ae: {  	_ =	swait.ge [sflag:s5], $0x200  }
0x1af: {  	[sflag:s5] =	ssyncset.done $0x0  }
0x1b0: {  	s15 =	simm.s32 $0x200;
	[sflag:s5] =	ssyncadd.s32 $0xFFFFFE00  }
0x1b1: {  	[tilespmem:s15], [sflag:$0x1] =	stream.indirect.gather [hbm4b:s3+s6], $0x80, s4, s6, $0xb8;
	[tilespmem:$0x10200] =	vst v63  }
0x1b2: {  	_ = 	snop  }
0x1b3: {  	[tilespmem:s7], [sflag:$0x1] =	stream.indirect.gather [hbm4b:s3+s6], $0x80, s6, s6, $0xb8;
	[tilespmem:$0x10200] =	vst v63  }
0x1b4: {  	_ = 	snop  }
0x1b5: {  	[tilespmem:s9], [sflag:$0x1] =	stream.indirect.gather [hbm4b:s3+s6], $0x80, s8, s6, $0xb8;
	[tilespmem:$0x10200] =	vst v63  }
0x1b6: {  	_ = 	snop  }
0x1b7: {  	[tilespmem:s11], [sflag:$0x1] =	stream.indirect.gather [hbm4b:s3+s6], $0x80, s10, s6, $0xb8;
	[tilespmem:$0x10200] =	vst v63  }
0x1b8: {  	_ =	swait.ge [sflag:s12], $0x4000  }
0x1b9: {  	[sflag:s12] =	ssyncset.done $0x0  }
0x1ba: {  	[sflag:s12] =	ssyncadd.s32 $0xFFFFC000  }
0x1bb: {  	_ =	swait.ge [sflag:s12], $0x4000  }
0x1bc: {  	[sflag:s12] =	ssyncset.done $0x0  }
0x1bd: {  	[sflag:s12] =	ssyncadd.s32 $0xFFFFC000  }
0x1be: {  	_ =	swait.ge [sflag:s12], $0x4000  }
0x1bf: {  	[sflag:s12] =	ssyncset.done $0x0  }
0x1c0: {  	[sflag:s12] =	ssyncadd.s32 $0xFFFFC000  }
0x1c1: {  	_ =	swait.ge [sflag:s12], $0x4000  }
0x1c2: {  	s13 =	sadd.s32 $0x0, s30;
	[sflag:s12] =	ssyncset.done $0x0  }
0x1c3: {  	s16 =	simm.s32 $0x4;
	s4 =	simm.s32 $0x280;
	[sflag:s12] =	ssyncadd.s32 $0xFFFFC000  }
.LBB2_26:
0x1c4: {  	[hbm4b:s13+s17] =	stream.linear.scatter [tilespmem:s15], [sflag:$0x2], $0x20, $0x38;
	[tilespmem:$0x10200] =	vst v63  }
0x1c5: {  	s13 =	smov.u32 s16;
	s15 =	smov.u32 s4;
	p0 =	sne.s32 s16, $0x7FC  }
.Ltmp12:
0x1c6: {  	s16 =	sadd.s32 $0x4, s16;
	(pc) =	sbr.rel @p0 .LBB2_26-.Ltmp12, $2  }
0x1c7: {  	_ =	sdelay $0x2  }
0x1c8: {  	s4 =	sadd.s32 $0x80, s4;
	s13 =	sadd.s32 s13, s30  }
0x1c9: {  	[hbm4b:s13+s17] =	stream.linear.scatter [tilespmem:s15], [sflag:$0x2], $0x20, $0x38;
	[tilespmem:$0x10200] =	vst v63  }
0x1ca: {  	_ =	swait.ge [sflag:s5], $0x4000  }
0x1cb: {  	[sflag:s5] =	ssyncset.done $0x0  }
0x1cc: {  	s4 =	simm.s32 $0x0;
	s15 =	rddreg [dreg:$0xf];
	[sflag:s5] =	ssyncadd.s32 $0xFFFFC000  }
0x1cd: {  	[tilespmem:s4], [sflag:$0x2] =	stream.linear.gather [hbm4b:s15+s4], $0x200, $0x38;
	[tilespmem:$0x10200] =	vst v63  }
0x1ce: {  	_ =	swait.ge [sflag:s5], $0x200  }
0x1cf: {  	[sflag:s5] =	ssyncset.done $0x0  }
0x1d0: {  	s16 =	simm.s32 $0x200;
	[sflag:s5] =	ssyncadd.s32 $0xFFFFFE00  }
0x1d1: {  	[tilespmem:s16], [sflag:$0x1] =	stream.indirect.gather [hbm4b:s3+s6], $0x80, s4, s6, $0xb8;
	[tilespmem:$0x10200] =	vst v63  }
0x1d2: {  	_ = 	snop  }
0x1d3: {  	[tilespmem:s7], [sflag:$0x1] =	stream.indirect.gather [hbm4b:s3+s6], $0x80, s6, s6, $0xb8;
	[tilespmem:$0x10200] =	vst v63  }
0x1d4: {  	_ = 	snop  }
0x1d5: {  	[tilespmem:s9], [sflag:$0x1] =	stream.indirect.gather [hbm4b:s3+s6], $0x80, s8, s6, $0xb8;
	[tilespmem:$0x10200] =	vst v63  }
0x1d6: {  	_ = 	snop  }
0x1d7: {  	[tilespmem:s11], [sflag:$0x1] =	stream.indirect.gather [hbm4b:s3+s6], $0x80, s10, s6, $0xb8;
	[tilespmem:$0x10200] =	vst v63  }
0x1d8: {  	_ =	swait.ge [sflag:s12], $0x4000  }
0x1d9: {  	[sflag:s12] =	ssyncset.done $0x0  }
0x1da: {  	[sflag:s12] =	ssyncadd.s32 $0xFFFFC000  }
0x1db: {  	_ =	swait.ge [sflag:s12], $0x4000  }
0x1dc: {  	[sflag:s12] =	ssyncset.done $0x0  }
0x1dd: {  	[sflag:s12] =	ssyncadd.s32 $0xFFFFC000  }
0x1de: {  	_ =	swait.ge [sflag:s12], $0x4000  }
0x1df: {  	[sflag:s12] =	ssyncset.done $0x0  }
0x1e0: {  	[sflag:s12] =	ssyncadd.s32 $0xFFFFC000  }
0x1e1: {  	_ =	swait.ge [sflag:s12], $0x4000  }
0x1e2: {  	s13 =	sadd.s32 $0x0, s0;
	s15 =	simm.s32 $0x220;
	[sflag:s12] =	ssyncset.done $0x0  }
0x1e3: {  	s16 =	simm.s32 $0x4;
	s4 =	simm.s32 $0x2A0;
	[sflag:s12] =	ssyncadd.s32 $0xFFFFC000  }
.LBB2_28:
0x1e4: {  	[hbm4b:s13+s17] =	stream.linear.scatter [tilespmem:s15], [sflag:$0x2], $0x20, $0x38;
	[tilespmem:$0x10200] =	vst v63  }
0x1e5: {  	s13 =	smov.u32 s16;
	s15 =	smov.u32 s4;
	p0 =	sne.s32 s16, $0x7FC  }
.Ltmp13:
0x1e6: {  	s16 =	sadd.s32 $0x4, s16;
	(pc) =	sbr.rel @p0 .LBB2_28-.Ltmp13, $2  }
0x1e7: {  	_ =	sdelay $0x2  }
0x1e8: {  	s4 =	sadd.s32 $0x80, s4;
	s13 =	sadd.s32 s13, s0  }
0x1e9: {  	[hbm4b:s13+s17] =	stream.linear.scatter [tilespmem:s15], [sflag:$0x2], $0x20, $0x38;
	[tilespmem:$0x10200] =	vst v63  }
0x1ea: {  	_ =	swait.ge [sflag:s5], $0x4000  }
0x1eb: {  	[sflag:s5] =	ssyncset.done $0x0  }
0x1ec: {  	s4 =	simm.s32 $0x0;
	s15 =	rddreg [dreg:$0x10];
	[sflag:s5] =	ssyncadd.s32 $0xFFFFC000  }
0x1ed: {  	[tilespmem:s4], [sflag:$0x2] =	stream.linear.gather [hbm4b:s15+s4], $0x200, $0x38;
	[tilespmem:$0x10200] =	vst v63  }
0x1ee: {  	_ =	swait.ge [sflag:s5], $0x200  }
0x1ef: {  	[sflag:s5] =	ssyncset.done $0x0  }
0x1f0: {  	s16 =	simm.s32 $0x200;
	[sflag:s5] =	ssyncadd.s32 $0xFFFFFE00  }
0x1f1: {  	[tilespmem:s16], [sflag:$0x1] =	stream.indirect.gather [hbm4b:s3+s6], $0x80, s4, s6, $0xb8;
	[tilespmem:$0x10200] =	vst v63  }
0x1f2: {  	_ = 	snop  }
0x1f3: {  	[tilespmem:s7], [sflag:$0x1] =	stream.indirect.gather [hbm4b:s3+s6], $0x80, s6, s6, $0xb8;
	[tilespmem:$0x10200] =	vst v63  }
0x1f4: {  	_ = 	snop  }
0x1f5: {  	[tilespmem:s9], [sflag:$0x1] =	stream.indirect.gather [hbm4b:s3+s6], $0x80, s8, s6, $0xb8;
	[tilespmem:$0x10200] =	vst v63  }
0x1f6: {  	_ = 	snop  }
0x1f7: {  	[tilespmem:s11], [sflag:$0x1] =	stream.indirect.gather [hbm4b:s3+s6], $0x80, s10, s6, $0xb8;
	[tilespmem:$0x10200] =	vst v63  }
0x1f8: {  	_ =	swait.ge [sflag:s12], $0x4000  }
0x1f9: {  	[sflag:s12] =	ssyncset.done $0x0  }
0x1fa: {  	[sflag:s12] =	ssyncadd.s32 $0xFFFFC000  }
0x1fb: {  	_ =	swait.ge [sflag:s12], $0x4000  }
0x1fc: {  	[sflag:s12] =	ssyncset.done $0x0  }
0x1fd: {  	[sflag:s12] =	ssyncadd.s32 $0xFFFFC000  }
0x1fe: {  	_ =	swait.ge [sflag:s12], $0x4000  }
0x1ff: {  	[sflag:s12] =	ssyncset.done $0x0  }
0x200: {  	[sflag:s12] =	ssyncadd.s32 $0xFFFFC000  }
0x201: {  	_ =	swait.ge [sflag:s12], $0x4000  }
0x202: {  	s13 =	sadd.s32 $0x0, s1;
	s15 =	simm.s32 $0x240;
	[sflag:s12] =	ssyncset.done $0x0  }
0x203: {  	s16 =	simm.s32 $0x4;
	s4 =	simm.s32 $0x2C0;
	[sflag:s12] =	ssyncadd.s32 $0xFFFFC000  }
.LBB2_30:
0x204: {  	[hbm4b:s13+s17] =	stream.linear.scatter [tilespmem:s15], [sflag:$0x2], $0x20, $0x38;
	[tilespmem:$0x10200] =	vst v63  }
0x205: {  	s13 =	smov.u32 s16;
	s15 =	smov.u32 s4;
	p0 =	sne.s32 s16, $0x7FC  }
.Ltmp14:
0x206: {  	s16 =	sadd.s32 $0x4, s16;
	(pc) =	sbr.rel @p0 .LBB2_30-.Ltmp14, $2  }
0x207: {  	_ =	sdelay $0x2  }
0x208: {  	s4 =	sadd.s32 $0x80, s4;
	s13 =	sadd.s32 s13, s1  }
0x209: {  	[hbm4b:s13+s17] =	stream.linear.scatter [tilespmem:s15], [sflag:$0x2], $0x20, $0x38;
	[tilespmem:$0x10200] =	vst v63  }
0x20a: {  	_ =	swait.ge [sflag:s5], $0x4000  }
0x20b: {  	[sflag:s5] =	ssyncset.done $0x0  }
0x20c: {  	s4 =	simm.s32 $0x0;
	s15 =	rddreg [dreg:$0x11];
	[sflag:s5] =	ssyncadd.s32 $0xFFFFC000  }
0x20d: {  	[tilespmem:s4], [sflag:$0x2] =	stream.linear.gather [hbm4b:s15+s4], $0x200, $0x38;
	[tilespmem:$0x10200] =	vst v63  }
0x20e: {  	_ =	swait.ge [sflag:s5], $0x200  }
0x20f: {  	[sflag:s5] =	ssyncset.done $0x0  }
0x210: {  	s16 =	simm.s32 $0x200;
	[sflag:s5] =	ssyncadd.s32 $0xFFFFFE00  }
0x211: {  	[tilespmem:s16], [sflag:$0x1] =	stream.indirect.gather [hbm4b:s3+s6], $0x80, s4, s6, $0xb8;
	[tilespmem:$0x10200] =	vst v63  }
0x212: {  	_ = 	snop  }
0x213: {  	[tilespmem:s7], [sflag:$0x1] =	stream.indirect.gather [hbm4b:s3+s6], $0x80, s6, s6, $0xb8;
	[tilespmem:$0x10200] =	vst v63  }
0x214: {  	_ = 	snop  }
0x215: {  	[tilespmem:s9], [sflag:$0x1] =	stream.indirect.gather [hbm4b:s3+s6], $0x80, s8, s6, $0xb8;
	[tilespmem:$0x10200] =	vst v63  }
0x216: {  	_ = 	snop  }
0x217: {  	[tilespmem:s11], [sflag:$0x1] =	stream.indirect.gather [hbm4b:s3+s6], $0x80, s10, s6, $0xb8;
	[tilespmem:$0x10200] =	vst v63  }
0x218: {  	_ =	swait.ge [sflag:s12], $0x4000  }
0x219: {  	[sflag:s12] =	ssyncset.done $0x0  }
0x21a: {  	[sflag:s12] =	ssyncadd.s32 $0xFFFFC000  }
0x21b: {  	_ =	swait.ge [sflag:s12], $0x4000  }
0x21c: {  	[sflag:s12] =	ssyncset.done $0x0  }
0x21d: {  	[sflag:s12] =	ssyncadd.s32 $0xFFFFC000  }
0x21e: {  	_ =	swait.ge [sflag:s12], $0x4000  }
0x21f: {  	[sflag:s12] =	ssyncset.done $0x0  }
0x220: {  	[sflag:s12] =	ssyncadd.s32 $0xFFFFC000  }
0x221: {  	_ =	swait.ge [sflag:s12], $0x4000  }
0x222: {  	s13 =	sadd.s32 $0x0, s2;
	s15 =	simm.s32 $0x260;
	[sflag:s12] =	ssyncset.done $0x0  }
0x223: {  	s16 =	simm.s32 $0x4;
	s4 =	simm.s32 $0x2E0;
	[sflag:s12] =	ssyncadd.s32 $0xFFFFC000  }
.LBB2_32:
0x224: {  	[hbm4b:s13+s17] =	stream.linear.scatter [tilespmem:s15], [sflag:$0x2], $0x20, $0x38;
	[tilespmem:$0x10200] =	vst v63  }
0x225: {  	s13 =	smov.u32 s16;
	s15 =	smov.u32 s4;
	p0 =	sne.s32 s16, $0x7FC  }
.Ltmp15:
0x226: {  	s16 =	sadd.s32 $0x4, s16;
	(pc) =	sbr.rel @p0 .LBB2_32-.Ltmp15, $2  }
0x227: {  	_ =	sdelay $0x2  }
0x228: {  	s4 =	sadd.s32 $0x80, s4;
	s13 =	sadd.s32 s13, s2  }
0x229: {  	[hbm4b:s13+s17] =	stream.linear.scatter [tilespmem:s15], [sflag:$0x2], $0x20, $0x38;
	[tilespmem:$0x10200] =	vst v63  }
0x22a: {  	_ =	swait.ge [sflag:s5], $0x4000  }
0x22b: {  	s14 =	sadd.s32 $0x1, s14;
	s4 =	rddreg [dreg:$0x12]  }
0x22c: {  	p0 =	sne.s32 s14, s4  }
.Ltmp16:
0x22d: {  	_ = 	snop;
	(pc) =	sbr.rel @p0 .LBB2_1-.Ltmp16, $3  }
0x22e: {  	_ =	sdelay $0x1  }
0x22f: {  	[sflag:s5] =	ssyncset.done $0x0  }
0x230: {  	[sflag:s5] =	ssyncadd.s32 $0xFFFFC000  }
0x231: {  	_ =	sfence.sel $0x180000  }
0x232: {  	[bflag:$0x0] =	sbarrier.arrive $0xFFFF  }
0x233: {  	_ =	strace $0x90000047  }
0x234: {  	s0 =	stileid.u32;
	[bflag:$0x2] =	sbarrier.arrive $0xFFFF  }
0x235: {  	p0 =	sne.s32 s0, $0x0;
	s0 =	rddreg [dreg:$0x1]  }
0x236: {  	s0 =	sadd.s32 @!p0 $0x100000, s0  }
0x237: {  	[sflag:s0] =	ssyncadd.tile.s32 @!p0 $0x1;
	_ =	shalt  }
.Lfunc_end2:
_tile_overlayer_lowered:
.L_overlay_start_2:
0x238: {  	(tag) =	ssettag $0x2  }
0x239: {  	s0 =	rddreg [dreg:$0x0];
	s2 =	stileid.u32  }
0x23a: {  	s1 =	rddreg [dreg:$0x1];
	p0 =	sne.s32 s2, $0x0  }
0x23b: {  	s3 =	rddreg [dreg:$0x2];
	[bflag:$0x3] =	sbarrier.arrive $0xFFFF;
	s2 =	simm.s32 @!p0 $0x1C02  }
0x23c: {  	[timem:s3], [sflag:s2] =	dma.local @!p0 [hbm:s0], s1  }
0x23d: {  	s0 =	simm.s32 @!p0 $0x2  }
0x23e: {  	_ =	swait.ge @!p0 [sflag:s0], s1  }
0x23f: {  	s1 =	ssub.s32 @!p0 $0x0, s1;
	[sflag:s0] =	ssyncset.done @!p0 $0x0  }
0x240: {  	[sflag:s0] =	ssyncadd.s32 @!p0 s1  }
0x241: {  	[bflag:$0x3] =	sbarrier.arrive $0xFFFF  }
0x242: {  	_ =	shalt  }

// kernel: kernel.13.cloned.1.call-start
scs
__scs_entry_jumppad:
0x0: {  	(pc) =	sbr.rel $0x88, $3  }
0x1: {  	(tag) =	ssettag $0x0;
	lr =	simm.s32 $0x1  }
0x2: {  	[smem:$0x3F9C] =	sst lr;
	_ =	strace $0xD0000000  }
0x3: {  	_ = 	snop  }
0x4: {  	_ = 	snop  }
0x5: {  	_ = 	snop  }
0x6: {  	_ = 	snop  }
0x7: {  	_ = 	snop  }
__scs_overlays_trampoline_lowered:
0x8: {  	[smem:$0x3FAB] =	sst s0  }
0x9: {  	[smem:$0x3FAC] =	sst s1  }
0xa: {  	[smem:$0x3FAD] =	sst s2  }
0xb: {  	[smem:$0x3FAE] =	sst s3  }
0xc: {  	[smem:$0x3FAF] =	sst s4  }
0xd: {  	[smem:$0x3FB0] =	sst s5  }
0xe: {  	[smem:$0x3FB1] =	sst s6  }
0xf: {  	[smem:$0x3FB2] =	sst s7  }
0x10: {  	[smem:$0x3FB3] =	sst s8  }
0x11: {  	[smem:$0x3FB4] =	sst s9;
	s0 =	simm.s32 @!p0 $0x0  }
0x12: {  	s1 =	sld [smem:$0x3F9A];
	s0 =	simm.s32 @p0 $0x1  }
0x13: {  	[smem:$0x3FB5] =	sst s0;
	s0 =	simm.s32 @!p1 $0x0  }
0x14: {  	s2 =	sld [smem:$0x3F99];
	s0 =	simm.s32 @p1 $0x1  }
0x15: {  	[smem:$0x3FB6] =	sst s0;
	s0 =	simm.s32 @!p2 $0x0  }
0x16: {  	s3 =	sld [smem:$0x3FDB];
	s0 =	simm.s32 @p2 $0x1  }
0x17: {  	s4 =	simm.s32 $0x1BF5;
	[smem:$0x3FB8] =	sst s0  }
0x18: {  	s0 =	sld [smem:$0x3F9B];
	_ =	swait.ge [sflag:s4], $0x0  }
0x19: {  	s7 =	sld [smem:$0x3F9C]  }
0x1a: {  	s8 =	sadd.s32 $0xFFFFE003, lr  }
0x1b: {  	s9 =	sadd.s32 $0xFFFFFEF7, lr;
	s5 =	simm.s32 $0xFFFFFFFF;
	p2 =	slt.u32 s8, $0xFFFFF086  }
0x1c: {  	p1 =	slt.u32 s9, $0xF7A;
	s5 =	simm.s32 @!p2 $0x0  }
0x1d: {  	s5 =	simm.s32 @p1 $0x1;
	p0 =	seq.s32 s7, s2  }
0x1e: {  	s7 =	smul.u32 @!p0 $0xF7A, s2;
	p2 =	seq.s32 @!p0 s5, $0x0  }
0x1f: {  	s9 =	smul.u32 $0xF7A, s1;
	s8 =	simm.s32 @!p0 $0x1BF5;
	p2 =	por !p2, p0  }
0x20: {  	[sflag:s8] =	ssyncset.s32 @!p0 $0xFFFFF086;
	s6 =	sadd.s32 @!p0 s3, s7;
	s7 =	simm.s32 @!p0 $0x108  }
0x21: {  	s3 =	sadd.s32 s3, s9;
	s6 =	sadd.s32 @!p0 $0x88, s6;
	s7 =	simm.s32 @p2 $0x1082  }
0x22: {  	[simem:s7], [sflag:s8] =	dma.local @!p0 [hbm:s6], $0xF7A  }
0x23: {  	s9 =	sor.u32 $0xD0000000, s2;
	s6 =	simm.s32 $0x108;
	_ =	swait.ge @!p0 [sflag:s8], $0x0  }
0x24: {  	s3 =	sadd.s32 $0x88, s3;
	s6 =	simm.s32 @!p1 $0x1082;
	[sflag:s4] =	ssyncset.s32 $0xFFFFF086  }
0x25: {  	[simem:s6], [sflag:s4] =	dma.local [hbm:s3], $0xF7A  }
0x26: {  	[smem:$0x3F9C] =	sst s1;
	(tag) =	ssettag s2;
	_ =	strace s9  }
0x27: {  	s1 =	sld [smem:$0x3FAC]  }
0x28: {  	s2 =	sld [smem:$0x3FAD]  }
0x29: {  	s4 =	sld [smem:$0x3FAF]  }
0x2a: {  	p0 =	seq.s32 s5, $0x0;
	s5 =	sld [smem:$0x3FB0]  }
0x2b: {  	s6 =	sld [smem:$0x3FB1]  }
0x2c: {  	s7 =	sld [smem:$0x3FB2]  }
0x2d: {  	s3 =	simm.s32 $0x108;
	s8 =	sld [smem:$0x3FB3]  }
0x2e: {  	s3 =	simm.s32 @!p0 $0x1082;
	s9 =	sld [smem:$0x3FB4]  }
0x2f: {  	lr =	sadd.s32 s0, s3;
	s0 =	sld [smem:$0x3FAB]  }
0x30: {  	s3 =	sld [smem:$0x3FAE]  }
0x31: {  	[smem:$0x3FB7] =	sst s10  }
0x32: {  	s10 =	sld [smem:$0x3FB5];
	_ =	sdelay $0x3  }
0x33: {  	p0 =	seq.s32 s10, $0x1;
	s10 =	sld [smem:$0x3FB7];
	_ =	sdelay $0x3  }
0x34: {  	[smem:$0x3FB7] =	sst s10  }
0x35: {  	s10 =	sld [smem:$0x3FB6];
	_ =	sdelay $0x3  }
0x36: {  	p1 =	seq.s32 s10, $0x1;
	s10 =	sld [smem:$0x3FB7];
	_ =	sdelay $0x3  }
0x37: {  	[smem:$0x3FB7] =	sst s10  }
0x38: {  	s10 =	sld [smem:$0x3FB8]  }
0x39: {  	_ = 	snop;
	(pc) =	sbr.ind lr, $3  }
0x3a: {  	_ = 	snop  }
0x3b: {  	_ = 	snop  }
0x3c: {  	p2 =	seq.s32 s10, $0x1;
	s10 =	sld [smem:$0x3FB7]  }
0x3d: {  	_ =	shalt  }
0x3e: {  	_ =	shalt  }
0x3f: {  	_ =	shalt  }
0x40: {  	_ =	shalt  }
0x41: {  	_ =	shalt  }
0x42: {  	_ =	shalt  }
0x43: {  	_ =	shalt  }
0x44: {  	_ =	shalt  }
0x45: {  	_ =	shalt  }
0x46: {  	_ =	shalt  }
0x47: {  	_ =	shalt  }
0x48: {  	_ =	shalt  }
0x49: {  	_ =	shalt  }
0x4a: {  	_ =	shalt  }
0x4b: {  	_ =	shalt  }
0x4c: {  	_ =	shalt  }
0x4d: {  	_ =	shalt  }
0x4e: {  	_ =	shalt  }
0x4f: {  	_ =	shalt  }
0x50: {  	_ =	shalt  }
0x51: {  	_ =	shalt  }
0x52: {  	_ =	shalt  }
0x53: {  	_ =	shalt  }
0x54: {  	_ =	shalt  }
0x55: {  	_ =	shalt  }
0x56: {  	_ =	shalt  }
0x57: {  	_ =	shalt  }
0x58: {  	_ =	shalt  }
0x59: {  	_ =	shalt  }
0x5a: {  	_ =	shalt  }
0x5b: {  	_ =	shalt  }
0x5c: {  	_ =	shalt  }
0x5d: {  	_ =	shalt  }
0x5e: {  	_ =	shalt  }
0x5f: {  	_ =	shalt  }
0x60: {  	_ =	shalt  }
0x61: {  	_ =	shalt  }
0x62: {  	_ =	shalt  }
0x63: {  	_ =	shalt  }
0x64: {  	_ =	shalt  }
0x65: {  	_ =	shalt  }
0x66: {  	_ =	shalt  }
0x67: {  	_ =	shalt  }
0x68: {  	_ =	shalt  }
0x69: {  	_ =	shalt  }
0x6a: {  	_ =	shalt  }
0x6b: {  	_ =	shalt  }
0x6c: {  	_ =	shalt  }
0x6d: {  	_ =	shalt  }
0x6e: {  	_ =	shalt  }
0x6f: {  	_ =	shalt  }
0x70: {  	_ =	shalt  }
0x71: {  	_ =	shalt  }
0x72: {  	_ =	shalt  }
0x73: {  	_ =	shalt  }
0x74: {  	_ =	shalt  }
0x75: {  	_ =	shalt  }
0x76: {  	_ =	shalt  }
0x77: {  	_ =	shalt  }
0x78: {  	_ =	shalt  }
0x79: {  	_ =	shalt  }
0x7a: {  	_ =	shalt  }
0x7b: {  	_ =	shalt  }
0x7c: {  	_ =	shalt  }
0x7d: {  	_ =	shalt  }
0x7e: {  	_ =	shalt  }
0x7f: {  	_ =	shalt  }
0x80: {  	_ =	shalt  }
0x81: {  	_ =	shalt  }
0x82: {  	_ =	shalt  }
0x83: {  	_ =	shalt  }
0x84: {  	_ =	shalt  }
0x85: {  	_ =	shalt  }
0x86: {  	_ =	shalt  }
0x87: {  	_ =	shalt  }
.Lfunc_end0:
.L_simem_size_0:
called_computation.1_lowered:
.L_overlay_start_0:
0x88: {  	s2 =	sld [smem:$0x3FD9]  }
0x89: {  	s3 =	sld [smem:$0x3FFE];
	_ =	sdelay $0x1  }
0x8a: {  	s1 =	srdreg.scid  }
0x8b: {  	s0 =	sand.u32 $0x1, s1  }
0x8c: {  	s17 =	sshll.u32 s0, $0xA;
	s2 =	sadd.s32 s3, s2  }
0x8d: {  	s2 =	sadd.s32 s2, s17  }
0x8e: {  	[smem:$0x3FC3] =	sst s2  }
0x8f: {  	_ = 	snop  }
0x90: {  	(tm) =	ssettm $0x1  }
0x91: {  	s18 =	sld [smem:$0x3FFB];
	_ =	sdelay $0x3  }
0x92: {  	_ =	strace s18  }
0x93: {  	s2 =	sld [smem:$0x3FFC];
	_ =	sdelay $0x3  }
0x94: {  	_ =	strace s2  }
0x95: {  	s2 =	sld [smem:$0x3FFD];
	_ =	sdelay $0x3  }
0x96: {  	_ =	strace s2  }
0x97: {  	_ =	strace $0x8FFFFFFF  }
0x98: {  	s19 =	sld [smem:$0x3FDB];
	_ =	sdelay $0x1  }
0x99: {  	s20 =	simm.s32 $_scs_section_size  }
0x9a: {  	s4 =	simm.s32 $_size__tile_overlayer_lowered;
	s5 =	simm.s32 $_tile_overlayer_lowered  }
0x9b: {  	s6 =	simm.s32 $0x1BFF;
	s21 =	sshll.u32 s5, $0x1;
	s3 =	sadd.s32 s20, s19  }
0x9c: {  	s22 =	simm.s32 $0x0;
	s4 =	sshll.u32 s4, $0x1;
	s5 =	sadd.s32 s21, s3  }
0x9d: {  	[timem:s22], [sflag:s6] =	dma.local [hbm:s5], s4  }
0x9e: {  	_ =	swait.ge [sflag:s6], s4  }
0x9f: {  	s4 =	ssub.s32 $0x0, s4;
	[sflag:s6] =	ssyncset.done $0x0  }
0xa0: {  	[sflag:s6] =	ssyncadd.s32 s4;
	_ =	sdelay $0x1  }
0xa1: {  	s23 =	simm.s32 $0x1B8B  }
0xa2: {  	_ =	swait.ge [sflag:s23], $0x1  }
0xa3: {  	[sflag:s23] =	ssyncset.done $0x0  }
0xa4: {  	[sflag:s23] =	ssyncadd.s32 $0xFFFFFFFF  }
0xa5: {  	s4 =	sld [smem:$0x0]  }
0xa6: {  	s5 =	sand.u32 $0xFFFFFFFE, s1  }
0xa7: {  	p0 =	sne.s32 s1, s5  }
0xa8: {  	s5 =	sshll.u32 @p0 s5, $0xE  }
0xa9: {  	s5 =	sadd.s32 @p0 $0x11B8D, s5;
	s6 =	sshll.u32 @p0 s4, $0x11  }
0xaa: {  	s5 =	sor.u32 @p0 s6, s5  }
0xab: {  	[sflag:s5] =	ssyncadd.remote.s32 @p0 $0x1;
	_ =	sdelay $0x1  }
0xac: {  	s5 =	simm.s32 @p0 $0x1B8D  }
0xad: {  	_ =	swait.eq @p0 [sflag:s5], $0x1  }
0xae: {  	[sflag:s5] =	ssyncadd.s32 @p0 $0xFFFFFFFF  }
0xaf: {  	s6 =	sshll.u32 @!p0 s1, $0xE  }
0xb0: {  	s6 =	sor.u32 @!p0 $0x4000, s6;
	s5 =	simm.s32 @!p0 $0x1B8D  }
0xb1: {  	s4 =	sshll.u32 @!p0 s4, $0x11;
	s6 =	sadd.s32 @!p0 $0x11B8D, s6;
	_ =	swait.eq @!p0 [sflag:s5], $0x1  }
0xb2: {  	s4 =	sor.u32 @!p0 s4, s6;
	[sflag:s5] =	ssyncadd.s32 @!p0 $0xFFFFFFFF  }
0xb3: {  	s25 =	simm.s32 $0x1B8E;
	s24 =	sld [smem:$0x3FFE];
	[sflag:s4] =	ssyncadd.remote.s32 @!p0 $0x1  }
0xb4: {  	s26 =	simm.s32 $execute0_lowered;
	[smem:$0x3FD2] =	sst s25  }
0xb5: {  	s5 =	sshll.u32 s26, $0x1;
	_ =	strace $0x80000049;
	[dreg:$0x1] =	wrdreg $0xFFFFFFFF  }
0xb6: {  	s28 =	simm.s32 $_size_execute0_lowered;
	s3 =	sadd.s32 s3, s5;
	[dreg:$0x0] =	wrdreg $0x0  }
0xb7: {  	s5 =	sshll.u32 s28, $0x1;
	[dreg:$0x2] =	wrdreg s3  }
0xb8: {  	[dreg:$0x3] =	wrdreg s5  }
0xb9: {  	[dreg:$0x4] =	wrdreg $0xC0  }
0xba: {  	_ =	task [dreg:s22], $0x5FFFF  }
0xbb: {  	[dreg:$0x1] =	wrdreg $0xFFFFFFFF  }
0xbc: {  	[dreg:$0x0] =	wrdreg $0x60  }
0xbd: {  	[dreg:$0x2] =	wrdreg s24  }
0xbe: {  	[dreg:$0x3] =	wrdreg $0xA  }
0xbf: {  	_ =	task.clear_ibuf [dreg:s22], $0x4FFFF;
	_ =	strace $0x90000049  }
0xc0: {  	s29 =	simm.s32 $0xA;
	_ =	strace $0x8000004B  }
0xc1: {  	_ =	swait.ge [sflag:s29], $0x1  }
0xc2: {  	[sflag:s29] =	ssyncadd.s32 $0xFFFFFFFF  }
0xc3: {  	_ =	strace $0x9000004B  }
0xc4: {  	_ =	sfence  }
0xc5: {  	s30 =	sld [smem:$0x0];
	_ =	sdelay $0x2  }
0xc6: {  	s31 =	sshll.u32 s1, $0xD;
	s1 =	sshrl.u32 s1, $0x2  }
0xc7: {  	s4 =	sand.u32 $0x4000, s31;
	s1 =	sadd.s32 s1, s30  }
0xc8: {  	s0 =	sor.u32 s4, s0;
	s1 =	sshll.u32 s1, $0x11  }
0xc9: {  	s0 =	sor.u32 s1, s0  }
0xca: {  	s0 =	sadd.s32 $0x8F2B, s0  }
0xcb: {  	[sflag:s0] =	ssyncadd.remote.s32 $0x1  }
0xcc: {  	_ =	sfence.sel $0xFFFF  }
0xcd: {  	[dreg:$0x0] =	wrdreg $0xFFFFFFFF;
	(pc) =	sbr.abs _section_cstart, $3  }
0xce: {  	[dreg:$0x1] =	wrdreg $0xFFFFFFFF  }
0xcf: {  	_ =	task.clear_ibuf [dreg:s22], $0x2FFFF;
	_ =	strace $0x9FFFFFFF  }
0xd0: {  	(tm) =	ssettm $0x7FFFFFFF  }
0xd1: {  	_ =	shalt  }
tec
execute0_lowered:
.L_overlay_start_1:
0x0: {  	(tag) =	ssettag $0x1  }
0x1: {  	s0 =	srdreg.scid  }
0x2: {  	s2 =	stileid.u32;
	s1 =	rddreg [dreg:$0x0];
	s28 =	simm.s32 $0x4200  }
0x3: {  	s29 =	simm.s32 $0x100;
	s30 =	simm.s32 $0x8200;
	s0 =	sand.u32 $0x1, s0  }
0x4: {  	s3 =	sshll.u32 s2, $0xA;
	s2 =	simm.s32 $0x0;
	s4 =	sshll.u32 s0, $0x9  }
0x5: {  	s31 =	simm.s32 $0x180;
	[smem:$0x7FF] =	sst s2;
	s3 =	sor.u32 s4, s3  }
0x6: {  	s0 =	ssub.s32 $0x2, s0;
	_ =	strace $0x8000004A;
	s4 =	sshrl.u32 s3, $0x3  }
0x7: {  	s23 =	sshrl.u32 s0, $0x1;
	s5 =	sshll.u32 s3, $0x2;
	s4 =	sadd.s32 s4, s1  }
0x8: {  	s3 =	sadd.s32 $0x736400, s1;
	s1 =	sadd.s32 s5, s1;
	s22 =	sadd.s32 $0x11400, s4  }
0x9: {  	s0 =	ssub.s32 s0, s23;
	s5 =	sadd.s32 $0xBCE400, s1;
	s7 =	sadd.s32 $0xBDE400, s1  }
0xa: {  	s6 =	sadd.s32 $0x11C00, s4;
	s8 =	sadd.s32 $0xBEE400, s1;
	s9 =	sadd.s32 $0x12400, s4  }
0xb: {  	s24 =	sadd.s32 $0x12C00, s4;
	s11 =	sadd.s32 $0xBFE400, s1;
	s25 =	sadd.s32 $0x13400, s4  }
0xc: {  	s13 =	sadd.s32 $0xC0E400, s1;
	s26 =	sadd.s32 $0x13C00, s4;
	[dreg:$0x2] =	wrdreg s22  }
0xd: {  	s15 =	sadd.s32 $0xC1E400, s1;
	s16 =	sadd.s32 $0xC2E400, s1;
	[dreg:$0x3] =	wrdreg s6  }
0xe: {  	s17 =	sadd.s32 $0x14400, s4;
	s18 =	sadd.s32 $0x14C00, s4;
	[dreg:$0x4] =	wrdreg s9  }
0xf: {  	s19 =	sadd.s32 $0xC3E400, s1;
	s20 =	sadd.s32 $0x15400, s4;
	[dreg:$0x5] =	wrdreg s24  }
0x10: {  	s21 =	sadd.s32 $0xC4E400, s1;
	s23 =	sadd.s32 $0xC5E400, s1;
	[dreg:$0x6] =	wrdreg s25  }
0x11: {  	s1 =	simm.s32 $0xC200;
	[dreg:$0x7] =	wrdreg s26;
	s22 =	sadd.s32 $0x15C00, s4  }
0x12: {  	s24 =	smax.u32 s0, $0x1;
	s25 =	simm.s32 $0x2;
	s26 =	simm.s32 $0x80  }
0x13: {  	s0 =	simm.s32 $0x1;
	s4 =	simm.s32 $0x200;
	s6 =	simm.s32 $0x0  }
.LBB2_1:
0x14: {  	s9 =	rddreg [dreg:$0x2]  }
0x15: {  	[tilespmem:s2], [sflag:$0x2] =	stream.linear.gather [hbm4b:s9+s2], $0x200, $0x38;
	[tilespmem:$0x10200] =	vst v63  }
0x16: {  	_ =	swait.ge [sflag:s25], $0x200  }
0x17: {  	[sflag:s25] =	ssyncset.done $0x0  }
0x18: {  	[sflag:s25] =	ssyncadd.s32 $0xFFFFFE00  }
0x19: {  	[tilespmem:s4], [sflag:$0x1] =	stream.indirect.gather [hbm4b:s3+s26], $0x80, s2, s26, $0xb8;
	[tilespmem:$0x10200] =	vst v63  }
0x1a: {  	_ = 	snop  }
0x1b: {  	[tilespmem:s28], [sflag:$0x1] =	stream.indirect.gather [hbm4b:s3+s26], $0x80, s26, s26, $0xb8;
	[tilespmem:$0x10200] =	vst v63  }
0x1c: {  	_ = 	snop  }
0x1d: {  	[tilespmem:s30], [sflag:$0x1] =	stream.indirect.gather [hbm4b:s3+s26], $0x80, s29, s26, $0xb8;
	[tilespmem:$0x10200] =	vst v63  }
0x1e: {  	_ = 	snop  }
0x1f: {  	[tilespmem:s1], [sflag:$0x1] =	stream.indirect.gather [hbm4b:s3+s26], $0x80, s31, s26, $0xb8;
	[tilespmem:$0x10200] =	vst v63  }
0x20: {  	_ =	swait.ge [sflag:s0], $0x4000  }
0x21: {  	[sflag:s0] =	ssyncset.done $0x0  }
0x22: {  	[sflag:s0] =	ssyncadd.s32 $0xFFFFC000  }
0x23: {  	_ =	swait.ge [sflag:s0], $0x4000  }
0x24: {  	[sflag:s0] =	ssyncset.done $0x0  }
0x25: {  	[sflag:s0] =	ssyncadd.s32 $0xFFFFC000  }
0x26: {  	_ =	swait.ge [sflag:s0], $0x4000  }
0x27: {  	[sflag:s0] =	ssyncset.done $0x0  }
0x28: {  	[sflag:s0] =	ssyncadd.s32 $0xFFFFC000  }
0x29: {  	_ =	swait.ge [sflag:s0], $0x4000  }
0x2a: {  	s14 =	sadd.s32 $0x0, s5;
	s10 =	simm.s32 $0x280;
	[sflag:s0] =	ssyncset.done $0x0  }
0x2b: {  	s12 =	simm.s32 $0x200;
	s9 =	simm.s32 $0x4;
	[sflag:s0] =	ssyncadd.s32 $0xFFFFC000  }
.LBB2_2:
0x2c: {  	[hbm4b:s14+s2] =	stream.linear.scatter [tilespmem:s12], [sflag:$0x2], $0x20, $0x38;
	[tilespmem:$0x10200] =	vst v63  }
0x2d: {  	s14 =	smov.u32 s9;
	s12 =	smov.u32 s10;
	p0 =	sne.s32 s9, $0x7FC  }
.Ltmp0:
0x2e: {  	s9 =	sadd.s32 $0x4, s9;
	(pc) =	sbr.rel @p0 .LBB2_2-.Ltmp0, $2  }
0x2f: {  	_ =	sdelay $0x2  }
0x30: {  	s10 =	sadd.s32 $0x80, s10;
	s14 =	sadd.s32 s14, s5  }
0x31: {  	[hbm4b:s14+s2] =	stream.linear.scatter [tilespmem:s12], [sflag:$0x2], $0x20, $0x38;
	[tilespmem:$0x10200] =	vst v63  }
0x32: {  	_ =	swait.ge [sflag:s25], $0x4000  }
0x33: {  	[sflag:s25] =	ssyncset.done $0x0  }
0x34: {  	s9 =	simm.s32 $0x0;
	s10 =	rddreg [dreg:$0x3];
	[sflag:s25] =	ssyncadd.s32 $0xFFFFC000  }
0x35: {  	[tilespmem:s9], [sflag:$0x2] =	stream.linear.gather [hbm4b:s10+s9], $0x200, $0x38;
	[tilespmem:$0x10200] =	vst v63  }
0x36: {  	_ =	swait.ge [sflag:s25], $0x200  }
0x37: {  	[sflag:s25] =	ssyncset.done $0x0  }
0x38: {  	[sflag:s25] =	ssyncadd.s32 $0xFFFFFE00  }
0x39: {  	[tilespmem:s4], [sflag:$0x1] =	stream.indirect.gather [hbm4b:s3+s26], $0x80, s9, s26, $0xb8;
	[tilespmem:$0x10200] =	vst v63  }
0x3a: {  	_ = 	snop  }
0x3b: {  	[tilespmem:s28], [sflag:$0x1] =	stream.indirect.gather [hbm4b:s3+s26], $0x80, s26, s26, $0xb8;
	[tilespmem:$0x10200] =	vst v63  }
0x3c: {  	_ = 	snop  }
0x3d: {  	[tilespmem:s30], [sflag:$0x1] =	stream.indirect.gather [hbm4b:s3+s26], $0x80, s29, s26, $0xb8;
	[tilespmem:$0x10200] =	vst v63  }
0x3e: {  	_ = 	snop  }
0x3f: {  	[tilespmem:s1], [sflag:$0x1] =	stream.indirect.gather [hbm4b:s3+s26], $0x80, s31, s26, $0xb8;
	[tilespmem:$0x10200] =	vst v63  }
0x40: {  	_ =	swait.ge [sflag:s0], $0x4000  }
0x41: {  	[sflag:s0] =	ssyncset.done $0x0  }
0x42: {  	[sflag:s0] =	ssyncadd.s32 $0xFFFFC000  }
0x43: {  	_ =	swait.ge [sflag:s0], $0x4000  }
0x44: {  	[sflag:s0] =	ssyncset.done $0x0  }
0x45: {  	[sflag:s0] =	ssyncadd.s32 $0xFFFFC000  }
0x46: {  	_ =	swait.ge [sflag:s0], $0x4000  }
0x47: {  	[sflag:s0] =	ssyncset.done $0x0  }
0x48: {  	[sflag:s0] =	ssyncadd.s32 $0xFFFFC000  }
0x49: {  	_ =	swait.ge [sflag:s0], $0x4000  }
0x4a: {  	s14 =	sadd.s32 $0x0, s7;
	s12 =	simm.s32 $0x2A0;
	[sflag:s0] =	ssyncset.done $0x0  }
0x4b: {  	s10 =	simm.s32 $0x4;
	s9 =	simm.s32 $0x220;
	[sflag:s0] =	ssyncadd.s32 $0xFFFFC000  }
.LBB2_4:
0x4c: {  	[hbm4b:s14+s2] =	stream.linear.scatter [tilespmem:s9], [sflag:$0x2], $0x20, $0x38;
	[tilespmem:$0x10200] =	vst v63  }
0x4d: {  	s14 =	smov.u32 s10;
	s9 =	smov.u32 s12;
	p0 =	sne.s32 s10, $0x7FC  }
.Ltmp1:
0x4e: {  	s10 =	sadd.s32 $0x4, s10;
	(pc) =	sbr.rel @p0 .LBB2_4-.Ltmp1, $2  }
0x4f: {  	_ =	sdelay $0x2  }
0x50: {  	s12 =	sadd.s32 $0x80, s12;
	s14 =	sadd.s32 s14, s7  }
0x51: {  	[hbm4b:s14+s2] =	stream.linear.scatter [tilespmem:s9], [sflag:$0x2], $0x20, $0x38;
	[tilespmem:$0x10200] =	vst v63  }
0x52: {  	_ =	swait.ge [sflag:s25], $0x4000  }
0x53: {  	[sflag:s25] =	ssyncset.done $0x0  }
0x54: {  	s14 =	simm.s32 $0x0;
	s10 =	rddreg [dreg:$0x4];
	[sflag:s25] =	ssyncadd.s32 $0xFFFFC000  }
0x55: {  	[tilespmem:s14], [sflag:$0x2] =	stream.linear.gather [hbm4b:s10+s14], $0x200, $0x38;
	[tilespmem:$0x10200] =	vst v63  }
0x56: {  	_ =	swait.ge [sflag:s25], $0x200  }
0x57: {  	[sflag:s25] =	ssyncset.done $0x0  }
0x58: {  	[sflag:s25] =	ssyncadd.s32 $0xFFFFFE00  }
0x59: {  	[tilespmem:s4], [sflag:$0x1] =	stream.indirect.gather [hbm4b:s3+s26], $0x80, s14, s26, $0xb8;
	[tilespmem:$0x10200] =	vst v63  }
0x5a: {  	_ = 	snop  }
0x5b: {  	[tilespmem:s28], [sflag:$0x1] =	stream.indirect.gather [hbm4b:s3+s26], $0x80, s26, s26, $0xb8;
	[tilespmem:$0x10200] =	vst v63  }
0x5c: {  	_ = 	snop  }
0x5d: {  	[tilespmem:s30], [sflag:$0x1] =	stream.indirect.gather [hbm4b:s3+s26], $0x80, s29, s26, $0xb8;
	[tilespmem:$0x10200] =	vst v63  }
0x5e: {  	_ = 	snop  }
0x5f: {  	[tilespmem:s1], [sflag:$0x1] =	stream.indirect.gather [hbm4b:s3+s26], $0x80, s31, s26, $0xb8;
	[tilespmem:$0x10200] =	vst v63  }
0x60: {  	_ =	swait.ge [sflag:s0], $0x4000  }
0x61: {  	[sflag:s0] =	ssyncset.done $0x0  }
0x62: {  	[sflag:s0] =	ssyncadd.s32 $0xFFFFC000  }
0x63: {  	_ =	swait.ge [sflag:s0], $0x4000  }
0x64: {  	[sflag:s0] =	ssyncset.done $0x0  }
0x65: {  	[sflag:s0] =	ssyncadd.s32 $0xFFFFC000  }
0x66: {  	_ =	swait.ge [sflag:s0], $0x4000  }
0x67: {  	[sflag:s0] =	ssyncset.done $0x0  }
0x68: {  	[sflag:s0] =	ssyncadd.s32 $0xFFFFC000  }
0x69: {  	_ =	swait.ge [sflag:s0], $0x4000  }
0x6a: {  	s9 =	simm.s32 $0x240;
	s12 =	simm.s32 $0x2C0;
	[sflag:s0] =	ssyncset.done $0x0  }
0x6b: {  	s10 =	simm.s32 $0x4;
	s14 =	sadd.s32 $0x0, s8;
	[sflag:s0] =	ssyncadd.s32 $0xFFFFC000  }
.LBB2_6:
0x6c: {  	[hbm4b:s14+s2] =	stream.linear.scatter [tilespmem:s9], [sflag:$0x2], $0x20, $0x38;
	[tilespmem:$0x10200] =	vst v63  }
0x6d: {  	s14 =	smov.u32 s10;
	s9 =	smov.u32 s12;
	p0 =	sne.s32 s10, $0x7FC  }
.Ltmp2:
0x6e: {  	s10 =	sadd.s32 $0x4, s10;
	(pc) =	sbr.rel @p0 .LBB2_6-.Ltmp2, $2  }
0x6f: {  	_ =	sdelay $0x2  }
0x70: {  	s12 =	sadd.s32 $0x80, s12;
	s14 =	sadd.s32 s14, s8  }
0x71: {  	[hbm4b:s14+s2] =	stream.linear.scatter [tilespmem:s9], [sflag:$0x2], $0x20, $0x38;
	[tilespmem:$0x10200] =	vst v63  }
0x72: {  	_ =	swait.ge [sflag:s25], $0x4000  }
0x73: {  	[sflag:s25] =	ssyncset.done $0x0  }
0x74: {  	s14 =	simm.s32 $0x0;
	s10 =	rddreg [dreg:$0x5];
	[sflag:s25] =	ssyncadd.s32 $0xFFFFC000  }
0x75: {  	[tilespmem:s14], [sflag:$0x2] =	stream.linear.gather [hbm4b:s10+s14], $0x200, $0x38;
	[tilespmem:$0x10200] =	vst v63  }
0x76: {  	_ =	swait.ge [sflag:s25], $0x200  }
0x77: {  	[sflag:s25] =	ssyncset.done $0x0  }
0x78: {  	[sflag:s25] =	ssyncadd.s32 $0xFFFFFE00  }
0x79: {  	[tilespmem:s4], [sflag:$0x1] =	stream.indirect.gather [hbm4b:s3+s26], $0x80, s14, s26, $0xb8;
	[tilespmem:$0x10200] =	vst v63  }
0x7a: {  	_ = 	snop  }
0x7b: {  	[tilespmem:s28], [sflag:$0x1] =	stream.indirect.gather [hbm4b:s3+s26], $0x80, s26, s26, $0xb8;
	[tilespmem:$0x10200] =	vst v63  }
0x7c: {  	_ = 	snop  }
0x7d: {  	[tilespmem:s30], [sflag:$0x1] =	stream.indirect.gather [hbm4b:s3+s26], $0x80, s29, s26, $0xb8;
	[tilespmem:$0x10200] =	vst v63  }
0x7e: {  	_ = 	snop  }
0x7f: {  	[tilespmem:s1], [sflag:$0x1] =	stream.indirect.gather [hbm4b:s3+s26], $0x80, s31, s26, $0xb8;
	[tilespmem:$0x10200] =	vst v63  }
0x80: {  	_ =	swait.ge [sflag:s0], $0x4000  }
0x81: {  	[sflag:s0] =	ssyncset.done $0x0  }
0x82: {  	[sflag:s0] =	ssyncadd.s32 $0xFFFFC000  }
0x83: {  	_ =	swait.ge [sflag:s0], $0x4000  }
0x84: {  	[sflag:s0] =	ssyncset.done $0x0  }
0x85: {  	[sflag:s0] =	ssyncadd.s32 $0xFFFFC000  }
0x86: {  	_ =	swait.ge [sflag:s0], $0x4000  }
0x87: {  	[sflag:s0] =	ssyncset.done $0x0  }
0x88: {  	[sflag:s0] =	ssyncadd.s32 $0xFFFFC000  }
0x89: {  	_ =	swait.ge [sflag:s0], $0x4000  }
0x8a: {  	s9 =	simm.s32 $0x260;
	s12 =	simm.s32 $0x2E0;
	[sflag:s0] =	ssyncset.done $0x0  }
0x8b: {  	s10 =	simm.s32 $0x4;
	s14 =	sadd.s32 $0x0, s11;
	[sflag:s0] =	ssyncadd.s32 $0xFFFFC000  }
.LBB2_8:
0x8c: {  	[hbm4b:s14+s2] =	stream.linear.scatter [tilespmem:s9], [sflag:$0x2], $0x20, $0x38;
	[tilespmem:$0x10200] =	vst v63  }
0x8d: {  	s14 =	smov.u32 s10;
	s9 =	smov.u32 s12;
	p0 =	sne.s32 s10, $0x7FC  }
.Ltmp3:
0x8e: {  	s10 =	sadd.s32 $0x4, s10;
	(pc) =	sbr.rel @p0 .LBB2_8-.Ltmp3, $2  }
0x8f: {  	_ =	sdelay $0x2  }
0x90: {  	s12 =	sadd.s32 $0x80, s12;
	s14 =	sadd.s32 s14, s11  }
0x91: {  	[hbm4b:s14+s2] =	stream.linear.scatter [tilespmem:s9], [sflag:$0x2], $0x20, $0x38;
	[tilespmem:$0x10200] =	vst v63  }
0x92: {  	_ =	swait.ge [sflag:s25], $0x4000  }
0x93: {  	[sflag:s25] =	ssyncset.done $0x0  }
0x94: {  	s10 =	simm.s32 $0x0;
	s14 =	rddreg [dreg:$0x6];
	[sflag:s25] =	ssyncadd.s32 $0xFFFFC000  }
0x95: {  	[tilespmem:s10], [sflag:$0x2] =	stream.linear.gather [hbm4b:s14+s10], $0x200, $0x38;
	[tilespmem:$0x10200] =	vst v63  }
0x96: {  	_ =	swait.ge [sflag:s25], $0x200  }
0x97: {  	[sflag:s25] =	ssyncset.done $0x0  }
0x98: {  	s9 =	simm.s32 $0x200;
	[sflag:s25] =	ssyncadd.s32 $0xFFFFFE00  }
0x99: {  	[tilespmem:s9], [sflag:$0x1] =	stream.indirect.gather [hbm4b:s3+s26], $0x80, s10, s26, $0xb8;
	[tilespmem:$0x10200] =	vst v63  }
0x9a: {  	_ = 	snop  }
0x9b: {  	[tilespmem:s28], [sflag:$0x1] =	stream.indirect.gather [hbm4b:s3+s26], $0x80, s26, s26, $0xb8;
	[tilespmem:$0x10200] =	vst v63  }
0x9c: {  	_ = 	snop  }
0x9d: {  	[tilespmem:s30], [sflag:$0x1] =	stream.indirect.gather [hbm4b:s3+s26], $0x80, s29, s26, $0xb8;
	[tilespmem:$0x10200] =	vst v63  }
0x9e: {  	_ = 	snop  }
0x9f: {  	[tilespmem:s1], [sflag:$0x1] =	stream.indirect.gather [hbm4b:s3+s26], $0x80, s31, s26, $0xb8;
	[tilespmem:$0x10200] =	vst v63  }
0xa0: {  	_ =	swait.ge [sflag:s0], $0x4000  }
0xa1: {  	[sflag:s0] =	ssyncset.done $0x0  }
0xa2: {  	[sflag:s0] =	ssyncadd.s32 $0xFFFFC000  }
0xa3: {  	_ =	swait.ge [sflag:s0], $0x4000  }
0xa4: {  	[sflag:s0] =	ssyncset.done $0x0  }
0xa5: {  	[sflag:s0] =	ssyncadd.s32 $0xFFFFC000  }
0xa6: {  	_ =	swait.ge [sflag:s0], $0x4000  }
0xa7: {  	[sflag:s0] =	ssyncset.done $0x0  }
0xa8: {  	[sflag:s0] =	ssyncadd.s32 $0xFFFFC000  }
0xa9: {  	_ =	swait.ge [sflag:s0], $0x4000  }
0xaa: {  	s12 =	simm.s32 $0x280;
	[sflag:s0] =	ssyncset.done $0x0  }
0xab: {  	s14 =	sadd.s32 $0x0, s13;
	s10 =	simm.s32 $0x4;
	[sflag:s0] =	ssyncadd.s32 $0xFFFFC000  }
.LBB2_10:
0xac: {  	[hbm4b:s14+s2] =	stream.linear.scatter [tilespmem:s9], [sflag:$0x2], $0x20, $0x38;
	[tilespmem:$0x10200] =	vst v63  }
0xad: {  	s14 =	smov.u32 s10;
	s9 =	smov.u32 s12;
	p0 =	sne.s32 s10, $0x7FC  }
.Ltmp4:
0xae: {  	s10 =	sadd.s32 $0x4, s10;
	(pc) =	sbr.rel @p0 .LBB2_10-.Ltmp4, $2  }
0xaf: {  	_ =	sdelay $0x2  }
0xb0: {  	s12 =	sadd.s32 $0x80, s12;
	s14 =	sadd.s32 s14, s13  }
0xb1: {  	[hbm4b:s14+s2] =	stream.linear.scatter [tilespmem:s9], [sflag:$0x2], $0x20, $0x38;
	[tilespmem:$0x10200] =	vst v63  }
0xb2: {  	_ =	swait.ge [sflag:s25], $0x4000  }
0xb3: {  	[sflag:s25] =	ssyncset.done $0x0  }
0xb4: {  	s14 =	simm.s32 $0x0;
	s10 =	rddreg [dreg:$0x7];
	[sflag:s25] =	ssyncadd.s32 $0xFFFFC000  }
0xb5: {  	[tilespmem:s14], [sflag:$0x2] =	stream.linear.gather [hbm4b:s10+s14], $0x200, $0x38;
	[tilespmem:$0x10200] =	vst v63  }
0xb6: {  	_ =	swait.ge [sflag:s25], $0x200  }
0xb7: {  	[sflag:s25] =	ssyncset.done $0x0  }
0xb8: {  	[sflag:s25] =	ssyncadd.s32 $0xFFFFFE00  }
0xb9: {  	[tilespmem:s4], [sflag:$0x1] =	stream.indirect.gather [hbm4b:s3+s26], $0x80, s14, s26, $0xb8;
	[tilespmem:$0x10200] =	vst v63  }
0xba: {  	_ = 	snop  }
0xbb: {  	[tilespmem:s28], [sflag:$0x1] =	stream.indirect.gather [hbm4b:s3+s26], $0x80, s26, s26, $0xb8;
	[tilespmem:$0x10200] =	vst v63  }
0xbc: {  	_ = 	snop  }
0xbd: {  	[tilespmem:s30], [sflag:$0x1] =	stream.indirect.gather [hbm4b:s3+s26], $0x80, s29, s26, $0xb8;
	[tilespmem:$0x10200] =	vst v63  }
0xbe: {  	_ = 	snop  }
0xbf: {  	[tilespmem:s1], [sflag:$0x1] =	stream.indirect.gather [hbm4b:s3+s26], $0x80, s31, s26, $0xb8;
	[tilespmem:$0x10200] =	vst v63  }
0xc0: {  	_ =	swait.ge [sflag:s0], $0x4000  }
0xc1: {  	[sflag:s0] =	ssyncset.done $0x0  }
0xc2: {  	[sflag:s0] =	ssyncadd.s32 $0xFFFFC000  }
0xc3: {  	_ =	swait.ge [sflag:s0], $0x4000  }
0xc4: {  	[sflag:s0] =	ssyncset.done $0x0  }
0xc5: {  	[sflag:s0] =	ssyncadd.s32 $0xFFFFC000  }
0xc6: {  	_ =	swait.ge [sflag:s0], $0x4000  }
0xc7: {  	[sflag:s0] =	ssyncset.done $0x0  }
0xc8: {  	[sflag:s0] =	ssyncadd.s32 $0xFFFFC000  }
0xc9: {  	_ =	swait.ge [sflag:s0], $0x4000  }
0xca: {  	s9 =	simm.s32 $0x220;
	s12 =	simm.s32 $0x2A0;
	[sflag:s0] =	ssyncset.done $0x0  }
0xcb: {  	s10 =	simm.s32 $0x4;
	s14 =	sadd.s32 $0x0, s15;
	[sflag:s0] =	ssyncadd.s32 $0xFFFFC000  }
.LBB2_12:
0xcc: {  	[hbm4b:s14+s2] =	stream.linear.scatter [tilespmem:s9], [sflag:$0x2], $0x20, $0x38;
	[tilespmem:$0x10200] =	vst v63  }
0xcd: {  	s14 =	smov.u32 s10;
	s9 =	smov.u32 s12;
	p0 =	sne.s32 s10, $0x7FC  }
.Ltmp5:
0xce: {  	s10 =	sadd.s32 $0x4, s10;
	(pc) =	sbr.rel @p0 .LBB2_12-.Ltmp5, $2  }
0xcf: {  	_ =	sdelay $0x2  }
0xd0: {  	s12 =	sadd.s32 $0x80, s12;
	s14 =	sadd.s32 s14, s15  }
0xd1: {  	[hbm4b:s14+s2] =	stream.linear.scatter [tilespmem:s9], [sflag:$0x2], $0x20, $0x38;
	[tilespmem:$0x10200] =	vst v63  }
0xd2: {  	_ =	swait.ge [sflag:s25], $0x4000  }
0xd3: {  	[sflag:s25] =	ssyncset.done $0x0  }
0xd4: {  	s14 =	simm.s32 $0x0;
	[sflag:s25] =	ssyncadd.s32 $0xFFFFC000  }
0xd5: {  	[tilespmem:s14], [sflag:$0x2] =	stream.linear.gather [hbm4b:s17+s14], $0x200, $0x38;
	[tilespmem:$0x10200] =	vst v63  }
0xd6: {  	_ =	swait.ge [sflag:s25], $0x200  }
0xd7: {  	[sflag:s25] =	ssyncset.done $0x0  }
0xd8: {  	[sflag:s25] =	ssyncadd.s32 $0xFFFFFE00  }
0xd9: {  	[tilespmem:s4], [sflag:$0x1] =	stream.indirect.gather [hbm4b:s3+s26], $0x80, s14, s26, $0xb8;
	[tilespmem:$0x10200] =	vst v63  }
0xda: {  	_ = 	snop  }
0xdb: {  	[tilespmem:s28], [sflag:$0x1] =	stream.indirect.gather [hbm4b:s3+s26], $0x80, s26, s26, $0xb8;
	[tilespmem:$0x10200] =	vst v63  }
0xdc: {  	_ = 	snop  }
0xdd: {  	[tilespmem:s30], [sflag:$0x1] =	stream.indirect.gather [hbm4b:s3+s26], $0x80, s29, s26, $0xb8;
	[tilespmem:$0x10200] =	vst v63  }
0xde: {  	_ = 	snop  }
0xdf: {  	[tilespmem:s1], [sflag:$0x1] =	stream.indirect.gather [hbm4b:s3+s26], $0x80, s31, s26, $0xb8;
	[tilespmem:$0x10200] =	vst v63  }
0xe0: {  	_ =	swait.ge [sflag:s0], $0x4000  }
0xe1: {  	[sflag:s0] =	ssyncset.done $0x0  }
0xe2: {  	[sflag:s0] =	ssyncadd.s32 $0xFFFFC000  }
0xe3: {  	_ =	swait.ge [sflag:s0], $0x4000  }
0xe4: {  	[sflag:s0] =	ssyncset.done $0x0  }
0xe5: {  	[sflag:s0] =	ssyncadd.s32 $0xFFFFC000  }
0xe6: {  	_ =	swait.ge [sflag:s0], $0x4000  }
0xe7: {  	[sflag:s0] =	ssyncset.done $0x0  }
0xe8: {  	[sflag:s0] =	ssyncadd.s32 $0xFFFFC000  }
0xe9: {  	_ =	swait.ge [sflag:s0], $0x4000  }
0xea: {  	s9 =	simm.s32 $0x240;
	s10 =	simm.s32 $0x4;
	[sflag:s0] =	ssyncset.done $0x0  }
0xeb: {  	s12 =	simm.s32 $0x2C0;
	s14 =	sadd.s32 $0x0, s16;
	[sflag:s0] =	ssyncadd.s32 $0xFFFFC000  }
.LBB2_14:
0xec: {  	[hbm4b:s14+s2] =	stream.linear.scatter [tilespmem:s9], [sflag:$0x2], $0x20, $0x38;
	[tilespmem:$0x10200] =	vst v63  }
0xed: {  	s14 =	smov.u32 s10;
	s9 =	smov.u32 s12;
	p0 =	sne.s32 s10, $0x7FC  }
.Ltmp6:
0xee: {  	s10 =	sadd.s32 $0x4, s10;
	(pc) =	sbr.rel @p0 .LBB2_14-.Ltmp6, $2  }
0xef: {  	_ =	sdelay $0x2  }
0xf0: {  	s12 =	sadd.s32 $0x80, s12;
	s14 =	sadd.s32 s14, s16  }
0xf1: {  	[hbm4b:s14+s2] =	stream.linear.scatter [tilespmem:s9], [sflag:$0x2], $0x20, $0x38;
	[tilespmem:$0x10200] =	vst v63  }
0xf2: {  	_ =	swait.ge [sflag:s25], $0x4000  }
0xf3: {  	[sflag:s25] =	ssyncset.done $0x0  }
0xf4: {  	s14 =	simm.s32 $0x0;
	[sflag:s25] =	ssyncadd.s32 $0xFFFFC000  }
0xf5: {  	[tilespmem:s14], [sflag:$0x2] =	stream.linear.gather [hbm4b:s18+s14], $0x200, $0x38;
	[tilespmem:$0x10200] =	vst v63  }
0xf6: {  	_ =	swait.ge [sflag:s25], $0x200  }
0xf7: {  	[sflag:s25] =	ssyncset.done $0x0  }
0xf8: {  	[sflag:s25] =	ssyncadd.s32 $0xFFFFFE00  }
0xf9: {  	[tilespmem:s4], [sflag:$0x1] =	stream.indirect.gather [hbm4b:s3+s26], $0x80, s14, s26, $0xb8;
	[tilespmem:$0x10200] =	vst v63  }
0xfa: {  	_ = 	snop  }
0xfb: {  	[tilespmem:s28], [sflag:$0x1] =	stream.indirect.gather [hbm4b:s3+s26], $0x80, s26, s26, $0xb8;
	[tilespmem:$0x10200] =	vst v63  }
0xfc: {  	_ = 	snop  }
0xfd: {  	[tilespmem:s30], [sflag:$0x1] =	stream.indirect.gather [hbm4b:s3+s26], $0x80, s29, s26, $0xb8;
	[tilespmem:$0x10200] =	vst v63  }
0xfe: {  	_ = 	snop  }
0xff: {  	[tilespmem:s1], [sflag:$0x1] =	stream.indirect.gather [hbm4b:s3+s26], $0x80, s31, s26, $0xb8;
	[tilespmem:$0x10200] =	vst v63  }
0x100: {  	_ =	swait.ge [sflag:s0], $0x4000  }
0x101: {  	[sflag:s0] =	ssyncset.done $0x0  }
0x102: {  	[sflag:s0] =	ssyncadd.s32 $0xFFFFC000  }
0x103: {  	_ =	swait.ge [sflag:s0], $0x4000  }
0x104: {  	[sflag:s0] =	ssyncset.done $0x0  }
0x105: {  	[sflag:s0] =	ssyncadd.s32 $0xFFFFC000  }
0x106: {  	_ =	swait.ge [sflag:s0], $0x4000  }
0x107: {  	[sflag:s0] =	ssyncset.done $0x0  }
0x108: {  	[sflag:s0] =	ssyncadd.s32 $0xFFFFC000  }
0x109: {  	_ =	swait.ge [sflag:s0], $0x4000  }
0x10a: {  	s9 =	simm.s32 $0x260;
	s10 =	simm.s32 $0x4;
	[sflag:s0] =	ssyncset.done $0x0  }
0x10b: {  	s12 =	simm.s32 $0x2E0;
	s14 =	sadd.s32 $0x0, s19;
	[sflag:s0] =	ssyncadd.s32 $0xFFFFC000  }
.LBB2_16:
0x10c: {  	[hbm4b:s14+s2] =	stream.linear.scatter [tilespmem:s9], [sflag:$0x2], $0x20, $0x38;
	[tilespmem:$0x10200] =	vst v63  }
0x10d: {  	s14 =	smov.u32 s10;
	s9 =	smov.u32 s12;
	p0 =	sne.s32 s10, $0x7FC  }
.Ltmp7:
0x10e: {  	s10 =	sadd.s32 $0x4, s10;
	(pc) =	sbr.rel @p0 .LBB2_16-.Ltmp7, $2  }
0x10f: {  	_ =	sdelay $0x2  }
0x110: {  	s12 =	sadd.s32 $0x80, s12;
	s14 =	sadd.s32 s14, s19  }
0x111: {  	[hbm4b:s14+s2] =	stream.linear.scatter [tilespmem:s9], [sflag:$0x2], $0x20, $0x38;
	[tilespmem:$0x10200] =	vst v63  }
0x112: {  	_ =	swait.ge [sflag:s25], $0x4000  }
0x113: {  	[sflag:s25] =	ssyncset.done $0x0  }
0x114: {  	s10 =	simm.s32 $0x0;
	[sflag:s25] =	ssyncadd.s32 $0xFFFFC000  }
0x115: {  	[tilespmem:s10], [sflag:$0x2] =	stream.linear.gather [hbm4b:s20+s10], $0x200, $0x38;
	[tilespmem:$0x10200] =	vst v63  }
0x116: {  	_ =	swait.ge [sflag:s25], $0x200  }
0x117: {  	[sflag:s25] =	ssyncset.done $0x0  }
0x118: {  	s9 =	simm.s32 $0x200;
	[sflag:s25] =	ssyncadd.s32 $0xFFFFFE00  }
0x119: {  	[tilespmem:s9], [sflag:$0x1] =	stream.indirect.gather [hbm4b:s3+s26], $0x80, s10, s26, $0xb8;
	[tilespmem:$0x10200] =	vst v63  }
0x11a: {  	_ = 	snop  }
0x11b: {  	[tilespmem:s28], [sflag:$0x1] =	stream.indirect.gather [hbm4b:s3+s26], $0x80, s26, s26, $0xb8;
	[tilespmem:$0x10200] =	vst v63  }
0x11c: {  	_ = 	snop  }
0x11d: {  	[tilespmem:s30], [sflag:$0x1] =	stream.indirect.gather [hbm4b:s3+s26], $0x80, s29, s26, $0xb8;
	[tilespmem:$0x10200] =	vst v63  }
0x11e: {  	_ = 	snop  }
0x11f: {  	[tilespmem:s1], [sflag:$0x1] =	stream.indirect.gather [hbm4b:s3+s26], $0x80, s31, s26, $0xb8;
	[tilespmem:$0x10200] =	vst v63  }
0x120: {  	_ =	swait.ge [sflag:s0], $0x4000  }
0x121: {  	[sflag:s0] =	ssyncset.done $0x0  }
0x122: {  	[sflag:s0] =	ssyncadd.s32 $0xFFFFC000  }
0x123: {  	_ =	swait.ge [sflag:s0], $0x4000  }
0x124: {  	[sflag:s0] =	ssyncset.done $0x0  }
0x125: {  	[sflag:s0] =	ssyncadd.s32 $0xFFFFC000  }
0x126: {  	_ =	swait.ge [sflag:s0], $0x4000  }
0x127: {  	[sflag:s0] =	ssyncset.done $0x0  }
0x128: {  	[sflag:s0] =	ssyncadd.s32 $0xFFFFC000  }
0x129: {  	_ =	swait.ge [sflag:s0], $0x4000  }
0x12a: {  	s14 =	sadd.s32 $0x0, s21;
	[sflag:s0] =	ssyncset.done $0x0  }
0x12b: {  	s12 =	simm.s32 $0x280;
	s10 =	simm.s32 $0x4;
	[sflag:s0] =	ssyncadd.s32 $0xFFFFC000  }
.LBB2_18:
0x12c: {  	[hbm4b:s14+s2] =	stream.linear.scatter [tilespmem:s9], [sflag:$0x2], $0x20, $0x38;
	[tilespmem:$0x10200] =	vst v63  }
0x12d: {  	s14 =	smov.u32 s10;
	s9 =	smov.u32 s12;
	p0 =	sne.s32 s10, $0x7FC  }
.Ltmp8:
0x12e: {  	s10 =	sadd.s32 $0x4, s10;
	(pc) =	sbr.rel @p0 .LBB2_18-.Ltmp8, $2  }
0x12f: {  	_ =	sdelay $0x2  }
0x130: {  	s12 =	sadd.s32 $0x80, s12;
	s14 =	sadd.s32 s14, s21  }
0x131: {  	[hbm4b:s14+s2] =	stream.linear.scatter [tilespmem:s9], [sflag:$0x2], $0x20, $0x38;
	[tilespmem:$0x10200] =	vst v63  }
0x132: {  	_ =	swait.ge [sflag:s25], $0x4000  }
0x133: {  	[sflag:s25] =	ssyncset.done $0x0  }
0x134: {  	s14 =	simm.s32 $0x0;
	[sflag:s25] =	ssyncadd.s32 $0xFFFFC000  }
0x135: {  	[tilespmem:s14], [sflag:$0x2] =	stream.linear.gather [hbm4b:s22+s14], $0x200, $0x38;
	[tilespmem:$0x10200] =	vst v63  }
0x136: {  	_ =	swait.ge [sflag:s25], $0x200  }
0x137: {  	[sflag:s25] =	ssyncset.done $0x0  }
0x138: {  	[sflag:s25] =	ssyncadd.s32 $0xFFFFFE00  }
0x139: {  	[tilespmem:s4], [sflag:$0x1] =	stream.indirect.gather [hbm4b:s3+s26], $0x80, s14, s26, $0xb8;
	[tilespmem:$0x10200] =	vst v63  }
0x13a: {  	_ = 	snop  }
0x13b: {  	[tilespmem:s28], [sflag:$0x1] =	stream.indirect.gather [hbm4b:s3+s26], $0x80, s26, s26, $0xb8;
	[tilespmem:$0x10200] =	vst v63  }
0x13c: {  	_ = 	snop  }
0x13d: {  	[tilespmem:s30], [sflag:$0x1] =	stream.indirect.gather [hbm4b:s3+s26], $0x80, s29, s26, $0xb8;
	[tilespmem:$0x10200] =	vst v63  }
0x13e: {  	_ = 	snop  }
0x13f: {  	[tilespmem:s1], [sflag:$0x1] =	stream.indirect.gather [hbm4b:s3+s26], $0x80, s31, s26, $0xb8;
	[tilespmem:$0x10200] =	vst v63  }
0x140: {  	_ =	swait.ge [sflag:s0], $0x4000  }
0x141: {  	[sflag:s0] =	ssyncset.done $0x0  }
0x142: {  	[sflag:s0] =	ssyncadd.s32 $0xFFFFC000  }
0x143: {  	_ =	swait.ge [sflag:s0], $0x4000  }
0x144: {  	[sflag:s0] =	ssyncset.done $0x0  }
0x145: {  	[sflag:s0] =	ssyncadd.s32 $0xFFFFC000  }
0x146: {  	_ =	swait.ge [sflag:s0], $0x4000  }
0x147: {  	[sflag:s0] =	ssyncset.done $0x0  }
0x148: {  	[sflag:s0] =	ssyncadd.s32 $0xFFFFC000  }
0x149: {  	_ =	swait.ge [sflag:s0], $0x4000  }
0x14a: {  	s9 =	simm.s32 $0x220;
	s10 =	simm.s32 $0x4;
	[sflag:s0] =	ssyncset.done $0x0  }
0x14b: {  	s12 =	simm.s32 $0x2A0;
	s14 =	sadd.s32 $0x0, s23;
	[sflag:s0] =	ssyncadd.s32 $0xFFFFC000  }
.LBB2_20:
0x14c: {  	[hbm4b:s14+s2] =	stream.linear.scatter [tilespmem:s9], [sflag:$0x2], $0x20, $0x38;
	[tilespmem:$0x10200] =	vst v63  }
0x14d: {  	s14 =	smov.u32 s10;
	s9 =	smov.u32 s12;
	p0 =	sne.s32 s10, $0x7FC  }
.Ltmp9:
0x14e: {  	s10 =	sadd.s32 $0x4, s10;
	(pc) =	sbr.rel @p0 .LBB2_20-.Ltmp9, $2  }
0x14f: {  	_ =	sdelay $0x2  }
0x150: {  	s12 =	sadd.s32 $0x80, s12;
	s14 =	sadd.s32 s14, s23  }
0x151: {  	s6 =	sadd.s32 $0x1, s6  }
0x152: {  	p0 =	sne.s32 s6, s24  }
.Ltmp10:
0x153: {  	_ = 	snop;
	(pc) =	sbr.rel @p0 .LBB2_1-.Ltmp10, $4  }
0x154: {  	[hbm4b:s14+s2] =	stream.linear.scatter [tilespmem:s9], [sflag:$0x2], $0x20, $0x38;
	[tilespmem:$0x10200] =	vst v63  }
0x155: {  	_ =	swait.ge [sflag:s25], $0x4000  }
0x156: {  	[sflag:s25] =	ssyncset.done $0x0  }
0x157: {  	[sflag:s25] =	ssyncadd.s32 $0xFFFFC000  }
0x158: {  	_ =	sfence.sel $0x180000  }
0x159: {  	[bflag:$0x0] =	sbarrier.arrive $0xFFFF  }
0x15a: {  	_ =	strace $0x9000004A  }
0x15b: {  	s0 =	stileid.u32;
	[bflag:$0x2] =	sbarrier.arrive $0xFFFF  }
0x15c: {  	p0 =	sne.s32 s0, $0x0;
	s0 =	rddreg [dreg:$0x1]  }
0x15d: {  	s0 =	sadd.s32 @!p0 $0x100000, s0  }
0x15e: {  	[sflag:s0] =	ssyncadd.tile.s32 @!p0 $0x1;
	_ =	shalt  }
.Lfunc_end2:
_tile_overlayer_lowered:
.L_overlay_start_2:
0x15f: {  	(tag) =	ssettag $0x2  }
0x160: {  	s0 =	rddreg [dreg:$0x0];
	s2 =	stileid.u32  }
0x161: {  	s1 =	rddreg [dreg:$0x1];
	p0 =	sne.s32 s2, $0x0  }
0x162: {  	s3 =	rddreg [dreg:$0x2];
	[bflag:$0x3] =	sbarrier.arrive $0xFFFF;
	s2 =	simm.s32 @!p0 $0x1C02  }
0x163: {  	[timem:s3], [sflag:s2] =	dma.local @!p0 [hbm:s0], s1  }
0x164: {  	s0 =	simm.s32 @!p0 $0x2  }
0x165: {  	_ =	swait.ge @!p0 [sflag:s0], s1  }
0x166: {  	s1 =	ssub.s32 @!p0 $0x0, s1;
	[sflag:s0] =	ssyncset.done @!p0 $0x0  }
0x167: {  	[sflag:s0] =	ssyncadd.s32 @!p0 s1  }
0x168: {  	[bflag:$0x3] =	sbarrier.arrive $0xFFFF  }
0x169: {  	_ =	shalt  }

</sc_bundles>
